<compile_context>
chip_gen: v7x
topology: tpu7x:2x2x1
jax: 0.10.2.dev20260603
libtpu: 0.0.44.dev20260713+nightly
codegen_flags: <defaults>
</compile_context>

<pallas_src>
import jax
import jax.numpy as jnp
from jax import lax
from jax.experimental import pallas as pl
from jax.experimental.pallas import tpu as pltpu
from jax.experimental.pallas import tpu_sc as plsc

N = 10000
E = 320000
NC = 2
NS = 16
NW = NC * NS
CH = 128
NCHUNK = 80
EPW = NCHUNK * CH
E_PAD = NW * EPW
WT = 10
RPW = N // WT
DUMMY = 256
H0 = 128
NP_DEG = 10496
DPW = NP_DEG // NS

BN = 1000
NB = N // BN


def _sc_agg(table, pk3, with_deg):
    W = table.shape[1]
    K = 2 if W == 128 else 4
    NGRP = NCHUNK // K
    mesh = plsc.VectorSubcoreMesh(core_axis_name="c", subcore_axis_name="s",
                                  num_cores=NC, num_subcores=NS)
    out_type = [jax.ShapeDtypeStruct((NC, N, W), jnp.float32)]
    if with_deg:
        out_type.append(jax.ShapeDtypeStruct((NC * NP_DEG,), jnp.float32))
    scratch = [
        pltpu.VMEM((NCHUNK, CH), jnp.int32),
        pltpu.VMEM((K, CH), jnp.int32),
        pltpu.VMEM((K, CH), jnp.int32),
        pltpu.VMEM((K, CH, W), jnp.float32),
        pltpu.VMEM((CH,), jnp.float32),
        pltpu.VMEM((DPW,), jnp.float32),
        pltpu.VMEM_SHARED((N + DUMMY, W), jnp.float32),
        pltpu.VMEM_SHARED((NP_DEG,), jnp.float32),
    ] + [pltpu.SemaphoreType.DMA] * (3 * K)

    def body(table_h, pk_h, acc_h, *rest):
        if with_deg:
            deg_h = rest[0]
            rest = rest[1:]
        pbuf, sidx, didx, rows, ones_v, degb, acc_sh, deg_sh = rest[:8]
        sem_g = rest[8:8 + K]
        sem_s = rest[8 + K:8 + 2 * K]
        sem_d = rest[8 + 2 * K:8 + 3 * K]
        c = lax.axis_index("c")
        s = lax.axis_index("s")
        wid = c * NS + s
        zero16 = jnp.zeros((16,), jnp.float32)
        per_row = W // 16

        pltpu.sync_copy(pk_h.at[wid], pbuf)

        def zr(i, _):
            rows[0, i // per_row, pl.ds((i % per_row) * 16, 16)] = zero16
            return 0
        lax.fori_loop(0, CH * per_row, zr, 0)

        def zd(i, _):
            degb[pl.ds(i * 16, 16)] = zero16
            return 0
        lax.fori_loop(0, DPW // 16, zd, 0)

        def of(i, _):
            ones_v[pl.ds(i * 16, 16)] = jnp.ones((16,), jnp.float32)
            return 0
        lax.fori_loop(0, CH // 16, of, 0)

        @pl.when(s < WT)
        def _clear():
            for m in range(8):
                sz = 128 if m < 7 else 104
                pltpu.sync_copy(rows.at[0, pl.ds(0, sz)],
                                acc_sh.at[pl.ds(s * RPW + m * 128, sz)])
        if with_deg:
            pltpu.sync_copy(degb, deg_sh.at[pl.ds(s * DPW, DPW)])

        def unpack(k, j):
            def u(i, _):
                p = pbuf[j, pl.ds(i * 16, 16)]
                sidx[k, pl.ds(i * 16, 16)] = p & 16383
                didx[k, pl.ds(i * 16, 16)] = lax.shift_right_logical(p, 14)
                return 0
            lax.fori_loop(0, CH // 16, u, 0)

        for k in range(K):
            unpack(k, k)
            pltpu.async_copy(table_h.at[sidx.at[k]], rows.at[k], sem_g[k])
        plsc.subcore_barrier()

        def group(g, _):
            for k in range(K):
                pltpu.make_async_copy(table_h.at[sidx.at[k]], rows.at[k],
                                      sem_g[k]).wait()
                pltpu.async_copy(rows.at[k], acc_sh.at[didx.at[k]], sem_s[k],
                                 add=True)
                if with_deg:
                    pltpu.async_copy(ones_v, deg_sh.at[didx.at[k]], sem_d[k],
                                     add=True)

                @pl.when(g < NGRP - 1)
                def _refill():
                    pltpu.make_async_copy(rows.at[k], acc_sh.at[didx.at[k]],
                                          sem_s[k]).wait()
                    if with_deg:
                        pltpu.make_async_copy(ones_v, deg_sh.at[didx.at[k]],
                                              sem_d[k]).wait()
                    unpack(k, g * K + k + K)
                    pltpu.async_copy(table_h.at[sidx.at[k]], rows.at[k],
                                     sem_g[k])
            return 0
        lax.fori_loop(0, NGRP, group, 0)
        for k in range(K):
            pltpu.make_async_copy(rows.at[k], acc_sh.at[didx.at[k]],
                                  sem_s[k]).wait()
            if with_deg:
                pltpu.make_async_copy(ones_v, deg_sh.at[didx.at[k]],
                                      sem_d[k]).wait()
        plsc.subcore_barrier()

        @pl.when(s < WT)
        def _writeback():
            pltpu.sync_copy(acc_sh.at[pl.ds(s * RPW, RPW)],
                            acc_h.at[c, pl.ds(s * RPW, RPW)])
        if with_deg:
            pltpu.sync_copy(deg_sh.at[pl.ds(s * DPW, DPW)], degb)
            pltpu.sync_copy(degb, deg_h.at[pl.ds(c * NP_DEG + s * DPW, DPW)])

    res = pl.kernel(
        body,
        out_type=out_type,
        mesh=mesh,
        scratch_types=scratch,
        compiler_params=pltpu.CompilerParams(use_tc_tiling_on_sc=False),
        name=f"sc_agg_w{W}" + ("_deg" if with_deg else ""),
    )(table, pk3)
    return res if with_deg else res[0]


def _mm_t(a, w):
    return lax.dot_general(a, w, (((1,), (1,)), ((), ())),
                           preferred_element_type=jnp.float32)


def _tc_self(h, ws, b):
    H = ws.shape[0]

    def body(x_ref, ws_ref, b_ref, o_ref):
        o_ref[...] = _mm_t(x_ref[...], ws_ref[...]) + b_ref[...]

    return pl.pallas_call(
        body,
        grid=(NB,),
        in_specs=[
            pl.BlockSpec((BN, h.shape[1]), lambda i: (i, 0)),
            pl.BlockSpec(ws.shape, lambda i: (0, 0)),
            pl.BlockSpec((1, H), lambda i: (0, 0)),
        ],
        out_specs=pl.BlockSpec((BN, H), lambda i: (i, 0)),
        out_shape=jax.ShapeDtypeStruct((N, H), jnp.float32),
    )(h, ws, b.reshape(1, H))


def _full(w):
    return pl.BlockSpec(w.shape, lambda i: (0, 0))


def _rows(width):
    return pl.BlockSpec((BN, width), lambda i: (i, 0))


def _mean(d_ref, a_ref):
    d = d_ref[0, 0, :] + d_ref[0, 1, :]
    recip = 1.0 / jnp.maximum(d, 1.0)
    return (a_ref[0] + a_ref[1]) * recip[:, None]


_DEG_SPEC = pl.BlockSpec((1, NC, BN), lambda i: (i, 0, 0))


def _tc_c0(deg3, s0, acc0, wn0, ws1, b1):

    def body(d_ref, s_ref, a_ref, wn_ref, ws_ref, b_ref, h_ref, s1_ref):
        h = jnp.maximum(s_ref[...] + _mm_t(_mean(d_ref, a_ref), wn_ref[...]),
                        0.0)
        h_ref[...] = h
        s1_ref[...] = _mm_t(h, ws_ref[...]) + b_ref[...]

    return pl.pallas_call(
        body,
        grid=(NB,),
        in_specs=[_DEG_SPEC, _rows(H0), pl.BlockSpec((NC, BN, H0),
                  lambda i: (0, i, 0)), _full(wn0), _full(ws1),
                  pl.BlockSpec((1, H0), lambda i: (0, 0))],
        out_specs=[_rows(H0), _rows(H0)],
        out_shape=[jax.ShapeDtypeStruct((N, H0), jnp.float32)] * 2,
    )(deg3, s0, acc0, wn0, ws1, b1.reshape(1, H0))


def _tc_c1(deg3, s1, acc1, wn1, wn2, ws2, b2):
    C = wn2.shape[0]

    def body(d_ref, s_ref, a_ref, wn_ref, wt_ref, ws_ref, b_ref,
             t_ref, s2_ref):
        h = jnp.maximum(s_ref[...] + _mm_t(_mean(d_ref, a_ref), wn_ref[...]),
                        0.0)
        t_ref[...] = _mm_t(h, wt_ref[...])
        s2_ref[...] = _mm_t(h, ws_ref[...]) + b_ref[...]

    return pl.pallas_call(
        body,
        grid=(NB,),
        in_specs=[_DEG_SPEC, _rows(H0), pl.BlockSpec((NC, BN, H0),
                  lambda i: (0, i, 0)), _full(wn1), _full(wn2), _full(ws2),
                  pl.BlockSpec((1, C), lambda i: (0, 0))],
        out_specs=[_rows(C), _rows(C)],
        out_shape=[jax.ShapeDtypeStruct((N, C), jnp.float32)] * 2,
    )(deg3, s1, acc1, wn1, wn2, ws2, b2.reshape(1, C))


def _tc_c2(deg3, s2, acc2):
    C = s2.shape[1]

    def body(d_ref, s_ref, a_ref, o_ref):
        o_ref[...] = s_ref[...] + _mean(d_ref, a_ref)

    return pl.pallas_call(
        body,
        grid=(NB,),
        in_specs=[_DEG_SPEC, _rows(C),
                  pl.BlockSpec((NC, BN, C), lambda i: (0, i, 0))],
        out_specs=_rows(C),
        out_shape=jax.ShapeDtypeStruct((N, C), jnp.float32),
    )(deg3, s2, acc2)


def _tc_pack(edge_index):
    ER = E // CH
    PR = (E_PAD - E) // CH

    def body(e_ref, o_ref):
        o_ref[0:ER, :] = e_ref[0] | (e_ref[1] << 14)
        r = lax.broadcasted_iota(jnp.int32, (PR, CH), 0)
        c = lax.broadcasted_iota(jnp.int32, (PR, CH), 1)
        spread = (r & 1) * 128 + c
        o_ref[ER:ER + PR, :] = spread | ((spread + N) << 14)

    return pl.pallas_call(
        body,
        in_specs=[pl.BlockSpec((2, ER, CH), lambda: (0, 0, 0))],
        out_specs=pl.BlockSpec((ER + PR, CH), lambda: (0, 0)),
        out_shape=jax.ShapeDtypeStruct((ER + PR, CH), jnp.int32),
    )(edge_index.astype(jnp.int32).reshape(2, ER, CH))


def kernel(x, edge_index, W_neigh0, W_self0, b0, W_neigh1, W_self1, b1,
           W_neigh2, W_self2, b2):
    pk3 = _tc_pack(edge_index).reshape(NW, NCHUNK, CH)

    s0 = _tc_self(x, W_self0, b0)
    acc0, degf = _sc_agg(x, pk3, with_deg=True)
    deg3 = degf.reshape(NC, NP_DEG)[:, :N].reshape(NC, NB, BN).transpose(1, 0, 2)

    h0, s1 = _tc_c0(deg3, s0, acc0, W_neigh0, W_self1, b1)
    acc1 = _sc_agg(h0, pk3, with_deg=False)
    t, s2 = _tc_c1(deg3, s1, acc1, W_neigh1, W_neigh2, W_self2, b2)
    acc2 = _sc_agg(t, pk3, with_deg=False)
    return _tc_c2(deg3, s2, acc2)

# --- scband reference (transcript-rebuilt; emitter-appended) ---
"""Pipeline reference for scband-dist-sage-13735305413297 (READ-ONLY COPY).

The authoritative reference and input builder live on the scoring server;
editing this copy changes nothing except your own understanding.
"""

import jax, jax.numpy as jnp
import numpy as np

N = 10000
E = 320000
D = 128
H = 128
C = 64


def _sage_layer(x, src, dst, W_neigh, W_self, b, activate):
    in_f = W_neigh.shape[1]
    out_f = W_neigh.shape[0]
    lin_before_mp = in_f > out_f
    if lin_before_mp:
        h_src = x @ W_neigh.T
    else:
        h_src = x
    msgs = h_src[src]
    neigh_sum = jnp.zeros((N, h_src.shape[1]), dtype=x.dtype).at[dst].add(msgs)
    deg = jnp.zeros((N,), dtype=x.dtype).at[dst].add(1.0)
    h_neigh = neigh_sum / jnp.maximum(deg, 1.0)[:, None]
    if not lin_before_mp:
        h_neigh = h_neigh @ W_neigh.T
    h_self = x @ W_self.T
    rst = h_self + h_neigh + b
    if activate:
        rst = jax.nn.relu(rst)
    return rst


def setup_inputs(seed: int = 0):
    key = jax.random.key(seed)
    ks = jax.random.split(key, 12)
    x = jax.random.normal(ks[0], (N, D), dtype=jnp.float32)
    edge_index = jax.random.randint(ks[1], (2, E), 0, N)
    s = 0.05
    W_neigh0 = jax.random.normal(ks[2], (H, D), dtype=jnp.float32) * s
    W_self0 = jax.random.normal(ks[3], (H, D), dtype=jnp.float32) * s
    b0 = jnp.zeros((H,), dtype=jnp.float32)
    W_neigh1 = jax.random.normal(ks[4], (H, H), dtype=jnp.float32) * s
    W_self1 = jax.random.normal(ks[5], (H, H), dtype=jnp.float32) * s
    b1 = jnp.zeros((H,), dtype=jnp.float32)
    W_neigh2 = jax.random.normal(ks[6], (C, H), dtype=jnp.float32) * s
    W_self2 = jax.random.normal(ks[7], (C, H), dtype=jnp.float32) * s
    b2 = jnp.zeros((C,), dtype=jnp.float32)
    return {"x": x, "edge_index": edge_index,
            "W_neigh0": W_neigh0, "W_self0": W_self0, "b0": b0,
            "W_neigh1": W_neigh1, "W_self1": W_self1, "b1": b1,
            "W_neigh2": W_neigh2, "W_self2": W_self2, "b2": b2}


def reference(x, edge_index, W_neigh0, W_self0, b0, W_neigh1, W_self1, b1, W_neigh2, W_self2, b2):
    src = edge_index[0]
    dst = edge_index[1]
    h = _sage_layer(x, src, dst, W_neigh0, W_self0, b0, True)
    h = _sage_layer(h, src, dst, W_neigh1, W_self1, b1, True)
    h = _sage_layer(h, src, dst, W_neigh2, W_self2, b2, False)
    return h

if __name__ == "__main__":
    import jax
    _d = setup_inputs()
    print(jax.jit(kernel)(*tuple(_d.values())))

</pallas_src>

<mosaic_0001>
#map = affine_map<(d0, d1) -> (0, 0)>
#map1 = affine_map<(d0, d1) -> (0, 0, 0)>
module attributes {stable_mosaic.version = 14 : i64} {
  func.func @sc_agg_w64(%arg0: i32, %arg1: i32, %arg2: memref<10000x64xf32, #tpu.memory_space<hbm>>, %arg3: memref<32x80x128xi32, #tpu.memory_space<hbm>>, %arg4: memref<2x10000x64xf32, #tpu.memory_space<hbm>>, %arg5: memref<80x128xi32, #tpu.memory_space<vmem>>, %arg6: memref<4x128xi32, #tpu.memory_space<vmem>>, %arg7: memref<4x128xi32, #tpu.memory_space<vmem>>, %arg8: memref<4x128x64xf32, #tpu.memory_space<vmem>>, %arg9: memref<128xf32, #tpu.memory_space<vmem>>, %arg10: memref<656xf32, #tpu.memory_space<vmem>>, %arg11: memref<10256x64xf32, #tpu.memory_space<vmem_shared>>, %arg12: memref<10496xf32, #tpu.memory_space<vmem_shared>>, %arg13: memref<!tpu.dma_semaphore, #tpu.memory_space<semaphore_mem>>, %arg14: memref<!tpu.dma_semaphore, #tpu.memory_space<semaphore_mem>>, %arg15: memref<!tpu.dma_semaphore, #tpu.memory_space<semaphore_mem>>, %arg16: memref<!tpu.dma_semaphore, #tpu.memory_space<semaphore_mem>>, %arg17: memref<!tpu.dma_semaphore, #tpu.memory_space<semaphore_mem>>, %arg18: memref<!tpu.dma_semaphore, #tpu.memory_space<semaphore_mem>>, %arg19: memref<!tpu.dma_semaphore, #tpu.memory_space<semaphore_mem>>, %arg20: memref<!tpu.dma_semaphore, #tpu.memory_space<semaphore_mem>>, %arg21: memref<!tpu.dma_semaphore, #tpu.memory_space<semaphore_mem>>, %arg22: memref<!tpu.dma_semaphore, #tpu.memory_space<semaphore_mem>>, %arg23: memref<!tpu.dma_semaphore, #tpu.memory_space<semaphore_mem>>, %arg24: memref<!tpu.dma_semaphore, #tpu.memory_space<semaphore_mem>>) attributes {dimension_semantics = [#tpu.dimension_semantics<core_parallel>, #tpu.dimension_semantics<subcore_parallel>], iteration_bounds = array<i64: 2, 16>, scalar_prefetch = 0 : i64, scratch_operands = 20 : i64, tpu.core_type = #tpu.core_type<sc_vector_subcore>, window_params = [{transform_indices = #map}, {transform_indices = #map1}, {transform_indices = #map1}]} {
    %mul3A = arith.constant 16 : i32
    %mul3A_0 = arith.muli %arg0, %mul3A : i32
    %add3A = arith.addi %mul3A_0, %arg1 : i32
    %broadcast_in_dim3A = arith.constant 0.000000e+00 : f32
    %broadcast_in_dim3A_1 = vector.broadcast %broadcast_in_dim3A : f32 to vector<16xf32>
    "tpu.region"() ({
      %run_scoped3A = tpu.sem_alloc : memref<!tpu.dma_semaphore, #tpu.memory_space<semaphore_mem>>
      %dma_start3A_159 = arith.constant 0 : i32
      %dma_start3A_160 = arith.constant 0 : i32
      %dma_start3A_161 = tpu.memref_slice %arg3[%add3A, %dma_start3A_159, %dma_start3A_160] : memref<32x80x128xi32, #tpu.memory_space<hbm>> -> memref<1x80x128xi32, #tpu.memory_space<hbm>>
      %dma_start3A_162 = tpu.memref_squeeze %dma_start3A_161 : memref<1x80x128xi32, #tpu.memory_space<hbm>> -> memref<80x128xi32, #tpu.memory_space<hbm>>
      %dma_start3A_163 = arith.constant 0 : i32
      %dma_start3A_164 = arith.constant 0 : i32
      %dma_start3A_165 = tpu.memref_slice %arg3[%add3A, %dma_start3A_163, %dma_start3A_164] : memref<32x80x128xi32, #tpu.memory_space<hbm>> -> memref<1x80x128xi32, #tpu.memory_space<hbm>>
      %dma_start3A_166 = tpu.memref_squeeze %dma_start3A_165 : memref<1x80x128xi32, #tpu.memory_space<hbm>> -> memref<80x128xi32, #tpu.memory_space<hbm>>
      tpu.enqueue_dma source(%dma_start3A_166 : memref<80x128xi32, #tpu.memory_space<hbm>>) target(%arg5 : memref<80x128xi32, #tpu.memory_space<vmem>>) target_semaphore(%run_scoped3A : memref<!tpu.dma_semaphore, #tpu.memory_space<semaphore_mem>>)
      %dma_wait3A_167 = arith.constant 0 : i32
      %dma_wait3A_168 = arith.constant 0 : i32
      %dma_wait3A_169 = tpu.memref_slice %arg3[%add3A, %dma_wait3A_167, %dma_wait3A_168] : memref<32x80x128xi32, #tpu.memory_space<hbm>> -> memref<1x80x128xi32, #tpu.memory_space<hbm>>
      %dma_wait3A_170 = tpu.memref_squeeze %dma_wait3A_169 : memref<1x80x128xi32, #tpu.memory_space<hbm>> -> memref<80x128xi32, #tpu.memory_space<hbm>>
      %dma_wait3A_171 = arith.constant 0 : i32
      %dma_wait3A_172 = arith.constant 0 : i32
      %dma_wait3A_173 = tpu.memref_slice %arg3[%add3A, %dma_wait3A_171, %dma_wait3A_172] : memref<32x80x128xi32, #tpu.memory_space<hbm>> -> memref<1x80x128xi32, #tpu.memory_space<hbm>>
      %dma_wait3A_174 = tpu.memref_squeeze %dma_wait3A_173 : memref<1x80x128xi32, #tpu.memory_space<hbm>> -> memref<80x128xi32, #tpu.memory_space<hbm>>
      tpu.wait_dma2 semaphore(%run_scoped3A : memref<!tpu.dma_semaphore, #tpu.memory_space<semaphore_mem>>) src(%dma_wait3A_174 : memref<80x128xi32, #tpu.memory_space<hbm>>) dst(%arg5 : memref<80x128xi32, #tpu.memory_space<vmem>>)
      tpu.yield
    }) : () -> ()
    %scan3A = arith.constant 0 : i32
    %scan3A_2 = arith.constant 0 : i32
    %scan3A_3 = arith.constant 512 : i32
    %scan3A_4 = arith.addi %scan3A_2, %scan3A_3 : i32
    %scan3A_5 = arith.constant 1 : i32
    %scan3A_6 = scf.for %scan3A_159 = %scan3A_2 to %scan3A_4 step %scan3A_5 iter_args(%scan3A_160 = %scan3A) -> (i32)  : i32 {
      %jit3A = arith.constant 4 : i32
      %div3A = arith.divsi %scan3A_159, %jit3A : i32
      %sign3A = arith.constant 0 : i32
      %sign3A_161 = arith.cmpi sgt, %scan3A_159, %sign3A : i32
      %sign3A_162 = arith.extui %sign3A_161 : i1 to i32
      %sign3A_163 = arith.constant 0 : i32
      %sign3A_164 = arith.cmpi slt, %scan3A_159, %sign3A_163 : i32
      %sign3A_165 = arith.extui %sign3A_164 : i1 to i32
      %sign3A_166 = arith.subi %sign3A_162, %sign3A_165 : i32
      %sign3A_167 = arith.constant 0 : i32
      %sign3A_168 = arith.cmpi sgt, %jit3A, %sign3A_167 : i32
      %sign3A_169 = arith.extui %sign3A_168 : i1 to i32
      %sign3A_170 = arith.constant 0 : i32
      %sign3A_171 = arith.cmpi slt, %jit3A, %sign3A_170 : i32
      %sign3A_172 = arith.extui %sign3A_171 : i1 to i32
      %sign3A_173 = arith.subi %sign3A_169, %sign3A_172 : i32
      %ne3A = arith.cmpi ne, %sign3A_166, %sign3A_173 : i32
      %rem3A = arith.remsi %scan3A_159, %jit3A : i32
      %ne3A_174 = arith.constant 0 : i32
      %ne3A_175 = arith.cmpi ne, %rem3A, %ne3A_174 : i32
      %and3A = arith.andi %ne3A, %ne3A_175 : i1
      %sub3A = arith.constant 1 : i32
      %sub3A_176 = arith.subi %div3A, %sub3A : i32
      %select_n3A = arith.select %and3A, %sub3A_176, %div3A : i32
      %jit3A_177 = arith.constant 4 : i32
      %eq3A = arith.constant 0 : i32
      %eq3A_178 = arith.cmpi eq, %jit3A_177, %eq3A : i32
      %jit3A_179 = arith.constant 1 : i32
      %select_n3A_180 = arith.select %eq3A_178, %jit3A_179, %jit3A_177 : i32
      %rem3A_181 = arith.remsi %scan3A_159, %select_n3A_180 : i32
      %ne3A_182 = arith.constant 0 : i32
      %ne3A_183 = arith.cmpi ne, %rem3A_181, %ne3A_182 : i32
      %lt3A_184 = arith.constant 0 : i32
      %lt3A_185 = arith.cmpi slt, %rem3A_181, %lt3A_184 : i32
      %lt3A_186 = arith.constant 0 : i32
      %lt3A_187 = arith.cmpi slt, %select_n3A_180, %lt3A_186 : i32
      %ne3A_188 = arith.xori %lt3A_185, %lt3A_187 : i1
      %and3A_189 = arith.andi %ne3A_188, %ne3A_183 : i1
      %add3A_190 = arith.addi %rem3A_181, %select_n3A_180 : i32
      %select_n3A_191 = arith.select %and3A_189, %add3A_190, %rem3A_181 : i32
      %mul3A_192 = arith.constant 16 : i32
      %mul3A_193 = arith.muli %select_n3A_191, %mul3A_192 : i32
      %swap3A = arith.constant 0 : i32
      %swap3A_194 = arith.index_cast %swap3A : i32 to index
      %swap3A_195 = arith.index_cast %select_n3A : i32 to index
      %swap3A_196 = arith.index_cast %mul3A_193 : i32 to index
      %swap3A_197 = tpu.vector_load %arg8[%swap3A_194, %swap3A_195, %swap3A_196] {strides = array<i32>} : memref<4x128x64xf32, #tpu.memory_space<vmem>>, vector<1x1x16xf32>,
      %swap3A_198 = vector.shape_cast %swap3A_197 : vector<1x1x16xf32> to vector<16xf32>
      %swap3A_199 = vector.shape_cast %broadcast_in_dim3A_1 : vector<16xf32> to vector<1x1x16xf32>
      tpu.vector_store %arg8[%swap3A_194, %swap3A_195, %swap3A_196], %swap3A_199 {strides = array<i32>} : memref<4x128x64xf32, #tpu.memory_space<vmem>>, vector<1x1x16xf32>,
      %scan3A_200 = arith.constant 0 : i32
      scf.yield %scan3A_200 : i32
    }
    %scan3A_7 = arith.constant 512 : i32
    %scan3A_8 = arith.constant 0 : i32
    %scan3A_9 = arith.constant 0 : i32
    %scan3A_10 = arith.constant 41 : i32
    %scan3A_11 = arith.addi %scan3A_9, %scan3A_10 : i32
    %scan3A_12 = arith.constant 1 : i32
    %scan3A_13 = scf.for %scan3A_159 = %scan3A_9 to %scan3A_11 step %scan3A_12 iter_args(%scan3A_160 = %scan3A_8) -> (i32)  : i32 {
      %mul3A_161 = arith.constant 16 : i32
      %mul3A_162 = arith.muli %scan3A_159, %mul3A_161 : i32
      %swap3A = arith.index_cast %mul3A_162 : i32 to index
      %swap3A_163 = tpu.vector_load %arg10[%swap3A] {strides = array<i32>} : memref<656xf32, #tpu.memory_space<vmem>>, vector<16xf32>,
      %swap3A_164 = vector.shape_cast %swap3A_163 : vector<16xf32> to vector<16xf32>
      %swap3A_165 = vector.shape_cast %broadcast_in_dim3A_1 : vector<16xf32> to vector<16xf32>
      tpu.vector_store %arg10[%swap3A], %swap3A_165 {strides = array<i32>} : memref<656xf32, #tpu.memory_space<vmem>>, vector<16xf32>,
      %scan3A_166 = arith.constant 0 : i32
      scf.yield %scan3A_166 : i32
    }
    %scan3A_14 = arith.constant 41 : i32
    %scan3A_15 = arith.constant 0 : i32
    %scan3A_16 = arith.constant 0 : i32
    %scan3A_17 = arith.constant 8 : i32
    %scan3A_18 = arith.addi %scan3A_16, %scan3A_17 : i32
    %scan3A_19 = arith.constant 1 : i32
    %scan3A_20 = scf.for %scan3A_159 = %scan3A_16 to %scan3A_18 step %scan3A_19 iter_args(%scan3A_160 = %scan3A_15) -> (i32)  : i32 {
      %broadcast_in_dim3A_161 = arith.constant 1.000000e+00 : f32
      %broadcast_in_dim3A_162 = vector.broadcast %broadcast_in_dim3A_161 : f32 to vector<16xf32>
      %mul3A_163 = arith.constant 16 : i32
      %mul3A_164 = arith.muli %scan3A_159, %mul3A_163 : i32
      %swap3A = arith.index_cast %mul3A_164 : i32 to index
      %swap3A_165 = tpu.vector_load %arg9[%swap3A] {strides = array<i32>} : memref<128xf32, #tpu.memory_space<vmem>>, vector<16xf32>,
      %swap3A_166 = vector.shape_cast %swap3A_165 : vector<16xf32> to vector<16xf32>
      %swap3A_167 = vector.shape_cast %broadcast_in_dim3A_162 : vector<16xf32> to vector<16xf32>
      tpu.vector_store %arg9[%swap3A], %swap3A_167 {strides = array<i32>} : memref<128xf32, #tpu.memory_space<vmem>>, vector<16xf32>,
      %scan3A_168 = arith.constant 0 : i32
      scf.yield %scan3A_168 : i32
    }
    %scan3A_21 = arith.constant 8 : i32
    %lt3A = arith.constant 10 : i32
    %lt3A_22 = arith.cmpi slt, %arg1, %lt3A : i32
    %convert_element_type3A = arith.extui %lt3A_22 : i1 to i32
    %cond3A = arith.constant 0 : i32
    %cond3A_23 = arith.cmpi ne, %convert_element_type3A, %cond3A : i32
    scf.if %cond3A_23 {
      %mul3A_159 = arith.constant 1000 : i32
      %mul3A_160 = arith.muli %arg1, %mul3A_159 : i32
      %add3A_161 = arith.constant 0 : i32
      %add3A_162 = arith.addi %mul3A_160, %add3A_161 : i32
      %run_scoped3A = arith.constant 0 : i32
      "tpu.region"() ({
        %run_scoped3A_198 = tpu.sem_alloc : memref<!tpu.dma_semaphore, #tpu.memory_space<semaphore_mem>>
        %dma_start3A_199 = arith.constant 0 : i32
        %dma_start3A_200 = arith.constant 0 : i32
        %dma_start3A_201 = tpu.memref_slice %arg8[%run_scoped3A, %dma_start3A_199, %dma_start3A_200] : memref<4x128x64xf32, #tpu.memory_space<vmem>> -> memref<1x128x64xf32, #tpu.memory_space<vmem>>
        %dma_start3A_202 = tpu.memref_squeeze %dma_start3A_201 : memref<1x128x64xf32, #tpu.memory_space<vmem>> -> memref<128x64xf32, #tpu.memory_space<vmem>>
        %dma_start3A_203 = arith.constant 0 : i32
        %dma_start3A_204 = tpu.memref_slice %arg11[%add3A_162, %dma_start3A_203] : memref<10256x64xf32, #tpu.memory_space<vmem_shared>> -> memref<128x64xf32, #tpu.memory_space<vmem_shared>>
        %dma_start3A_205 = arith.constant 0 : i32
        %dma_start3A_206 = tpu.memref_slice %arg11[%add3A_162, %dma_start3A_205] : memref<10256x64xf32, #tpu.memory_space<vmem_shared>> -> memref<128x64xf32, #tpu.memory_space<vmem_shared>>
        %dma_start3A_207 = arith.constant 0 : i32
        %dma_start3A_208 = arith.constant 0 : i32
        %dma_start3A_209 = tpu.memref_slice %arg8[%run_scoped3A, %dma_start3A_207, %dma_start3A_208] : memref<4x128x64xf32, #tpu.memory_space<vmem>> -> memref<1x128x64xf32, #tpu.memory_space<vmem>>
        %dma_start3A_210 = tpu.memref_squeeze %dma_start3A_209 : memref<1x128x64xf32, #tpu.memory_space<vmem>> -> memref<128x64xf32, #tpu.memory_space<vmem>>
        tpu.enqueue_dma source(%dma_start3A_210 : memref<128x64xf32, #tpu.memory_space<vmem>>) target(%dma_start3A_206 : memref<128x64xf32, #tpu.memory_space<vmem_shared>>) target_semaphore(%run_scoped3A_198 : memref<!tpu.dma_semaphore, #tpu.memory_space<semaphore_mem>>)
        %dma_wait3A_211 = arith.constant 0 : i32
        %dma_wait3A_212 = arith.constant 0 : i32
        %dma_wait3A_213 = tpu.memref_slice %arg8[%run_scoped3A, %dma_wait3A_211, %dma_wait3A_212] : memref<4x128x64xf32, #tpu.memory_space<vmem>> -> memref<1x128x64xf32, #tpu.memory_space<vmem>>
        %dma_wait3A_214 = tpu.memref_squeeze %dma_wait3A_213 : memref<1x128x64xf32, #tpu.memory_space<vmem>> -> memref<128x64xf32, #tpu.memory_space<vmem>>
        %dma_wait3A_215 = arith.constant 0 : i32
        %dma_wait3A_216 = tpu.memref_slice %arg11[%add3A_162, %dma_wait3A_215] : memref<10256x64xf32, #tpu.memory_space<vmem_shared>> -> memref<128x64xf32, #tpu.memory_space<vmem_shared>>
        %dma_wait3A_217 = arith.constant 0 : i32
        %dma_wait3A_218 = tpu.memref_slice %arg11[%add3A_162, %dma_wait3A_217] : memref<10256x64xf32, #tpu.memory_space<vmem_shared>> -> memref<128x64xf32, #tpu.memory_space<vmem_shared>>
        %dma_wait3A_219 = arith.constant 0 : i32
        %dma_wait3A_220 = arith.constant 0 : i32
        %dma_wait3A_221 = tpu.memref_slice %arg8[%run_scoped3A, %dma_wait3A_219, %dma_wait3A_220] : memref<4x128x64xf32, #tpu.memory_space<vmem>> -> memref<1x128x64xf32, #tpu.memory_space<vmem>>
        %dma_wait3A_222 = tpu.memref_squeeze %dma_wait3A_221 : memref<1x128x64xf32, #tpu.memory_space<vmem>> -> memref<128x64xf32, #tpu.memory_space<vmem>>
        tpu.wait_dma2 semaphore(%run_scoped3A_198 : memref<!tpu.dma_semaphore, #tpu.memory_space<semaphore_mem>>) src(%dma_wait3A_222 : memref<128x64xf32, #tpu.memory_space<vmem>>) dst(%dma_wait3A_218 : memref<128x64xf32, #tpu.memory_space<vmem_shared>>)
        tpu.yield
      }) : () -> ()
      %mul3A_163 = arith.constant 1000 : i32
      %mul3A_164 = arith.muli %arg1, %mul3A_163 : i32
      %add3A_165 = arith.constant 128 : i32
      %add3A_166 = arith.addi %mul3A_164, %add3A_165 : i32
      %run_scoped3A_167 = arith.constant 0 : i32
      "tpu.region"() ({
        %run_scoped3A_198 = tpu.sem_alloc : memref<!tpu.dma_semaphore, #tpu.memory_space<semaphore_mem>>
        %dma_start3A_199 = arith.constant 0 : i32
        %dma_start3A_200 = arith.constant 0 : i32
        %dma_start3A_201 = tpu.memref_slice %arg8[%run_scoped3A_167, %dma_start3A_199, %dma_start3A_200] : memref<4x128x64xf32, #tpu.memory_space<vmem>> -> memref<1x128x64xf32, #tpu.memory_space<vmem>>
        %dma_start3A_202 = tpu.memref_squeeze %dma_start3A_201 : memref<1x128x64xf32, #tpu.memory_space<vmem>> -> memref<128x64xf32, #tpu.memory_space<vmem>>
        %dma_start3A_203 = arith.constant 0 : i32
        %dma_start3A_204 = tpu.memref_slice %arg11[%add3A_166, %dma_start3A_203] : memref<10256x64xf32, #tpu.memory_space<vmem_shared>> -> memref<128x64xf32, #tpu.memory_space<vmem_shared>>
        %dma_start3A_205 = arith.constant 0 : i32
        %dma_start3A_206 = tpu.memref_slice %arg11[%add3A_166, %dma_start3A_205] : memref<10256x64xf32, #tpu.memory_space<vmem_shared>> -> memref<128x64xf32, #tpu.memory_space<vmem_shared>>
        %dma_start3A_207 = arith.constant 0 : i32
        %dma_start3A_208 = arith.constant 0 : i32
        %dma_start3A_209 = tpu.memref_slice %arg8[%run_scoped3A_167, %dma_start3A_207, %dma_start3A_208] : memref<4x128x64xf32, #tpu.memory_space<vmem>> -> memref<1x128x64xf32, #tpu.memory_space<vmem>>
        %dma_start3A_210 = tpu.memref_squeeze %dma_start3A_209 : memref<1x128x64xf32, #tpu.memory_space<vmem>> -> memref<128x64xf32, #tpu.memory_space<vmem>>
        tpu.enqueue_dma source(%dma_start3A_210 : memref<128x64xf32, #tpu.memory_space<vmem>>) target(%dma_start3A_206 : memref<128x64xf32, #tpu.memory_space<vmem_shared>>) target_semaphore(%run_scoped3A_198 : memref<!tpu.dma_semaphore, #tpu.memory_space<semaphore_mem>>)
        %dma_wait3A_211 = arith.constant 0 : i32
        %dma_wait3A_212 = arith.constant 0 : i32
        %dma_wait3A_213 = tpu.memref_slice %arg8[%run_scoped3A_167, %dma_wait3A_211, %dma_wait3A_212] : memref<4x128x64xf32, #tpu.memory_space<vmem>> -> memref<1x128x64xf32, #tpu.memory_space<vmem>>
        %dma_wait3A_214 = tpu.memref_squeeze %dma_wait3A_213 : memref<1x128x64xf32, #tpu.memory_space<vmem>> -> memref<128x64xf32, #tpu.memory_space<vmem>>
        %dma_wait3A_215 = arith.constant 0 : i32
        %dma_wait3A_216 = tpu.memref_slice %arg11[%add3A_166, %dma_wait3A_215] : memref<10256x64xf32, #tpu.memory_space<vmem_shared>> -> memref<128x64xf32, #tpu.memory_space<vmem_shared>>
        %dma_wait3A_217 = arith.constant 0 : i32
        %dma_wait3A_218 = tpu.memref_slice %arg11[%add3A_166, %dma_wait3A_217] : memref<10256x64xf32, #tpu.memory_space<vmem_shared>> -> memref<128x64xf32, #tpu.memory_space<vmem_shared>>
        %dma_wait3A_219 = arith.constant 0 : i32
        %dma_wait3A_220 = arith.constant 0 : i32
        %dma_wait3A_221 = tpu.memref_slice %arg8[%run_scoped3A_167, %dma_wait3A_219, %dma_wait3A_220] : memref<4x128x64xf32, #tpu.memory_space<vmem>> -> memref<1x128x64xf32, #tpu.memory_space<vmem>>
        %dma_wait3A_222 = tpu.memref_squeeze %dma_wait3A_221 : memref<1x128x64xf32, #tpu.memory_space<vmem>> -> memref<128x64xf32, #tpu.memory_space<vmem>>
        tpu.wait_dma2 semaphore(%run_scoped3A_198 : memref<!tpu.dma_semaphore, #tpu.memory_space<semaphore_mem>>) src(%dma_wait3A_222 : memref<128x64xf32, #tpu.memory_space<vmem>>) dst(%dma_wait3A_218 : memref<128x64xf32, #tpu.memory_space<vmem_shared>>)
        tpu.yield
      }) : () -> ()
      %mul3A_168 = arith.constant 1000 : i32
      %mul3A_169 = arith.muli %arg1, %mul3A_168 : i32
      %add3A_170 = arith.constant 256 : i32
      %add3A_171 = arith.addi %mul3A_169, %add3A_170 : i32
      %run_scoped3A_172 = arith.constant 0 : i32
      "tpu.region"() ({
        %run_scoped3A_198 = tpu.sem_alloc : memref<!tpu.dma_semaphore, #tpu.memory_space<semaphore_mem>>
        %dma_start3A_199 = arith.constant 0 : i32
        %dma_start3A_200 = arith.constant 0 : i32
        %dma_start3A_201 = tpu.memref_slice %arg8[%run_scoped3A_172, %dma_start3A_199, %dma_start3A_200] : memref<4x128x64xf32, #tpu.memory_space<vmem>> -> memref<1x128x64xf32, #tpu.memory_space<vmem>>
        %dma_start3A_202 = tpu.memref_squeeze %dma_start3A_201 : memref<1x128x64xf32, #tpu.memory_space<vmem>> -> memref<128x64xf32, #tpu.memory_space<vmem>>
        %dma_start3A_203 = arith.constant 0 : i32
        %dma_start3A_204 = tpu.memref_slice %arg11[%add3A_171, %dma_start3A_203] : memref<10256x64xf32, #tpu.memory_space<vmem_shared>> -> memref<128x64xf32, #tpu.memory_space<vmem_shared>>
        %dma_start3A_205 = arith.constant 0 : i32
        %dma_start3A_206 = tpu.memref_slice %arg11[%add3A_171, %dma_start3A_205] : memref<10256x64xf32, #tpu.memory_space<vmem_shared>> -> memref<128x64xf32, #tpu.memory_space<vmem_shared>>
        %dma_start3A_207 = arith.constant 0 : i32
        %dma_start3A_208 = arith.constant 0 : i32
        %dma_start3A_209 = tpu.memref_slice %arg8[%run_scoped3A_172, %dma_start3A_207, %dma_start3A_208] : memref<4x128x64xf32, #tpu.memory_space<vmem>> -> memref<1x128x64xf32, #tpu.memory_space<vmem>>
        %dma_start3A_210 = tpu.memref_squeeze %dma_start3A_209 : memref<1x128x64xf32, #tpu.memory_space<vmem>> -> memref<128x64xf32, #tpu.memory_space<vmem>>
        tpu.enqueue_dma source(%dma_start3A_210 : memref<128x64xf32, #tpu.memory_space<vmem>>) target(%dma_start3A_206 : memref<128x64xf32, #tpu.memory_space<vmem_shared>>) target_semaphore(%run_scoped3A_198 : memref<!tpu.dma_semaphore, #tpu.memory_space<semaphore_mem>>)
        %dma_wait3A_211 = arith.constant 0 : i32
        %dma_wait3A_212 = arith.constant 0 : i32
        %dma_wait3A_213 = tpu.memref_slice %arg8[%run_scoped3A_172, %dma_wait3A_211, %dma_wait3A_212] : memref<4x128x64xf32, #tpu.memory_space<vmem>> -> memref<1x128x64xf32, #tpu.memory_space<vmem>>
        %dma_wait3A_214 = tpu.memref_squeeze %dma_wait3A_213 : memref<1x128x64xf32, #tpu.memory_space<vmem>> -> memref<128x64xf32, #tpu.memory_space<vmem>>
        %dma_wait3A_215 = arith.constant 0 : i32
        %dma_wait3A_216 = tpu.memref_slice %arg11[%add3A_171, %dma_wait3A_215] : memref<10256x64xf32, #tpu.memory_space<vmem_shared>> -> memref<128x64xf32, #tpu.memory_space<vmem_shared>>
        %dma_wait3A_217 = arith.constant 0 : i32
        %dma_wait3A_218 = tpu.memref_slice %arg11[%add3A_171, %dma_wait3A_217] : memref<10256x64xf32, #tpu.memory_space<vmem_shared>> -> memref<128x64xf32, #tpu.memory_space<vmem_shared>>
        %dma_wait3A_219 = arith.constant 0 : i32
        %dma_wait3A_220 = arith.constant 0 : i32
        %dma_wait3A_221 = tpu.memref_slice %arg8[%run_scoped3A_172, %dma_wait3A_219, %dma_wait3A_220] : memref<4x128x64xf32, #tpu.memory_space<vmem>> -> memref<1x128x64xf32, #tpu.memory_space<vmem>>
        %dma_wait3A_222 = tpu.memref_squeeze %dma_wait3A_221 : memref<1x128x64xf32, #tpu.memory_space<vmem>> -> memref<128x64xf32, #tpu.memory_space<vmem>>
        tpu.wait_dma2 semaphore(%run_scoped3A_198 : memref<!tpu.dma_semaphore, #tpu.memory_space<semaphore_mem>>) src(%dma_wait3A_222 : memref<128x64xf32, #tpu.memory_space<vmem>>) dst(%dma_wait3A_218 : memref<128x64xf32, #tpu.memory_space<vmem_shared>>)
        tpu.yield
      }) : () -> ()
      %mul3A_173 = arith.constant 1000 : i32
      %mul3A_174 = arith.muli %arg1, %mul3A_173 : i32
      %add3A_175 = arith.constant 384 : i32
      %add3A_176 = arith.addi %mul3A_174, %add3A_175 : i32
      %run_scoped3A_177 = arith.constant 0 : i32
      "tpu.region"() ({
        %run_scoped3A_198 = tpu.sem_alloc : memref<!tpu.dma_semaphore, #tpu.memory_space<semaphore_mem>>
        %dma_start3A_199 = arith.constant 0 : i32
        %dma_start3A_200 = arith.constant 0 : i32
        %dma_start3A_201 = tpu.memref_slice %arg8[%run_scoped3A_177, %dma_start3A_199, %dma_start3A_200] : memref<4x128x64xf32, #tpu.memory_space<vmem>> -> memref<1x128x64xf32, #tpu.memory_space<vmem>>
        %dma_start3A_202 = tpu.memref_squeeze %dma_start3A_201 : memref<1x128x64xf32, #tpu.memory_space<vmem>> -> memref<128x64xf32, #tpu.memory_space<vmem>>
        %dma_start3A_203 = arith.constant 0 : i32
        %dma_start3A_204 = tpu.memref_slice %arg11[%add3A_176, %dma_start3A_203] : memref<10256x64xf32, #tpu.memory_space<vmem_shared>> -> memref<128x64xf32, #tpu.memory_space<vmem_shared>>
        %dma_start3A_205 = arith.constant 0 : i32
        %dma_start3A_206 = tpu.memref_slice %arg11[%add3A_176, %dma_start3A_205] : memref<10256x64xf32, #tpu.memory_space<vmem_shared>> -> memref<128x64xf32, #tpu.memory_space<vmem_shared>>
        %dma_start3A_207 = arith.constant 0 : i32
        %dma_start3A_208 = arith.constant 0 : i32
        %dma_start3A_209 = tpu.memref_slice %arg8[%run_scoped3A_177, %dma_start3A_207, %dma_start3A_208] : memref<4x128x64xf32, #tpu.memory_space<vmem>> -> memref<1x128x64xf32, #tpu.memory_space<vmem>>
        %dma_start3A_210 = tpu.memref_squeeze %dma_start3A_209 : memref<1x128x64xf32, #tpu.memory_space<vmem>> -> memref<128x64xf32, #tpu.memory_space<vmem>>
        tpu.enqueue_dma source(%dma_start3A_210 : memref<128x64xf32, #tpu.memory_space<vmem>>) target(%dma_start3A_206 : memref<128x64xf32, #tpu.memory_space<vmem_shared>>) target_semaphore(%run_scoped3A_198 : memref<!tpu.dma_semaphore, #tpu.memory_space<semaphore_mem>>)
        %dma_wait3A_211 = arith.constant 0 : i32
        %dma_wait3A_212 = arith.constant 0 : i32
        %dma_wait3A_213 = tpu.memref_slice %arg8[%run_scoped3A_177, %dma_wait3A_211, %dma_wait3A_212] : memref<4x128x64xf32, #tpu.memory_space<vmem>> -> memref<1x128x64xf32, #tpu.memory_space<vmem>>
        %dma_wait3A_214 = tpu.memref_squeeze %dma_wait3A_213 : memref<1x128x64xf32, #tpu.memory_space<vmem>> -> memref<128x64xf32, #tpu.memory_space<vmem>>
        %dma_wait3A_215 = arith.constant 0 : i32
        %dma_wait3A_216 = tpu.memref_slice %arg11[%add3A_176, %dma_wait3A_215] : memref<10256x64xf32, #tpu.memory_space<vmem_shared>> -> memref<128x64xf32, #tpu.memory_space<vmem_shared>>
        %dma_wait3A_217 = arith.constant 0 : i32
        %dma_wait3A_218 = tpu.memref_slice %arg11[%add3A_176, %dma_wait3A_217] : memref<10256x64xf32, #tpu.memory_space<vmem_shared>> -> memref<128x64xf32, #tpu.memory_space<vmem_shared>>
        %dma_wait3A_219 = arith.constant 0 : i32
        %dma_wait3A_220 = arith.constant 0 : i32
        %dma_wait3A_221 = tpu.memref_slice %arg8[%run_scoped3A_177, %dma_wait3A_219, %dma_wait3A_220] : memref<4x128x64xf32, #tpu.memory_space<vmem>> -> memref<1x128x64xf32, #tpu.memory_space<vmem>>
        %dma_wait3A_222 = tpu.memref_squeeze %dma_wait3A_221 : memref<1x128x64xf32, #tpu.memory_space<vmem>> -> memref<128x64xf32, #tpu.memory_space<vmem>>
        tpu.wait_dma2 semaphore(%run_scoped3A_198 : memref<!tpu.dma_semaphore, #tpu.memory_space<semaphore_mem>>) src(%dma_wait3A_222 : memref<128x64xf32, #tpu.memory_space<vmem>>) dst(%dma_wait3A_218 : memref<128x64xf32, #tpu.memory_space<vmem_shared>>)
        tpu.yield
      }) : () -> ()
      %mul3A_178 = arith.constant 1000 : i32
      %mul3A_179 = arith.muli %arg1, %mul3A_178 : i32
      %add3A_180 = arith.constant 512 : i32
      %add3A_181 = arith.addi %mul3A_179, %add3A_180 : i32
      %run_scoped3A_182 = arith.constant 0 : i32
      "tpu.region"() ({
        %run_scoped3A_198 = tpu.sem_alloc : memref<!tpu.dma_semaphore, #tpu.memory_space<semaphore_mem>>
        %dma_start3A_199 = arith.constant 0 : i32
        %dma_start3A_200 = arith.constant 0 : i32
        %dma_start3A_201 = tpu.memref_slice %arg8[%run_scoped3A_182, %dma_start3A_199, %dma_start3A_200] : memref<4x128x64xf32, #tpu.memory_space<vmem>> -> memref<1x128x64xf32, #tpu.memory_space<vmem>>
        %dma_start3A_202 = tpu.memref_squeeze %dma_start3A_201 : memref<1x128x64xf32, #tpu.memory_space<vmem>> -> memref<128x64xf32, #tpu.memory_space<vmem>>
        %dma_start3A_203 = arith.constant 0 : i32
        %dma_start3A_204 = tpu.memref_slice %arg11[%add3A_181, %dma_start3A_203] : memref<10256x64xf32, #tpu.memory_space<vmem_shared>> -> memref<128x64xf32, #tpu.memory_space<vmem_shared>>
        %dma_start3A_205 = arith.constant 0 : i32
        %dma_start3A_206 = tpu.memref_slice %arg11[%add3A_181, %dma_start3A_205] : memref<10256x64xf32, #tpu.memory_space<vmem_shared>> -> memref<128x64xf32, #tpu.memory_space<vmem_shared>>
        %dma_start3A_207 = arith.constant 0 : i32
        %dma_start3A_208 = arith.constant 0 : i32
        %dma_start3A_209 = tpu.memref_slice %arg8[%run_scoped3A_182, %dma_start3A_207, %dma_start3A_208] : memref<4x128x64xf32, #tpu.memory_space<vmem>> -> memref<1x128x64xf32, #tpu.memory_space<vmem>>
        %dma_start3A_210 = tpu.memref_squeeze %dma_start3A_209 : memref<1x128x64xf32, #tpu.memory_space<vmem>> -> memref<128x64xf32, #tpu.memory_space<vmem>>
        tpu.enqueue_dma source(%dma_start3A_210 : memref<128x64xf32, #tpu.memory_space<vmem>>) target(%dma_start3A_206 : memref<128x64xf32, #tpu.memory_space<vmem_shared>>) target_semaphore(%run_scoped3A_198 : memref<!tpu.dma_semaphore, #tpu.memory_space<semaphore_mem>>)
        %dma_wait3A_211 = arith.constant 0 : i32
        %dma_wait3A_212 = arith.constant 0 : i32
        %dma_wait3A_213 = tpu.memref_slice %arg8[%run_scoped3A_182, %dma_wait3A_211, %dma_wait3A_212] : memref<4x128x64xf32, #tpu.memory_space<vmem>> -> memref<1x128x64xf32, #tpu.memory_space<vmem>>
        %dma_wait3A_214 = tpu.memref_squeeze %dma_wait3A_213 : memref<1x128x64xf32, #tpu.memory_space<vmem>> -> memref<128x64xf32, #tpu.memory_space<vmem>>
        %dma_wait3A_215 = arith.constant 0 : i32
        %dma_wait3A_216 = tpu.memref_slice %arg11[%add3A_181, %dma_wait3A_215] : memref<10256x64xf32, #tpu.memory_space<vmem_shared>> -> memref<128x64xf32, #tpu.memory_space<vmem_shared>>
        %dma_wait3A_217 = arith.constant 0 : i32
        %dma_wait3A_218 = tpu.memref_slice %arg11[%add3A_181, %dma_wait3A_217] : memref<10256x64xf32, #tpu.memory_space<vmem_shared>> -> memref<128x64xf32, #tpu.memory_space<vmem_shared>>
        %dma_wait3A_219 = arith.constant 0 : i32
        %dma_wait3A_220 = arith.constant 0 : i32
        %dma_wait3A_221 = tpu.memref_slice %arg8[%run_scoped3A_182, %dma_wait3A_219, %dma_wait3A_220] : memref<4x128x64xf32, #tpu.memory_space<vmem>> -> memref<1x128x64xf32, #tpu.memory_space<vmem>>
        %dma_wait3A_222 = tpu.memref_squeeze %dma_wait3A_221 : memref<1x128x64xf32, #tpu.memory_space<vmem>> -> memref<128x64xf32, #tpu.memory_space<vmem>>
        tpu.wait_dma2 semaphore(%run_scoped3A_198 : memref<!tpu.dma_semaphore, #tpu.memory_space<semaphore_mem>>) src(%dma_wait3A_222 : memref<128x64xf32, #tpu.memory_space<vmem>>) dst(%dma_wait3A_218 : memref<128x64xf32, #tpu.memory_space<vmem_shared>>)
        tpu.yield
      }) : () -> ()
      %mul3A_183 = arith.constant 1000 : i32
      %mul3A_184 = arith.muli %arg1, %mul3A_183 : i32
      %add3A_185 = arith.constant 640 : i32
      %add3A_186 = arith.addi %mul3A_184, %add3A_185 : i32
      %run_scoped3A_187 = arith.constant 0 : i32
      "tpu.region"() ({
        %run_scoped3A_198 = tpu.sem_alloc : memref<!tpu.dma_semaphore, #tpu.memory_space<semaphore_mem>>
        %dma_start3A_199 = arith.constant 0 : i32
        %dma_start3A_200 = arith.constant 0 : i32
        %dma_start3A_201 = tpu.memref_slice %arg8[%run_scoped3A_187, %dma_start3A_199, %dma_start3A_200] : memref<4x128x64xf32, #tpu.memory_space<vmem>> -> memref<1x128x64xf32, #tpu.memory_space<vmem>>
        %dma_start3A_202 = tpu.memref_squeeze %dma_start3A_201 : memref<1x128x64xf32, #tpu.memory_space<vmem>> -> memref<128x64xf32, #tpu.memory_space<vmem>>
        %dma_start3A_203 = arith.constant 0 : i32
        %dma_start3A_204 = tpu.memref_slice %arg11[%add3A_186, %dma_start3A_203] : memref<10256x64xf32, #tpu.memory_space<vmem_shared>> -> memref<128x64xf32, #tpu.memory_space<vmem_shared>>
        %dma_start3A_205 = arith.constant 0 : i32
        %dma_start3A_206 = tpu.memref_slice %arg11[%add3A_186, %dma_start3A_205] : memref<10256x64xf32, #tpu.memory_space<vmem_shared>> -> memref<128x64xf32, #tpu.memory_space<vmem_shared>>
        %dma_start3A_207 = arith.constant 0 : i32
        %dma_start3A_208 = arith.constant 0 : i32
        %dma_start3A_209 = tpu.memref_slice %arg8[%run_scoped3A_187, %dma_start3A_207, %dma_start3A_208] : memref<4x128x64xf32, #tpu.memory_space<vmem>> -> memref<1x128x64xf32, #tpu.memory_space<vmem>>
        %dma_start3A_210 = tpu.memref_squeeze %dma_start3A_209 : memref<1x128x64xf32, #tpu.memory_space<vmem>> -> memref<128x64xf32, #tpu.memory_space<vmem>>
        tpu.enqueue_dma source(%dma_start3A_210 : memref<128x64xf32, #tpu.memory_space<vmem>>) target(%dma_start3A_206 : memref<128x64xf32, #tpu.memory_space<vmem_shared>>) target_semaphore(%run_scoped3A_198 : memref<!tpu.dma_semaphore, #tpu.memory_space<semaphore_mem>>)
        %dma_wait3A_211 = arith.constant 0 : i32
        %dma_wait3A_212 = arith.constant 0 : i32
        %dma_wait3A_213 = tpu.memref_slice %arg8[%run_scoped3A_187, %dma_wait3A_211, %dma_wait3A_212] : memref<4x128x64xf32, #tpu.memory_space<vmem>> -> memref<1x128x64xf32, #tpu.memory_space<vmem>>
        %dma_wait3A_214 = tpu.memref_squeeze %dma_wait3A_213 : memref<1x128x64xf32, #tpu.memory_space<vmem>> -> memref<128x64xf32, #tpu.memory_space<vmem>>
        %dma_wait3A_215 = arith.constant 0 : i32
        %dma_wait3A_216 = tpu.memref_slice %arg11[%add3A_186, %dma_wait3A_215] : memref<10256x64xf32, #tpu.memory_space<vmem_shared>> -> memref<128x64xf32, #tpu.memory_space<vmem_shared>>
        %dma_wait3A_217 = arith.constant 0 : i32
        %dma_wait3A_218 = tpu.memref_slice %arg11[%add3A_186, %dma_wait3A_217] : memref<10256x64xf32, #tpu.memory_space<vmem_shared>> -> memref<128x64xf32, #tpu.memory_space<vmem_shared>>
        %dma_wait3A_219 = arith.constant 0 : i32
        %dma_wait3A_220 = arith.constant 0 : i32
        %dma_wait3A_221 = tpu.memref_slice %arg8[%run_scoped3A_187, %dma_wait3A_219, %dma_wait3A_220] : memref<4x128x64xf32, #tpu.memory_space<vmem>> -> memref<1x128x64xf32, #tpu.memory_space<vmem>>
        %dma_wait3A_222 = tpu.memref_squeeze %dma_wait3A_221 : memref<1x128x64xf32, #tpu.memory_space<vmem>> -> memref<128x64xf32, #tpu.memory_space<vmem>>
        tpu.wait_dma2 semaphore(%run_scoped3A_198 : memref<!tpu.dma_semaphore, #tpu.memory_space<semaphore_mem>>) src(%dma_wait3A_222 : memref<128x64xf32, #tpu.memory_space<vmem>>) dst(%dma_wait3A_218 : memref<128x64xf32, #tpu.memory_space<vmem_shared>>)
        tpu.yield
      }) : () -> ()
      %mul3A_188 = arith.constant 1000 : i32
      %mul3A_189 = arith.muli %arg1, %mul3A_188 : i32
      %add3A_190 = arith.constant 768 : i32
      %add3A_191 = arith.addi %mul3A_189, %add3A_190 : i32
      %run_scoped3A_192 = arith.constant 0 : i32
      "tpu.region"() ({
        %run_scoped3A_198 = tpu.sem_alloc : memref<!tpu.dma_semaphore, #tpu.memory_space<semaphore_mem>>
        %dma_start3A_199 = arith.constant 0 : i32
        %dma_start3A_200 = arith.constant 0 : i32
        %dma_start3A_201 = tpu.memref_slice %arg8[%run_scoped3A_192, %dma_start3A_199, %dma_start3A_200] : memref<4x128x64xf32, #tpu.memory_space<vmem>> -> memref<1x128x64xf32, #tpu.memory_space<vmem>>
        %dma_start3A_202 = tpu.memref_squeeze %dma_start3A_201 : memref<1x128x64xf32, #tpu.memory_space<vmem>> -> memref<128x64xf32, #tpu.memory_space<vmem>>
        %dma_start3A_203 = arith.constant 0 : i32
        %dma_start3A_204 = tpu.memref_slice %arg11[%add3A_191, %dma_start3A_203] : memref<10256x64xf32, #tpu.memory_space<vmem_shared>> -> memref<128x64xf32, #tpu.memory_space<vmem_shared>>
        %dma_start3A_205 = arith.constant 0 : i32
        %dma_start3A_206 = tpu.memref_slice %arg11[%add3A_191, %dma_start3A_205] : memref<10256x64xf32, #tpu.memory_space<vmem_shared>> -> memref<128x64xf32, #tpu.memory_space<vmem_shared>>
        %dma_start3A_207 = arith.constant 0 : i32
        %dma_start3A_208 = arith.constant 0 : i32
        %dma_start3A_209 = tpu.memref_slice %arg8[%run_scoped3A_192, %dma_start3A_207, %dma_start3A_208] : memref<4x128x64xf32, #tpu.memory_space<vmem>> -> memref<1x128x64xf32, #tpu.memory_space<vmem>>
        %dma_start3A_210 = tpu.memref_squeeze %dma_start3A_209 : memref<1x128x64xf32, #tpu.memory_space<vmem>> -> memref<128x64xf32, #tpu.memory_space<vmem>>
        tpu.enqueue_dma source(%dma_start3A_210 : memref<128x64xf32, #tpu.memory_space<vmem>>) target(%dma_start3A_206 : memref<128x64xf32, #tpu.memory_space<vmem_shared>>) target_semaphore(%run_scoped3A_198 : memref<!tpu.dma_semaphore, #tpu.memory_space<semaphore_mem>>)
        %dma_wait3A_211 = arith.constant 0 : i32
        %dma_wait3A_212 = arith.constant 0 : i32
        %dma_wait3A_213 = tpu.memref_slice %arg8[%run_scoped3A_192, %dma_wait3A_211, %dma_wait3A_212] : memref<4x128x64xf32, #tpu.memory_space<vmem>> -> memref<1x128x64xf32, #tpu.memory_space<vmem>>
        %dma_wait3A_214 = tpu.memref_squeeze %dma_wait3A_213 : memref<1x128x64xf32, #tpu.memory_space<vmem>> -> memref<128x64xf32, #tpu.memory_space<vmem>>
        %dma_wait3A_215 = arith.constant 0 : i32
        %dma_wait3A_216 = tpu.memref_slice %arg11[%add3A_191, %dma_wait3A_215] : memref<10256x64xf32, #tpu.memory_space<vmem_shared>> -> memref<128x64xf32, #tpu.memory_space<vmem_shared>>
        %dma_wait3A_217 = arith.constant 0 : i32
        %dma_wait3A_218 = tpu.memref_slice %arg11[%add3A_191, %dma_wait3A_217] : memref<10256x64xf32, #tpu.memory_space<vmem_shared>> -> memref<128x64xf32, #tpu.memory_space<vmem_shared>>
        %dma_wait3A_219 = arith.constant 0 : i32
        %dma_wait3A_220 = arith.constant 0 : i32
        %dma_wait3A_221 = tpu.memref_slice %arg8[%run_scoped3A_192, %dma_wait3A_219, %dma_wait3A_220] : memref<4x128x64xf32, #tpu.memory_space<vmem>> -> memref<1x128x64xf32, #tpu.memory_space<vmem>>
        %dma_wait3A_222 = tpu.memref_squeeze %dma_wait3A_221 : memref<1x128x64xf32, #tpu.memory_space<vmem>> -> memref<128x64xf32, #tpu.memory_space<vmem>>
        tpu.wait_dma2 semaphore(%run_scoped3A_198 : memref<!tpu.dma_semaphore, #tpu.memory_space<semaphore_mem>>) src(%dma_wait3A_222 : memref<128x64xf32, #tpu.memory_space<vmem>>) dst(%dma_wait3A_218 : memref<128x64xf32, #tpu.memory_space<vmem_shared>>)
        tpu.yield
      }) : () -> ()
      %mul3A_193 = arith.constant 1000 : i32
      %mul3A_194 = arith.muli %arg1, %mul3A_193 : i32
      %add3A_195 = arith.constant 896 : i32
      %add3A_196 = arith.addi %mul3A_194, %add3A_195 : i32
      %run_scoped3A_197 = arith.constant 0 : i32
      "tpu.region"() ({
        %run_scoped3A_198 = tpu.sem_alloc : memref<!tpu.dma_semaphore, #tpu.memory_space<semaphore_mem>>
        %dma_start3A_199 = arith.constant 0 : i32
        %dma_start3A_200 = arith.constant 0 : i32
        %dma_start3A_201 = tpu.memref_slice %arg8[%run_scoped3A_197, %dma_start3A_199, %dma_start3A_200] : memref<4x128x64xf32, #tpu.memory_space<vmem>> -> memref<1x104x64xf32, #tpu.memory_space<vmem>>
        %dma_start3A_202 = tpu.memref_squeeze %dma_start3A_201 : memref<1x104x64xf32, #tpu.memory_space<vmem>> -> memref<104x64xf32, #tpu.memory_space<vmem>>
        %dma_start3A_203 = arith.constant 0 : i32
        %dma_start3A_204 = tpu.memref_slice %arg11[%add3A_196, %dma_start3A_203] : memref<10256x64xf32, #tpu.memory_space<vmem_shared>> -> memref<104x64xf32, #tpu.memory_space<vmem_shared>>
        %dma_start3A_205 = arith.constant 0 : i32
        %dma_start3A_206 = tpu.memref_slice %arg11[%add3A_196, %dma_start3A_205] : memref<10256x64xf32, #tpu.memory_space<vmem_shared>> -> memref<104x64xf32, #tpu.memory_space<vmem_shared>>
        %dma_start3A_207 = arith.constant 0 : i32
        %dma_start3A_208 = arith.constant 0 : i32
        %dma_start3A_209 = tpu.memref_slice %arg8[%run_scoped3A_197, %dma_start3A_207, %dma_start3A_208] : memref<4x128x64xf32, #tpu.memory_space<vmem>> -> memref<1x104x64xf32, #tpu.memory_space<vmem>>
        %dma_start3A_210 = tpu.memref_squeeze %dma_start3A_209 : memref<1x104x64xf32, #tpu.memory_space<vmem>> -> memref<104x64xf32, #tpu.memory_space<vmem>>
        tpu.enqueue_dma source(%dma_start3A_210 : memref<104x64xf32, #tpu.memory_space<vmem>>) target(%dma_start3A_206 : memref<104x64xf32, #tpu.memory_space<vmem_shared>>) target_semaphore(%run_scoped3A_198 : memref<!tpu.dma_semaphore, #tpu.memory_space<semaphore_mem>>)
        %dma_wait3A_211 = arith.constant 0 : i32
        %dma_wait3A_212 = arith.constant 0 : i32
        %dma_wait3A_213 = tpu.memref_slice %arg8[%run_scoped3A_197, %dma_wait3A_211, %dma_wait3A_212] : memref<4x128x64xf32, #tpu.memory_space<vmem>> -> memref<1x104x64xf32, #tpu.memory_space<vmem>>
        %dma_wait3A_214 = tpu.memref_squeeze %dma_wait3A_213 : memref<1x104x64xf32, #tpu.memory_space<vmem>> -> memref<104x64xf32, #tpu.memory_space<vmem>>
        %dma_wait3A_215 = arith.constant 0 : i32
        %dma_wait3A_216 = tpu.memref_slice %arg11[%add3A_196, %dma_wait3A_215] : memref<10256x64xf32, #tpu.memory_space<vmem_shared>> -> memref<104x64xf32, #tpu.memory_space<vmem_shared>>
        %dma_wait3A_217 = arith.constant 0 : i32
        %dma_wait3A_218 = tpu.memref_slice %arg11[%add3A_196, %dma_wait3A_217] : memref<10256x64xf32, #tpu.memory_space<vmem_shared>> -> memref<104x64xf32, #tpu.memory_space<vmem_shared>>
        %dma_wait3A_219 = arith.constant 0 : i32
        %dma_wait3A_220 = arith.constant 0 : i32
        %dma_wait3A_221 = tpu.memref_slice %arg8[%run_scoped3A_197, %dma_wait3A_219, %dma_wait3A_220] : memref<4x128x64xf32, #tpu.memory_space<vmem>> -> memref<1x104x64xf32, #tpu.memory_space<vmem>>
        %dma_wait3A_222 = tpu.memref_squeeze %dma_wait3A_221 : memref<1x104x64xf32, #tpu.memory_space<vmem>> -> memref<104x64xf32, #tpu.memory_space<vmem>>
        tpu.wait_dma2 semaphore(%run_scoped3A_198 : memref<!tpu.dma_semaphore, #tpu.memory_space<semaphore_mem>>) src(%dma_wait3A_222 : memref<104x64xf32, #tpu.memory_space<vmem>>) dst(%dma_wait3A_218 : memref<104x64xf32, #tpu.memory_space<vmem_shared>>)
        tpu.yield
      }) : () -> ()
    } else {
    }
    %scan3A_24 = arith.constant 0 : i32
    %scan3A_25 = arith.constant 0 : i32
    %scan3A_26 = arith.constant 8 : i32
    %scan3A_27 = arith.addi %scan3A_25, %scan3A_26 : i32
    %scan3A_28 = arith.constant 1 : i32
    %scan3A_29 = scf.for %scan3A_159 = %scan3A_25 to %scan3A_27 step %scan3A_28 iter_args(%scan3A_160 = %scan3A_24) -> (i32)  : i32 {
      %mul3A_161 = arith.constant 16 : i32
      %mul3A_162 = arith.muli %scan3A_159, %mul3A_161 : i32
      %get3A = arith.constant 0 : i32
      %get3A_163 = arith.index_cast %get3A : i32 to index
      %get3A_164 = arith.index_cast %mul3A_162 : i32 to index
      %get3A_165 = tpu.vector_load %arg5[%get3A_163, %get3A_164] {strides = array<i32>} : memref<80x128xi32, #tpu.memory_space<vmem>>, vector<1x16xi32>,
      %get3A_166 = vector.shape_cast %get3A_165 : vector<1x16xi32> to vector<16xi32>
      %and3A = arith.constant 16383 : i32
      %and3A_167 = vector.broadcast %and3A : i32 to vector<16xi32>
      %and3A_168 = arith.andi %get3A_166, %and3A_167 : vector<16xi32>
      %mul3A_169 = arith.constant 16 : i32
      %mul3A_170 = arith.muli %scan3A_159, %mul3A_169 : i32
      %swap3A = arith.constant 0 : i32
      %swap3A_171 = arith.index_cast %swap3A : i32 to index
      %swap3A_172 = arith.index_cast %mul3A_170 : i32 to index
      %swap3A_173 = tpu.vector_load %arg6[%swap3A_171, %swap3A_172] {strides = array<i32>} : memref<4x128xi32, #tpu.memory_space<vmem>>, vector<1x16xi32>,
      %swap3A_174 = vector.shape_cast %swap3A_173 : vector<1x16xi32> to vector<16xi32>
      %swap3A_175 = vector.shape_cast %and3A_168 : vector<16xi32> to vector<1x16xi32>
      tpu.vector_store %arg6[%swap3A_171, %swap3A_172], %swap3A_175 {strides = array<i32>} : memref<4x128xi32, #tpu.memory_space<vmem>>, vector<1x16xi32>,
      %shift_right_logical3A = arith.constant 14 : i32
      %shift_right_logical3A_176 = vector.broadcast %shift_right_logical3A : i32 to vector<16xi32>
      %shift_right_logical3A_177 = arith.shrui %get3A_166, %shift_right_logical3A_176 : vector<16xi32>
      %mul3A_178 = arith.constant 16 : i32
      %mul3A_179 = arith.muli %scan3A_159, %mul3A_178 : i32
      %swap3A_180 = arith.constant 0 : i32
      %swap3A_181 = arith.index_cast %swap3A_180 : i32 to index
      %swap3A_182 = arith.index_cast %mul3A_179 : i32 to index
      %swap3A_183 = tpu.vector_load %arg7[%swap3A_181, %swap3A_182] {strides = array<i32>} : memref<4x128xi32, #tpu.memory_space<vmem>>, vector<1x16xi32>,
      %swap3A_184 = vector.shape_cast %swap3A_183 : vector<1x16xi32> to vector<16xi32>
      %swap3A_185 = vector.shape_cast %shift_right_logical3A_177 : vector<16xi32> to vector<1x16xi32>
      tpu.vector_store %arg7[%swap3A_181, %swap3A_182], %swap3A_185 {strides = array<i32>} : memref<4x128xi32, #tpu.memory_space<vmem>>, vector<1x16xi32>,
      %scan3A_186 = arith.constant 0 : i32
      scf.yield %scan3A_186 : i32
    }
    %scan3A_30 = arith.constant 8 : i32
    %dma_start3A = arith.constant 0 : i32
    %dma_start3A_31 = arith.constant 0 : i32
    %dma_start3A_32 = arith.constant 0 : i32
    %dma_start3A_33 = arith.constant 0 : i32
    %dma_start3A_34 = tpu.memref_slice %arg8[%dma_start3A_31, %dma_start3A_32, %dma_start3A_33] : memref<4x128x64xf32, #tpu.memory_space<vmem>> -> memref<1x128x64xf32, #tpu.memory_space<vmem>>
    %dma_start3A_35 = tpu.memref_squeeze %dma_start3A_34 : memref<1x128x64xf32, #tpu.memory_space<vmem>> -> memref<128x64xf32, #tpu.memory_space<vmem>>
    %dma_start3A_36 = arith.constant 0 : i32
    %dma_start3A_37 = tpu.memref_slice %arg6[%dma_start3A, %dma_start3A_36] : memref<4x128xi32, #tpu.memory_space<vmem>> -> memref<1x128xi32, #tpu.memory_space<vmem>>
    %dma_start3A_38 = tpu.memref_squeeze %dma_start3A_37 : memref<1x128xi32, #tpu.memory_space<vmem>> -> memref<128xi32, #tpu.memory_space<vmem>>
    %dma_start3A_39 = arith.constant 0 : i32
    %dma_start3A_40 = arith.constant 0 : i32
    %dma_start3A_41 = tpu.memref_slice %arg2[%dma_start3A_39, %dma_start3A_40] : memref<10000x64xf32, #tpu.memory_space<hbm>> -> memref<10000x64xf32, #tpu.memory_space<hbm>>
    tpu.enqueue_indirect_dma source(%dma_start3A_41 : memref<10000x64xf32, #tpu.memory_space<hbm>>) target(%dma_start3A_35 : memref<128x64xf32, #tpu.memory_space<vmem>>) offsets(%dma_start3A_38 : memref<128xi32, #tpu.memory_space<vmem>>) semaphore(%arg13 : memref<!tpu.dma_semaphore, #tpu.memory_space<semaphore_mem>>)
    %scan3A_42 = arith.constant 0 : i32
    %scan3A_43 = arith.constant 0 : i32
    %scan3A_44 = arith.constant 8 : i32
    %scan3A_45 = arith.addi %scan3A_43, %scan3A_44 : i32
    %scan3A_46 = arith.constant 1 : i32
    %scan3A_47 = scf.for %scan3A_159 = %scan3A_43 to %scan3A_45 step %scan3A_46 iter_args(%scan3A_160 = %scan3A_42) -> (i32)  : i32 {
      %mul3A_161 = arith.constant 16 : i32
      %mul3A_162 = arith.muli %scan3A_159, %mul3A_161 : i32
      %get3A = arith.constant 1 : i32
      %get3A_163 = arith.index_cast %get3A : i32 to index
      %get3A_164 = arith.index_cast %mul3A_162 : i32 to index
      %get3A_165 = tpu.vector_load %arg5[%get3A_163, %get3A_164] {strides = array<i32>} : memref<80x128xi32, #tpu.memory_space<vmem>>, vector<1x16xi32>,
      %get3A_166 = vector.shape_cast %get3A_165 : vector<1x16xi32> to vector<16xi32>
      %and3A = arith.constant 16383 : i32
      %and3A_167 = vector.broadcast %and3A : i32 to vector<16xi32>
      %and3A_168 = arith.andi %get3A_166, %and3A_167 : vector<16xi32>
      %mul3A_169 = arith.constant 16 : i32
      %mul3A_170 = arith.muli %scan3A_159, %mul3A_169 : i32
      %swap3A = arith.constant 1 : i32
      %swap3A_171 = arith.index_cast %swap3A : i32 to index
      %swap3A_172 = arith.index_cast %mul3A_170 : i32 to index
      %swap3A_173 = tpu.vector_load %arg6[%swap3A_171, %swap3A_172] {strides = array<i32>} : memref<4x128xi32, #tpu.memory_space<vmem>>, vector<1x16xi32>,
      %swap3A_174 = vector.shape_cast %swap3A_173 : vector<1x16xi32> to vector<16xi32>
      %swap3A_175 = vector.shape_cast %and3A_168 : vector<16xi32> to vector<1x16xi32>
      tpu.vector_store %arg6[%swap3A_171, %swap3A_172], %swap3A_175 {strides = array<i32>} : memref<4x128xi32, #tpu.memory_space<vmem>>, vector<1x16xi32>,
      %shift_right_logical3A = arith.constant 14 : i32
      %shift_right_logical3A_176 = vector.broadcast %shift_right_logical3A : i32 to vector<16xi32>
      %shift_right_logical3A_177 = arith.shrui %get3A_166, %shift_right_logical3A_176 : vector<16xi32>
      %mul3A_178 = arith.constant 16 : i32
      %mul3A_179 = arith.muli %scan3A_159, %mul3A_178 : i32
      %swap3A_180 = arith.constant 1 : i32
      %swap3A_181 = arith.index_cast %swap3A_180 : i32 to index
      %swap3A_182 = arith.index_cast %mul3A_179 : i32 to index
      %swap3A_183 = tpu.vector_load %arg7[%swap3A_181, %swap3A_182] {strides = array<i32>} : memref<4x128xi32, #tpu.memory_space<vmem>>, vector<1x16xi32>,
      %swap3A_184 = vector.shape_cast %swap3A_183 : vector<1x16xi32> to vector<16xi32>
      %swap3A_185 = vector.shape_cast %shift_right_logical3A_177 : vector<16xi32> to vector<1x16xi32>
      tpu.vector_store %arg7[%swap3A_181, %swap3A_182], %swap3A_185 {strides = array<i32>} : memref<4x128xi32, #tpu.memory_space<vmem>>, vector<1x16xi32>,
      %scan3A_186 = arith.constant 0 : i32
      scf.yield %scan3A_186 : i32
    }
    %scan3A_48 = arith.constant 8 : i32
    %dma_start3A_49 = arith.constant 1 : i32
    %dma_start3A_50 = arith.constant 1 : i32
    %dma_start3A_51 = arith.constant 0 : i32
    %dma_start3A_52 = arith.constant 0 : i32
    %dma_start3A_53 = tpu.memref_slice %arg8[%dma_start3A_50, %dma_start3A_51, %dma_start3A_52] : memref<4x128x64xf32, #tpu.memory_space<vmem>> -> memref<1x128x64xf32, #tpu.memory_space<vmem>>
    %dma_start3A_54 = tpu.memref_squeeze %dma_start3A_53 : memref<1x128x64xf32, #tpu.memory_space<vmem>> -> memref<128x64xf32, #tpu.memory_space<vmem>>
    %dma_start3A_55 = arith.constant 0 : i32
    %dma_start3A_56 = tpu.memref_slice %arg6[%dma_start3A_49, %dma_start3A_55] : memref<4x128xi32, #tpu.memory_space<vmem>> -> memref<1x128xi32, #tpu.memory_space<vmem>>
    %dma_start3A_57 = tpu.memref_squeeze %dma_start3A_56 : memref<1x128xi32, #tpu.memory_space<vmem>> -> memref<128xi32, #tpu.memory_space<vmem>>
    %dma_start3A_58 = arith.constant 0 : i32
    %dma_start3A_59 = arith.constant 0 : i32
    %dma_start3A_60 = tpu.memref_slice %arg2[%dma_start3A_58, %dma_start3A_59] : memref<10000x64xf32, #tpu.memory_space<hbm>> -> memref<10000x64xf32, #tpu.memory_space<hbm>>
    tpu.enqueue_indirect_dma source(%dma_start3A_60 : memref<10000x64xf32, #tpu.memory_space<hbm>>) target(%dma_start3A_54 : memref<128x64xf32, #tpu.memory_space<vmem>>) offsets(%dma_start3A_57 : memref<128xi32, #tpu.memory_space<vmem>>) semaphore(%arg14 : memref<!tpu.dma_semaphore, #tpu.memory_space<semaphore_mem>>)
    %scan3A_61 = arith.constant 0 : i32
    %scan3A_62 = arith.constant 0 : i32
    %scan3A_63 = arith.constant 8 : i32
    %scan3A_64 = arith.addi %scan3A_62, %scan3A_63 : i32
    %scan3A_65 = arith.constant 1 : i32
    %scan3A_66 = scf.for %scan3A_159 = %scan3A_62 to %scan3A_64 step %scan3A_65 iter_args(%scan3A_160 = %scan3A_61) -> (i32)  : i32 {
      %mul3A_161 = arith.constant 16 : i32
      %mul3A_162 = arith.muli %scan3A_159, %mul3A_161 : i32
      %get3A = arith.constant 2 : i32
      %get3A_163 = arith.index_cast %get3A : i32 to index
      %get3A_164 = arith.index_cast %mul3A_162 : i32 to index
      %get3A_165 = tpu.vector_load %arg5[%get3A_163, %get3A_164] {strides = array<i32>} : memref<80x128xi32, #tpu.memory_space<vmem>>, vector<1x16xi32>,
      %get3A_166 = vector.shape_cast %get3A_165 : vector<1x16xi32> to vector<16xi32>
      %and3A = arith.constant 16383 : i32
      %and3A_167 = vector.broadcast %and3A : i32 to vector<16xi32>
      %and3A_168 = arith.andi %get3A_166, %and3A_167 : vector<16xi32>
      %mul3A_169 = arith.constant 16 : i32
      %mul3A_170 = arith.muli %scan3A_159, %mul3A_169 : i32
      %swap3A = arith.constant 2 : i32
      %swap3A_171 = arith.index_cast %swap3A : i32 to index
      %swap3A_172 = arith.index_cast %mul3A_170 : i32 to index
      %swap3A_173 = tpu.vector_load %arg6[%swap3A_171, %swap3A_172] {strides = array<i32>} : memref<4x128xi32, #tpu.memory_space<vmem>>, vector<1x16xi32>,
      %swap3A_174 = vector.shape_cast %swap3A_173 : vector<1x16xi32> to vector<16xi32>
      %swap3A_175 = vector.shape_cast %and3A_168 : vector<16xi32> to vector<1x16xi32>
      tpu.vector_store %arg6[%swap3A_171, %swap3A_172], %swap3A_175 {strides = array<i32>} : memref<4x128xi32, #tpu.memory_space<vmem>>, vector<1x16xi32>,
      %shift_right_logical3A = arith.constant 14 : i32
      %shift_right_logical3A_176 = vector.broadcast %shift_right_logical3A : i32 to vector<16xi32>
      %shift_right_logical3A_177 = arith.shrui %get3A_166, %shift_right_logical3A_176 : vector<16xi32>
      %mul3A_178 = arith.constant 16 : i32
      %mul3A_179 = arith.muli %scan3A_159, %mul3A_178 : i32
      %swap3A_180 = arith.constant 2 : i32
      %swap3A_181 = arith.index_cast %swap3A_180 : i32 to index
      %swap3A_182 = arith.index_cast %mul3A_179 : i32 to index
      %swap3A_183 = tpu.vector_load %arg7[%swap3A_181, %swap3A_182] {strides = array<i32>} : memref<4x128xi32, #tpu.memory_space<vmem>>, vector<1x16xi32>,
      %swap3A_184 = vector.shape_cast %swap3A_183 : vector<1x16xi32> to vector<16xi32>
      %swap3A_185 = vector.shape_cast %shift_right_logical3A_177 : vector<16xi32> to vector<1x16xi32>
      tpu.vector_store %arg7[%swap3A_181, %swap3A_182], %swap3A_185 {strides = array<i32>} : memref<4x128xi32, #tpu.memory_space<vmem>>, vector<1x16xi32>,
      %scan3A_186 = arith.constant 0 : i32
      scf.yield %scan3A_186 : i32
    }
    %scan3A_67 = arith.constant 8 : i32
    %dma_start3A_68 = arith.constant 2 : i32
    %dma_start3A_69 = arith.constant 2 : i32
    %dma_start3A_70 = arith.constant 0 : i32
    %dma_start3A_71 = arith.constant 0 : i32
    %dma_start3A_72 = tpu.memref_slice %arg8[%dma_start3A_69, %dma_start3A_70, %dma_start3A_71] : memref<4x128x64xf32, #tpu.memory_space<vmem>> -> memref<1x128x64xf32, #tpu.memory_space<vmem>>
    %dma_start3A_73 = tpu.memref_squeeze %dma_start3A_72 : memref<1x128x64xf32, #tpu.memory_space<vmem>> -> memref<128x64xf32, #tpu.memory_space<vmem>>
    %dma_start3A_74 = arith.constant 0 : i32
    %dma_start3A_75 = tpu.memref_slice %arg6[%dma_start3A_68, %dma_start3A_74] : memref<4x128xi32, #tpu.memory_space<vmem>> -> memref<1x128xi32, #tpu.memory_space<vmem>>
    %dma_start3A_76 = tpu.memref_squeeze %dma_start3A_75 : memref<1x128xi32, #tpu.memory_space<vmem>> -> memref<128xi32, #tpu.memory_space<vmem>>
    %dma_start3A_77 = arith.constant 0 : i32
    %dma_start3A_78 = arith.constant 0 : i32
    %dma_start3A_79 = tpu.memref_slice %arg2[%dma_start3A_77, %dma_start3A_78] : memref<10000x64xf32, #tpu.memory_space<hbm>> -> memref<10000x64xf32, #tpu.memory_space<hbm>>
    tpu.enqueue_indirect_dma source(%dma_start3A_79 : memref<10000x64xf32, #tpu.memory_space<hbm>>) target(%dma_start3A_73 : memref<128x64xf32, #tpu.memory_space<vmem>>) offsets(%dma_start3A_76 : memref<128xi32, #tpu.memory_space<vmem>>) semaphore(%arg15 : memref<!tpu.dma_semaphore, #tpu.memory_space<semaphore_mem>>)
    %scan3A_80 = arith.constant 0 : i32
    %scan3A_81 = arith.constant 0 : i32
    %scan3A_82 = arith.constant 8 : i32
    %scan3A_83 = arith.addi %scan3A_81, %scan3A_82 : i32
    %scan3A_84 = arith.constant 1 : i32
    %scan3A_85 = scf.for %scan3A_159 = %scan3A_81 to %scan3A_83 step %scan3A_84 iter_args(%scan3A_160 = %scan3A_80) -> (i32)  : i32 {
      %mul3A_161 = arith.constant 16 : i32
      %mul3A_162 = arith.muli %scan3A_159, %mul3A_161 : i32
      %get3A = arith.constant 3 : i32
      %get3A_163 = arith.index_cast %get3A : i32 to index
      %get3A_164 = arith.index_cast %mul3A_162 : i32 to index
      %get3A_165 = tpu.vector_load %arg5[%get3A_163, %get3A_164] {strides = array<i32>} : memref<80x128xi32, #tpu.memory_space<vmem>>, vector<1x16xi32>,
      %get3A_166 = vector.shape_cast %get3A_165 : vector<1x16xi32> to vector<16xi32>
      %and3A = arith.constant 16383 : i32
      %and3A_167 = vector.broadcast %and3A : i32 to vector<16xi32>
      %and3A_168 = arith.andi %get3A_166, %and3A_167 : vector<16xi32>
      %mul3A_169 = arith.constant 16 : i32
      %mul3A_170 = arith.muli %scan3A_159, %mul3A_169 : i32
      %swap3A = arith.constant 3 : i32
      %swap3A_171 = arith.index_cast %swap3A : i32 to index
      %swap3A_172 = arith.index_cast %mul3A_170 : i32 to index
      %swap3A_173 = tpu.vector_load %arg6[%swap3A_171, %swap3A_172] {strides = array<i32>} : memref<4x128xi32, #tpu.memory_space<vmem>>, vector<1x16xi32>,
      %swap3A_174 = vector.shape_cast %swap3A_173 : vector<1x16xi32> to vector<16xi32>
      %swap3A_175 = vector.shape_cast %and3A_168 : vector<16xi32> to vector<1x16xi32>
      tpu.vector_store %arg6[%swap3A_171, %swap3A_172], %swap3A_175 {strides = array<i32>} : memref<4x128xi32, #tpu.memory_space<vmem>>, vector<1x16xi32>,
      %shift_right_logical3A = arith.constant 14 : i32
      %shift_right_logical3A_176 = vector.broadcast %shift_right_logical3A : i32 to vector<16xi32>
      %shift_right_logical3A_177 = arith.shrui %get3A_166, %shift_right_logical3A_176 : vector<16xi32>
      %mul3A_178 = arith.constant 16 : i32
      %mul3A_179 = arith.muli %scan3A_159, %mul3A_178 : i32
      %swap3A_180 = arith.constant 3 : i32
      %swap3A_181 = arith.index_cast %swap3A_180 : i32 to index
      %swap3A_182 = arith.index_cast %mul3A_179 : i32 to index
      %swap3A_183 = tpu.vector_load %arg7[%swap3A_181, %swap3A_182] {strides = array<i32>} : memref<4x128xi32, #tpu.memory_space<vmem>>, vector<1x16xi32>,
      %swap3A_184 = vector.shape_cast %swap3A_183 : vector<1x16xi32> to vector<16xi32>
      %swap3A_185 = vector.shape_cast %shift_right_logical3A_177 : vector<16xi32> to vector<1x16xi32>
      tpu.vector_store %arg7[%swap3A_181, %swap3A_182], %swap3A_185 {strides = array<i32>} : memref<4x128xi32, #tpu.memory_space<vmem>>, vector<1x16xi32>,
      %scan3A_186 = arith.constant 0 : i32
      scf.yield %scan3A_186 : i32
    }
    %scan3A_86 = arith.constant 8 : i32
    %dma_start3A_87 = arith.constant 3 : i32
    %dma_start3A_88 = arith.constant 3 : i32
    %dma_start3A_89 = arith.constant 0 : i32
    %dma_start3A_90 = arith.constant 0 : i32
    %dma_start3A_91 = tpu.memref_slice %arg8[%dma_start3A_88, %dma_start3A_89, %dma_start3A_90] : memref<4x128x64xf32, #tpu.memory_space<vmem>> -> memref<1x128x64xf32, #tpu.memory_space<vmem>>
    %dma_start3A_92 = tpu.memref_squeeze %dma_start3A_91 : memref<1x128x64xf32, #tpu.memory_space<vmem>> -> memref<128x64xf32, #tpu.memory_space<vmem>>
    %dma_start3A_93 = arith.constant 0 : i32
    %dma_start3A_94 = tpu.memref_slice %arg6[%dma_start3A_87, %dma_start3A_93] : memref<4x128xi32, #tpu.memory_space<vmem>> -> memref<1x128xi32, #tpu.memory_space<vmem>>
    %dma_start3A_95 = tpu.memref_squeeze %dma_start3A_94 : memref<1x128xi32, #tpu.memory_space<vmem>> -> memref<128xi32, #tpu.memory_space<vmem>>
    %dma_start3A_96 = arith.constant 0 : i32
    %dma_start3A_97 = arith.constant 0 : i32
    %dma_start3A_98 = tpu.memref_slice %arg2[%dma_start3A_96, %dma_start3A_97] : memref<10000x64xf32, #tpu.memory_space<hbm>> -> memref<10000x64xf32, #tpu.memory_space<hbm>>
    tpu.enqueue_indirect_dma source(%dma_start3A_98 : memref<10000x64xf32, #tpu.memory_space<hbm>>) target(%dma_start3A_92 : memref<128x64xf32, #tpu.memory_space<vmem>>) offsets(%dma_start3A_95 : memref<128xi32, #tpu.memory_space<vmem>>) semaphore(%arg16 : memref<!tpu.dma_semaphore, #tpu.memory_space<semaphore_mem>>)
    %barrier3A = arith.constant 0 : index
    tpu.barrier barrier_id(%barrier3A)
    %scan3A_99 = arith.constant 0 : i32
    %scan3A_100 = arith.constant 0 : i32
    %scan3A_101 = arith.constant 20 : i32
    %scan3A_102 = arith.addi %scan3A_100, %scan3A_101 : i32
    %scan3A_103 = arith.constant 1 : i32
    %scan3A_104 = scf.for %scan3A_159 = %scan3A_100 to %scan3A_102 step %scan3A_103 iter_args(%scan3A_160 = %scan3A_99) -> (i32)  : i32 {
      %dma_wait3A_161 = arith.constant 0 : i32
      %dma_wait3A_162 = arith.constant 0 : i32
      %dma_wait3A_163 = arith.constant 0 : i32
      %dma_wait3A_164 = arith.constant 0 : i32
      %dma_wait3A_165 = tpu.memref_slice %arg8[%dma_wait3A_162, %dma_wait3A_163, %dma_wait3A_164] : memref<4x128x64xf32, #tpu.memory_space<vmem>> -> memref<1x128x64xf32, #tpu.memory_space<vmem>>
      %dma_wait3A_166 = tpu.memref_squeeze %dma_wait3A_165 : memref<1x128x64xf32, #tpu.memory_space<vmem>> -> memref<128x64xf32, #tpu.memory_space<vmem>>
      %dma_wait3A_167 = arith.constant 0 : i32
      %dma_wait3A_168 = tpu.memref_slice %arg6[%dma_wait3A_161, %dma_wait3A_167] : memref<4x128xi32, #tpu.memory_space<vmem>> -> memref<1x128xi32, #tpu.memory_space<vmem>>
      %dma_wait3A_169 = tpu.memref_squeeze %dma_wait3A_168 : memref<1x128xi32, #tpu.memory_space<vmem>> -> memref<128xi32, #tpu.memory_space<vmem>>
      %dma_wait3A_170 = arith.constant 0 : i32
      %dma_wait3A_171 = arith.constant 0 : i32
      %dma_wait3A_172 = tpu.memref_slice %arg2[%dma_wait3A_170, %dma_wait3A_171] : memref<10000x64xf32, #tpu.memory_space<hbm>> -> memref<10000x64xf32, #tpu.memory_space<hbm>>
      tpu.wait_indirect_dma semaphore(%arg13 : memref<!tpu.dma_semaphore, #tpu.memory_space<semaphore_mem>>) src(%dma_wait3A_172 : memref<10000x64xf32, #tpu.memory_space<hbm>>) dst(%dma_wait3A_166 : memref<128x64xf32, #tpu.memory_space<vmem>>)
      %dma_start3A_173 = arith.constant 0 : i32
      %dma_start3A_174 = arith.constant 0 : i32
      %dma_start3A_175 = arith.constant 0 : i32
      %dma_start3A_176 = arith.constant 0 : i32
      %dma_start3A_177 = tpu.memref_slice %arg8[%dma_start3A_173, %dma_start3A_175, %dma_start3A_176] : memref<4x128x64xf32, #tpu.memory_space<vmem>> -> memref<1x128x64xf32, #tpu.memory_space<vmem>>
      %dma_start3A_178 = tpu.memref_squeeze %dma_start3A_177 : memref<1x128x64xf32, #tpu.memory_space<vmem>> -> memref<128x64xf32, #tpu.memory_space<vmem>>
      %dma_start3A_179 = arith.constant 0 : i32
      %dma_start3A_180 = tpu.memref_slice %arg7[%dma_start3A_174, %dma_start3A_179] : memref<4x128xi32, #tpu.memory_space<vmem>> -> memref<1x128xi32, #tpu.memory_space<vmem>>
      %dma_start3A_181 = tpu.memref_squeeze %dma_start3A_180 : memref<1x128xi32, #tpu.memory_space<vmem>> -> memref<128xi32, #tpu.memory_space<vmem>>
      %dma_start3A_182 = arith.constant 0 : i32
      %dma_start3A_183 = arith.constant 0 : i32
      %dma_start3A_184 = tpu.memref_slice %arg11[%dma_start3A_182, %dma_start3A_183] : memref<10256x64xf32, #tpu.memory_space<vmem_shared>> -> memref<10256x64xf32, #tpu.memory_space<vmem_shared>>
      tpu.enqueue_indirect_dma source(%dma_start3A_178 : memref<128x64xf32, #tpu.memory_space<vmem>>) target(%dma_start3A_184 : memref<10256x64xf32, #tpu.memory_space<vmem_shared>>) offsets(%dma_start3A_181 : memref<128xi32, #tpu.memory_space<vmem>>) semaphore(%arg17 : memref<!tpu.dma_semaphore, #tpu.memory_space<semaphore_mem>>) {add = true}
      %lt3A_185 = arith.constant 19 : i32
      %lt3A_186 = arith.cmpi slt, %scan3A_159, %lt3A_185 : i32
      %convert_element_type3A_187 = arith.extui %lt3A_186 : i1 to i32
      %cond3A_188 = arith.constant 0 : i32
      %cond3A_189 = arith.cmpi ne, %convert_element_type3A_187, %cond3A_188 : i32
      scf.if %cond3A_189 {
        %dma_wait3A_278 = arith.constant 0 : i32
        %dma_wait3A_279 = arith.constant 0 : i32
        %dma_wait3A_280 = arith.constant 0 : i32
        %dma_wait3A_281 = arith.constant 0 : i32
        %dma_wait3A_282 = tpu.memref_slice %arg8[%dma_wait3A_278, %dma_wait3A_280, %dma_wait3A_281] : memref<4x128x64xf32, #tpu.memory_space<vmem>> -> memref<1x128x64xf32, #tpu.memory_space<vmem>>
        %dma_wait3A_283 = tpu.memref_squeeze %dma_wait3A_282 : memref<1x128x64xf32, #tpu.memory_space<vmem>> -> memref<128x64xf32, #tpu.memory_space<vmem>>
        %dma_wait3A_284 = arith.constant 0 : i32
        %dma_wait3A_285 = tpu.memref_slice %arg7[%dma_wait3A_279, %dma_wait3A_284] : memref<4x128xi32, #tpu.memory_space<vmem>> -> memref<1x128xi32, #tpu.memory_space<vmem>>
        %dma_wait3A_286 = tpu.memref_squeeze %dma_wait3A_285 : memref<1x128xi32, #tpu.memory_space<vmem>> -> memref<128xi32, #tpu.memory_space<vmem>>
        %dma_wait3A_287 = arith.constant 0 : i32
        %dma_wait3A_288 = arith.constant 0 : i32
        %dma_wait3A_289 = tpu.memref_slice %arg11[%dma_wait3A_287, %dma_wait3A_288] : memref<10256x64xf32, #tpu.memory_space<vmem_shared>> -> memref<10256x64xf32, #tpu.memory_space<vmem_shared>>
        tpu.wait_indirect_dma semaphore(%arg17 : memref<!tpu.dma_semaphore, #tpu.memory_space<semaphore_mem>>) src(%dma_wait3A_283 : memref<128x64xf32, #tpu.memory_space<vmem>>) dst(%dma_wait3A_289 : memref<10256x64xf32, #tpu.memory_space<vmem_shared>>)
        %mul3A_290 = arith.constant 4 : i32
        %mul3A_291 = arith.muli %scan3A_159, %mul3A_290 : i32
        %add3A_292 = arith.constant 0 : i32
        %add3A_293 = arith.addi %mul3A_291, %add3A_292 : i32
        %add3A_294 = arith.constant 4 : i32
        %add3A_295 = arith.addi %add3A_293, %add3A_294 : i32
        %scan3A_296 = arith.constant 0 : i32
        %scan3A_297 = arith.constant 0 : i32
        %scan3A_298 = arith.constant 8 : i32
        %scan3A_299 = arith.addi %scan3A_297, %scan3A_298 : i32
        %scan3A_300 = arith.constant 1 : i32
        %scan3A_301 = scf.for %scan3A_315 = %scan3A_297 to %scan3A_299 step %scan3A_300 iter_args(%scan3A_316 = %scan3A_296) -> (i32)  : i32 {
          %mul3A_317 = arith.constant 16 : i32
          %mul3A_318 = arith.muli %scan3A_315, %mul3A_317 : i32
          %get3A = arith.index_cast %add3A_295 : i32 to index
          %get3A_319 = arith.index_cast %mul3A_318 : i32 to index
          %get3A_320 = tpu.vector_load %arg5[%get3A, %get3A_319] {strides = array<i32>} : memref<80x128xi32, #tpu.memory_space<vmem>>, vector<1x16xi32>,
          %get3A_321 = vector.shape_cast %get3A_320 : vector<1x16xi32> to vector<16xi32>
          %and3A = arith.constant 16383 : i32
          %and3A_322 = vector.broadcast %and3A : i32 to vector<16xi32>
          %and3A_323 = arith.andi %get3A_321, %and3A_322 : vector<16xi32>
          %mul3A_324 = arith.constant 16 : i32
          %mul3A_325 = arith.muli %scan3A_315, %mul3A_324 : i32
          %swap3A = arith.constant 0 : i32
          %swap3A_326 = arith.index_cast %swap3A : i32 to index
          %swap3A_327 = arith.index_cast %mul3A_325 : i32 to index
          %swap3A_328 = tpu.vector_load %arg6[%swap3A_326, %swap3A_327] {strides = array<i32>} : memref<4x128xi32, #tpu.memory_space<vmem>>, vector<1x16xi32>,
          %swap3A_329 = vector.shape_cast %swap3A_328 : vector<1x16xi32> to vector<16xi32>
          %swap3A_330 = vector.shape_cast %and3A_323 : vector<16xi32> to vector<1x16xi32>
          tpu.vector_store %arg6[%swap3A_326, %swap3A_327], %swap3A_330 {strides = array<i32>} : memref<4x128xi32, #tpu.memory_space<vmem>>, vector<1x16xi32>,
          %shift_right_logical3A = arith.constant 14 : i32
          %shift_right_logical3A_331 = vector.broadcast %shift_right_logical3A : i32 to vector<16xi32>
          %shift_right_logical3A_332 = arith.shrui %get3A_321, %shift_right_logical3A_331 : vector<16xi32>
          %mul3A_333 = arith.constant 16 : i32
          %mul3A_334 = arith.muli %scan3A_315, %mul3A_333 : i32
          %swap3A_335 = arith.constant 0 : i32
          %swap3A_336 = arith.index_cast %swap3A_335 : i32 to index
          %swap3A_337 = arith.index_cast %mul3A_334 : i32 to index
          %swap3A_338 = tpu.vector_load %arg7[%swap3A_336, %swap3A_337] {strides = array<i32>} : memref<4x128xi32, #tpu.memory_space<vmem>>, vector<1x16xi32>,
          %swap3A_339 = vector.shape_cast %swap3A_338 : vector<1x16xi32> to vector<16xi32>
          %swap3A_340 = vector.shape_cast %shift_right_logical3A_332 : vector<16xi32> to vector<1x16xi32>
          tpu.vector_store %arg7[%swap3A_336, %swap3A_337], %swap3A_340 {strides = array<i32>} : memref<4x128xi32, #tpu.memory_space<vmem>>, vector<1x16xi32>,
          %scan3A_341 = arith.constant 0 : i32
          scf.yield %scan3A_341 : i32
        }
        %scan3A_302 = arith.constant 8 : i32
        %dma_start3A_303 = arith.constant 0 : i32
        %dma_start3A_304 = arith.constant 0 : i32
        %dma_start3A_305 = arith.constant 0 : i32
        %dma_start3A_306 = arith.constant 0 : i32
        %dma_start3A_307 = tpu.memref_slice %arg8[%dma_start3A_304, %dma_start3A_305, %dma_start3A_306] : memref<4x128x64xf32, #tpu.memory_space<vmem>> -> memref<1x128x64xf32, #tpu.memory_space<vmem>>
        %dma_start3A_308 = tpu.memref_squeeze %dma_start3A_307 : memref<1x128x64xf32, #tpu.memory_space<vmem>> -> memref<128x64xf32, #tpu.memory_space<vmem>>
        %dma_start3A_309 = arith.constant 0 : i32
        %dma_start3A_310 = tpu.memref_slice %arg6[%dma_start3A_303, %dma_start3A_309] : memref<4x128xi32, #tpu.memory_space<vmem>> -> memref<1x128xi32, #tpu.memory_space<vmem>>
        %dma_start3A_311 = tpu.memref_squeeze %dma_start3A_310 : memref<1x128xi32, #tpu.memory_space<vmem>> -> memref<128xi32, #tpu.memory_space<vmem>>
        %dma_start3A_312 = arith.constant 0 : i32
        %dma_start3A_313 = arith.constant 0 : i32
        %dma_start3A_314 = tpu.memref_slice %arg2[%dma_start3A_312, %dma_start3A_313] : memref<10000x64xf32, #tpu.memory_space<hbm>> -> memref<10000x64xf32, #tpu.memory_space<hbm>>
        tpu.enqueue_indirect_dma source(%dma_start3A_314 : memref<10000x64xf32, #tpu.memory_space<hbm>>) target(%dma_start3A_308 : memref<128x64xf32, #tpu.memory_space<vmem>>) offsets(%dma_start3A_311 : memref<128xi32, #tpu.memory_space<vmem>>) semaphore(%arg13 : memref<!tpu.dma_semaphore, #tpu.memory_space<semaphore_mem>>)
      } else {
      }
      %dma_wait3A_190 = arith.constant 1 : i32
      %dma_wait3A_191 = arith.constant 1 : i32
      %dma_wait3A_192 = arith.constant 0 : i32
      %dma_wait3A_193 = arith.constant 0 : i32
      %dma_wait3A_194 = tpu.memref_slice %arg8[%dma_wait3A_191, %dma_wait3A_192, %dma_wait3A_193] : memref<4x128x64xf32, #tpu.memory_space<vmem>> -> memref<1x128x64xf32, #tpu.memory_space<vmem>>
      %dma_wait3A_195 = tpu.memref_squeeze %dma_wait3A_194 : memref<1x128x64xf32, #tpu.memory_space<vmem>> -> memref<128x64xf32, #tpu.memory_space<vmem>>
      %dma_wait3A_196 = arith.constant 0 : i32
      %dma_wait3A_197 = tpu.memref_slice %arg6[%dma_wait3A_190, %dma_wait3A_196] : memref<4x128xi32, #tpu.memory_space<vmem>> -> memref<1x128xi32, #tpu.memory_space<vmem>>
      %dma_wait3A_198 = tpu.memref_squeeze %dma_wait3A_197 : memref<1x128xi32, #tpu.memory_space<vmem>> -> memref<128xi32, #tpu.memory_space<vmem>>
      %dma_wait3A_199 = arith.constant 0 : i32
      %dma_wait3A_200 = arith.constant 0 : i32
      %dma_wait3A_201 = tpu.memref_slice %arg2[%dma_wait3A_199, %dma_wait3A_200] : memref<10000x64xf32, #tpu.memory_space<hbm>> -> memref<10000x64xf32, #tpu.memory_space<hbm>>
      tpu.wait_indirect_dma semaphore(%arg14 : memref<!tpu.dma_semaphore, #tpu.memory_space<semaphore_mem>>) src(%dma_wait3A_201 : memref<10000x64xf32, #tpu.memory_space<hbm>>) dst(%dma_wait3A_195 : memref<128x64xf32, #tpu.memory_space<vmem>>)
      %dma_start3A_202 = arith.constant 1 : i32
      %dma_start3A_203 = arith.constant 1 : i32
      %dma_start3A_204 = arith.constant 0 : i32
      %dma_start3A_205 = arith.constant 0 : i32
      %dma_start3A_206 = tpu.memref_slice %arg8[%dma_start3A_202, %dma_start3A_204, %dma_start3A_205] : memref<4x128x64xf32, #tpu.memory_space<vmem>> -> memref<1x128x64xf32, #tpu.memory_space<vmem>>
      %dma_start3A_207 = tpu.memref_squeeze %dma_start3A_206 : memref<1x128x64xf32, #tpu.memory_space<vmem>> -> memref<128x64xf32, #tpu.memory_space<vmem>>
      %dma_start3A_208 = arith.constant 0 : i32
      %dma_start3A_209 = tpu.memref_slice %arg7[%dma_start3A_203, %dma_start3A_208] : memref<4x128xi32, #tpu.memory_space<vmem>> -> memref<1x128xi32, #tpu.memory_space<vmem>>
      %dma_start3A_210 = tpu.memref_squeeze %dma_start3A_209 : memref<1x128xi32, #tpu.memory_space<vmem>> -> memref<128xi32, #tpu.memory_space<vmem>>
      %dma_start3A_211 = arith.constant 0 : i32
      %dma_start3A_212 = arith.constant 0 : i32
      %dma_start3A_213 = tpu.memref_slice %arg11[%dma_start3A_211, %dma_start3A_212] : memref<10256x64xf32, #tpu.memory_space<vmem_shared>> -> memref<10256x64xf32, #tpu.memory_space<vmem_shared>>
      tpu.enqueue_indirect_dma source(%dma_start3A_207 : memref<128x64xf32, #tpu.memory_space<vmem>>) target(%dma_start3A_213 : memref<10256x64xf32, #tpu.memory_space<vmem_shared>>) offsets(%dma_start3A_210 : memref<128xi32, #tpu.memory_space<vmem>>) semaphore(%arg18 : memref<!tpu.dma_semaphore, #tpu.memory_space<semaphore_mem>>) {add = true}
      %lt3A_214 = arith.constant 19 : i32
      %lt3A_215 = arith.cmpi slt, %scan3A_159, %lt3A_214 : i32
      %convert_element_type3A_216 = arith.extui %lt3A_215 : i1 to i32
      %cond3A_217 = arith.constant 0 : i32
      %cond3A_218 = arith.cmpi ne, %convert_element_type3A_216, %cond3A_217 : i32
      scf.if %cond3A_218 {
        %dma_wait3A_278 = arith.constant 1 : i32
        %dma_wait3A_279 = arith.constant 1 : i32
        %dma_wait3A_280 = arith.constant 0 : i32
        %dma_wait3A_281 = arith.constant 0 : i32
        %dma_wait3A_282 = tpu.memref_slice %arg8[%dma_wait3A_278, %dma_wait3A_280, %dma_wait3A_281] : memref<4x128x64xf32, #tpu.memory_space<vmem>> -> memref<1x128x64xf32, #tpu.memory_space<vmem>>
        %dma_wait3A_283 = tpu.memref_squeeze %dma_wait3A_282 : memref<1x128x64xf32, #tpu.memory_space<vmem>> -> memref<128x64xf32, #tpu.memory_space<vmem>>
        %dma_wait3A_284 = arith.constant 0 : i32
        %dma_wait3A_285 = tpu.memref_slice %arg7[%dma_wait3A_279, %dma_wait3A_284] : memref<4x128xi32, #tpu.memory_space<vmem>> -> memref<1x128xi32, #tpu.memory_space<vmem>>
        %dma_wait3A_286 = tpu.memref_squeeze %dma_wait3A_285 : memref<1x128xi32, #tpu.memory_space<vmem>> -> memref<128xi32, #tpu.memory_space<vmem>>
        %dma_wait3A_287 = arith.constant 0 : i32
        %dma_wait3A_288 = arith.constant 0 : i32
        %dma_wait3A_289 = tpu.memref_slice %arg11[%dma_wait3A_287, %dma_wait3A_288] : memref<10256x64xf32, #tpu.memory_space<vmem_shared>> -> memref<10256x64xf32, #tpu.memory_space<vmem_shared>>
        tpu.wait_indirect_dma semaphore(%arg18 : memref<!tpu.dma_semaphore, #tpu.memory_space<semaphore_mem>>) src(%dma_wait3A_283 : memref<128x64xf32, #tpu.memory_space<vmem>>) dst(%dma_wait3A_289 : memref<10256x64xf32, #tpu.memory_space<vmem_shared>>)
        %mul3A_290 = arith.constant 4 : i32
        %mul3A_291 = arith.muli %scan3A_159, %mul3A_290 : i32
        %add3A_292 = arith.constant 1 : i32
        %add3A_293 = arith.addi %mul3A_291, %add3A_292 : i32
        %add3A_294 = arith.constant 4 : i32
        %add3A_295 = arith.addi %add3A_293, %add3A_294 : i32
        %scan3A_296 = arith.constant 0 : i32
        %scan3A_297 = arith.constant 0 : i32
        %scan3A_298 = arith.constant 8 : i32
        %scan3A_299 = arith.addi %scan3A_297, %scan3A_298 : i32
        %scan3A_300 = arith.constant 1 : i32
        %scan3A_301 = scf.for %scan3A_315 = %scan3A_297 to %scan3A_299 step %scan3A_300 iter_args(%scan3A_316 = %scan3A_296) -> (i32)  : i32 {
          %mul3A_317 = arith.constant 16 : i32
          %mul3A_318 = arith.muli %scan3A_315, %mul3A_317 : i32
          %get3A = arith.index_cast %add3A_295 : i32 to index
          %get3A_319 = arith.index_cast %mul3A_318 : i32 to index
          %get3A_320 = tpu.vector_load %arg5[%get3A, %get3A_319] {strides = array<i32>} : memref<80x128xi32, #tpu.memory_space<vmem>>, vector<1x16xi32>,
          %get3A_321 = vector.shape_cast %get3A_320 : vector<1x16xi32> to vector<16xi32>
          %and3A = arith.constant 16383 : i32
          %and3A_322 = vector.broadcast %and3A : i32 to vector<16xi32>
          %and3A_323 = arith.andi %get3A_321, %and3A_322 : vector<16xi32>
          %mul3A_324 = arith.constant 16 : i32
          %mul3A_325 = arith.muli %scan3A_315, %mul3A_324 : i32
          %swap3A = arith.constant 1 : i32
          %swap3A_326 = arith.index_cast %swap3A : i32 to index
          %swap3A_327 = arith.index_cast %mul3A_325 : i32 to index
          %swap3A_328 = tpu.vector_load %arg6[%swap3A_326, %swap3A_327] {strides = array<i32>} : memref<4x128xi32, #tpu.memory_space<vmem>>, vector<1x16xi32>,
          %swap3A_329 = vector.shape_cast %swap3A_328 : vector<1x16xi32> to vector<16xi32>
          %swap3A_330 = vector.shape_cast %and3A_323 : vector<16xi32> to vector<1x16xi32>
          tpu.vector_store %arg6[%swap3A_326, %swap3A_327], %swap3A_330 {strides = array<i32>} : memref<4x128xi32, #tpu.memory_space<vmem>>, vector<1x16xi32>,
          %shift_right_logical3A = arith.constant 14 : i32
          %shift_right_logical3A_331 = vector.broadcast %shift_right_logical3A : i32 to vector<16xi32>
          %shift_right_logical3A_332 = arith.shrui %get3A_321, %shift_right_logical3A_331 : vector<16xi32>
          %mul3A_333 = arith.constant 16 : i32
          %mul3A_334 = arith.muli %scan3A_315, %mul3A_333 : i32
          %swap3A_335 = arith.constant 1 : i32
          %swap3A_336 = arith.index_cast %swap3A_335 : i32 to index
          %swap3A_337 = arith.index_cast %mul3A_334 : i32 to index
          %swap3A_338 = tpu.vector_load %arg7[%swap3A_336, %swap3A_337] {strides = array<i32>} : memref<4x128xi32, #tpu.memory_space<vmem>>, vector<1x16xi32>,
          %swap3A_339 = vector.shape_cast %swap3A_338 : vector<1x16xi32> to vector<16xi32>
          %swap3A_340 = vector.shape_cast %shift_right_logical3A_332 : vector<16xi32> to vector<1x16xi32>
          tpu.vector_store %arg7[%swap3A_336, %swap3A_337], %swap3A_340 {strides = array<i32>} : memref<4x128xi32, #tpu.memory_space<vmem>>, vector<1x16xi32>,
          %scan3A_341 = arith.constant 0 : i32
          scf.yield %scan3A_341 : i32
        }
        %scan3A_302 = arith.constant 8 : i32
        %dma_start3A_303 = arith.constant 1 : i32
        %dma_start3A_304 = arith.constant 1 : i32
        %dma_start3A_305 = arith.constant 0 : i32
        %dma_start3A_306 = arith.constant 0 : i32
        %dma_start3A_307 = tpu.memref_slice %arg8[%dma_start3A_304, %dma_start3A_305, %dma_start3A_306] : memref<4x128x64xf32, #tpu.memory_space<vmem>> -> memref<1x128x64xf32, #tpu.memory_space<vmem>>
        %dma_start3A_308 = tpu.memref_squeeze %dma_start3A_307 : memref<1x128x64xf32, #tpu.memory_space<vmem>> -> memref<128x64xf32, #tpu.memory_space<vmem>>
        %dma_start3A_309 = arith.constant 0 : i32
        %dma_start3A_310 = tpu.memref_slice %arg6[%dma_start3A_303, %dma_start3A_309] : memref<4x128xi32, #tpu.memory_space<vmem>> -> memref<1x128xi32, #tpu.memory_space<vmem>>
        %dma_start3A_311 = tpu.memref_squeeze %dma_start3A_310 : memref<1x128xi32, #tpu.memory_space<vmem>> -> memref<128xi32, #tpu.memory_space<vmem>>
        %dma_start3A_312 = arith.constant 0 : i32
        %dma_start3A_313 = arith.constant 0 : i32
        %dma_start3A_314 = tpu.memref_slice %arg2[%dma_start3A_312, %dma_start3A_313] : memref<10000x64xf32, #tpu.memory_space<hbm>> -> memref<10000x64xf32, #tpu.memory_space<hbm>>
        tpu.enqueue_indirect_dma source(%dma_start3A_314 : memref<10000x64xf32, #tpu.memory_space<hbm>>) target(%dma_start3A_308 : memref<128x64xf32, #tpu.memory_space<vmem>>) offsets(%dma_start3A_311 : memref<128xi32, #tpu.memory_space<vmem>>) semaphore(%arg14 : memref<!tpu.dma_semaphore, #tpu.memory_space<semaphore_mem>>)
      } else {
      }
      %dma_wait3A_219 = arith.constant 2 : i32
      %dma_wait3A_220 = arith.constant 2 : i32
      %dma_wait3A_221 = arith.constant 0 : i32
      %dma_wait3A_222 = arith.constant 0 : i32
      %dma_wait3A_223 = tpu.memref_slice %arg8[%dma_wait3A_220, %dma_wait3A_221, %dma_wait3A_222] : memref<4x128x64xf32, #tpu.memory_space<vmem>> -> memref<1x128x64xf32, #tpu.memory_space<vmem>>
      %dma_wait3A_224 = tpu.memref_squeeze %dma_wait3A_223 : memref<1x128x64xf32, #tpu.memory_space<vmem>> -> memref<128x64xf32, #tpu.memory_space<vmem>>
      %dma_wait3A_225 = arith.constant 0 : i32
      %dma_wait3A_226 = tpu.memref_slice %arg6[%dma_wait3A_219, %dma_wait3A_225] : memref<4x128xi32, #tpu.memory_space<vmem>> -> memref<1x128xi32, #tpu.memory_space<vmem>>
      %dma_wait3A_227 = tpu.memref_squeeze %dma_wait3A_226 : memref<1x128xi32, #tpu.memory_space<vmem>> -> memref<128xi32, #tpu.memory_space<vmem>>
      %dma_wait3A_228 = arith.constant 0 : i32
      %dma_wait3A_229 = arith.constant 0 : i32
      %dma_wait3A_230 = tpu.memref_slice %arg2[%dma_wait3A_228, %dma_wait3A_229] : memref<10000x64xf32, #tpu.memory_space<hbm>> -> memref<10000x64xf32, #tpu.memory_space<hbm>>
      tpu.wait_indirect_dma semaphore(%arg15 : memref<!tpu.dma_semaphore, #tpu.memory_space<semaphore_mem>>) src(%dma_wait3A_230 : memref<10000x64xf32, #tpu.memory_space<hbm>>) dst(%dma_wait3A_224 : memref<128x64xf32, #tpu.memory_space<vmem>>)
      %dma_start3A_231 = arith.constant 2 : i32
      %dma_start3A_232 = arith.constant 2 : i32
      %dma_start3A_233 = arith.constant 0 : i32
      %dma_start3A_234 = arith.constant 0 : i32
      %dma_start3A_235 = tpu.memref_slice %arg8[%dma_start3A_231, %dma_start3A_233, %dma_start3A_234] : memref<4x128x64xf32, #tpu.memory_space<vmem>> -> memref<1x128x64xf32, #tpu.memory_space<vmem>>
      %dma_start3A_236 = tpu.memref_squeeze %dma_start3A_235 : memref<1x128x64xf32, #tpu.memory_space<vmem>> -> memref<128x64xf32, #tpu.memory_space<vmem>>
      %dma_start3A_237 = arith.constant 0 : i32
      %dma_start3A_238 = tpu.memref_slice %arg7[%dma_start3A_232, %dma_start3A_237] : memref<4x128xi32, #tpu.memory_space<vmem>> -> memref<1x128xi32, #tpu.memory_space<vmem>>
      %dma_start3A_239 = tpu.memref_squeeze %dma_start3A_238 : memref<1x128xi32, #tpu.memory_space<vmem>> -> memref<128xi32, #tpu.memory_space<vmem>>
      %dma_start3A_240 = arith.constant 0 : i32
      %dma_start3A_241 = arith.constant 0 : i32
      %dma_start3A_242 = tpu.memref_slice %arg11[%dma_start3A_240, %dma_start3A_241] : memref<10256x64xf32, #tpu.memory_space<vmem_shared>> -> memref<10256x64xf32, #tpu.memory_space<vmem_shared>>
      tpu.enqueue_indirect_dma source(%dma_start3A_236 : memref<128x64xf32, #tpu.memory_space<vmem>>) target(%dma_start3A_242 : memref<10256x64xf32, #tpu.memory_space<vmem_shared>>) offsets(%dma_start3A_239 : memref<128xi32, #tpu.memory_space<vmem>>) semaphore(%arg19 : memref<!tpu.dma_semaphore, #tpu.memory_space<semaphore_mem>>) {add = true}
      %lt3A_243 = arith.constant 19 : i32
      %lt3A_244 = arith.cmpi slt, %scan3A_159, %lt3A_243 : i32
      %convert_element_type3A_245 = arith.extui %lt3A_244 : i1 to i32
      %cond3A_246 = arith.constant 0 : i32
      %cond3A_247 = arith.cmpi ne, %convert_element_type3A_245, %cond3A_246 : i32
      scf.if %cond3A_247 {
        %dma_wait3A_278 = arith.constant 2 : i32
        %dma_wait3A_279 = arith.constant 2 : i32
        %dma_wait3A_280 = arith.constant 0 : i32
        %dma_wait3A_281 = arith.constant 0 : i32
        %dma_wait3A_282 = tpu.memref_slice %arg8[%dma_wait3A_278, %dma_wait3A_280, %dma_wait3A_281] : memref<4x128x64xf32, #tpu.memory_space<vmem>> -> memref<1x128x64xf32, #tpu.memory_space<vmem>>
        %dma_wait3A_283 = tpu.memref_squeeze %dma_wait3A_282 : memref<1x128x64xf32, #tpu.memory_space<vmem>> -> memref<128x64xf32, #tpu.memory_space<vmem>>
        %dma_wait3A_284 = arith.constant 0 : i32
        %dma_wait3A_285 = tpu.memref_slice %arg7[%dma_wait3A_279, %dma_wait3A_284] : memref<4x128xi32, #tpu.memory_space<vmem>> -> memref<1x128xi32, #tpu.memory_space<vmem>>
        %dma_wait3A_286 = tpu.memref_squeeze %dma_wait3A_285 : memref<1x128xi32, #tpu.memory_space<vmem>> -> memref<128xi32, #tpu.memory_space<vmem>>
        %dma_wait3A_287 = arith.constant 0 : i32
        %dma_wait3A_288 = arith.constant 0 : i32
        %dma_wait3A_289 = tpu.memref_slice %arg11[%dma_wait3A_287, %dma_wait3A_288] : memref<10256x64xf32, #tpu.memory_space<vmem_shared>> -> memref<10256x64xf32, #tpu.memory_space<vmem_shared>>
        tpu.wait_indirect_dma semaphore(%arg19 : memref<!tpu.dma_semaphore, #tpu.memory_space<semaphore_mem>>) src(%dma_wait3A_283 : memref<128x64xf32, #tpu.memory_space<vmem>>) dst(%dma_wait3A_289 : memref<10256x64xf32, #tpu.memory_space<vmem_shared>>)
        %mul3A_290 = arith.constant 4 : i32
        %mul3A_291 = arith.muli %scan3A_159, %mul3A_290 : i32
        %add3A_292 = arith.constant 2 : i32
        %add3A_293 = arith.addi %mul3A_291, %add3A_292 : i32
        %add3A_294 = arith.constant 4 : i32
        %add3A_295 = arith.addi %add3A_293, %add3A_294 : i32
        %scan3A_296 = arith.constant 0 : i32
        %scan3A_297 = arith.constant 0 : i32
        %scan3A_298 = arith.constant 8 : i32
        %scan3A_299 = arith.addi %scan3A_297, %scan3A_298 : i32
        %scan3A_300 = arith.constant 1 : i32
        %scan3A_301 = scf.for %scan3A_315 = %scan3A_297 to %scan3A_299 step %scan3A_300 iter_args(%scan3A_316 = %scan3A_296) -> (i32)  : i32 {
          %mul3A_317 = arith.constant 16 : i32
          %mul3A_318 = arith.muli %scan3A_315, %mul3A_317 : i32
          %get3A = arith.index_cast %add3A_295 : i32 to index
          %get3A_319 = arith.index_cast %mul3A_318 : i32 to index
          %get3A_320 = tpu.vector_load %arg5[%get3A, %get3A_319] {strides = array<i32>} : memref<80x128xi32, #tpu.memory_space<vmem>>, vector<1x16xi32>,
          %get3A_321 = vector.shape_cast %get3A_320 : vector<1x16xi32> to vector<16xi32>
          %and3A = arith.constant 16383 : i32
          %and3A_322 = vector.broadcast %and3A : i32 to vector<16xi32>
          %and3A_323 = arith.andi %get3A_321, %and3A_322 : vector<16xi32>
          %mul3A_324 = arith.constant 16 : i32
          %mul3A_325 = arith.muli %scan3A_315, %mul3A_324 : i32
          %swap3A = arith.constant 2 : i32
          %swap3A_326 = arith.index_cast %swap3A : i32 to index
          %swap3A_327 = arith.index_cast %mul3A_325 : i32 to index
          %swap3A_328 = tpu.vector_load %arg6[%swap3A_326, %swap3A_327] {strides = array<i32>} : memref<4x128xi32, #tpu.memory_space<vmem>>, vector<1x16xi32>,
          %swap3A_329 = vector.shape_cast %swap3A_328 : vector<1x16xi32> to vector<16xi32>
          %swap3A_330 = vector.shape_cast %and3A_323 : vector<16xi32> to vector<1x16xi32>
          tpu.vector_store %arg6[%swap3A_326, %swap3A_327], %swap3A_330 {strides = array<i32>} : memref<4x128xi32, #tpu.memory_space<vmem>>, vector<1x16xi32>,
          %shift_right_logical3A = arith.constant 14 : i32
          %shift_right_logical3A_331 = vector.broadcast %shift_right_logical3A : i32 to vector<16xi32>
          %shift_right_logical3A_332 = arith.shrui %get3A_321, %shift_right_logical3A_331 : vector<16xi32>
          %mul3A_333 = arith.constant 16 : i32
          %mul3A_334 = arith.muli %scan3A_315, %mul3A_333 : i32
          %swap3A_335 = arith.constant 2 : i32
          %swap3A_336 = arith.index_cast %swap3A_335 : i32 to index
          %swap3A_337 = arith.index_cast %mul3A_334 : i32 to index
          %swap3A_338 = tpu.vector_load %arg7[%swap3A_336, %swap3A_337] {strides = array<i32>} : memref<4x128xi32, #tpu.memory_space<vmem>>, vector<1x16xi32>,
          %swap3A_339 = vector.shape_cast %swap3A_338 : vector<1x16xi32> to vector<16xi32>
          %swap3A_340 = vector.shape_cast %shift_right_logical3A_332 : vector<16xi32> to vector<1x16xi32>
          tpu.vector_store %arg7[%swap3A_336, %swap3A_337], %swap3A_340 {strides = array<i32>} : memref<4x128xi32, #tpu.memory_space<vmem>>, vector<1x16xi32>,
          %scan3A_341 = arith.constant 0 : i32
          scf.yield %scan3A_341 : i32
        }
        %scan3A_302 = arith.constant 8 : i32
        %dma_start3A_303 = arith.constant 2 : i32
        %dma_start3A_304 = arith.constant 2 : i32
        %dma_start3A_305 = arith.constant 0 : i32
        %dma_start3A_306 = arith.constant 0 : i32
        %dma_start3A_307 = tpu.memref_slice %arg8[%dma_start3A_304, %dma_start3A_305, %dma_start3A_306] : memref<4x128x64xf32, #tpu.memory_space<vmem>> -> memref<1x128x64xf32, #tpu.memory_space<vmem>>
        %dma_start3A_308 = tpu.memref_squeeze %dma_start3A_307 : memref<1x128x64xf32, #tpu.memory_space<vmem>> -> memref<128x64xf32, #tpu.memory_space<vmem>>
        %dma_start3A_309 = arith.constant 0 : i32
        %dma_start3A_310 = tpu.memref_slice %arg6[%dma_start3A_303, %dma_start3A_309] : memref<4x128xi32, #tpu.memory_space<vmem>> -> memref<1x128xi32, #tpu.memory_space<vmem>>
        %dma_start3A_311 = tpu.memref_squeeze %dma_start3A_310 : memref<1x128xi32, #tpu.memory_space<vmem>> -> memref<128xi32, #tpu.memory_space<vmem>>
        %dma_start3A_312 = arith.constant 0 : i32
        %dma_start3A_313 = arith.constant 0 : i32
        %dma_start3A_314 = tpu.memref_slice %arg2[%dma_start3A_312, %dma_start3A_313] : memref<10000x64xf32, #tpu.memory_space<hbm>> -> memref<10000x64xf32, #tpu.memory_space<hbm>>
        tpu.enqueue_indirect_dma source(%dma_start3A_314 : memref<10000x64xf32, #tpu.memory_space<hbm>>) target(%dma_start3A_308 : memref<128x64xf32, #tpu.memory_space<vmem>>) offsets(%dma_start3A_311 : memref<128xi32, #tpu.memory_space<vmem>>) semaphore(%arg15 : memref<!tpu.dma_semaphore, #tpu.memory_space<semaphore_mem>>)
      } else {
      }
      %dma_wait3A_248 = arith.constant 3 : i32
      %dma_wait3A_249 = arith.constant 3 : i32
      %dma_wait3A_250 = arith.constant 0 : i32
      %dma_wait3A_251 = arith.constant 0 : i32
      %dma_wait3A_252 = tpu.memref_slice %arg8[%dma_wait3A_249, %dma_wait3A_250, %dma_wait3A_251] : memref<4x128x64xf32, #tpu.memory_space<vmem>> -> memref<1x128x64xf32, #tpu.memory_space<vmem>>
      %dma_wait3A_253 = tpu.memref_squeeze %dma_wait3A_252 : memref<1x128x64xf32, #tpu.memory_space<vmem>> -> memref<128x64xf32, #tpu.memory_space<vmem>>
      %dma_wait3A_254 = arith.constant 0 : i32
      %dma_wait3A_255 = tpu.memref_slice %arg6[%dma_wait3A_248, %dma_wait3A_254] : memref<4x128xi32, #tpu.memory_space<vmem>> -> memref<1x128xi32, #tpu.memory_space<vmem>>
      %dma_wait3A_256 = tpu.memref_squeeze %dma_wait3A_255 : memref<1x128xi32, #tpu.memory_space<vmem>> -> memref<128xi32, #tpu.memory_space<vmem>>
      %dma_wait3A_257 = arith.constant 0 : i32
      %dma_wait3A_258 = arith.constant 0 : i32
      %dma_wait3A_259 = tpu.memref_slice %arg2[%dma_wait3A_257, %dma_wait3A_258] : memref<10000x64xf32, #tpu.memory_space<hbm>> -> memref<10000x64xf32, #tpu.memory_space<hbm>>
      tpu.wait_indirect_dma semaphore(%arg16 : memref<!tpu.dma_semaphore, #tpu.memory_space<semaphore_mem>>) src(%dma_wait3A_259 : memref<10000x64xf32, #tpu.memory_space<hbm>>) dst(%dma_wait3A_253 : memref<128x64xf32, #tpu.memory_space<vmem>>)
      %dma_start3A_260 = arith.constant 3 : i32
      %dma_start3A_261 = arith.constant 3 : i32
      %dma_start3A_262 = arith.constant 0 : i32
      %dma_start3A_263 = arith.constant 0 : i32
      %dma_start3A_264 = tpu.memref_slice %arg8[%dma_start3A_260, %dma_start3A_262, %dma_start3A_263] : memref<4x128x64xf32, #tpu.memory_space<vmem>> -> memref<1x128x64xf32, #tpu.memory_space<vmem>>
      %dma_start3A_265 = tpu.memref_squeeze %dma_start3A_264 : memref<1x128x64xf32, #tpu.memory_space<vmem>> -> memref<128x64xf32, #tpu.memory_space<vmem>>
      %dma_start3A_266 = arith.constant 0 : i32
      %dma_start3A_267 = tpu.memref_slice %arg7[%dma_start3A_261, %dma_start3A_266] : memref<4x128xi32, #tpu.memory_space<vmem>> -> memref<1x128xi32, #tpu.memory_space<vmem>>
      %dma_start3A_268 = tpu.memref_squeeze %dma_start3A_267 : memref<1x128xi32, #tpu.memory_space<vmem>> -> memref<128xi32, #tpu.memory_space<vmem>>
      %dma_start3A_269 = arith.constant 0 : i32
      %dma_start3A_270 = arith.constant 0 : i32
      %dma_start3A_271 = tpu.memref_slice %arg11[%dma_start3A_269, %dma_start3A_270] : memref<10256x64xf32, #tpu.memory_space<vmem_shared>> -> memref<10256x64xf32, #tpu.memory_space<vmem_shared>>
      tpu.enqueue_indirect_dma source(%dma_start3A_265 : memref<128x64xf32, #tpu.memory_space<vmem>>) target(%dma_start3A_271 : memref<10256x64xf32, #tpu.memory_space<vmem_shared>>) offsets(%dma_start3A_268 : memref<128xi32, #tpu.memory_space<vmem>>) semaphore(%arg20 : memref<!tpu.dma_semaphore, #tpu.memory_space<semaphore_mem>>) {add = true}
      %lt3A_272 = arith.constant 19 : i32
      %lt3A_273 = arith.cmpi slt, %scan3A_159, %lt3A_272 : i32
      %convert_element_type3A_274 = arith.extui %lt3A_273 : i1 to i32
      %cond3A_275 = arith.constant 0 : i32
      %cond3A_276 = arith.cmpi ne, %convert_element_type3A_274, %cond3A_275 : i32
      scf.if %cond3A_276 {
        %dma_wait3A_278 = arith.constant 3 : i32
        %dma_wait3A_279 = arith.constant 3 : i32
        %dma_wait3A_280 = arith.constant 0 : i32
        %dma_wait3A_281 = arith.constant 0 : i32
        %dma_wait3A_282 = tpu.memref_slice %arg8[%dma_wait3A_278, %dma_wait3A_280, %dma_wait3A_281] : memref<4x128x64xf32, #tpu.memory_space<vmem>> -> memref<1x128x64xf32, #tpu.memory_space<vmem>>
        %dma_wait3A_283 = tpu.memref_squeeze %dma_wait3A_282 : memref<1x128x64xf32, #tpu.memory_space<vmem>> -> memref<128x64xf32, #tpu.memory_space<vmem>>
        %dma_wait3A_284 = arith.constant 0 : i32
        %dma_wait3A_285 = tpu.memref_slice %arg7[%dma_wait3A_279, %dma_wait3A_284] : memref<4x128xi32, #tpu.memory_space<vmem>> -> memref<1x128xi32, #tpu.memory_space<vmem>>
        %dma_wait3A_286 = tpu.memref_squeeze %dma_wait3A_285 : memref<1x128xi32, #tpu.memory_space<vmem>> -> memref<128xi32, #tpu.memory_space<vmem>>
        %dma_wait3A_287 = arith.constant 0 : i32
        %dma_wait3A_288 = arith.constant 0 : i32
        %dma_wait3A_289 = tpu.memref_slice %arg11[%dma_wait3A_287, %dma_wait3A_288] : memref<10256x64xf32, #tpu.memory_space<vmem_shared>> -> memref<10256x64xf32, #tpu.memory_space<vmem_shared>>
        tpu.wait_indirect_dma semaphore(%arg20 : memref<!tpu.dma_semaphore, #tpu.memory_space<semaphore_mem>>) src(%dma_wait3A_283 : memref<128x64xf32, #tpu.memory_space<vmem>>) dst(%dma_wait3A_289 : memref<10256x64xf32, #tpu.memory_space<vmem_shared>>)
        %mul3A_290 = arith.constant 4 : i32
        %mul3A_291 = arith.muli %scan3A_159, %mul3A_290 : i32
        %add3A_292 = arith.constant 3 : i32
        %add3A_293 = arith.addi %mul3A_291, %add3A_292 : i32
        %add3A_294 = arith.constant 4 : i32
        %add3A_295 = arith.addi %add3A_293, %add3A_294 : i32
        %scan3A_296 = arith.constant 0 : i32
        %scan3A_297 = arith.constant 0 : i32
        %scan3A_298 = arith.constant 8 : i32
        %scan3A_299 = arith.addi %scan3A_297, %scan3A_298 : i32
        %scan3A_300 = arith.constant 1 : i32
        %scan3A_301 = scf.for %scan3A_315 = %scan3A_297 to %scan3A_299 step %scan3A_300 iter_args(%scan3A_316 = %scan3A_296) -> (i32)  : i32 {
          %mul3A_317 = arith.constant 16 : i32
          %mul3A_318 = arith.muli %scan3A_315, %mul3A_317 : i32
          %get3A = arith.index_cast %add3A_295 : i32 to index
          %get3A_319 = arith.index_cast %mul3A_318 : i32 to index
          %get3A_320 = tpu.vector_load %arg5[%get3A, %get3A_319] {strides = array<i32>} : memref<80x128xi32, #tpu.memory_space<vmem>>, vector<1x16xi32>,
          %get3A_321 = vector.shape_cast %get3A_320 : vector<1x16xi32> to vector<16xi32>
          %and3A = arith.constant 16383 : i32
          %and3A_322 = vector.broadcast %and3A : i32 to vector<16xi32>
          %and3A_323 = arith.andi %get3A_321, %and3A_322 : vector<16xi32>
          %mul3A_324 = arith.constant 16 : i32
          %mul3A_325 = arith.muli %scan3A_315, %mul3A_324 : i32
          %swap3A = arith.constant 3 : i32
          %swap3A_326 = arith.index_cast %swap3A : i32 to index
          %swap3A_327 = arith.index_cast %mul3A_325 : i32 to index
          %swap3A_328 = tpu.vector_load %arg6[%swap3A_326, %swap3A_327] {strides = array<i32>} : memref<4x128xi32, #tpu.memory_space<vmem>>, vector<1x16xi32>,
          %swap3A_329 = vector.shape_cast %swap3A_328 : vector<1x16xi32> to vector<16xi32>
          %swap3A_330 = vector.shape_cast %and3A_323 : vector<16xi32> to vector<1x16xi32>
          tpu.vector_store %arg6[%swap3A_326, %swap3A_327], %swap3A_330 {strides = array<i32>} : memref<4x128xi32, #tpu.memory_space<vmem>>, vector<1x16xi32>,
          %shift_right_logical3A = arith.constant 14 : i32
          %shift_right_logical3A_331 = vector.broadcast %shift_right_logical3A : i32 to vector<16xi32>
          %shift_right_logical3A_332 = arith.shrui %get3A_321, %shift_right_logical3A_331 : vector<16xi32>
          %mul3A_333 = arith.constant 16 : i32
          %mul3A_334 = arith.muli %scan3A_315, %mul3A_333 : i32
          %swap3A_335 = arith.constant 3 : i32
          %swap3A_336 = arith.index_cast %swap3A_335 : i32 to index
          %swap3A_337 = arith.index_cast %mul3A_334 : i32 to index
          %swap3A_338 = tpu.vector_load %arg7[%swap3A_336, %swap3A_337] {strides = array<i32>} : memref<4x128xi32, #tpu.memory_space<vmem>>, vector<1x16xi32>,
          %swap3A_339 = vector.shape_cast %swap3A_338 : vector<1x16xi32> to vector<16xi32>
          %swap3A_340 = vector.shape_cast %shift_right_logical3A_332 : vector<16xi32> to vector<1x16xi32>
          tpu.vector_store %arg7[%swap3A_336, %swap3A_337], %swap3A_340 {strides = array<i32>} : memref<4x128xi32, #tpu.memory_space<vmem>>, vector<1x16xi32>,
          %scan3A_341 = arith.constant 0 : i32
          scf.yield %scan3A_341 : i32
        }
        %scan3A_302 = arith.constant 8 : i32
        %dma_start3A_303 = arith.constant 3 : i32
        %dma_start3A_304 = arith.constant 3 : i32
        %dma_start3A_305 = arith.constant 0 : i32
        %dma_start3A_306 = arith.constant 0 : i32
        %dma_start3A_307 = tpu.memref_slice %arg8[%dma_start3A_304, %dma_start3A_305, %dma_start3A_306] : memref<4x128x64xf32, #tpu.memory_space<vmem>> -> memref<1x128x64xf32, #tpu.memory_space<vmem>>
        %dma_start3A_308 = tpu.memref_squeeze %dma_start3A_307 : memref<1x128x64xf32, #tpu.memory_space<vmem>> -> memref<128x64xf32, #tpu.memory_space<vmem>>
        %dma_start3A_309 = arith.constant 0 : i32
        %dma_start3A_310 = tpu.memref_slice %arg6[%dma_start3A_303, %dma_start3A_309] : memref<4x128xi32, #tpu.memory_space<vmem>> -> memref<1x128xi32, #tpu.memory_space<vmem>>
        %dma_start3A_311 = tpu.memref_squeeze %dma_start3A_310 : memref<1x128xi32, #tpu.memory_space<vmem>> -> memref<128xi32, #tpu.memory_space<vmem>>
        %dma_start3A_312 = arith.constant 0 : i32
        %dma_start3A_313 = arith.constant 0 : i32
        %dma_start3A_314 = tpu.memref_slice %arg2[%dma_start3A_312, %dma_start3A_313] : memref<10000x64xf32, #tpu.memory_space<hbm>> -> memref<10000x64xf32, #tpu.memory_space<hbm>>
        tpu.enqueue_indirect_dma source(%dma_start3A_314 : memref<10000x64xf32, #tpu.memory_space<hbm>>) target(%dma_start3A_308 : memref<128x64xf32, #tpu.memory_space<vmem>>) offsets(%dma_start3A_311 : memref<128xi32, #tpu.memory_space<vmem>>) semaphore(%arg16 : memref<!tpu.dma_semaphore, #tpu.memory_space<semaphore_mem>>)
      } else {
      }
      %scan3A_277 = arith.constant 0 : i32
      scf.yield %scan3A_277 : i32
    }
    %scan3A_105 = arith.constant 20 : i32
    %dma_wait3A = arith.constant 0 : i32
    %dma_wait3A_106 = arith.constant 0 : i32
    %dma_wait3A_107 = arith.constant 0 : i32
    %dma_wait3A_108 = arith.constant 0 : i32
    %dma_wait3A_109 = tpu.memref_slice %arg8[%dma_wait3A, %dma_wait3A_107, %dma_wait3A_108] : memref<4x128x64xf32, #tpu.memory_space<vmem>> -> memref<1x128x64xf32, #tpu.memory_space<vmem>>
    %dma_wait3A_110 = tpu.memref_squeeze %dma_wait3A_109 : memref<1x128x64xf32, #tpu.memory_space<vmem>> -> memref<128x64xf32, #tpu.memory_space<vmem>>
    %dma_wait3A_111 = arith.constant 0 : i32
    %dma_wait3A_112 = tpu.memref_slice %arg7[%dma_wait3A_106, %dma_wait3A_111] : memref<4x128xi32, #tpu.memory_space<vmem>> -> memref<1x128xi32, #tpu.memory_space<vmem>>
    %dma_wait3A_113 = tpu.memref_squeeze %dma_wait3A_112 : memref<1x128xi32, #tpu.memory_space<vmem>> -> memref<128xi32, #tpu.memory_space<vmem>>
    %dma_wait3A_114 = arith.constant 0 : i32
    %dma_wait3A_115 = arith.constant 0 : i32
    %dma_wait3A_116 = tpu.memref_slice %arg11[%dma_wait3A_114, %dma_wait3A_115] : memref<10256x64xf32, #tpu.memory_space<vmem_shared>> -> memref<10256x64xf32, #tpu.memory_space<vmem_shared>>
    tpu.wait_indirect_dma semaphore(%arg17 : memref<!tpu.dma_semaphore, #tpu.memory_space<semaphore_mem>>) src(%dma_wait3A_110 : memref<128x64xf32, #tpu.memory_space<vmem>>) dst(%dma_wait3A_116 : memref<10256x64xf32, #tpu.memory_space<vmem_shared>>)
    %dma_wait3A_117 = arith.constant 1 : i32
    %dma_wait3A_118 = arith.constant 1 : i32
    %dma_wait3A_119 = arith.constant 0 : i32
    %dma_wait3A_120 = arith.constant 0 : i32
    %dma_wait3A_121 = tpu.memref_slice %arg8[%dma_wait3A_117, %dma_wait3A_119, %dma_wait3A_120] : memref<4x128x64xf32, #tpu.memory_space<vmem>> -> memref<1x128x64xf32, #tpu.memory_space<vmem>>
    %dma_wait3A_122 = tpu.memref_squeeze %dma_wait3A_121 : memref<1x128x64xf32, #tpu.memory_space<vmem>> -> memref<128x64xf32, #tpu.memory_space<vmem>>
    %dma_wait3A_123 = arith.constant 0 : i32
    %dma_wait3A_124 = tpu.memref_slice %arg7[%dma_wait3A_118, %dma_wait3A_123] : memref<4x128xi32, #tpu.memory_space<vmem>> -> memref<1x128xi32, #tpu.memory_space<vmem>>
    %dma_wait3A_125 = tpu.memref_squeeze %dma_wait3A_124 : memref<1x128xi32, #tpu.memory_space<vmem>> -> memref<128xi32, #tpu.memory_space<vmem>>
    %dma_wait3A_126 = arith.constant 0 : i32
    %dma_wait3A_127 = arith.constant 0 : i32
    %dma_wait3A_128 = tpu.memref_slice %arg11[%dma_wait3A_126, %dma_wait3A_127] : memref<10256x64xf32, #tpu.memory_space<vmem_shared>> -> memref<10256x64xf32, #tpu.memory_space<vmem_shared>>
    tpu.wait_indirect_dma semaphore(%arg18 : memref<!tpu.dma_semaphore, #tpu.memory_space<semaphore_mem>>) src(%dma_wait3A_122 : memref<128x64xf32, #tpu.memory_space<vmem>>) dst(%dma_wait3A_128 : memref<10256x64xf32, #tpu.memory_space<vmem_shared>>)
    %dma_wait3A_129 = arith.constant 2 : i32
    %dma_wait3A_130 = arith.constant 2 : i32
    %dma_wait3A_131 = arith.constant 0 : i32
    %dma_wait3A_132 = arith.constant 0 : i32
    %dma_wait3A_133 = tpu.memref_slice %arg8[%dma_wait3A_129, %dma_wait3A_131, %dma_wait3A_132] : memref<4x128x64xf32, #tpu.memory_space<vmem>> -> memref<1x128x64xf32, #tpu.memory_space<vmem>>
    %dma_wait3A_134 = tpu.memref_squeeze %dma_wait3A_133 : memref<1x128x64xf32, #tpu.memory_space<vmem>> -> memref<128x64xf32, #tpu.memory_space<vmem>>
    %dma_wait3A_135 = arith.constant 0 : i32
    %dma_wait3A_136 = tpu.memref_slice %arg7[%dma_wait3A_130, %dma_wait3A_135] : memref<4x128xi32, #tpu.memory_space<vmem>> -> memref<1x128xi32, #tpu.memory_space<vmem>>
    %dma_wait3A_137 = tpu.memref_squeeze %dma_wait3A_136 : memref<1x128xi32, #tpu.memory_space<vmem>> -> memref<128xi32, #tpu.memory_space<vmem>>
    %dma_wait3A_138 = arith.constant 0 : i32
    %dma_wait3A_139 = arith.constant 0 : i32
    %dma_wait3A_140 = tpu.memref_slice %arg11[%dma_wait3A_138, %dma_wait3A_139] : memref<10256x64xf32, #tpu.memory_space<vmem_shared>> -> memref<10256x64xf32, #tpu.memory_space<vmem_shared>>
    tpu.wait_indirect_dma semaphore(%arg19 : memref<!tpu.dma_semaphore, #tpu.memory_space<semaphore_mem>>) src(%dma_wait3A_134 : memref<128x64xf32, #tpu.memory_space<vmem>>) dst(%dma_wait3A_140 : memref<10256x64xf32, #tpu.memory_space<vmem_shared>>)
    %dma_wait3A_141 = arith.constant 3 : i32
    %dma_wait3A_142 = arith.constant 3 : i32
    %dma_wait3A_143 = arith.constant 0 : i32
    %dma_wait3A_144 = arith.constant 0 : i32
    %dma_wait3A_145 = tpu.memref_slice %arg8[%dma_wait3A_141, %dma_wait3A_143, %dma_wait3A_144] : memref<4x128x64xf32, #tpu.memory_space<vmem>> -> memref<1x128x64xf32, #tpu.memory_space<vmem>>
    %dma_wait3A_146 = tpu.memref_squeeze %dma_wait3A_145 : memref<1x128x64xf32, #tpu.memory_space<vmem>> -> memref<128x64xf32, #tpu.memory_space<vmem>>
    %dma_wait3A_147 = arith.constant 0 : i32
    %dma_wait3A_148 = tpu.memref_slice %arg7[%dma_wait3A_142, %dma_wait3A_147] : memref<4x128xi32, #tpu.memory_space<vmem>> -> memref<1x128xi32, #tpu.memory_space<vmem>>
    %dma_wait3A_149 = tpu.memref_squeeze %dma_wait3A_148 : memref<1x128xi32, #tpu.memory_space<vmem>> -> memref<128xi32, #tpu.memory_space<vmem>>
    %dma_wait3A_150 = arith.constant 0 : i32
    %dma_wait3A_151 = arith.constant 0 : i32
    %dma_wait3A_152 = tpu.memref_slice %arg11[%dma_wait3A_150, %dma_wait3A_151] : memref<10256x64xf32, #tpu.memory_space<vmem_shared>> -> memref<10256x64xf32, #tpu.memory_space<vmem_shared>>
    tpu.wait_indirect_dma semaphore(%arg20 : memref<!tpu.dma_semaphore, #tpu.memory_space<semaphore_mem>>) src(%dma_wait3A_146 : memref<128x64xf32, #tpu.memory_space<vmem>>) dst(%dma_wait3A_152 : memref<10256x64xf32, #tpu.memory_space<vmem_shared>>)
    %barrier3A_153 = arith.constant 0 : index
    tpu.barrier barrier_id(%barrier3A_153)
    %lt3A_154 = arith.constant 10 : i32
    %lt3A_155 = arith.cmpi slt, %arg1, %lt3A_154 : i32
    %convert_element_type3A_156 = arith.extui %lt3A_155 : i1 to i32
    %cond3A_157 = arith.constant 0 : i32
    %cond3A_158 = arith.cmpi ne, %convert_element_type3A_156, %cond3A_157 : i32
    scf.if %cond3A_158 {
      %mul3A_159 = arith.constant 1000 : i32
      %mul3A_160 = arith.muli %arg1, %mul3A_159 : i32
      %mul3A_161 = arith.constant 1000 : i32
      %mul3A_162 = arith.muli %arg1, %mul3A_161 : i32
      "tpu.region"() ({
        %run_scoped3A = tpu.sem_alloc : memref<!tpu.dma_semaphore, #tpu.memory_space<semaphore_mem>>
        %dma_start3A_163 = arith.constant 0 : i32
        %dma_start3A_164 = tpu.memref_slice %arg4[%arg0, %mul3A_162, %dma_start3A_163] : memref<2x10000x64xf32, #tpu.memory_space<hbm>> -> memref<1x1000x64xf32, #tpu.memory_space<hbm>>
        %dma_start3A_165 = tpu.memref_squeeze %dma_start3A_164 : memref<1x1000x64xf32, #tpu.memory_space<hbm>> -> memref<1000x64xf32, #tpu.memory_space<hbm>>
        %dma_start3A_166 = arith.constant 0 : i32
        %dma_start3A_167 = tpu.memref_slice %arg11[%mul3A_160, %dma_start3A_166] : memref<10256x64xf32, #tpu.memory_space<vmem_shared>> -> memref<1000x64xf32, #tpu.memory_space<vmem_shared>>
        tpu.enqueue_dma source(%dma_start3A_167 : memref<1000x64xf32, #tpu.memory_space<vmem_shared>>) target(%dma_start3A_165 : memref<1000x64xf32, #tpu.memory_space<hbm>>) target_semaphore(%run_scoped3A : memref<!tpu.dma_semaphore, #tpu.memory_space<semaphore_mem>>)
        %dma_wait3A_168 = arith.constant 0 : i32
        %dma_wait3A_169 = tpu.memref_slice %arg4[%arg0, %mul3A_162, %dma_wait3A_168] : memref<2x10000x64xf32, #tpu.memory_space<hbm>> -> memref<1x1000x64xf32, #tpu.memory_space<hbm>>
        %dma_wait3A_170 = tpu.memref_squeeze %dma_wait3A_169 : memref<1x1000x64xf32, #tpu.memory_space<hbm>> -> memref<1000x64xf32, #tpu.memory_space<hbm>>
        %dma_wait3A_171 = arith.constant 0 : i32
        %dma_wait3A_172 = tpu.memref_slice %arg11[%mul3A_160, %dma_wait3A_171] : memref<10256x64xf32, #tpu.memory_space<vmem_shared>> -> memref<1000x64xf32, #tpu.memory_space<vmem_shared>>
        tpu.wait_dma2 semaphore(%run_scoped3A : memref<!tpu.dma_semaphore, #tpu.memory_space<semaphore_mem>>) src(%dma_wait3A_172 : memref<1000x64xf32, #tpu.memory_space<vmem_shared>>) dst(%dma_wait3A_170 : memref<1000x64xf32, #tpu.memory_space<hbm>>)
        tpu.yield
      }) : () -> ()
    } else {
    }
    return
  }
}

#map = affine_map<(d0, d1) -> (0, 0)>
#map1 = affine_map<(d0, d1) -> (0, 0, 0)>
#map2 = affine_map<(d0, d1) -> (0)>
module attributes {stable_mosaic.version = 14 : i64} {
  func.func @sc_agg_w128_deg(%arg0: i32, %arg1: i32, %arg2: memref<10000x128xf32, #tpu.memory_space<hbm>>, %arg3: memref<32x80x128xi32, #tpu.memory_space<hbm>>, %arg4: memref<2x10000x128xf32, #tpu.memory_space<hbm>>, %arg5: memref<20992xf32, #tpu.memory_space<hbm>>, %arg6: memref<80x128xi32, #tpu.memory_space<vmem>>, %arg7: memref<2x128xi32, #tpu.memory_space<vmem>>, %arg8: memref<2x128xi32, #tpu.memory_space<vmem>>, %arg9: memref<2x128x128xf32, #tpu.memory_space<vmem>>, %arg10: memref<128xf32, #tpu.memory_space<vmem>>, %arg11: memref<656xf32, #tpu.memory_space<vmem>>, %arg12: memref<10256x128xf32, #tpu.memory_space<vmem_shared>>, %arg13: memref<10496xf32, #tpu.memory_space<vmem_shared>>, %arg14: memref<!tpu.dma_semaphore, #tpu.memory_space<semaphore_mem>>, %arg15: memref<!tpu.dma_semaphore, #tpu.memory_space<semaphore_mem>>, %arg16: memref<!tpu.dma_semaphore, #tpu.memory_space<semaphore_mem>>, %arg17: memref<!tpu.dma_semaphore, #tpu.memory_space<semaphore_mem>>, %arg18: memref<!tpu.dma_semaphore, #tpu.memory_space<semaphore_mem>>, %arg19: memref<!tpu.dma_semaphore, #tpu.memory_space<semaphore_mem>>) attributes {dimension_semantics = [#tpu.dimension_semantics<core_parallel>, #tpu.dimension_semantics<subcore_parallel>], iteration_bounds = array<i64: 2, 16>, scalar_prefetch = 0 : i64, scratch_operands = 14 : i64, tpu.core_type = #tpu.core_type<sc_vector_subcore>, window_params = [{transform_indices = #map}, {transform_indices = #map1}, {transform_indices = #map1}, {transform_indices = #map2}]} {
    %mul3A = arith.constant 16 : i32
    %mul3A_0 = arith.muli %arg0, %mul3A : i32
    %add3A = arith.addi %mul3A_0, %arg1 : i32
    %broadcast_in_dim3A = arith.constant 0.000000e+00 : f32
    %broadcast_in_dim3A_1 = vector.broadcast %broadcast_in_dim3A : f32 to vector<16xf32>
    "tpu.region"() ({
      %run_scoped3A = tpu.sem_alloc : memref<!tpu.dma_semaphore, #tpu.memory_space<semaphore_mem>>
      %dma_start3A_118 = arith.constant 0 : i32
      %dma_start3A_119 = arith.constant 0 : i32
      %dma_start3A_120 = tpu.memref_slice %arg3[%add3A, %dma_start3A_118, %dma_start3A_119] : memref<32x80x128xi32, #tpu.memory_space<hbm>> -> memref<1x80x128xi32, #tpu.memory_space<hbm>>
      %dma_start3A_121 = tpu.memref_squeeze %dma_start3A_120 : memref<1x80x128xi32, #tpu.memory_space<hbm>> -> memref<80x128xi32, #tpu.memory_space<hbm>>
      %dma_start3A_122 = arith.constant 0 : i32
      %dma_start3A_123 = arith.constant 0 : i32
      %dma_start3A_124 = tpu.memref_slice %arg3[%add3A, %dma_start3A_122, %dma_start3A_123] : memref<32x80x128xi32, #tpu.memory_space<hbm>> -> memref<1x80x128xi32, #tpu.memory_space<hbm>>
      %dma_start3A_125 = tpu.memref_squeeze %dma_start3A_124 : memref<1x80x128xi32, #tpu.memory_space<hbm>> -> memref<80x128xi32, #tpu.memory_space<hbm>>
      tpu.enqueue_dma source(%dma_start3A_125 : memref<80x128xi32, #tpu.memory_space<hbm>>) target(%arg6 : memref<80x128xi32, #tpu.memory_space<vmem>>) target_semaphore(%run_scoped3A : memref<!tpu.dma_semaphore, #tpu.memory_space<semaphore_mem>>)
      %dma_wait3A_126 = arith.constant 0 : i32
      %dma_wait3A_127 = arith.constant 0 : i32
      %dma_wait3A_128 = tpu.memref_slice %arg3[%add3A, %dma_wait3A_126, %dma_wait3A_127] : memref<32x80x128xi32, #tpu.memory_space<hbm>> -> memref<1x80x128xi32, #tpu.memory_space<hbm>>
      %dma_wait3A_129 = tpu.memref_squeeze %dma_wait3A_128 : memref<1x80x128xi32, #tpu.memory_space<hbm>> -> memref<80x128xi32, #tpu.memory_space<hbm>>
      %dma_wait3A_130 = arith.constant 0 : i32
      %dma_wait3A_131 = arith.constant 0 : i32
      %dma_wait3A_132 = tpu.memref_slice %arg3[%add3A, %dma_wait3A_130, %dma_wait3A_131] : memref<32x80x128xi32, #tpu.memory_space<hbm>> -> memref<1x80x128xi32, #tpu.memory_space<hbm>>
      %dma_wait3A_133 = tpu.memref_squeeze %dma_wait3A_132 : memref<1x80x128xi32, #tpu.memory_space<hbm>> -> memref<80x128xi32, #tpu.memory_space<hbm>>
      tpu.wait_dma2 semaphore(%run_scoped3A : memref<!tpu.dma_semaphore, #tpu.memory_space<semaphore_mem>>) src(%dma_wait3A_133 : memref<80x128xi32, #tpu.memory_space<hbm>>) dst(%arg6 : memref<80x128xi32, #tpu.memory_space<vmem>>)
      tpu.yield
    }) : () -> ()
    %scan3A = arith.constant 0 : i32
    %scan3A_2 = arith.constant 0 : i32
    %scan3A_3 = arith.constant 1024 : i32
    %scan3A_4 = arith.addi %scan3A_2, %scan3A_3 : i32
    %scan3A_5 = arith.constant 1 : i32
    %scan3A_6 = scf.for %scan3A_118 = %scan3A_2 to %scan3A_4 step %scan3A_5 iter_args(%scan3A_119 = %scan3A) -> (i32)  : i32 {
      %jit3A = arith.constant 8 : i32
      %div3A = arith.divsi %scan3A_118, %jit3A : i32
      %sign3A = arith.constant 0 : i32
      %sign3A_120 = arith.cmpi sgt, %scan3A_118, %sign3A : i32
      %sign3A_121 = arith.extui %sign3A_120 : i1 to i32
      %sign3A_122 = arith.constant 0 : i32
      %sign3A_123 = arith.cmpi slt, %scan3A_118, %sign3A_122 : i32
      %sign3A_124 = arith.extui %sign3A_123 : i1 to i32
      %sign3A_125 = arith.subi %sign3A_121, %sign3A_124 : i32
      %sign3A_126 = arith.constant 0 : i32
      %sign3A_127 = arith.cmpi sgt, %jit3A, %sign3A_126 : i32
      %sign3A_128 = arith.extui %sign3A_127 : i1 to i32
      %sign3A_129 = arith.constant 0 : i32
      %sign3A_130 = arith.cmpi slt, %jit3A, %sign3A_129 : i32
      %sign3A_131 = arith.extui %sign3A_130 : i1 to i32
      %sign3A_132 = arith.subi %sign3A_128, %sign3A_131 : i32
      %ne3A = arith.cmpi ne, %sign3A_125, %sign3A_132 : i32
      %rem3A = arith.remsi %scan3A_118, %jit3A : i32
      %ne3A_133 = arith.constant 0 : i32
      %ne3A_134 = arith.cmpi ne, %rem3A, %ne3A_133 : i32
      %and3A = arith.andi %ne3A, %ne3A_134 : i1
      %sub3A = arith.constant 1 : i32
      %sub3A_135 = arith.subi %div3A, %sub3A : i32
      %select_n3A = arith.select %and3A, %sub3A_135, %div3A : i32
      %jit3A_136 = arith.constant 8 : i32
      %eq3A = arith.constant 0 : i32
      %eq3A_137 = arith.cmpi eq, %jit3A_136, %eq3A : i32
      %jit3A_138 = arith.constant 1 : i32
      %select_n3A_139 = arith.select %eq3A_137, %jit3A_138, %jit3A_136 : i32
      %rem3A_140 = arith.remsi %scan3A_118, %select_n3A_139 : i32
      %ne3A_141 = arith.constant 0 : i32
      %ne3A_142 = arith.cmpi ne, %rem3A_140, %ne3A_141 : i32
      %lt3A_143 = arith.constant 0 : i32
      %lt3A_144 = arith.cmpi slt, %rem3A_140, %lt3A_143 : i32
      %lt3A_145 = arith.constant 0 : i32
      %lt3A_146 = arith.cmpi slt, %select_n3A_139, %lt3A_145 : i32
      %ne3A_147 = arith.xori %lt3A_144, %lt3A_146 : i1
      %and3A_148 = arith.andi %ne3A_147, %ne3A_142 : i1
      %add3A_149 = arith.addi %rem3A_140, %select_n3A_139 : i32
      %select_n3A_150 = arith.select %and3A_148, %add3A_149, %rem3A_140 : i32
      %mul3A_151 = arith.constant 16 : i32
      %mul3A_152 = arith.muli %select_n3A_150, %mul3A_151 : i32
      %swap3A = arith.constant 0 : i32
      %swap3A_153 = arith.index_cast %swap3A : i32 to index
      %swap3A_154 = arith.index_cast %select_n3A : i32 to index
      %swap3A_155 = arith.index_cast %mul3A_152 : i32 to index
      %swap3A_156 = tpu.vector_load %arg9[%swap3A_153, %swap3A_154, %swap3A_155] {strides = array<i32>} : memref<2x128x128xf32, #tpu.memory_space<vmem>>, vector<1x1x16xf32>,
      %swap3A_157 = vector.shape_cast %swap3A_156 : vector<1x1x16xf32> to vector<16xf32>
      %swap3A_158 = vector.shape_cast %broadcast_in_dim3A_1 : vector<16xf32> to vector<1x1x16xf32>
      tpu.vector_store %arg9[%swap3A_153, %swap3A_154, %swap3A_155], %swap3A_158 {strides = array<i32>} : memref<2x128x128xf32, #tpu.memory_space<vmem>>, vector<1x1x16xf32>,
      %scan3A_159 = arith.constant 0 : i32
      scf.yield %scan3A_159 : i32
    }
    %scan3A_7 = arith.constant 1024 : i32
    %scan3A_8 = arith.constant 0 : i32
    %scan3A_9 = arith.constant 0 : i32
    %scan3A_10 = arith.constant 41 : i32
    %scan3A_11 = arith.addi %scan3A_9, %scan3A_10 : i32
    %scan3A_12 = arith.constant 1 : i32
    %scan3A_13 = scf.for %scan3A_118 = %scan3A_9 to %scan3A_11 step %scan3A_12 iter_args(%scan3A_119 = %scan3A_8) -> (i32)  : i32 {
      %mul3A_120 = arith.constant 16 : i32
      %mul3A_121 = arith.muli %scan3A_118, %mul3A_120 : i32
      %swap3A = arith.index_cast %mul3A_121 : i32 to index
      %swap3A_122 = tpu.vector_load %arg11[%swap3A] {strides = array<i32>} : memref<656xf32, #tpu.memory_space<vmem>>, vector<16xf32>,
      %swap3A_123 = vector.shape_cast %swap3A_122 : vector<16xf32> to vector<16xf32>
      %swap3A_124 = vector.shape_cast %broadcast_in_dim3A_1 : vector<16xf32> to vector<16xf32>
      tpu.vector_store %arg11[%swap3A], %swap3A_124 {strides = array<i32>} : memref<656xf32, #tpu.memory_space<vmem>>, vector<16xf32>,
      %scan3A_125 = arith.constant 0 : i32
      scf.yield %scan3A_125 : i32
    }
    %scan3A_14 = arith.constant 41 : i32
    %scan3A_15 = arith.constant 0 : i32
    %scan3A_16 = arith.constant 0 : i32
    %scan3A_17 = arith.constant 8 : i32
    %scan3A_18 = arith.addi %scan3A_16, %scan3A_17 : i32
    %scan3A_19 = arith.constant 1 : i32
    %scan3A_20 = scf.for %scan3A_118 = %scan3A_16 to %scan3A_18 step %scan3A_19 iter_args(%scan3A_119 = %scan3A_15) -> (i32)  : i32 {
      %broadcast_in_dim3A_120 = arith.constant 1.000000e+00 : f32
      %broadcast_in_dim3A_121 = vector.broadcast %broadcast_in_dim3A_120 : f32 to vector<16xf32>
      %mul3A_122 = arith.constant 16 : i32
      %mul3A_123 = arith.muli %scan3A_118, %mul3A_122 : i32
      %swap3A = arith.index_cast %mul3A_123 : i32 to index
      %swap3A_124 = tpu.vector_load %arg10[%swap3A] {strides = array<i32>} : memref<128xf32, #tpu.memory_space<vmem>>, vector<16xf32>,
      %swap3A_125 = vector.shape_cast %swap3A_124 : vector<16xf32> to vector<16xf32>
      %swap3A_126 = vector.shape_cast %broadcast_in_dim3A_121 : vector<16xf32> to vector<16xf32>
      tpu.vector_store %arg10[%swap3A], %swap3A_126 {strides = array<i32>} : memref<128xf32, #tpu.memory_space<vmem>>, vector<16xf32>,
      %scan3A_127 = arith.constant 0 : i32
      scf.yield %scan3A_127 : i32
    }
    %scan3A_21 = arith.constant 8 : i32
    %lt3A = arith.constant 10 : i32
    %lt3A_22 = arith.cmpi slt, %arg1, %lt3A : i32
    %convert_element_type3A = arith.extui %lt3A_22 : i1 to i32
    %cond3A = arith.constant 0 : i32
    %cond3A_23 = arith.cmpi ne, %convert_element_type3A, %cond3A : i32
    scf.if %cond3A_23 {
      %mul3A_118 = arith.constant 1000 : i32
      %mul3A_119 = arith.muli %arg1, %mul3A_118 : i32
      %add3A_120 = arith.constant 0 : i32
      %add3A_121 = arith.addi %mul3A_119, %add3A_120 : i32
      %run_scoped3A = arith.constant 0 : i32
      "tpu.region"() ({
        %run_scoped3A_157 = tpu.sem_alloc : memref<!tpu.dma_semaphore, #tpu.memory_space<semaphore_mem>>
        %dma_start3A_158 = arith.constant 0 : i32
        %dma_start3A_159 = arith.constant 0 : i32
        %dma_start3A_160 = tpu.memref_slice %arg9[%run_scoped3A, %dma_start3A_158, %dma_start3A_159] : memref<2x128x128xf32, #tpu.memory_space<vmem>> -> memref<1x128x128xf32, #tpu.memory_space<vmem>>
        %dma_start3A_161 = tpu.memref_squeeze %dma_start3A_160 : memref<1x128x128xf32, #tpu.memory_space<vmem>> -> memref<128x128xf32, #tpu.memory_space<vmem>>
        %dma_start3A_162 = arith.constant 0 : i32
        %dma_start3A_163 = tpu.memref_slice %arg12[%add3A_121, %dma_start3A_162] : memref<10256x128xf32, #tpu.memory_space<vmem_shared>> -> memref<128x128xf32, #tpu.memory_space<vmem_shared>>
        %dma_start3A_164 = arith.constant 0 : i32
        %dma_start3A_165 = tpu.memref_slice %arg12[%add3A_121, %dma_start3A_164] : memref<10256x128xf32, #tpu.memory_space<vmem_shared>> -> memref<128x128xf32, #tpu.memory_space<vmem_shared>>
        %dma_start3A_166 = arith.constant 0 : i32
        %dma_start3A_167 = arith.constant 0 : i32
        %dma_start3A_168 = tpu.memref_slice %arg9[%run_scoped3A, %dma_start3A_166, %dma_start3A_167] : memref<2x128x128xf32, #tpu.memory_space<vmem>> -> memref<1x128x128xf32, #tpu.memory_space<vmem>>
        %dma_start3A_169 = tpu.memref_squeeze %dma_start3A_168 : memref<1x128x128xf32, #tpu.memory_space<vmem>> -> memref<128x128xf32, #tpu.memory_space<vmem>>
        tpu.enqueue_dma source(%dma_start3A_169 : memref<128x128xf32, #tpu.memory_space<vmem>>) target(%dma_start3A_165 : memref<128x128xf32, #tpu.memory_space<vmem_shared>>) target_semaphore(%run_scoped3A_157 : memref<!tpu.dma_semaphore, #tpu.memory_space<semaphore_mem>>)
        %dma_wait3A_170 = arith.constant 0 : i32
        %dma_wait3A_171 = arith.constant 0 : i32
        %dma_wait3A_172 = tpu.memref_slice %arg9[%run_scoped3A, %dma_wait3A_170, %dma_wait3A_171] : memref<2x128x128xf32, #tpu.memory_space<vmem>> -> memref<1x128x128xf32, #tpu.memory_space<vmem>>
        %dma_wait3A_173 = tpu.memref_squeeze %dma_wait3A_172 : memref<1x128x128xf32, #tpu.memory_space<vmem>> -> memref<128x128xf32, #tpu.memory_space<vmem>>
        %dma_wait3A_174 = arith.constant 0 : i32
        %dma_wait3A_175 = tpu.memref_slice %arg12[%add3A_121, %dma_wait3A_174] : memref<10256x128xf32, #tpu.memory_space<vmem_shared>> -> memref<128x128xf32, #tpu.memory_space<vmem_shared>>
        %dma_wait3A_176 = arith.constant 0 : i32
        %dma_wait3A_177 = tpu.memref_slice %arg12[%add3A_121, %dma_wait3A_176] : memref<10256x128xf32, #tpu.memory_space<vmem_shared>> -> memref<128x128xf32, #tpu.memory_space<vmem_shared>>
        %dma_wait3A_178 = arith.constant 0 : i32
        %dma_wait3A_179 = arith.constant 0 : i32
        %dma_wait3A_180 = tpu.memref_slice %arg9[%run_scoped3A, %dma_wait3A_178, %dma_wait3A_179] : memref<2x128x128xf32, #tpu.memory_space<vmem>> -> memref<1x128x128xf32, #tpu.memory_space<vmem>>
        %dma_wait3A_181 = tpu.memref_squeeze %dma_wait3A_180 : memref<1x128x128xf32, #tpu.memory_space<vmem>> -> memref<128x128xf32, #tpu.memory_space<vmem>>
        tpu.wait_dma2 semaphore(%run_scoped3A_157 : memref<!tpu.dma_semaphore, #tpu.memory_space<semaphore_mem>>) src(%dma_wait3A_181 : memref<128x128xf32, #tpu.memory_space<vmem>>) dst(%dma_wait3A_177 : memref<128x128xf32, #tpu.memory_space<vmem_shared>>)
        tpu.yield
      }) : () -> ()
      %mul3A_122 = arith.constant 1000 : i32
      %mul3A_123 = arith.muli %arg1, %mul3A_122 : i32
      %add3A_124 = arith.constant 128 : i32
      %add3A_125 = arith.addi %mul3A_123, %add3A_124 : i32
      %run_scoped3A_126 = arith.constant 0 : i32
      "tpu.region"() ({
        %run_scoped3A_157 = tpu.sem_alloc : memref<!tpu.dma_semaphore, #tpu.memory_space<semaphore_mem>>
        %dma_start3A_158 = arith.constant 0 : i32
        %dma_start3A_159 = arith.constant 0 : i32
        %dma_start3A_160 = tpu.memref_slice %arg9[%run_scoped3A_126, %dma_start3A_158, %dma_start3A_159] : memref<2x128x128xf32, #tpu.memory_space<vmem>> -> memref<1x128x128xf32, #tpu.memory_space<vmem>>
        %dma_start3A_161 = tpu.memref_squeeze %dma_start3A_160 : memref<1x128x128xf32, #tpu.memory_space<vmem>> -> memref<128x128xf32, #tpu.memory_space<vmem>>
        %dma_start3A_162 = arith.constant 0 : i32
        %dma_start3A_163 = tpu.memref_slice %arg12[%add3A_125, %dma_start3A_162] : memref<10256x128xf32, #tpu.memory_space<vmem_shared>> -> memref<128x128xf32, #tpu.memory_space<vmem_shared>>
        %dma_start3A_164 = arith.constant 0 : i32
        %dma_start3A_165 = tpu.memref_slice %arg12[%add3A_125, %dma_start3A_164] : memref<10256x128xf32, #tpu.memory_space<vmem_shared>> -> memref<128x128xf32, #tpu.memory_space<vmem_shared>>
        %dma_start3A_166 = arith.constant 0 : i32
        %dma_start3A_167 = arith.constant 0 : i32
        %dma_start3A_168 = tpu.memref_slice %arg9[%run_scoped3A_126, %dma_start3A_166, %dma_start3A_167] : memref<2x128x128xf32, #tpu.memory_space<vmem>> -> memref<1x128x128xf32, #tpu.memory_space<vmem>>
        %dma_start3A_169 = tpu.memref_squeeze %dma_start3A_168 : memref<1x128x128xf32, #tpu.memory_space<vmem>> -> memref<128x128xf32, #tpu.memory_space<vmem>>
        tpu.enqueue_dma source(%dma_start3A_169 : memref<128x128xf32, #tpu.memory_space<vmem>>) target(%dma_start3A_165 : memref<128x128xf32, #tpu.memory_space<vmem_shared>>) target_semaphore(%run_scoped3A_157 : memref<!tpu.dma_semaphore, #tpu.memory_space<semaphore_mem>>)
        %dma_wait3A_170 = arith.constant 0 : i32
        %dma_wait3A_171 = arith.constant 0 : i32
        %dma_wait3A_172 = tpu.memref_slice %arg9[%run_scoped3A_126, %dma_wait3A_170, %dma_wait3A_171] : memref<2x128x128xf32, #tpu.memory_space<vmem>> -> memref<1x128x128xf32, #tpu.memory_space<vmem>>
        %dma_wait3A_173 = tpu.memref_squeeze %dma_wait3A_172 : memref<1x128x128xf32, #tpu.memory_space<vmem>> -> memref<128x128xf32, #tpu.memory_space<vmem>>
        %dma_wait3A_174 = arith.constant 0 : i32
        %dma_wait3A_175 = tpu.memref_slice %arg12[%add3A_125, %dma_wait3A_174] : memref<10256x128xf32, #tpu.memory_space<vmem_shared>> -> memref<128x128xf32, #tpu.memory_space<vmem_shared>>
        %dma_wait3A_176 = arith.constant 0 : i32
        %dma_wait3A_177 = tpu.memref_slice %arg12[%add3A_125, %dma_wait3A_176] : memref<10256x128xf32, #tpu.memory_space<vmem_shared>> -> memref<128x128xf32, #tpu.memory_space<vmem_shared>>
        %dma_wait3A_178 = arith.constant 0 : i32
        %dma_wait3A_179 = arith.constant 0 : i32
        %dma_wait3A_180 = tpu.memref_slice %arg9[%run_scoped3A_126, %dma_wait3A_178, %dma_wait3A_179] : memref<2x128x128xf32, #tpu.memory_space<vmem>> -> memref<1x128x128xf32, #tpu.memory_space<vmem>>
        %dma_wait3A_181 = tpu.memref_squeeze %dma_wait3A_180 : memref<1x128x128xf32, #tpu.memory_space<vmem>> -> memref<128x128xf32, #tpu.memory_space<vmem>>
        tpu.wait_dma2 semaphore(%run_scoped3A_157 : memref<!tpu.dma_semaphore, #tpu.memory_space<semaphore_mem>>) src(%dma_wait3A_181 : memref<128x128xf32, #tpu.memory_space<vmem>>) dst(%dma_wait3A_177 : memref<128x128xf32, #tpu.memory_space<vmem_shared>>)
        tpu.yield
      }) : () -> ()
      %mul3A_127 = arith.constant 1000 : i32
      %mul3A_128 = arith.muli %arg1, %mul3A_127 : i32
      %add3A_129 = arith.constant 256 : i32
      %add3A_130 = arith.addi %mul3A_128, %add3A_129 : i32
      %run_scoped3A_131 = arith.constant 0 : i32
      "tpu.region"() ({
        %run_scoped3A_157 = tpu.sem_alloc : memref<!tpu.dma_semaphore, #tpu.memory_space<semaphore_mem>>
        %dma_start3A_158 = arith.constant 0 : i32
        %dma_start3A_159 = arith.constant 0 : i32
        %dma_start3A_160 = tpu.memref_slice %arg9[%run_scoped3A_131, %dma_start3A_158, %dma_start3A_159] : memref<2x128x128xf32, #tpu.memory_space<vmem>> -> memref<1x128x128xf32, #tpu.memory_space<vmem>>
        %dma_start3A_161 = tpu.memref_squeeze %dma_start3A_160 : memref<1x128x128xf32, #tpu.memory_space<vmem>> -> memref<128x128xf32, #tpu.memory_space<vmem>>
        %dma_start3A_162 = arith.constant 0 : i32
        %dma_start3A_163 = tpu.memref_slice %arg12[%add3A_130, %dma_start3A_162] : memref<10256x128xf32, #tpu.memory_space<vmem_shared>> -> memref<128x128xf32, #tpu.memory_space<vmem_shared>>
        %dma_start3A_164 = arith.constant 0 : i32
        %dma_start3A_165 = tpu.memref_slice %arg12[%add3A_130, %dma_start3A_164] : memref<10256x128xf32, #tpu.memory_space<vmem_shared>> -> memref<128x128xf32, #tpu.memory_space<vmem_shared>>
        %dma_start3A_166 = arith.constant 0 : i32
        %dma_start3A_167 = arith.constant 0 : i32
        %dma_start3A_168 = tpu.memref_slice %arg9[%run_scoped3A_131, %dma_start3A_166, %dma_start3A_167] : memref<2x128x128xf32, #tpu.memory_space<vmem>> -> memref<1x128x128xf32, #tpu.memory_space<vmem>>
        %dma_start3A_169 = tpu.memref_squeeze %dma_start3A_168 : memref<1x128x128xf32, #tpu.memory_space<vmem>> -> memref<128x128xf32, #tpu.memory_space<vmem>>
        tpu.enqueue_dma source(%dma_start3A_169 : memref<128x128xf32, #tpu.memory_space<vmem>>) target(%dma_start3A_165 : memref<128x128xf32, #tpu.memory_space<vmem_shared>>) target_semaphore(%run_scoped3A_157 : memref<!tpu.dma_semaphore, #tpu.memory_space<semaphore_mem>>)
        %dma_wait3A_170 = arith.constant 0 : i32
        %dma_wait3A_171 = arith.constant 0 : i32
        %dma_wait3A_172 = tpu.memref_slice %arg9[%run_scoped3A_131, %dma_wait3A_170, %dma_wait3A_171] : memref<2x128x128xf32, #tpu.memory_space<vmem>> -> memref<1x128x128xf32, #tpu.memory_space<vmem>>
        %dma_wait3A_173 = tpu.memref_squeeze %dma_wait3A_172 : memref<1x128x128xf32, #tpu.memory_space<vmem>> -> memref<128x128xf32, #tpu.memory_space<vmem>>
        %dma_wait3A_174 = arith.constant 0 : i32
        %dma_wait3A_175 = tpu.memref_slice %arg12[%add3A_130, %dma_wait3A_174] : memref<10256x128xf32, #tpu.memory_space<vmem_shared>> -> memref<128x128xf32, #tpu.memory_space<vmem_shared>>
        %dma_wait3A_176 = arith.constant 0 : i32
        %dma_wait3A_177 = tpu.memref_slice %arg12[%add3A_130, %dma_wait3A_176] : memref<10256x128xf32, #tpu.memory_space<vmem_shared>> -> memref<128x128xf32, #tpu.memory_space<vmem_shared>>
        %dma_wait3A_178 = arith.constant 0 : i32
        %dma_wait3A_179 = arith.constant 0 : i32
        %dma_wait3A_180 = tpu.memref_slice %arg9[%run_scoped3A_131, %dma_wait3A_178, %dma_wait3A_179] : memref<2x128x128xf32, #tpu.memory_space<vmem>> -> memref<1x128x128xf32, #tpu.memory_space<vmem>>
        %dma_wait3A_181 = tpu.memref_squeeze %dma_wait3A_180 : memref<1x128x128xf32, #tpu.memory_space<vmem>> -> memref<128x128xf32, #tpu.memory_space<vmem>>
        tpu.wait_dma2 semaphore(%run_scoped3A_157 : memref<!tpu.dma_semaphore, #tpu.memory_space<semaphore_mem>>) src(%dma_wait3A_181 : memref<128x128xf32, #tpu.memory_space<vmem>>) dst(%dma_wait3A_177 : memref<128x128xf32, #tpu.memory_space<vmem_shared>>)
        tpu.yield
      }) : () -> ()
      %mul3A_132 = arith.constant 1000 : i32
      %mul3A_133 = arith.muli %arg1, %mul3A_132 : i32
      %add3A_134 = arith.constant 384 : i32
      %add3A_135 = arith.addi %mul3A_133, %add3A_134 : i32
      %run_scoped3A_136 = arith.constant 0 : i32
      "tpu.region"() ({
        %run_scoped3A_157 = tpu.sem_alloc : memref<!tpu.dma_semaphore, #tpu.memory_space<semaphore_mem>>
        %dma_start3A_158 = arith.constant 0 : i32
        %dma_start3A_159 = arith.constant 0 : i32
        %dma_start3A_160 = tpu.memref_slice %arg9[%run_scoped3A_136, %dma_start3A_158, %dma_start3A_159] : memref<2x128x128xf32, #tpu.memory_space<vmem>> -> memref<1x128x128xf32, #tpu.memory_space<vmem>>
        %dma_start3A_161 = tpu.memref_squeeze %dma_start3A_160 : memref<1x128x128xf32, #tpu.memory_space<vmem>> -> memref<128x128xf32, #tpu.memory_space<vmem>>
        %dma_start3A_162 = arith.constant 0 : i32
        %dma_start3A_163 = tpu.memref_slice %arg12[%add3A_135, %dma_start3A_162] : memref<10256x128xf32, #tpu.memory_space<vmem_shared>> -> memref<128x128xf32, #tpu.memory_space<vmem_shared>>
        %dma_start3A_164 = arith.constant 0 : i32
        %dma_start3A_165 = tpu.memref_slice %arg12[%add3A_135, %dma_start3A_164] : memref<10256x128xf32, #tpu.memory_space<vmem_shared>> -> memref<128x128xf32, #tpu.memory_space<vmem_shared>>
        %dma_start3A_166 = arith.constant 0 : i32
        %dma_start3A_167 = arith.constant 0 : i32
        %dma_start3A_168 = tpu.memref_slice %arg9[%run_scoped3A_136, %dma_start3A_166, %dma_start3A_167] : memref<2x128x128xf32, #tpu.memory_space<vmem>> -> memref<1x128x128xf32, #tpu.memory_space<vmem>>
        %dma_start3A_169 = tpu.memref_squeeze %dma_start3A_168 : memref<1x128x128xf32, #tpu.memory_space<vmem>> -> memref<128x128xf32, #tpu.memory_space<vmem>>
        tpu.enqueue_dma source(%dma_start3A_169 : memref<128x128xf32, #tpu.memory_space<vmem>>) target(%dma_start3A_165 : memref<128x128xf32, #tpu.memory_space<vmem_shared>>) target_semaphore(%run_scoped3A_157 : memref<!tpu.dma_semaphore, #tpu.memory_space<semaphore_mem>>)
        %dma_wait3A_170 = arith.constant 0 : i32
        %dma_wait3A_171 = arith.constant 0 : i32
        %dma_wait3A_172 = tpu.memref_slice %arg9[%run_scoped3A_136, %dma_wait3A_170, %dma_wait3A_171] : memref<2x128x128xf32, #tpu.memory_space<vmem>> -> memref<1x128x128xf32, #tpu.memory_space<vmem>>
        %dma_wait3A_173 = tpu.memref_squeeze %dma_wait3A_172 : memref<1x128x128xf32, #tpu.memory_space<vmem>> -> memref<128x128xf32, #tpu.memory_space<vmem>>
        %dma_wait3A_174 = arith.constant 0 : i32
        %dma_wait3A_175 = tpu.memref_slice %arg12[%add3A_135, %dma_wait3A_174] : memref<10256x128xf32, #tpu.memory_space<vmem_shared>> -> memref<128x128xf32, #tpu.memory_space<vmem_shared>>
        %dma_wait3A_176 = arith.constant 0 : i32
        %dma_wait3A_177 = tpu.memref_slice %arg12[%add3A_135, %dma_wait3A_176] : memref<10256x128xf32, #tpu.memory_space<vmem_shared>> -> memref<128x128xf32, #tpu.memory_space<vmem_shared>>
        %dma_wait3A_178 = arith.constant 0 : i32
        %dma_wait3A_179 = arith.constant 0 : i32
        %dma_wait3A_180 = tpu.memref_slice %arg9[%run_scoped3A_136, %dma_wait3A_178, %dma_wait3A_179] : memref<2x128x128xf32, #tpu.memory_space<vmem>> -> memref<1x128x128xf32, #tpu.memory_space<vmem>>
        %dma_wait3A_181 = tpu.memref_squeeze %dma_wait3A_180 : memref<1x128x128xf32, #tpu.memory_space<vmem>> -> memref<128x128xf32, #tpu.memory_space<vmem>>
        tpu.wait_dma2 semaphore(%run_scoped3A_157 : memref<!tpu.dma_semaphore, #tpu.memory_space<semaphore_mem>>) src(%dma_wait3A_181 : memref<128x128xf32, #tpu.memory_space<vmem>>) dst(%dma_wait3A_177 : memref<128x128xf32, #tpu.memory_space<vmem_shared>>)
        tpu.yield
      }) : () -> ()
      %mul3A_137 = arith.constant 1000 : i32
      %mul3A_138 = arith.muli %arg1, %mul3A_137 : i32
      %add3A_139 = arith.constant 512 : i32
      %add3A_140 = arith.addi %mul3A_138, %add3A_139 : i32
      %run_scoped3A_141 = arith.constant 0 : i32
      "tpu.region"() ({
        %run_scoped3A_157 = tpu.sem_alloc : memref<!tpu.dma_semaphore, #tpu.memory_space<semaphore_mem>>
        %dma_start3A_158 = arith.constant 0 : i32
        %dma_start3A_159 = arith.constant 0 : i32
        %dma_start3A_160 = tpu.memref_slice %arg9[%run_scoped3A_141, %dma_start3A_158, %dma_start3A_159] : memref<2x128x128xf32, #tpu.memory_space<vmem>> -> memref<1x128x128xf32, #tpu.memory_space<vmem>>
        %dma_start3A_161 = tpu.memref_squeeze %dma_start3A_160 : memref<1x128x128xf32, #tpu.memory_space<vmem>> -> memref<128x128xf32, #tpu.memory_space<vmem>>
        %dma_start3A_162 = arith.constant 0 : i32
        %dma_start3A_163 = tpu.memref_slice %arg12[%add3A_140, %dma_start3A_162] : memref<10256x128xf32, #tpu.memory_space<vmem_shared>> -> memref<128x128xf32, #tpu.memory_space<vmem_shared>>
        %dma_start3A_164 = arith.constant 0 : i32
        %dma_start3A_165 = tpu.memref_slice %arg12[%add3A_140, %dma_start3A_164] : memref<10256x128xf32, #tpu.memory_space<vmem_shared>> -> memref<128x128xf32, #tpu.memory_space<vmem_shared>>
        %dma_start3A_166 = arith.constant 0 : i32
        %dma_start3A_167 = arith.constant 0 : i32
        %dma_start3A_168 = tpu.memref_slice %arg9[%run_scoped3A_141, %dma_start3A_166, %dma_start3A_167] : memref<2x128x128xf32, #tpu.memory_space<vmem>> -> memref<1x128x128xf32, #tpu.memory_space<vmem>>
        %dma_start3A_169 = tpu.memref_squeeze %dma_start3A_168 : memref<1x128x128xf32, #tpu.memory_space<vmem>> -> memref<128x128xf32, #tpu.memory_space<vmem>>
        tpu.enqueue_dma source(%dma_start3A_169 : memref<128x128xf32, #tpu.memory_space<vmem>>) target(%dma_start3A_165 : memref<128x128xf32, #tpu.memory_space<vmem_shared>>) target_semaphore(%run_scoped3A_157 : memref<!tpu.dma_semaphore, #tpu.memory_space<semaphore_mem>>)
        %dma_wait3A_170 = arith.constant 0 : i32
        %dma_wait3A_171 = arith.constant 0 : i32
        %dma_wait3A_172 = tpu.memref_slice %arg9[%run_scoped3A_141, %dma_wait3A_170, %dma_wait3A_171] : memref<2x128x128xf32, #tpu.memory_space<vmem>> -> memref<1x128x128xf32, #tpu.memory_space<vmem>>
        %dma_wait3A_173 = tpu.memref_squeeze %dma_wait3A_172 : memref<1x128x128xf32, #tpu.memory_space<vmem>> -> memref<128x128xf32, #tpu.memory_space<vmem>>
        %dma_wait3A_174 = arith.constant 0 : i32
        %dma_wait3A_175 = tpu.memref_slice %arg12[%add3A_140, %dma_wait3A_174] : memref<10256x128xf32, #tpu.memory_space<vmem_shared>> -> memref<128x128xf32, #tpu.memory_space<vmem_shared>>
        %dma_wait3A_176 = arith.constant 0 : i32
        %dma_wait3A_177 = tpu.memref_slice %arg12[%add3A_140, %dma_wait3A_176] : memref<10256x128xf32, #tpu.memory_space<vmem_shared>> -> memref<128x128xf32, #tpu.memory_space<vmem_shared>>
        %dma_wait3A_178 = arith.constant 0 : i32
        %dma_wait3A_179 = arith.constant 0 : i32
        %dma_wait3A_180 = tpu.memref_slice %arg9[%run_scoped3A_141, %dma_wait3A_178, %dma_wait3A_179] : memref<2x128x128xf32, #tpu.memory_space<vmem>> -> memref<1x128x128xf32, #tpu.memory_space<vmem>>
        %dma_wait3A_181 = tpu.memref_squeeze %dma_wait3A_180 : memref<1x128x128xf32, #tpu.memory_space<vmem>> -> memref<128x128xf32, #tpu.memory_space<vmem>>
        tpu.wait_dma2 semaphore(%run_scoped3A_157 : memref<!tpu.dma_semaphore, #tpu.memory_space<semaphore_mem>>) src(%dma_wait3A_181 : memref<128x128xf32, #tpu.memory_space<vmem>>) dst(%dma_wait3A_177 : memref<128x128xf32, #tpu.memory_space<vmem_shared>>)
        tpu.yield
      }) : () -> ()
      %mul3A_142 = arith.constant 1000 : i32
      %mul3A_143 = arith.muli %arg1, %mul3A_142 : i32
      %add3A_144 = arith.constant 640 : i32
      %add3A_145 = arith.addi %mul3A_143, %add3A_144 : i32
      %run_scoped3A_146 = arith.constant 0 : i32
      "tpu.region"() ({
        %run_scoped3A_157 = tpu.sem_alloc : memref<!tpu.dma_semaphore, #tpu.memory_space<semaphore_mem>>
        %dma_start3A_158 = arith.constant 0 : i32
        %dma_start3A_159 = arith.constant 0 : i32
        %dma_start3A_160 = tpu.memref_slice %arg9[%run_scoped3A_146, %dma_start3A_158, %dma_start3A_159] : memref<2x128x128xf32, #tpu.memory_space<vmem>> -> memref<1x128x128xf32, #tpu.memory_space<vmem>>
        %dma_start3A_161 = tpu.memref_squeeze %dma_start3A_160 : memref<1x128x128xf32, #tpu.memory_space<vmem>> -> memref<128x128xf32, #tpu.memory_space<vmem>>
        %dma_start3A_162 = arith.constant 0 : i32
        %dma_start3A_163 = tpu.memref_slice %arg12[%add3A_145, %dma_start3A_162] : memref<10256x128xf32, #tpu.memory_space<vmem_shared>> -> memref<128x128xf32, #tpu.memory_space<vmem_shared>>
        %dma_start3A_164 = arith.constant 0 : i32
        %dma_start3A_165 = tpu.memref_slice %arg12[%add3A_145, %dma_start3A_164] : memref<10256x128xf32, #tpu.memory_space<vmem_shared>> -> memref<128x128xf32, #tpu.memory_space<vmem_shared>>
        %dma_start3A_166 = arith.constant 0 : i32
        %dma_start3A_167 = arith.constant 0 : i32
        %dma_start3A_168 = tpu.memref_slice %arg9[%run_scoped3A_146, %dma_start3A_166, %dma_start3A_167] : memref<2x128x128xf32, #tpu.memory_space<vmem>> -> memref<1x128x128xf32, #tpu.memory_space<vmem>>
        %dma_start3A_169 = tpu.memref_squeeze %dma_start3A_168 : memref<1x128x128xf32, #tpu.memory_space<vmem>> -> memref<128x128xf32, #tpu.memory_space<vmem>>
        tpu.enqueue_dma source(%dma_start3A_169 : memref<128x128xf32, #tpu.memory_space<vmem>>) target(%dma_start3A_165 : memref<128x128xf32, #tpu.memory_space<vmem_shared>>) target_semaphore(%run_scoped3A_157 : memref<!tpu.dma_semaphore, #tpu.memory_space<semaphore_mem>>)
        %dma_wait3A_170 = arith.constant 0 : i32
        %dma_wait3A_171 = arith.constant 0 : i32
        %dma_wait3A_172 = tpu.memref_slice %arg9[%run_scoped3A_146, %dma_wait3A_170, %dma_wait3A_171] : memref<2x128x128xf32, #tpu.memory_space<vmem>> -> memref<1x128x128xf32, #tpu.memory_space<vmem>>
        %dma_wait3A_173 = tpu.memref_squeeze %dma_wait3A_172 : memref<1x128x128xf32, #tpu.memory_space<vmem>> -> memref<128x128xf32, #tpu.memory_space<vmem>>
        %dma_wait3A_174 = arith.constant 0 : i32
        %dma_wait3A_175 = tpu.memref_slice %arg12[%add3A_145, %dma_wait3A_174] : memref<10256x128xf32, #tpu.memory_space<vmem_shared>> -> memref<128x128xf32, #tpu.memory_space<vmem_shared>>
        %dma_wait3A_176 = arith.constant 0 : i32
        %dma_wait3A_177 = tpu.memref_slice %arg12[%add3A_145, %dma_wait3A_176] : memref<10256x128xf32, #tpu.memory_space<vmem_shared>> -> memref<128x128xf32, #tpu.memory_space<vmem_shared>>
        %dma_wait3A_178 = arith.constant 0 : i32
        %dma_wait3A_179 = arith.constant 0 : i32
        %dma_wait3A_180 = tpu.memref_slice %arg9[%run_scoped3A_146, %dma_wait3A_178, %dma_wait3A_179] : memref<2x128x128xf32, #tpu.memory_space<vmem>> -> memref<1x128x128xf32, #tpu.memory_space<vmem>>
        %dma_wait3A_181 = tpu.memref_squeeze %dma_wait3A_180 : memref<1x128x128xf32, #tpu.memory_space<vmem>> -> memref<128x128xf32, #tpu.memory_space<vmem>>
        tpu.wait_dma2 semaphore(%run_scoped3A_157 : memref<!tpu.dma_semaphore, #tpu.memory_space<semaphore_mem>>) src(%dma_wait3A_181 : memref<128x128xf32, #tpu.memory_space<vmem>>) dst(%dma_wait3A_177 : memref<128x128xf32, #tpu.memory_space<vmem_shared>>)
        tpu.yield
      }) : () -> ()
      %mul3A_147 = arith.constant 1000 : i32
      %mul3A_148 = arith.muli %arg1, %mul3A_147 : i32
      %add3A_149 = arith.constant 768 : i32
      %add3A_150 = arith.addi %mul3A_148, %add3A_149 : i32
      %run_scoped3A_151 = arith.constant 0 : i32
      "tpu.region"() ({
        %run_scoped3A_157 = tpu.sem_alloc : memref<!tpu.dma_semaphore, #tpu.memory_space<semaphore_mem>>
        %dma_start3A_158 = arith.constant 0 : i32
        %dma_start3A_159 = arith.constant 0 : i32
        %dma_start3A_160 = tpu.memref_slice %arg9[%run_scoped3A_151, %dma_start3A_158, %dma_start3A_159] : memref<2x128x128xf32, #tpu.memory_space<vmem>> -> memref<1x128x128xf32, #tpu.memory_space<vmem>>
        %dma_start3A_161 = tpu.memref_squeeze %dma_start3A_160 : memref<1x128x128xf32, #tpu.memory_space<vmem>> -> memref<128x128xf32, #tpu.memory_space<vmem>>
        %dma_start3A_162 = arith.constant 0 : i32
        %dma_start3A_163 = tpu.memref_slice %arg12[%add3A_150, %dma_start3A_162] : memref<10256x128xf32, #tpu.memory_space<vmem_shared>> -> memref<128x128xf32, #tpu.memory_space<vmem_shared>>
        %dma_start3A_164 = arith.constant 0 : i32
        %dma_start3A_165 = tpu.memref_slice %arg12[%add3A_150, %dma_start3A_164] : memref<10256x128xf32, #tpu.memory_space<vmem_shared>> -> memref<128x128xf32, #tpu.memory_space<vmem_shared>>
        %dma_start3A_166 = arith.constant 0 : i32
        %dma_start3A_167 = arith.constant 0 : i32
        %dma_start3A_168 = tpu.memref_slice %arg9[%run_scoped3A_151, %dma_start3A_166, %dma_start3A_167] : memref<2x128x128xf32, #tpu.memory_space<vmem>> -> memref<1x128x128xf32, #tpu.memory_space<vmem>>
        %dma_start3A_169 = tpu.memref_squeeze %dma_start3A_168 : memref<1x128x128xf32, #tpu.memory_space<vmem>> -> memref<128x128xf32, #tpu.memory_space<vmem>>
        tpu.enqueue_dma source(%dma_start3A_169 : memref<128x128xf32, #tpu.memory_space<vmem>>) target(%dma_start3A_165 : memref<128x128xf32, #tpu.memory_space<vmem_shared>>) target_semaphore(%run_scoped3A_157 : memref<!tpu.dma_semaphore, #tpu.memory_space<semaphore_mem>>)
        %dma_wait3A_170 = arith.constant 0 : i32
        %dma_wait3A_171 = arith.constant 0 : i32
        %dma_wait3A_172 = tpu.memref_slice %arg9[%run_scoped3A_151, %dma_wait3A_170, %dma_wait3A_171] : memref<2x128x128xf32, #tpu.memory_space<vmem>> -> memref<1x128x128xf32, #tpu.memory_space<vmem>>
        %dma_wait3A_173 = tpu.memref_squeeze %dma_wait3A_172 : memref<1x128x128xf32, #tpu.memory_space<vmem>> -> memref<128x128xf32, #tpu.memory_space<vmem>>
        %dma_wait3A_174 = arith.constant 0 : i32
        %dma_wait3A_175 = tpu.memref_slice %arg12[%add3A_150, %dma_wait3A_174] : memref<10256x128xf32, #tpu.memory_space<vmem_shared>> -> memref<128x128xf32, #tpu.memory_space<vmem_shared>>
        %dma_wait3A_176 = arith.constant 0 : i32
        %dma_wait3A_177 = tpu.memref_slice %arg12[%add3A_150, %dma_wait3A_176] : memref<10256x128xf32, #tpu.memory_space<vmem_shared>> -> memref<128x128xf32, #tpu.memory_space<vmem_shared>>
        %dma_wait3A_178 = arith.constant 0 : i32
        %dma_wait3A_179 = arith.constant 0 : i32
        %dma_wait3A_180 = tpu.memref_slice %arg9[%run_scoped3A_151, %dma_wait3A_178, %dma_wait3A_179] : memref<2x128x128xf32, #tpu.memory_space<vmem>> -> memref<1x128x128xf32, #tpu.memory_space<vmem>>
        %dma_wait3A_181 = tpu.memref_squeeze %dma_wait3A_180 : memref<1x128x128xf32, #tpu.memory_space<vmem>> -> memref<128x128xf32, #tpu.memory_space<vmem>>
        tpu.wait_dma2 semaphore(%run_scoped3A_157 : memref<!tpu.dma_semaphore, #tpu.memory_space<semaphore_mem>>) src(%dma_wait3A_181 : memref<128x128xf32, #tpu.memory_space<vmem>>) dst(%dma_wait3A_177 : memref<128x128xf32, #tpu.memory_space<vmem_shared>>)
        tpu.yield
      }) : () -> ()
      %mul3A_152 = arith.constant 1000 : i32
      %mul3A_153 = arith.muli %arg1, %mul3A_152 : i32
      %add3A_154 = arith.constant 896 : i32
      %add3A_155 = arith.addi %mul3A_153, %add3A_154 : i32
      %run_scoped3A_156 = arith.constant 0 : i32
      "tpu.region"() ({
        %run_scoped3A_157 = tpu.sem_alloc : memref<!tpu.dma_semaphore, #tpu.memory_space<semaphore_mem>>
        %dma_start3A_158 = arith.constant 0 : i32
        %dma_start3A_159 = arith.constant 0 : i32
        %dma_start3A_160 = tpu.memref_slice %arg9[%run_scoped3A_156, %dma_start3A_158, %dma_start3A_159] : memref<2x128x128xf32, #tpu.memory_space<vmem>> -> memref<1x104x128xf32, #tpu.memory_space<vmem>>
        %dma_start3A_161 = tpu.memref_squeeze %dma_start3A_160 : memref<1x104x128xf32, #tpu.memory_space<vmem>> -> memref<104x128xf32, #tpu.memory_space<vmem>>
        %dma_start3A_162 = arith.constant 0 : i32
        %dma_start3A_163 = tpu.memref_slice %arg12[%add3A_155, %dma_start3A_162] : memref<10256x128xf32, #tpu.memory_space<vmem_shared>> -> memref<104x128xf32, #tpu.memory_space<vmem_shared>>
        %dma_start3A_164 = arith.constant 0 : i32
        %dma_start3A_165 = tpu.memref_slice %arg12[%add3A_155, %dma_start3A_164] : memref<10256x128xf32, #tpu.memory_space<vmem_shared>> -> memref<104x128xf32, #tpu.memory_space<vmem_shared>>
        %dma_start3A_166 = arith.constant 0 : i32
        %dma_start3A_167 = arith.constant 0 : i32
        %dma_start3A_168 = tpu.memref_slice %arg9[%run_scoped3A_156, %dma_start3A_166, %dma_start3A_167] : memref<2x128x128xf32, #tpu.memory_space<vmem>> -> memref<1x104x128xf32, #tpu.memory_space<vmem>>
        %dma_start3A_169 = tpu.memref_squeeze %dma_start3A_168 : memref<1x104x128xf32, #tpu.memory_space<vmem>> -> memref<104x128xf32, #tpu.memory_space<vmem>>
        tpu.enqueue_dma source(%dma_start3A_169 : memref<104x128xf32, #tpu.memory_space<vmem>>) target(%dma_start3A_165 : memref<104x128xf32, #tpu.memory_space<vmem_shared>>) target_semaphore(%run_scoped3A_157 : memref<!tpu.dma_semaphore, #tpu.memory_space<semaphore_mem>>)
        %dma_wait3A_170 = arith.constant 0 : i32
        %dma_wait3A_171 = arith.constant 0 : i32
        %dma_wait3A_172 = tpu.memref_slice %arg9[%run_scoped3A_156, %dma_wait3A_170, %dma_wait3A_171] : memref<2x128x128xf32, #tpu.memory_space<vmem>> -> memref<1x104x128xf32, #tpu.memory_space<vmem>>
        %dma_wait3A_173 = tpu.memref_squeeze %dma_wait3A_172 : memref<1x104x128xf32, #tpu.memory_space<vmem>> -> memref<104x128xf32, #tpu.memory_space<vmem>>
        %dma_wait3A_174 = arith.constant 0 : i32
        %dma_wait3A_175 = tpu.memref_slice %arg12[%add3A_155, %dma_wait3A_174] : memref<10256x128xf32, #tpu.memory_space<vmem_shared>> -> memref<104x128xf32, #tpu.memory_space<vmem_shared>>
        %dma_wait3A_176 = arith.constant 0 : i32
        %dma_wait3A_177 = tpu.memref_slice %arg12[%add3A_155, %dma_wait3A_176] : memref<10256x128xf32, #tpu.memory_space<vmem_shared>> -> memref<104x128xf32, #tpu.memory_space<vmem_shared>>
        %dma_wait3A_178 = arith.constant 0 : i32
        %dma_wait3A_179 = arith.constant 0 : i32
        %dma_wait3A_180 = tpu.memref_slice %arg9[%run_scoped3A_156, %dma_wait3A_178, %dma_wait3A_179] : memref<2x128x128xf32, #tpu.memory_space<vmem>> -> memref<1x104x128xf32, #tpu.memory_space<vmem>>
        %dma_wait3A_181 = tpu.memref_squeeze %dma_wait3A_180 : memref<1x104x128xf32, #tpu.memory_space<vmem>> -> memref<104x128xf32, #tpu.memory_space<vmem>>
        tpu.wait_dma2 semaphore(%run_scoped3A_157 : memref<!tpu.dma_semaphore, #tpu.memory_space<semaphore_mem>>) src(%dma_wait3A_181 : memref<104x128xf32, #tpu.memory_space<vmem>>) dst(%dma_wait3A_177 : memref<104x128xf32, #tpu.memory_space<vmem_shared>>)
        tpu.yield
      }) : () -> ()
    } else {
    }
    %mul3A_24 = arith.constant 656 : i32
    %mul3A_25 = arith.muli %arg1, %mul3A_24 : i32
    "tpu.region"() ({
      %run_scoped3A = tpu.sem_alloc : memref<!tpu.dma_semaphore, #tpu.memory_space<semaphore_mem>>
      %dma_start3A_118 = tpu.memref_slice %arg13[%mul3A_25] : memref<10496xf32, #tpu.memory_space<vmem_shared>> -> memref<656xf32, #tpu.memory_space<vmem_shared>>
      %dma_start3A_119 = tpu.memref_slice %arg13[%mul3A_25] : memref<10496xf32, #tpu.memory_space<vmem_shared>> -> memref<656xf32, #tpu.memory_space<vmem_shared>>
      tpu.enqueue_dma source(%arg11 : memref<656xf32, #tpu.memory_space<vmem>>) target(%dma_start3A_119 : memref<656xf32, #tpu.memory_space<vmem_shared>>) target_semaphore(%run_scoped3A : memref<!tpu.dma_semaphore, #tpu.memory_space<semaphore_mem>>)
      %dma_wait3A_120 = tpu.memref_slice %arg13[%mul3A_25] : memref<10496xf32, #tpu.memory_space<vmem_shared>> -> memref<656xf32, #tpu.memory_space<vmem_shared>>
      %dma_wait3A_121 = tpu.memref_slice %arg13[%mul3A_25] : memref<10496xf32, #tpu.memory_space<vmem_shared>> -> memref<656xf32, #tpu.memory_space<vmem_shared>>
      tpu.wait_dma2 semaphore(%run_scoped3A : memref<!tpu.dma_semaphore, #tpu.memory_space<semaphore_mem>>) src(%arg11 : memref<656xf32, #tpu.memory_space<vmem>>) dst(%dma_wait3A_121 : memref<656xf32, #tpu.memory_space<vmem_shared>>)
      tpu.yield
    }) : () -> ()
    %scan3A_26 = arith.constant 0 : i32
    %scan3A_27 = arith.constant 0 : i32
    %scan3A_28 = arith.constant 8 : i32
    %scan3A_29 = arith.addi %scan3A_27, %scan3A_28 : i32
    %scan3A_30 = arith.constant 1 : i32
    %scan3A_31 = scf.for %scan3A_118 = %scan3A_27 to %scan3A_29 step %scan3A_30 iter_args(%scan3A_119 = %scan3A_26) -> (i32)  : i32 {
      %mul3A_120 = arith.constant 16 : i32
      %mul3A_121 = arith.muli %scan3A_118, %mul3A_120 : i32
      %get3A = arith.constant 0 : i32
      %get3A_122 = arith.index_cast %get3A : i32 to index
      %get3A_123 = arith.index_cast %mul3A_121 : i32 to index
      %get3A_124 = tpu.vector_load %arg6[%get3A_122, %get3A_123] {strides = array<i32>} : memref<80x128xi32, #tpu.memory_space<vmem>>, vector<1x16xi32>,
      %get3A_125 = vector.shape_cast %get3A_124 : vector<1x16xi32> to vector<16xi32>
      %and3A = arith.constant 16383 : i32
      %and3A_126 = vector.broadcast %and3A : i32 to vector<16xi32>
      %and3A_127 = arith.andi %get3A_125, %and3A_126 : vector<16xi32>
      %mul3A_128 = arith.constant 16 : i32
      %mul3A_129 = arith.muli %scan3A_118, %mul3A_128 : i32
      %swap3A = arith.constant 0 : i32
      %swap3A_130 = arith.index_cast %swap3A : i32 to index
      %swap3A_131 = arith.index_cast %mul3A_129 : i32 to index
      %swap3A_132 = tpu.vector_load %arg7[%swap3A_130, %swap3A_131] {strides = array<i32>} : memref<2x128xi32, #tpu.memory_space<vmem>>, vector<1x16xi32>,
      %swap3A_133 = vector.shape_cast %swap3A_132 : vector<1x16xi32> to vector<16xi32>
      %swap3A_134 = vector.shape_cast %and3A_127 : vector<16xi32> to vector<1x16xi32>
      tpu.vector_store %arg7[%swap3A_130, %swap3A_131], %swap3A_134 {strides = array<i32>} : memref<2x128xi32, #tpu.memory_space<vmem>>, vector<1x16xi32>,
      %shift_right_logical3A = arith.constant 14 : i32
      %shift_right_logical3A_135 = vector.broadcast %shift_right_logical3A : i32 to vector<16xi32>
      %shift_right_logical3A_136 = arith.shrui %get3A_125, %shift_right_logical3A_135 : vector<16xi32>
      %mul3A_137 = arith.constant 16 : i32
      %mul3A_138 = arith.muli %scan3A_118, %mul3A_137 : i32
      %swap3A_139 = arith.constant 0 : i32
      %swap3A_140 = arith.index_cast %swap3A_139 : i32 to index
      %swap3A_141 = arith.index_cast %mul3A_138 : i32 to index
      %swap3A_142 = tpu.vector_load %arg8[%swap3A_140, %swap3A_141] {strides = array<i32>} : memref<2x128xi32, #tpu.memory_space<vmem>>, vector<1x16xi32>,
      %swap3A_143 = vector.shape_cast %swap3A_142 : vector<1x16xi32> to vector<16xi32>
      %swap3A_144 = vector.shape_cast %shift_right_logical3A_136 : vector<16xi32> to vector<1x16xi32>
      tpu.vector_store %arg8[%swap3A_140, %swap3A_141], %swap3A_144 {strides = array<i32>} : memref<2x128xi32, #tpu.memory_space<vmem>>, vector<1x16xi32>,
      %scan3A_145 = arith.constant 0 : i32
      scf.yield %scan3A_145 : i32
    }
    %scan3A_32 = arith.constant 8 : i32
    %dma_start3A = arith.constant 0 : i32
    %dma_start3A_33 = arith.constant 0 : i32
    %dma_start3A_34 = arith.constant 0 : i32
    %dma_start3A_35 = arith.constant 0 : i32
    %dma_start3A_36 = tpu.memref_slice %arg9[%dma_start3A_33, %dma_start3A_34, %dma_start3A_35] : memref<2x128x128xf32, #tpu.memory_space<vmem>> -> memref<1x128x128xf32, #tpu.memory_space<vmem>>
    %dma_start3A_37 = tpu.memref_squeeze %dma_start3A_36 : memref<1x128x128xf32, #tpu.memory_space<vmem>> -> memref<128x128xf32, #tpu.memory_space<vmem>>
    %dma_start3A_38 = arith.constant 0 : i32
    %dma_start3A_39 = tpu.memref_slice %arg7[%dma_start3A, %dma_start3A_38] : memref<2x128xi32, #tpu.memory_space<vmem>> -> memref<1x128xi32, #tpu.memory_space<vmem>>
    %dma_start3A_40 = tpu.memref_squeeze %dma_start3A_39 : memref<1x128xi32, #tpu.memory_space<vmem>> -> memref<128xi32, #tpu.memory_space<vmem>>
    %dma_start3A_41 = arith.constant 0 : i32
    %dma_start3A_42 = arith.constant 0 : i32
    %dma_start3A_43 = tpu.memref_slice %arg2[%dma_start3A_41, %dma_start3A_42] : memref<10000x128xf32, #tpu.memory_space<hbm>> -> memref<10000x128xf32, #tpu.memory_space<hbm>>
    tpu.enqueue_indirect_dma source(%dma_start3A_43 : memref<10000x128xf32, #tpu.memory_space<hbm>>) target(%dma_start3A_37 : memref<128x128xf32, #tpu.memory_space<vmem>>) offsets(%dma_start3A_40 : memref<128xi32, #tpu.memory_space<vmem>>) semaphore(%arg14 : memref<!tpu.dma_semaphore, #tpu.memory_space<semaphore_mem>>)
    %scan3A_44 = arith.constant 0 : i32
    %scan3A_45 = arith.constant 0 : i32
    %scan3A_46 = arith.constant 8 : i32
    %scan3A_47 = arith.addi %scan3A_45, %scan3A_46 : i32
    %scan3A_48 = arith.constant 1 : i32
    %scan3A_49 = scf.for %scan3A_118 = %scan3A_45 to %scan3A_47 step %scan3A_48 iter_args(%scan3A_119 = %scan3A_44) -> (i32)  : i32 {
      %mul3A_120 = arith.constant 16 : i32
      %mul3A_121 = arith.muli %scan3A_118, %mul3A_120 : i32
      %get3A = arith.constant 1 : i32
      %get3A_122 = arith.index_cast %get3A : i32 to index
      %get3A_123 = arith.index_cast %mul3A_121 : i32 to index
      %get3A_124 = tpu.vector_load %arg6[%get3A_122, %get3A_123] {strides = array<i32>} : memref<80x128xi32, #tpu.memory_space<vmem>>, vector<1x16xi32>,
      %get3A_125 = vector.shape_cast %get3A_124 : vector<1x16xi32> to vector<16xi32>
      %and3A = arith.constant 16383 : i32
      %and3A_126 = vector.broadcast %and3A : i32 to vector<16xi32>
      %and3A_127 = arith.andi %get3A_125, %and3A_126 : vector<16xi32>
      %mul3A_128 = arith.constant 16 : i32
      %mul3A_129 = arith.muli %scan3A_118, %mul3A_128 : i32
      %swap3A = arith.constant 1 : i32
      %swap3A_130 = arith.index_cast %swap3A : i32 to index
      %swap3A_131 = arith.index_cast %mul3A_129 : i32 to index
      %swap3A_132 = tpu.vector_load %arg7[%swap3A_130, %swap3A_131] {strides = array<i32>} : memref<2x128xi32, #tpu.memory_space<vmem>>, vector<1x16xi32>,
      %swap3A_133 = vector.shape_cast %swap3A_132 : vector<1x16xi32> to vector<16xi32>
      %swap3A_134 = vector.shape_cast %and3A_127 : vector<16xi32> to vector<1x16xi32>
      tpu.vector_store %arg7[%swap3A_130, %swap3A_131], %swap3A_134 {strides = array<i32>} : memref<2x128xi32, #tpu.memory_space<vmem>>, vector<1x16xi32>,
      %shift_right_logical3A = arith.constant 14 : i32
      %shift_right_logical3A_135 = vector.broadcast %shift_right_logical3A : i32 to vector<16xi32>
      %shift_right_logical3A_136 = arith.shrui %get3A_125, %shift_right_logical3A_135 : vector<16xi32>
      %mul3A_137 = arith.constant 16 : i32
      %mul3A_138 = arith.muli %scan3A_118, %mul3A_137 : i32
      %swap3A_139 = arith.constant 1 : i32
      %swap3A_140 = arith.index_cast %swap3A_139 : i32 to index
      %swap3A_141 = arith.index_cast %mul3A_138 : i32 to index
      %swap3A_142 = tpu.vector_load %arg8[%swap3A_140, %swap3A_141] {strides = array<i32>} : memref<2x128xi32, #tpu.memory_space<vmem>>, vector<1x16xi32>,
      %swap3A_143 = vector.shape_cast %swap3A_142 : vector<1x16xi32> to vector<16xi32>
      %swap3A_144 = vector.shape_cast %shift_right_logical3A_136 : vector<16xi32> to vector<1x16xi32>
      tpu.vector_store %arg8[%swap3A_140, %swap3A_141], %swap3A_144 {strides = array<i32>} : memref<2x128xi32, #tpu.memory_space<vmem>>, vector<1x16xi32>,
      %scan3A_145 = arith.constant 0 : i32
      scf.yield %scan3A_145 : i32
    }
    %scan3A_50 = arith.constant 8 : i32
    %dma_start3A_51 = arith.constant 1 : i32
    %dma_start3A_52 = arith.constant 1 : i32
    %dma_start3A_53 = arith.constant 0 : i32
    %dma_start3A_54 = arith.constant 0 : i32
    %dma_start3A_55 = tpu.memref_slice %arg9[%dma_start3A_52, %dma_start3A_53, %dma_start3A_54] : memref<2x128x128xf32, #tpu.memory_space<vmem>> -> memref<1x128x128xf32, #tpu.memory_space<vmem>>
    %dma_start3A_56 = tpu.memref_squeeze %dma_start3A_55 : memref<1x128x128xf32, #tpu.memory_space<vmem>> -> memref<128x128xf32, #tpu.memory_space<vmem>>
    %dma_start3A_57 = arith.constant 0 : i32
    %dma_start3A_58 = tpu.memref_slice %arg7[%dma_start3A_51, %dma_start3A_57] : memref<2x128xi32, #tpu.memory_space<vmem>> -> memref<1x128xi32, #tpu.memory_space<vmem>>
    %dma_start3A_59 = tpu.memref_squeeze %dma_start3A_58 : memref<1x128xi32, #tpu.memory_space<vmem>> -> memref<128xi32, #tpu.memory_space<vmem>>
    %dma_start3A_60 = arith.constant 0 : i32
    %dma_start3A_61 = arith.constant 0 : i32
    %dma_start3A_62 = tpu.memref_slice %arg2[%dma_start3A_60, %dma_start3A_61] : memref<10000x128xf32, #tpu.memory_space<hbm>> -> memref<10000x128xf32, #tpu.memory_space<hbm>>
    tpu.enqueue_indirect_dma source(%dma_start3A_62 : memref<10000x128xf32, #tpu.memory_space<hbm>>) target(%dma_start3A_56 : memref<128x128xf32, #tpu.memory_space<vmem>>) offsets(%dma_start3A_59 : memref<128xi32, #tpu.memory_space<vmem>>) semaphore(%arg15 : memref<!tpu.dma_semaphore, #tpu.memory_space<semaphore_mem>>)
    %barrier3A = arith.constant 0 : index
    tpu.barrier barrier_id(%barrier3A)
    %scan3A_63 = arith.constant 0 : i32
    %scan3A_64 = arith.constant 0 : i32
    %scan3A_65 = arith.constant 40 : i32
    %scan3A_66 = arith.addi %scan3A_64, %scan3A_65 : i32
    %scan3A_67 = arith.constant 1 : i32
    %scan3A_68 = scf.for %scan3A_118 = %scan3A_64 to %scan3A_66 step %scan3A_67 iter_args(%scan3A_119 = %scan3A_63) -> (i32)  : i32 {
      %dma_wait3A_120 = arith.constant 0 : i32
      %dma_wait3A_121 = arith.constant 0 : i32
      %dma_wait3A_122 = arith.constant 0 : i32
      %dma_wait3A_123 = arith.constant 0 : i32
      %dma_wait3A_124 = tpu.memref_slice %arg9[%dma_wait3A_121, %dma_wait3A_122, %dma_wait3A_123] : memref<2x128x128xf32, #tpu.memory_space<vmem>> -> memref<1x128x128xf32, #tpu.memory_space<vmem>>
      %dma_wait3A_125 = tpu.memref_squeeze %dma_wait3A_124 : memref<1x128x128xf32, #tpu.memory_space<vmem>> -> memref<128x128xf32, #tpu.memory_space<vmem>>
      %dma_wait3A_126 = arith.constant 0 : i32
      %dma_wait3A_127 = tpu.memref_slice %arg7[%dma_wait3A_120, %dma_wait3A_126] : memref<2x128xi32, #tpu.memory_space<vmem>> -> memref<1x128xi32, #tpu.memory_space<vmem>>
      %dma_wait3A_128 = tpu.memref_squeeze %dma_wait3A_127 : memref<1x128xi32, #tpu.memory_space<vmem>> -> memref<128xi32, #tpu.memory_space<vmem>>
      %dma_wait3A_129 = arith.constant 0 : i32
      %dma_wait3A_130 = arith.constant 0 : i32
      %dma_wait3A_131 = tpu.memref_slice %arg2[%dma_wait3A_129, %dma_wait3A_130] : memref<10000x128xf32, #tpu.memory_space<hbm>> -> memref<10000x128xf32, #tpu.memory_space<hbm>>
      tpu.wait_indirect_dma semaphore(%arg14 : memref<!tpu.dma_semaphore, #tpu.memory_space<semaphore_mem>>) src(%dma_wait3A_131 : memref<10000x128xf32, #tpu.memory_space<hbm>>) dst(%dma_wait3A_125 : memref<128x128xf32, #tpu.memory_space<vmem>>)
      %dma_start3A_132 = arith.constant 0 : i32
      %dma_start3A_133 = arith.constant 0 : i32
      %dma_start3A_134 = arith.constant 0 : i32
      %dma_start3A_135 = arith.constant 0 : i32
      %dma_start3A_136 = tpu.memref_slice %arg9[%dma_start3A_132, %dma_start3A_134, %dma_start3A_135] : memref<2x128x128xf32, #tpu.memory_space<vmem>> -> memref<1x128x128xf32, #tpu.memory_space<vmem>>
      %dma_start3A_137 = tpu.memref_squeeze %dma_start3A_136 : memref<1x128x128xf32, #tpu.memory_space<vmem>> -> memref<128x128xf32, #tpu.memory_space<vmem>>
      %dma_start3A_138 = arith.constant 0 : i32
      %dma_start3A_139 = tpu.memref_slice %arg8[%dma_start3A_133, %dma_start3A_138] : memref<2x128xi32, #tpu.memory_space<vmem>> -> memref<1x128xi32, #tpu.memory_space<vmem>>
      %dma_start3A_140 = tpu.memref_squeeze %dma_start3A_139 : memref<1x128xi32, #tpu.memory_space<vmem>> -> memref<128xi32, #tpu.memory_space<vmem>>
      %dma_start3A_141 = arith.constant 0 : i32
      %dma_start3A_142 = arith.constant 0 : i32
      %dma_start3A_143 = tpu.memref_slice %arg12[%dma_start3A_141, %dma_start3A_142] : memref<10256x128xf32, #tpu.memory_space<vmem_shared>> -> memref<10256x128xf32, #tpu.memory_space<vmem_shared>>
      tpu.enqueue_indirect_dma source(%dma_start3A_137 : memref<128x128xf32, #tpu.memory_space<vmem>>) target(%dma_start3A_143 : memref<10256x128xf32, #tpu.memory_space<vmem_shared>>) offsets(%dma_start3A_140 : memref<128xi32, #tpu.memory_space<vmem>>) semaphore(%arg16 : memref<!tpu.dma_semaphore, #tpu.memory_space<semaphore_mem>>) {add = true}
      %dma_start3A_144 = arith.constant 0 : i32
      %dma_start3A_145 = arith.constant 0 : i32
      %dma_start3A_146 = tpu.memref_slice %arg8[%dma_start3A_144, %dma_start3A_145] : memref<2x128xi32, #tpu.memory_space<vmem>> -> memref<1x128xi32, #tpu.memory_space<vmem>>
      %dma_start3A_147 = tpu.memref_squeeze %dma_start3A_146 : memref<1x128xi32, #tpu.memory_space<vmem>> -> memref<128xi32, #tpu.memory_space<vmem>>
      %dma_start3A_148 = arith.constant 0 : i32
      %dma_start3A_149 = tpu.memref_slice %arg13[%dma_start3A_148] : memref<10496xf32, #tpu.memory_space<vmem_shared>> -> memref<10496xf32, #tpu.memory_space<vmem_shared>>
      tpu.enqueue_indirect_dma source(%arg10 : memref<128xf32, #tpu.memory_space<vmem>>) target(%dma_start3A_149 : memref<10496xf32, #tpu.memory_space<vmem_shared>>) offsets(%dma_start3A_147 : memref<128xi32, #tpu.memory_space<vmem>>) semaphore(%arg18 : memref<!tpu.dma_semaphore, #tpu.memory_space<semaphore_mem>>) {add = true}
      %lt3A_150 = arith.constant 39 : i32
      %lt3A_151 = arith.cmpi slt, %scan3A_118, %lt3A_150 : i32
      %convert_element_type3A_152 = arith.extui %lt3A_151 : i1 to i32
      %cond3A_153 = arith.constant 0 : i32
      %cond3A_154 = arith.cmpi ne, %convert_element_type3A_152, %cond3A_153 : i32
      scf.if %cond3A_154 {
        %dma_wait3A_191 = arith.constant 0 : i32
        %dma_wait3A_192 = arith.constant 0 : i32
        %dma_wait3A_193 = arith.constant 0 : i32
        %dma_wait3A_194 = arith.constant 0 : i32
        %dma_wait3A_195 = tpu.memref_slice %arg9[%dma_wait3A_191, %dma_wait3A_193, %dma_wait3A_194] : memref<2x128x128xf32, #tpu.memory_space<vmem>> -> memref<1x128x128xf32, #tpu.memory_space<vmem>>
        %dma_wait3A_196 = tpu.memref_squeeze %dma_wait3A_195 : memref<1x128x128xf32, #tpu.memory_space<vmem>> -> memref<128x128xf32, #tpu.memory_space<vmem>>
        %dma_wait3A_197 = arith.constant 0 : i32
        %dma_wait3A_198 = tpu.memref_slice %arg8[%dma_wait3A_192, %dma_wait3A_197] : memref<2x128xi32, #tpu.memory_space<vmem>> -> memref<1x128xi32, #tpu.memory_space<vmem>>
        %dma_wait3A_199 = tpu.memref_squeeze %dma_wait3A_198 : memref<1x128xi32, #tpu.memory_space<vmem>> -> memref<128xi32, #tpu.memory_space<vmem>>
        %dma_wait3A_200 = arith.constant 0 : i32
        %dma_wait3A_201 = arith.constant 0 : i32
        %dma_wait3A_202 = tpu.memref_slice %arg12[%dma_wait3A_200, %dma_wait3A_201] : memref<10256x128xf32, #tpu.memory_space<vmem_shared>> -> memref<10256x128xf32, #tpu.memory_space<vmem_shared>>
        tpu.wait_indirect_dma semaphore(%arg16 : memref<!tpu.dma_semaphore, #tpu.memory_space<semaphore_mem>>) src(%dma_wait3A_196 : memref<128x128xf32, #tpu.memory_space<vmem>>) dst(%dma_wait3A_202 : memref<10256x128xf32, #tpu.memory_space<vmem_shared>>)
        %dma_wait3A_203 = arith.constant 0 : i32
        %dma_wait3A_204 = arith.constant 0 : i32
        %dma_wait3A_205 = tpu.memref_slice %arg8[%dma_wait3A_203, %dma_wait3A_204] : memref<2x128xi32, #tpu.memory_space<vmem>> -> memref<1x128xi32, #tpu.memory_space<vmem>>
        %dma_wait3A_206 = tpu.memref_squeeze %dma_wait3A_205 : memref<1x128xi32, #tpu.memory_space<vmem>> -> memref<128xi32, #tpu.memory_space<vmem>>
        %dma_wait3A_207 = arith.constant 0 : i32
        %dma_wait3A_208 = tpu.memref_slice %arg13[%dma_wait3A_207] : memref<10496xf32, #tpu.memory_space<vmem_shared>> -> memref<10496xf32, #tpu.memory_space<vmem_shared>>
        tpu.wait_indirect_dma semaphore(%arg18 : memref<!tpu.dma_semaphore, #tpu.memory_space<semaphore_mem>>) src(%arg10 : memref<128xf32, #tpu.memory_space<vmem>>) dst(%dma_wait3A_208 : memref<10496xf32, #tpu.memory_space<vmem_shared>>)
        %mul3A_209 = arith.constant 2 : i32
        %mul3A_210 = arith.muli %scan3A_118, %mul3A_209 : i32
        %add3A_211 = arith.constant 0 : i32
        %add3A_212 = arith.addi %mul3A_210, %add3A_211 : i32
        %add3A_213 = arith.constant 2 : i32
        %add3A_214 = arith.addi %add3A_212, %add3A_213 : i32
        %scan3A_215 = arith.constant 0 : i32
        %scan3A_216 = arith.constant 0 : i32
        %scan3A_217 = arith.constant 8 : i32
        %scan3A_218 = arith.addi %scan3A_216, %scan3A_217 : i32
        %scan3A_219 = arith.constant 1 : i32
        %scan3A_220 = scf.for %scan3A_234 = %scan3A_216 to %scan3A_218 step %scan3A_219 iter_args(%scan3A_235 = %scan3A_215) -> (i32)  : i32 {
          %mul3A_236 = arith.constant 16 : i32
          %mul3A_237 = arith.muli %scan3A_234, %mul3A_236 : i32
          %get3A = arith.index_cast %add3A_214 : i32 to index
          %get3A_238 = arith.index_cast %mul3A_237 : i32 to index
          %get3A_239 = tpu.vector_load %arg6[%get3A, %get3A_238] {strides = array<i32>} : memref<80x128xi32, #tpu.memory_space<vmem>>, vector<1x16xi32>,
          %get3A_240 = vector.shape_cast %get3A_239 : vector<1x16xi32> to vector<16xi32>
          %and3A = arith.constant 16383 : i32
          %and3A_241 = vector.broadcast %and3A : i32 to vector<16xi32>
          %and3A_242 = arith.andi %get3A_240, %and3A_241 : vector<16xi32>
          %mul3A_243 = arith.constant 16 : i32
          %mul3A_244 = arith.muli %scan3A_234, %mul3A_243 : i32
          %swap3A = arith.constant 0 : i32
          %swap3A_245 = arith.index_cast %swap3A : i32 to index
          %swap3A_246 = arith.index_cast %mul3A_244 : i32 to index
          %swap3A_247 = tpu.vector_load %arg7[%swap3A_245, %swap3A_246] {strides = array<i32>} : memref<2x128xi32, #tpu.memory_space<vmem>>, vector<1x16xi32>,
          %swap3A_248 = vector.shape_cast %swap3A_247 : vector<1x16xi32> to vector<16xi32>
          %swap3A_249 = vector.shape_cast %and3A_242 : vector<16xi32> to vector<1x16xi32>
          tpu.vector_store %arg7[%swap3A_245, %swap3A_246], %swap3A_249 {strides = array<i32>} : memref<2x128xi32, #tpu.memory_space<vmem>>, vector<1x16xi32>,
          %shift_right_logical3A = arith.constant 14 : i32
          %shift_right_logical3A_250 = vector.broadcast %shift_right_logical3A : i32 to vector<16xi32>
          %shift_right_logical3A_251 = arith.shrui %get3A_240, %shift_right_logical3A_250 : vector<16xi32>
          %mul3A_252 = arith.constant 16 : i32
          %mul3A_253 = arith.muli %scan3A_234, %mul3A_252 : i32
          %swap3A_254 = arith.constant 0 : i32
          %swap3A_255 = arith.index_cast %swap3A_254 : i32 to index
          %swap3A_256 = arith.index_cast %mul3A_253 : i32 to index
          %swap3A_257 = tpu.vector_load %arg8[%swap3A_255, %swap3A_256] {strides = array<i32>} : memref<2x128xi32, #tpu.memory_space<vmem>>, vector<1x16xi32>,
          %swap3A_258 = vector.shape_cast %swap3A_257 : vector<1x16xi32> to vector<16xi32>
          %swap3A_259 = vector.shape_cast %shift_right_logical3A_251 : vector<16xi32> to vector<1x16xi32>
          tpu.vector_store %arg8[%swap3A_255, %swap3A_256], %swap3A_259 {strides = array<i32>} : memref<2x128xi32, #tpu.memory_space<vmem>>, vector<1x16xi32>,
          %scan3A_260 = arith.constant 0 : i32
          scf.yield %scan3A_260 : i32
        }
        %scan3A_221 = arith.constant 8 : i32
        %dma_start3A_222 = arith.constant 0 : i32
        %dma_start3A_223 = arith.constant 0 : i32
        %dma_start3A_224 = arith.constant 0 : i32
        %dma_start3A_225 = arith.constant 0 : i32
        %dma_start3A_226 = tpu.memref_slice %arg9[%dma_start3A_223, %dma_start3A_224, %dma_start3A_225] : memref<2x128x128xf32, #tpu.memory_space<vmem>> -> memref<1x128x128xf32, #tpu.memory_space<vmem>>
        %dma_start3A_227 = tpu.memref_squeeze %dma_start3A_226 : memref<1x128x128xf32, #tpu.memory_space<vmem>> -> memref<128x128xf32, #tpu.memory_space<vmem>>
        %dma_start3A_228 = arith.constant 0 : i32
        %dma_start3A_229 = tpu.memref_slice %arg7[%dma_start3A_222, %dma_start3A_228] : memref<2x128xi32, #tpu.memory_space<vmem>> -> memref<1x128xi32, #tpu.memory_space<vmem>>
        %dma_start3A_230 = tpu.memref_squeeze %dma_start3A_229 : memref<1x128xi32, #tpu.memory_space<vmem>> -> memref<128xi32, #tpu.memory_space<vmem>>
        %dma_start3A_231 = arith.constant 0 : i32
        %dma_start3A_232 = arith.constant 0 : i32
        %dma_start3A_233 = tpu.memref_slice %arg2[%dma_start3A_231, %dma_start3A_232] : memref<10000x128xf32, #tpu.memory_space<hbm>> -> memref<10000x128xf32, #tpu.memory_space<hbm>>
        tpu.enqueue_indirect_dma source(%dma_start3A_233 : memref<10000x128xf32, #tpu.memory_space<hbm>>) target(%dma_start3A_227 : memref<128x128xf32, #tpu.memory_space<vmem>>) offsets(%dma_start3A_230 : memref<128xi32, #tpu.memory_space<vmem>>) semaphore(%arg14 : memref<!tpu.dma_semaphore, #tpu.memory_space<semaphore_mem>>)
      } else {
      }
      %dma_wait3A_155 = arith.constant 1 : i32
      %dma_wait3A_156 = arith.constant 1 : i32
      %dma_wait3A_157 = arith.constant 0 : i32
      %dma_wait3A_158 = arith.constant 0 : i32
      %dma_wait3A_159 = tpu.memref_slice %arg9[%dma_wait3A_156, %dma_wait3A_157, %dma_wait3A_158] : memref<2x128x128xf32, #tpu.memory_space<vmem>> -> memref<1x128x128xf32, #tpu.memory_space<vmem>>
      %dma_wait3A_160 = tpu.memref_squeeze %dma_wait3A_159 : memref<1x128x128xf32, #tpu.memory_space<vmem>> -> memref<128x128xf32, #tpu.memory_space<vmem>>
      %dma_wait3A_161 = arith.constant 0 : i32
      %dma_wait3A_162 = tpu.memref_slice %arg7[%dma_wait3A_155, %dma_wait3A_161] : memref<2x128xi32, #tpu.memory_space<vmem>> -> memref<1x128xi32, #tpu.memory_space<vmem>>
      %dma_wait3A_163 = tpu.memref_squeeze %dma_wait3A_162 : memref<1x128xi32, #tpu.memory_space<vmem>> -> memref<128xi32, #tpu.memory_space<vmem>>
      %dma_wait3A_164 = arith.constant 0 : i32
      %dma_wait3A_165 = arith.constant 0 : i32
      %dma_wait3A_166 = tpu.memref_slice %arg2[%dma_wait3A_164, %dma_wait3A_165] : memref<10000x128xf32, #tpu.memory_space<hbm>> -> memref<10000x128xf32, #tpu.memory_space<hbm>>
      tpu.wait_indirect_dma semaphore(%arg15 : memref<!tpu.dma_semaphore, #tpu.memory_space<semaphore_mem>>) src(%dma_wait3A_166 : memref<10000x128xf32, #tpu.memory_space<hbm>>) dst(%dma_wait3A_160 : memref<128x128xf32, #tpu.memory_space<vmem>>)
      %dma_start3A_167 = arith.constant 1 : i32
      %dma_start3A_168 = arith.constant 1 : i32
      %dma_start3A_169 = arith.constant 0 : i32
      %dma_start3A_170 = arith.constant 0 : i32
      %dma_start3A_171 = tpu.memref_slice %arg9[%dma_start3A_167, %dma_start3A_169, %dma_start3A_170] : memref<2x128x128xf32, #tpu.memory_space<vmem>> -> memref<1x128x128xf32, #tpu.memory_space<vmem>>
      %dma_start3A_172 = tpu.memref_squeeze %dma_start3A_171 : memref<1x128x128xf32, #tpu.memory_space<vmem>> -> memref<128x128xf32, #tpu.memory_space<vmem>>
      %dma_start3A_173 = arith.constant 0 : i32
      %dma_start3A_174 = tpu.memref_slice %arg8[%dma_start3A_168, %dma_start3A_173] : memref<2x128xi32, #tpu.memory_space<vmem>> -> memref<1x128xi32, #tpu.memory_space<vmem>>
      %dma_start3A_175 = tpu.memref_squeeze %dma_start3A_174 : memref<1x128xi32, #tpu.memory_space<vmem>> -> memref<128xi32, #tpu.memory_space<vmem>>
      %dma_start3A_176 = arith.constant 0 : i32
      %dma_start3A_177 = arith.constant 0 : i32
      %dma_start3A_178 = tpu.memref_slice %arg12[%dma_start3A_176, %dma_start3A_177] : memref<10256x128xf32, #tpu.memory_space<vmem_shared>> -> memref<10256x128xf32, #tpu.memory_space<vmem_shared>>
      tpu.enqueue_indirect_dma source(%dma_start3A_172 : memref<128x128xf32, #tpu.memory_space<vmem>>) target(%dma_start3A_178 : memref<10256x128xf32, #tpu.memory_space<vmem_shared>>) offsets(%dma_start3A_175 : memref<128xi32, #tpu.memory_space<vmem>>) semaphore(%arg17 : memref<!tpu.dma_semaphore, #tpu.memory_space<semaphore_mem>>) {add = true}
      %dma_start3A_179 = arith.constant 1 : i32
      %dma_start3A_180 = arith.constant 0 : i32
      %dma_start3A_181 = tpu.memref_slice %arg8[%dma_start3A_179, %dma_start3A_180] : memref<2x128xi32, #tpu.memory_space<vmem>> -> memref<1x128xi32, #tpu.memory_space<vmem>>
      %dma_start3A_182 = tpu.memref_squeeze %dma_start3A_181 : memref<1x128xi32, #tpu.memory_space<vmem>> -> memref<128xi32, #tpu.memory_space<vmem>>
      %dma_start3A_183 = arith.constant 0 : i32
      %dma_start3A_184 = tpu.memref_slice %arg13[%dma_start3A_183] : memref<10496xf32, #tpu.memory_space<vmem_shared>> -> memref<10496xf32, #tpu.memory_space<vmem_shared>>
      tpu.enqueue_indirect_dma source(%arg10 : memref<128xf32, #tpu.memory_space<vmem>>) target(%dma_start3A_184 : memref<10496xf32, #tpu.memory_space<vmem_shared>>) offsets(%dma_start3A_182 : memref<128xi32, #tpu.memory_space<vmem>>) semaphore(%arg19 : memref<!tpu.dma_semaphore, #tpu.memory_space<semaphore_mem>>) {add = true}
      %lt3A_185 = arith.constant 39 : i32
      %lt3A_186 = arith.cmpi slt, %scan3A_118, %lt3A_185 : i32
      %convert_element_type3A_187 = arith.extui %lt3A_186 : i1 to i32
      %cond3A_188 = arith.constant 0 : i32
      %cond3A_189 = arith.cmpi ne, %convert_element_type3A_187, %cond3A_188 : i32
      scf.if %cond3A_189 {
        %dma_wait3A_191 = arith.constant 1 : i32
        %dma_wait3A_192 = arith.constant 1 : i32
        %dma_wait3A_193 = arith.constant 0 : i32
        %dma_wait3A_194 = arith.constant 0 : i32
        %dma_wait3A_195 = tpu.memref_slice %arg9[%dma_wait3A_191, %dma_wait3A_193, %dma_wait3A_194] : memref<2x128x128xf32, #tpu.memory_space<vmem>> -> memref<1x128x128xf32, #tpu.memory_space<vmem>>
        %dma_wait3A_196 = tpu.memref_squeeze %dma_wait3A_195 : memref<1x128x128xf32, #tpu.memory_space<vmem>> -> memref<128x128xf32, #tpu.memory_space<vmem>>
        %dma_wait3A_197 = arith.constant 0 : i32
        %dma_wait3A_198 = tpu.memref_slice %arg8[%dma_wait3A_192, %dma_wait3A_197] : memref<2x128xi32, #tpu.memory_space<vmem>> -> memref<1x128xi32, #tpu.memory_space<vmem>>
        %dma_wait3A_199 = tpu.memref_squeeze %dma_wait3A_198 : memref<1x128xi32, #tpu.memory_space<vmem>> -> memref<128xi32, #tpu.memory_space<vmem>>
        %dma_wait3A_200 = arith.constant 0 : i32
        %dma_wait3A_201 = arith.constant 0 : i32
        %dma_wait3A_202 = tpu.memref_slice %arg12[%dma_wait3A_200, %dma_wait3A_201] : memref<10256x128xf32, #tpu.memory_space<vmem_shared>> -> memref<10256x128xf32, #tpu.memory_space<vmem_shared>>
        tpu.wait_indirect_dma semaphore(%arg17 : memref<!tpu.dma_semaphore, #tpu.memory_space<semaphore_mem>>) src(%dma_wait3A_196 : memref<128x128xf32, #tpu.memory_space<vmem>>) dst(%dma_wait3A_202 : memref<10256x128xf32, #tpu.memory_space<vmem_shared>>)
        %dma_wait3A_203 = arith.constant 1 : i32
        %dma_wait3A_204 = arith.constant 0 : i32
        %dma_wait3A_205 = tpu.memref_slice %arg8[%dma_wait3A_203, %dma_wait3A_204] : memref<2x128xi32, #tpu.memory_space<vmem>> -> memref<1x128xi32, #tpu.memory_space<vmem>>
        %dma_wait3A_206 = tpu.memref_squeeze %dma_wait3A_205 : memref<1x128xi32, #tpu.memory_space<vmem>> -> memref<128xi32, #tpu.memory_space<vmem>>
        %dma_wait3A_207 = arith.constant 0 : i32
        %dma_wait3A_208 = tpu.memref_slice %arg13[%dma_wait3A_207] : memref<10496xf32, #tpu.memory_space<vmem_shared>> -> memref<10496xf32, #tpu.memory_space<vmem_shared>>
        tpu.wait_indirect_dma semaphore(%arg19 : memref<!tpu.dma_semaphore, #tpu.memory_space<semaphore_mem>>) src(%arg10 : memref<128xf32, #tpu.memory_space<vmem>>) dst(%dma_wait3A_208 : memref<10496xf32, #tpu.memory_space<vmem_shared>>)
        %mul3A_209 = arith.constant 2 : i32
        %mul3A_210 = arith.muli %scan3A_118, %mul3A_209 : i32
        %add3A_211 = arith.constant 1 : i32
        %add3A_212 = arith.addi %mul3A_210, %add3A_211 : i32
        %add3A_213 = arith.constant 2 : i32
        %add3A_214 = arith.addi %add3A_212, %add3A_213 : i32
        %scan3A_215 = arith.constant 0 : i32
        %scan3A_216 = arith.constant 0 : i32
        %scan3A_217 = arith.constant 8 : i32
        %scan3A_218 = arith.addi %scan3A_216, %scan3A_217 : i32
        %scan3A_219 = arith.constant 1 : i32
        %scan3A_220 = scf.for %scan3A_234 = %scan3A_216 to %scan3A_218 step %scan3A_219 iter_args(%scan3A_235 = %scan3A_215) -> (i32)  : i32 {
          %mul3A_236 = arith.constant 16 : i32
          %mul3A_237 = arith.muli %scan3A_234, %mul3A_236 : i32
          %get3A = arith.index_cast %add3A_214 : i32 to index
          %get3A_238 = arith.index_cast %mul3A_237 : i32 to index
          %get3A_239 = tpu.vector_load %arg6[%get3A, %get3A_238] {strides = array<i32>} : memref<80x128xi32, #tpu.memory_space<vmem>>, vector<1x16xi32>,
          %get3A_240 = vector.shape_cast %get3A_239 : vector<1x16xi32> to vector<16xi32>
          %and3A = arith.constant 16383 : i32
          %and3A_241 = vector.broadcast %and3A : i32 to vector<16xi32>
          %and3A_242 = arith.andi %get3A_240, %and3A_241 : vector<16xi32>
          %mul3A_243 = arith.constant 16 : i32
          %mul3A_244 = arith.muli %scan3A_234, %mul3A_243 : i32
          %swap3A = arith.constant 1 : i32
          %swap3A_245 = arith.index_cast %swap3A : i32 to index
          %swap3A_246 = arith.index_cast %mul3A_244 : i32 to index
          %swap3A_247 = tpu.vector_load %arg7[%swap3A_245, %swap3A_246] {strides = array<i32>} : memref<2x128xi32, #tpu.memory_space<vmem>>, vector<1x16xi32>,
          %swap3A_248 = vector.shape_cast %swap3A_247 : vector<1x16xi32> to vector<16xi32>
          %swap3A_249 = vector.shape_cast %and3A_242 : vector<16xi32> to vector<1x16xi32>
          tpu.vector_store %arg7[%swap3A_245, %swap3A_246], %swap3A_249 {strides = array<i32>} : memref<2x128xi32, #tpu.memory_space<vmem>>, vector<1x16xi32>,
          %shift_right_logical3A = arith.constant 14 : i32
          %shift_right_logical3A_250 = vector.broadcast %shift_right_logical3A : i32 to vector<16xi32>
          %shift_right_logical3A_251 = arith.shrui %get3A_240, %shift_right_logical3A_250 : vector<16xi32>
          %mul3A_252 = arith.constant 16 : i32
          %mul3A_253 = arith.muli %scan3A_234, %mul3A_252 : i32
          %swap3A_254 = arith.constant 1 : i32
          %swap3A_255 = arith.index_cast %swap3A_254 : i32 to index
          %swap3A_256 = arith.index_cast %mul3A_253 : i32 to index
          %swap3A_257 = tpu.vector_load %arg8[%swap3A_255, %swap3A_256] {strides = array<i32>} : memref<2x128xi32, #tpu.memory_space<vmem>>, vector<1x16xi32>,
          %swap3A_258 = vector.shape_cast %swap3A_257 : vector<1x16xi32> to vector<16xi32>
          %swap3A_259 = vector.shape_cast %shift_right_logical3A_251 : vector<16xi32> to vector<1x16xi32>
          tpu.vector_store %arg8[%swap3A_255, %swap3A_256], %swap3A_259 {strides = array<i32>} : memref<2x128xi32, #tpu.memory_space<vmem>>, vector<1x16xi32>,
          %scan3A_260 = arith.constant 0 : i32
          scf.yield %scan3A_260 : i32
        }
        %scan3A_221 = arith.constant 8 : i32
        %dma_start3A_222 = arith.constant 1 : i32
        %dma_start3A_223 = arith.constant 1 : i32
        %dma_start3A_224 = arith.constant 0 : i32
        %dma_start3A_225 = arith.constant 0 : i32
        %dma_start3A_226 = tpu.memref_slice %arg9[%dma_start3A_223, %dma_start3A_224, %dma_start3A_225] : memref<2x128x128xf32, #tpu.memory_space<vmem>> -> memref<1x128x128xf32, #tpu.memory_space<vmem>>
        %dma_start3A_227 = tpu.memref_squeeze %dma_start3A_226 : memref<1x128x128xf32, #tpu.memory_space<vmem>> -> memref<128x128xf32, #tpu.memory_space<vmem>>
        %dma_start3A_228 = arith.constant 0 : i32
        %dma_start3A_229 = tpu.memref_slice %arg7[%dma_start3A_222, %dma_start3A_228] : memref<2x128xi32, #tpu.memory_space<vmem>> -> memref<1x128xi32, #tpu.memory_space<vmem>>
        %dma_start3A_230 = tpu.memref_squeeze %dma_start3A_229 : memref<1x128xi32, #tpu.memory_space<vmem>> -> memref<128xi32, #tpu.memory_space<vmem>>
        %dma_start3A_231 = arith.constant 0 : i32
        %dma_start3A_232 = arith.constant 0 : i32
        %dma_start3A_233 = tpu.memref_slice %arg2[%dma_start3A_231, %dma_start3A_232] : memref<10000x128xf32, #tpu.memory_space<hbm>> -> memref<10000x128xf32, #tpu.memory_space<hbm>>
        tpu.enqueue_indirect_dma source(%dma_start3A_233 : memref<10000x128xf32, #tpu.memory_space<hbm>>) target(%dma_start3A_227 : memref<128x128xf32, #tpu.memory_space<vmem>>) offsets(%dma_start3A_230 : memref<128xi32, #tpu.memory_space<vmem>>) semaphore(%arg15 : memref<!tpu.dma_semaphore, #tpu.memory_space<semaphore_mem>>)
      } else {
      }
      %scan3A_190 = arith.constant 0 : i32
      scf.yield %scan3A_190 : i32
    }
    %scan3A_69 = arith.constant 40 : i32
    %dma_wait3A = arith.constant 0 : i32
    %dma_wait3A_70 = arith.constant 0 : i32
    %dma_wait3A_71 = arith.constant 0 : i32
    %dma_wait3A_72 = arith.constant 0 : i32
    %dma_wait3A_73 = tpu.memref_slice %arg9[%dma_wait3A, %dma_wait3A_71, %dma_wait3A_72] : memref<2x128x128xf32, #tpu.memory_space<vmem>> -> memref<1x128x128xf32, #tpu.memory_space<vmem>>
    %dma_wait3A_74 = tpu.memref_squeeze %dma_wait3A_73 : memref<1x128x128xf32, #tpu.memory_space<vmem>> -> memref<128x128xf32, #tpu.memory_space<vmem>>
    %dma_wait3A_75 = arith.constant 0 : i32
    %dma_wait3A_76 = tpu.memref_slice %arg8[%dma_wait3A_70, %dma_wait3A_75] : memref<2x128xi32, #tpu.memory_space<vmem>> -> memref<1x128xi32, #tpu.memory_space<vmem>>
    %dma_wait3A_77 = tpu.memref_squeeze %dma_wait3A_76 : memref<1x128xi32, #tpu.memory_space<vmem>> -> memref<128xi32, #tpu.memory_space<vmem>>
    %dma_wait3A_78 = arith.constant 0 : i32
    %dma_wait3A_79 = arith.constant 0 : i32
    %dma_wait3A_80 = tpu.memref_slice %arg12[%dma_wait3A_78, %dma_wait3A_79] : memref<10256x128xf32, #tpu.memory_space<vmem_shared>> -> memref<10256x128xf32, #tpu.memory_space<vmem_shared>>
    tpu.wait_indirect_dma semaphore(%arg16 : memref<!tpu.dma_semaphore, #tpu.memory_space<semaphore_mem>>) src(%dma_wait3A_74 : memref<128x128xf32, #tpu.memory_space<vmem>>) dst(%dma_wait3A_80 : memref<10256x128xf32, #tpu.memory_space<vmem_shared>>)
    %dma_wait3A_81 = arith.constant 0 : i32
    %dma_wait3A_82 = arith.constant 0 : i32
    %dma_wait3A_83 = tpu.memref_slice %arg8[%dma_wait3A_81, %dma_wait3A_82] : memref<2x128xi32, #tpu.memory_space<vmem>> -> memref<1x128xi32, #tpu.memory_space<vmem>>
    %dma_wait3A_84 = tpu.memref_squeeze %dma_wait3A_83 : memref<1x128xi32, #tpu.memory_space<vmem>> -> memref<128xi32, #tpu.memory_space<vmem>>
    %dma_wait3A_85 = arith.constant 0 : i32
    %dma_wait3A_86 = tpu.memref_slice %arg13[%dma_wait3A_85] : memref<10496xf32, #tpu.memory_space<vmem_shared>> -> memref<10496xf32, #tpu.memory_space<vmem_shared>>
    tpu.wait_indirect_dma semaphore(%arg18 : memref<!tpu.dma_semaphore, #tpu.memory_space<semaphore_mem>>) src(%arg10 : memref<128xf32, #tpu.memory_space<vmem>>) dst(%dma_wait3A_86 : memref<10496xf32, #tpu.memory_space<vmem_shared>>)
    %dma_wait3A_87 = arith.constant 1 : i32
    %dma_wait3A_88 = arith.constant 1 : i32
    %dma_wait3A_89 = arith.constant 0 : i32
    %dma_wait3A_90 = arith.constant 0 : i32
    %dma_wait3A_91 = tpu.memref_slice %arg9[%dma_wait3A_87, %dma_wait3A_89, %dma_wait3A_90] : memref<2x128x128xf32, #tpu.memory_space<vmem>> -> memref<1x128x128xf32, #tpu.memory_space<vmem>>
    %dma_wait3A_92 = tpu.memref_squeeze %dma_wait3A_91 : memref<1x128x128xf32, #tpu.memory_space<vmem>> -> memref<128x128xf32, #tpu.memory_space<vmem>>
    %dma_wait3A_93 = arith.constant 0 : i32
    %dma_wait3A_94 = tpu.memref_slice %arg8[%dma_wait3A_88, %dma_wait3A_93] : memref<2x128xi32, #tpu.memory_space<vmem>> -> memref<1x128xi32, #tpu.memory_space<vmem>>
    %dma_wait3A_95 = tpu.memref_squeeze %dma_wait3A_94 : memref<1x128xi32, #tpu.memory_space<vmem>> -> memref<128xi32, #tpu.memory_space<vmem>>
    %dma_wait3A_96 = arith.constant 0 : i32
    %dma_wait3A_97 = arith.constant 0 : i32
    %dma_wait3A_98 = tpu.memref_slice %arg12[%dma_wait3A_96, %dma_wait3A_97] : memref<10256x128xf32, #tpu.memory_space<vmem_shared>> -> memref<10256x128xf32, #tpu.memory_space<vmem_shared>>
    tpu.wait_indirect_dma semaphore(%arg17 : memref<!tpu.dma_semaphore, #tpu.memory_space<semaphore_mem>>) src(%dma_wait3A_92 : memref<128x128xf32, #tpu.memory_space<vmem>>) dst(%dma_wait3A_98 : memref<10256x128xf32, #tpu.memory_space<vmem_shared>>)
    %dma_wait3A_99 = arith.constant 1 : i32
    %dma_wait3A_100 = arith.constant 0 : i32
    %dma_wait3A_101 = tpu.memref_slice %arg8[%dma_wait3A_99, %dma_wait3A_100] : memref<2x128xi32, #tpu.memory_space<vmem>> -> memref<1x128xi32, #tpu.memory_space<vmem>>
    %dma_wait3A_102 = tpu.memref_squeeze %dma_wait3A_101 : memref<1x128xi32, #tpu.memory_space<vmem>> -> memref<128xi32, #tpu.memory_space<vmem>>
    %dma_wait3A_103 = arith.constant 0 : i32
    %dma_wait3A_104 = tpu.memref_slice %arg13[%dma_wait3A_103] : memref<10496xf32, #tpu.memory_space<vmem_shared>> -> memref<10496xf32, #tpu.memory_space<vmem_shared>>
    tpu.wait_indirect_dma semaphore(%arg19 : memref<!tpu.dma_semaphore, #tpu.memory_space<semaphore_mem>>) src(%arg10 : memref<128xf32, #tpu.memory_space<vmem>>) dst(%dma_wait3A_104 : memref<10496xf32, #tpu.memory_space<vmem_shared>>)
    %barrier3A_105 = arith.constant 0 : index
    tpu.barrier barrier_id(%barrier3A_105)
    %lt3A_106 = arith.constant 10 : i32
    %lt3A_107 = arith.cmpi slt, %arg1, %lt3A_106 : i32
    %convert_element_type3A_108 = arith.extui %lt3A_107 : i1 to i32
    %cond3A_109 = arith.constant 0 : i32
    %cond3A_110 = arith.cmpi ne, %convert_element_type3A_108, %cond3A_109 : i32
    scf.if %cond3A_110 {
      %mul3A_118 = arith.constant 1000 : i32
      %mul3A_119 = arith.muli %arg1, %mul3A_118 : i32
      %mul3A_120 = arith.constant 1000 : i32
      %mul3A_121 = arith.muli %arg1, %mul3A_120 : i32
      "tpu.region"() ({
        %run_scoped3A = tpu.sem_alloc : memref<!tpu.dma_semaphore, #tpu.memory_space<semaphore_mem>>
        %dma_start3A_122 = arith.constant 0 : i32
        %dma_start3A_123 = tpu.memref_slice %arg4[%arg0, %mul3A_121, %dma_start3A_122] : memref<2x10000x128xf32, #tpu.memory_space<hbm>> -> memref<1x1000x128xf32, #tpu.memory_space<hbm>>
        %dma_start3A_124 = tpu.memref_squeeze %dma_start3A_123 : memref<1x1000x128xf32, #tpu.memory_space<hbm>> -> memref<1000x128xf32, #tpu.memory_space<hbm>>
        %dma_start3A_125 = arith.constant 0 : i32
        %dma_start3A_126 = tpu.memref_slice %arg12[%mul3A_119, %dma_start3A_125] : memref<10256x128xf32, #tpu.memory_space<vmem_shared>> -> memref<1000x128xf32, #tpu.memory_space<vmem_shared>>
        tpu.enqueue_dma source(%dma_start3A_126 : memref<1000x128xf32, #tpu.memory_space<vmem_shared>>) target(%dma_start3A_124 : memref<1000x128xf32, #tpu.memory_space<hbm>>) target_semaphore(%run_scoped3A : memref<!tpu.dma_semaphore, #tpu.memory_space<semaphore_mem>>)
        %dma_wait3A_127 = arith.constant 0 : i32
        %dma_wait3A_128 = tpu.memref_slice %arg4[%arg0, %mul3A_121, %dma_wait3A_127] : memref<2x10000x128xf32, #tpu.memory_space<hbm>> -> memref<1x1000x128xf32, #tpu.memory_space<hbm>>
        %dma_wait3A_129 = tpu.memref_squeeze %dma_wait3A_128 : memref<1x1000x128xf32, #tpu.memory_space<hbm>> -> memref<1000x128xf32, #tpu.memory_space<hbm>>
        %dma_wait3A_130 = arith.constant 0 : i32
        %dma_wait3A_131 = tpu.memref_slice %arg12[%mul3A_119, %dma_wait3A_130] : memref<10256x128xf32, #tpu.memory_space<vmem_shared>> -> memref<1000x128xf32, #tpu.memory_space<vmem_shared>>
        tpu.wait_dma2 semaphore(%run_scoped3A : memref<!tpu.dma_semaphore, #tpu.memory_space<semaphore_mem>>) src(%dma_wait3A_131 : memref<1000x128xf32, #tpu.memory_space<vmem_shared>>) dst(%dma_wait3A_129 : memref<1000x128xf32, #tpu.memory_space<hbm>>)
        tpu.yield
      }) : () -> ()
    } else {
    }
    %mul3A_111 = arith.constant 656 : i32
    %mul3A_112 = arith.muli %arg1, %mul3A_111 : i32
    "tpu.region"() ({
      %run_scoped3A = tpu.sem_alloc : memref<!tpu.dma_semaphore, #tpu.memory_space<semaphore_mem>>
      %dma_start3A_118 = tpu.memref_slice %arg13[%mul3A_112] : memref<10496xf32, #tpu.memory_space<vmem_shared>> -> memref<656xf32, #tpu.memory_space<vmem_shared>>
      %dma_start3A_119 = tpu.memref_slice %arg13[%mul3A_112] : memref<10496xf32, #tpu.memory_space<vmem_shared>> -> memref<656xf32, #tpu.memory_space<vmem_shared>>
      tpu.enqueue_dma source(%dma_start3A_119 : memref<656xf32, #tpu.memory_space<vmem_shared>>) target(%arg11 : memref<656xf32, #tpu.memory_space<vmem>>) target_semaphore(%run_scoped3A : memref<!tpu.dma_semaphore, #tpu.memory_space<semaphore_mem>>)
      %dma_wait3A_120 = tpu.memref_slice %arg13[%mul3A_112] : memref<10496xf32, #tpu.memory_space<vmem_shared>> -> memref<656xf32, #tpu.memory_space<vmem_shared>>
      %dma_wait3A_121 = tpu.memref_slice %arg13[%mul3A_112] : memref<10496xf32, #tpu.memory_space<vmem_shared>> -> memref<656xf32, #tpu.memory_space<vmem_shared>>
      tpu.wait_dma2 semaphore(%run_scoped3A : memref<!tpu.dma_semaphore, #tpu.memory_space<semaphore_mem>>) src(%dma_wait3A_121 : memref<656xf32, #tpu.memory_space<vmem_shared>>) dst(%arg11 : memref<656xf32, #tpu.memory_space<vmem>>)
      tpu.yield
    }) : () -> ()
    %mul3A_113 = arith.constant 10496 : i32
    %mul3A_114 = arith.muli %arg0, %mul3A_113 : i32
    %mul3A_115 = arith.constant 656 : i32
    %mul3A_116 = arith.muli %arg1, %mul3A_115 : i32
    %add3A_117 = arith.addi %mul3A_114, %mul3A_116 : i32
    "tpu.region"() ({
      %run_scoped3A = tpu.sem_alloc : memref<!tpu.dma_semaphore, #tpu.memory_space<semaphore_mem>>
      %dma_start3A_118 = tpu.memref_slice %arg5[%add3A_117] : memref<20992xf32, #tpu.memory_space<hbm>> -> memref<656xf32, #tpu.memory_space<hbm>>
      %dma_start3A_119 = tpu.memref_slice %arg5[%add3A_117] : memref<20992xf32, #tpu.memory_space<hbm>> -> memref<656xf32, #tpu.memory_space<hbm>>
      tpu.enqueue_dma source(%arg11 : memref<656xf32, #tpu.memory_space<vmem>>) target(%dma_start3A_119 : memref<656xf32, #tpu.memory_space<hbm>>) target_semaphore(%run_scoped3A : memref<!tpu.dma_semaphore, #tpu.memory_space<semaphore_mem>>)
      %dma_wait3A_120 = tpu.memref_slice %arg5[%add3A_117] : memref<20992xf32, #tpu.memory_space<hbm>> -> memref<656xf32, #tpu.memory_space<hbm>>
      %dma_wait3A_121 = tpu.memref_slice %arg5[%add3A_117] : memref<20992xf32, #tpu.memory_space<hbm>> -> memref<656xf32, #tpu.memory_space<hbm>>
      tpu.wait_dma2 semaphore(%run_scoped3A : memref<!tpu.dma_semaphore, #tpu.memory_space<semaphore_mem>>) src(%arg11 : memref<656xf32, #tpu.memory_space<vmem>>) dst(%dma_wait3A_121 : memref<656xf32, #tpu.memory_space<hbm>>)
      tpu.yield
    }) : () -> ()
    return
  }
}

#map = affine_map<(d0, d1) -> (0, 0)>
#map1 = affine_map<(d0, d1) -> (0, 0, 0)>
module attributes {stable_mosaic.version = 14 : i64} {
  func.func @sc_agg_w128(%arg0: i32, %arg1: i32, %arg2: memref<10000x128xf32, #tpu.memory_space<hbm>>, %arg3: memref<32x80x128xi32, #tpu.memory_space<hbm>>, %arg4: memref<2x10000x128xf32, #tpu.memory_space<hbm>>, %arg5: memref<80x128xi32, #tpu.memory_space<vmem>>, %arg6: memref<2x128xi32, #tpu.memory_space<vmem>>, %arg7: memref<2x128xi32, #tpu.memory_space<vmem>>, %arg8: memref<2x128x128xf32, #tpu.memory_space<vmem>>, %arg9: memref<128xf32, #tpu.memory_space<vmem>>, %arg10: memref<656xf32, #tpu.memory_space<vmem>>, %arg11: memref<10256x128xf32, #tpu.memory_space<vmem_shared>>, %arg12: memref<10496xf32, #tpu.memory_space<vmem_shared>>, %arg13: memref<!tpu.dma_semaphore, #tpu.memory_space<semaphore_mem>>, %arg14: memref<!tpu.dma_semaphore, #tpu.memory_space<semaphore_mem>>, %arg15: memref<!tpu.dma_semaphore, #tpu.memory_space<semaphore_mem>>, %arg16: memref<!tpu.dma_semaphore, #tpu.memory_space<semaphore_mem>>, %arg17: memref<!tpu.dma_semaphore, #tpu.memory_space<semaphore_mem>>, %arg18: memref<!tpu.dma_semaphore, #tpu.memory_space<semaphore_mem>>) attributes {dimension_semantics = [#tpu.dimension_semantics<core_parallel>, #tpu.dimension_semantics<subcore_parallel>], iteration_bounds = array<i64: 2, 16>, scalar_prefetch = 0 : i64, scratch_operands = 14 : i64, tpu.core_type = #tpu.core_type<sc_vector_subcore>, window_params = [{transform_indices = #map}, {transform_indices = #map1}, {transform_indices = #map1}]} {
    %mul3A = arith.constant 16 : i32
    %mul3A_0 = arith.muli %arg0, %mul3A : i32
    %add3A = arith.addi %mul3A_0, %arg1 : i32
    %broadcast_in_dim3A = arith.constant 0.000000e+00 : f32
    %broadcast_in_dim3A_1 = vector.broadcast %broadcast_in_dim3A : f32 to vector<16xf32>
    "tpu.region"() ({
      %run_scoped3A = tpu.sem_alloc : memref<!tpu.dma_semaphore, #tpu.memory_space<semaphore_mem>>
      %dma_start3A_97 = arith.constant 0 : i32
      %dma_start3A_98 = arith.constant 0 : i32
      %dma_start3A_99 = tpu.memref_slice %arg3[%add3A, %dma_start3A_97, %dma_start3A_98] : memref<32x80x128xi32, #tpu.memory_space<hbm>> -> memref<1x80x128xi32, #tpu.memory_space<hbm>>
      %dma_start3A_100 = tpu.memref_squeeze %dma_start3A_99 : memref<1x80x128xi32, #tpu.memory_space<hbm>> -> memref<80x128xi32, #tpu.memory_space<hbm>>
      %dma_start3A_101 = arith.constant 0 : i32
      %dma_start3A_102 = arith.constant 0 : i32
      %dma_start3A_103 = tpu.memref_slice %arg3[%add3A, %dma_start3A_101, %dma_start3A_102] : memref<32x80x128xi32, #tpu.memory_space<hbm>> -> memref<1x80x128xi32, #tpu.memory_space<hbm>>
      %dma_start3A_104 = tpu.memref_squeeze %dma_start3A_103 : memref<1x80x128xi32, #tpu.memory_space<hbm>> -> memref<80x128xi32, #tpu.memory_space<hbm>>
      tpu.enqueue_dma source(%dma_start3A_104 : memref<80x128xi32, #tpu.memory_space<hbm>>) target(%arg5 : memref<80x128xi32, #tpu.memory_space<vmem>>) target_semaphore(%run_scoped3A : memref<!tpu.dma_semaphore, #tpu.memory_space<semaphore_mem>>)
      %dma_wait3A_105 = arith.constant 0 : i32
      %dma_wait3A_106 = arith.constant 0 : i32
      %dma_wait3A_107 = tpu.memref_slice %arg3[%add3A, %dma_wait3A_105, %dma_wait3A_106] : memref<32x80x128xi32, #tpu.memory_space<hbm>> -> memref<1x80x128xi32, #tpu.memory_space<hbm>>
      %dma_wait3A_108 = tpu.memref_squeeze %dma_wait3A_107 : memref<1x80x128xi32, #tpu.memory_space<hbm>> -> memref<80x128xi32, #tpu.memory_space<hbm>>
      %dma_wait3A_109 = arith.constant 0 : i32
      %dma_wait3A_110 = arith.constant 0 : i32
      %dma_wait3A_111 = tpu.memref_slice %arg3[%add3A, %dma_wait3A_109, %dma_wait3A_110] : memref<32x80x128xi32, #tpu.memory_space<hbm>> -> memref<1x80x128xi32, #tpu.memory_space<hbm>>
      %dma_wait3A_112 = tpu.memref_squeeze %dma_wait3A_111 : memref<1x80x128xi32, #tpu.memory_space<hbm>> -> memref<80x128xi32, #tpu.memory_space<hbm>>
      tpu.wait_dma2 semaphore(%run_scoped3A : memref<!tpu.dma_semaphore, #tpu.memory_space<semaphore_mem>>) src(%dma_wait3A_112 : memref<80x128xi32, #tpu.memory_space<hbm>>) dst(%arg5 : memref<80x128xi32, #tpu.memory_space<vmem>>)
      tpu.yield
    }) : () -> ()
    %scan3A = arith.constant 0 : i32
    %scan3A_2 = arith.constant 0 : i32
    %scan3A_3 = arith.constant 1024 : i32
    %scan3A_4 = arith.addi %scan3A_2, %scan3A_3 : i32
    %scan3A_5 = arith.constant 1 : i32
    %scan3A_6 = scf.for %scan3A_97 = %scan3A_2 to %scan3A_4 step %scan3A_5 iter_args(%scan3A_98 = %scan3A) -> (i32)  : i32 {
      %jit3A = arith.constant 8 : i32
      %div3A = arith.divsi %scan3A_97, %jit3A : i32
      %sign3A = arith.constant 0 : i32
      %sign3A_99 = arith.cmpi sgt, %scan3A_97, %sign3A : i32
      %sign3A_100 = arith.extui %sign3A_99 : i1 to i32
      %sign3A_101 = arith.constant 0 : i32
      %sign3A_102 = arith.cmpi slt, %scan3A_97, %sign3A_101 : i32
      %sign3A_103 = arith.extui %sign3A_102 : i1 to i32
      %sign3A_104 = arith.subi %sign3A_100, %sign3A_103 : i32
      %sign3A_105 = arith.constant 0 : i32
      %sign3A_106 = arith.cmpi sgt, %jit3A, %sign3A_105 : i32
      %sign3A_107 = arith.extui %sign3A_106 : i1 to i32
      %sign3A_108 = arith.constant 0 : i32
      %sign3A_109 = arith.cmpi slt, %jit3A, %sign3A_108 : i32
      %sign3A_110 = arith.extui %sign3A_109 : i1 to i32
      %sign3A_111 = arith.subi %sign3A_107, %sign3A_110 : i32
      %ne3A = arith.cmpi ne, %sign3A_104, %sign3A_111 : i32
      %rem3A = arith.remsi %scan3A_97, %jit3A : i32
      %ne3A_112 = arith.constant 0 : i32
      %ne3A_113 = arith.cmpi ne, %rem3A, %ne3A_112 : i32
      %and3A = arith.andi %ne3A, %ne3A_113 : i1
      %sub3A = arith.constant 1 : i32
      %sub3A_114 = arith.subi %div3A, %sub3A : i32
      %select_n3A = arith.select %and3A, %sub3A_114, %div3A : i32
      %jit3A_115 = arith.constant 8 : i32
      %eq3A = arith.constant 0 : i32
      %eq3A_116 = arith.cmpi eq, %jit3A_115, %eq3A : i32
      %jit3A_117 = arith.constant 1 : i32
      %select_n3A_118 = arith.select %eq3A_116, %jit3A_117, %jit3A_115 : i32
      %rem3A_119 = arith.remsi %scan3A_97, %select_n3A_118 : i32
      %ne3A_120 = arith.constant 0 : i32
      %ne3A_121 = arith.cmpi ne, %rem3A_119, %ne3A_120 : i32
      %lt3A_122 = arith.constant 0 : i32
      %lt3A_123 = arith.cmpi slt, %rem3A_119, %lt3A_122 : i32
      %lt3A_124 = arith.constant 0 : i32
      %lt3A_125 = arith.cmpi slt, %select_n3A_118, %lt3A_124 : i32
      %ne3A_126 = arith.xori %lt3A_123, %lt3A_125 : i1
      %and3A_127 = arith.andi %ne3A_126, %ne3A_121 : i1
      %add3A_128 = arith.addi %rem3A_119, %select_n3A_118 : i32
      %select_n3A_129 = arith.select %and3A_127, %add3A_128, %rem3A_119 : i32
      %mul3A_130 = arith.constant 16 : i32
      %mul3A_131 = arith.muli %select_n3A_129, %mul3A_130 : i32
      %swap3A = arith.constant 0 : i32
      %swap3A_132 = arith.index_cast %swap3A : i32 to index
      %swap3A_133 = arith.index_cast %select_n3A : i32 to index
      %swap3A_134 = arith.index_cast %mul3A_131 : i32 to index
      %swap3A_135 = tpu.vector_load %arg8[%swap3A_132, %swap3A_133, %swap3A_134] {strides = array<i32>} : memref<2x128x128xf32, #tpu.memory_space<vmem>>, vector<1x1x16xf32>,
      %swap3A_136 = vector.shape_cast %swap3A_135 : vector<1x1x16xf32> to vector<16xf32>
      %swap3A_137 = vector.shape_cast %broadcast_in_dim3A_1 : vector<16xf32> to vector<1x1x16xf32>
      tpu.vector_store %arg8[%swap3A_132, %swap3A_133, %swap3A_134], %swap3A_137 {strides = array<i32>} : memref<2x128x128xf32, #tpu.memory_space<vmem>>, vector<1x1x16xf32>,
      %scan3A_138 = arith.constant 0 : i32
      scf.yield %scan3A_138 : i32
    }
    %scan3A_7 = arith.constant 1024 : i32
    %scan3A_8 = arith.constant 0 : i32
    %scan3A_9 = arith.constant 0 : i32
    %scan3A_10 = arith.constant 41 : i32
    %scan3A_11 = arith.addi %scan3A_9, %scan3A_10 : i32
    %scan3A_12 = arith.constant 1 : i32
    %scan3A_13 = scf.for %scan3A_97 = %scan3A_9 to %scan3A_11 step %scan3A_12 iter_args(%scan3A_98 = %scan3A_8) -> (i32)  : i32 {
      %mul3A_99 = arith.constant 16 : i32
      %mul3A_100 = arith.muli %scan3A_97, %mul3A_99 : i32
      %swap3A = arith.index_cast %mul3A_100 : i32 to index
      %swap3A_101 = tpu.vector_load %arg10[%swap3A] {strides = array<i32>} : memref<656xf32, #tpu.memory_space<vmem>>, vector<16xf32>,
      %swap3A_102 = vector.shape_cast %swap3A_101 : vector<16xf32> to vector<16xf32>
      %swap3A_103 = vector.shape_cast %broadcast_in_dim3A_1 : vector<16xf32> to vector<16xf32>
      tpu.vector_store %arg10[%swap3A], %swap3A_103 {strides = array<i32>} : memref<656xf32, #tpu.memory_space<vmem>>, vector<16xf32>,
      %scan3A_104 = arith.constant 0 : i32
      scf.yield %scan3A_104 : i32
    }
    %scan3A_14 = arith.constant 41 : i32
    %scan3A_15 = arith.constant 0 : i32
    %scan3A_16 = arith.constant 0 : i32
    %scan3A_17 = arith.constant 8 : i32
    %scan3A_18 = arith.addi %scan3A_16, %scan3A_17 : i32
    %scan3A_19 = arith.constant 1 : i32
    %scan3A_20 = scf.for %scan3A_97 = %scan3A_16 to %scan3A_18 step %scan3A_19 iter_args(%scan3A_98 = %scan3A_15) -> (i32)  : i32 {
      %broadcast_in_dim3A_99 = arith.constant 1.000000e+00 : f32
      %broadcast_in_dim3A_100 = vector.broadcast %broadcast_in_dim3A_99 : f32 to vector<16xf32>
      %mul3A_101 = arith.constant 16 : i32
      %mul3A_102 = arith.muli %scan3A_97, %mul3A_101 : i32
      %swap3A = arith.index_cast %mul3A_102 : i32 to index
      %swap3A_103 = tpu.vector_load %arg9[%swap3A] {strides = array<i32>} : memref<128xf32, #tpu.memory_space<vmem>>, vector<16xf32>,
      %swap3A_104 = vector.shape_cast %swap3A_103 : vector<16xf32> to vector<16xf32>
      %swap3A_105 = vector.shape_cast %broadcast_in_dim3A_100 : vector<16xf32> to vector<16xf32>
      tpu.vector_store %arg9[%swap3A], %swap3A_105 {strides = array<i32>} : memref<128xf32, #tpu.memory_space<vmem>>, vector<16xf32>,
      %scan3A_106 = arith.constant 0 : i32
      scf.yield %scan3A_106 : i32
    }
    %scan3A_21 = arith.constant 8 : i32
    %lt3A = arith.constant 10 : i32
    %lt3A_22 = arith.cmpi slt, %arg1, %lt3A : i32
    %convert_element_type3A = arith.extui %lt3A_22 : i1 to i32
    %cond3A = arith.constant 0 : i32
    %cond3A_23 = arith.cmpi ne, %convert_element_type3A, %cond3A : i32
    scf.if %cond3A_23 {
      %mul3A_97 = arith.constant 1000 : i32
      %mul3A_98 = arith.muli %arg1, %mul3A_97 : i32
      %add3A_99 = arith.constant 0 : i32
      %add3A_100 = arith.addi %mul3A_98, %add3A_99 : i32
      %run_scoped3A = arith.constant 0 : i32
      "tpu.region"() ({
        %run_scoped3A_136 = tpu.sem_alloc : memref<!tpu.dma_semaphore, #tpu.memory_space<semaphore_mem>>
        %dma_start3A_137 = arith.constant 0 : i32
        %dma_start3A_138 = arith.constant 0 : i32
        %dma_start3A_139 = tpu.memref_slice %arg8[%run_scoped3A, %dma_start3A_137, %dma_start3A_138] : memref<2x128x128xf32, #tpu.memory_space<vmem>> -> memref<1x128x128xf32, #tpu.memory_space<vmem>>
        %dma_start3A_140 = tpu.memref_squeeze %dma_start3A_139 : memref<1x128x128xf32, #tpu.memory_space<vmem>> -> memref<128x128xf32, #tpu.memory_space<vmem>>
        %dma_start3A_141 = arith.constant 0 : i32
        %dma_start3A_142 = tpu.memref_slice %arg11[%add3A_100, %dma_start3A_141] : memref<10256x128xf32, #tpu.memory_space<vmem_shared>> -> memref<128x128xf32, #tpu.memory_space<vmem_shared>>
        %dma_start3A_143 = arith.constant 0 : i32
        %dma_start3A_144 = tpu.memref_slice %arg11[%add3A_100, %dma_start3A_143] : memref<10256x128xf32, #tpu.memory_space<vmem_shared>> -> memref<128x128xf32, #tpu.memory_space<vmem_shared>>
        %dma_start3A_145 = arith.constant 0 : i32
        %dma_start3A_146 = arith.constant 0 : i32
        %dma_start3A_147 = tpu.memref_slice %arg8[%run_scoped3A, %dma_start3A_145, %dma_start3A_146] : memref<2x128x128xf32, #tpu.memory_space<vmem>> -> memref<1x128x128xf32, #tpu.memory_space<vmem>>
        %dma_start3A_148 = tpu.memref_squeeze %dma_start3A_147 : memref<1x128x128xf32, #tpu.memory_space<vmem>> -> memref<128x128xf32, #tpu.memory_space<vmem>>
        tpu.enqueue_dma source(%dma_start3A_148 : memref<128x128xf32, #tpu.memory_space<vmem>>) target(%dma_start3A_144 : memref<128x128xf32, #tpu.memory_space<vmem_shared>>) target_semaphore(%run_scoped3A_136 : memref<!tpu.dma_semaphore, #tpu.memory_space<semaphore_mem>>)
        %dma_wait3A_149 = arith.constant 0 : i32
        %dma_wait3A_150 = arith.constant 0 : i32
        %dma_wait3A_151 = tpu.memref_slice %arg8[%run_scoped3A, %dma_wait3A_149, %dma_wait3A_150] : memref<2x128x128xf32, #tpu.memory_space<vmem>> -> memref<1x128x128xf32, #tpu.memory_space<vmem>>
        %dma_wait3A_152 = tpu.memref_squeeze %dma_wait3A_151 : memref<1x128x128xf32, #tpu.memory_space<vmem>> -> memref<128x128xf32, #tpu.memory_space<vmem>>
        %dma_wait3A_153 = arith.constant 0 : i32
        %dma_wait3A_154 = tpu.memref_slice %arg11[%add3A_100, %dma_wait3A_153] : memref<10256x128xf32, #tpu.memory_space<vmem_shared>> -> memref<128x128xf32, #tpu.memory_space<vmem_shared>>
        %dma_wait3A_155 = arith.constant 0 : i32
        %dma_wait3A_156 = tpu.memref_slice %arg11[%add3A_100, %dma_wait3A_155] : memref<10256x128xf32, #tpu.memory_space<vmem_shared>> -> memref<128x128xf32, #tpu.memory_space<vmem_shared>>
        %dma_wait3A_157 = arith.constant 0 : i32
        %dma_wait3A_158 = arith.constant 0 : i32
        %dma_wait3A_159 = tpu.memref_slice %arg8[%run_scoped3A, %dma_wait3A_157, %dma_wait3A_158] : memref<2x128x128xf32, #tpu.memory_space<vmem>> -> memref<1x128x128xf32, #tpu.memory_space<vmem>>
        %dma_wait3A_160 = tpu.memref_squeeze %dma_wait3A_159 : memref<1x128x128xf32, #tpu.memory_space<vmem>> -> memref<128x128xf32, #tpu.memory_space<vmem>>
        tpu.wait_dma2 semaphore(%run_scoped3A_136 : memref<!tpu.dma_semaphore, #tpu.memory_space<semaphore_mem>>) src(%dma_wait3A_160 : memref<128x128xf32, #tpu.memory_space<vmem>>) dst(%dma_wait3A_156 : memref<128x128xf32, #tpu.memory_space<vmem_shared>>)
        tpu.yield
      }) : () -> ()
      %mul3A_101 = arith.constant 1000 : i32
      %mul3A_102 = arith.muli %arg1, %mul3A_101 : i32
      %add3A_103 = arith.constant 128 : i32
      %add3A_104 = arith.addi %mul3A_102, %add3A_103 : i32
      %run_scoped3A_105 = arith.constant 0 : i32
      "tpu.region"() ({
        %run_scoped3A_136 = tpu.sem_alloc : memref<!tpu.dma_semaphore, #tpu.memory_space<semaphore_mem>>
        %dma_start3A_137 = arith.constant 0 : i32
        %dma_start3A_138 = arith.constant 0 : i32
        %dma_start3A_139 = tpu.memref_slice %arg8[%run_scoped3A_105, %dma_start3A_137, %dma_start3A_138] : memref<2x128x128xf32, #tpu.memory_space<vmem>> -> memref<1x128x128xf32, #tpu.memory_space<vmem>>
        %dma_start3A_140 = tpu.memref_squeeze %dma_start3A_139 : memref<1x128x128xf32, #tpu.memory_space<vmem>> -> memref<128x128xf32, #tpu.memory_space<vmem>>
        %dma_start3A_141 = arith.constant 0 : i32
        %dma_start3A_142 = tpu.memref_slice %arg11[%add3A_104, %dma_start3A_141] : memref<10256x128xf32, #tpu.memory_space<vmem_shared>> -> memref<128x128xf32, #tpu.memory_space<vmem_shared>>
        %dma_start3A_143 = arith.constant 0 : i32
        %dma_start3A_144 = tpu.memref_slice %arg11[%add3A_104, %dma_start3A_143] : memref<10256x128xf32, #tpu.memory_space<vmem_shared>> -> memref<128x128xf32, #tpu.memory_space<vmem_shared>>
        %dma_start3A_145 = arith.constant 0 : i32
        %dma_start3A_146 = arith.constant 0 : i32
        %dma_start3A_147 = tpu.memref_slice %arg8[%run_scoped3A_105, %dma_start3A_145, %dma_start3A_146] : memref<2x128x128xf32, #tpu.memory_space<vmem>> -> memref<1x128x128xf32, #tpu.memory_space<vmem>>
        %dma_start3A_148 = tpu.memref_squeeze %dma_start3A_147 : memref<1x128x128xf32, #tpu.memory_space<vmem>> -> memref<128x128xf32, #tpu.memory_space<vmem>>
        tpu.enqueue_dma source(%dma_start3A_148 : memref<128x128xf32, #tpu.memory_space<vmem>>) target(%dma_start3A_144 : memref<128x128xf32, #tpu.memory_space<vmem_shared>>) target_semaphore(%run_scoped3A_136 : memref<!tpu.dma_semaphore, #tpu.memory_space<semaphore_mem>>)
        %dma_wait3A_149 = arith.constant 0 : i32
        %dma_wait3A_150 = arith.constant 0 : i32
        %dma_wait3A_151 = tpu.memref_slice %arg8[%run_scoped3A_105, %dma_wait3A_149, %dma_wait3A_150] : memref<2x128x128xf32, #tpu.memory_space<vmem>> -> memref<1x128x128xf32, #tpu.memory_space<vmem>>
        %dma_wait3A_152 = tpu.memref_squeeze %dma_wait3A_151 : memref<1x128x128xf32, #tpu.memory_space<vmem>> -> memref<128x128xf32, #tpu.memory_space<vmem>>
        %dma_wait3A_153 = arith.constant 0 : i32
        %dma_wait3A_154 = tpu.memref_slice %arg11[%add3A_104, %dma_wait3A_153] : memref<10256x128xf32, #tpu.memory_space<vmem_shared>> -> memref<128x128xf32, #tpu.memory_space<vmem_shared>>
        %dma_wait3A_155 = arith.constant 0 : i32
        %dma_wait3A_156 = tpu.memref_slice %arg11[%add3A_104, %dma_wait3A_155] : memref<10256x128xf32, #tpu.memory_space<vmem_shared>> -> memref<128x128xf32, #tpu.memory_space<vmem_shared>>
        %dma_wait3A_157 = arith.constant 0 : i32
        %dma_wait3A_158 = arith.constant 0 : i32
        %dma_wait3A_159 = tpu.memref_slice %arg8[%run_scoped3A_105, %dma_wait3A_157, %dma_wait3A_158] : memref<2x128x128xf32, #tpu.memory_space<vmem>> -> memref<1x128x128xf32, #tpu.memory_space<vmem>>
        %dma_wait3A_160 = tpu.memref_squeeze %dma_wait3A_159 : memref<1x128x128xf32, #tpu.memory_space<vmem>> -> memref<128x128xf32, #tpu.memory_space<vmem>>
        tpu.wait_dma2 semaphore(%run_scoped3A_136 : memref<!tpu.dma_semaphore, #tpu.memory_space<semaphore_mem>>) src(%dma_wait3A_160 : memref<128x128xf32, #tpu.memory_space<vmem>>) dst(%dma_wait3A_156 : memref<128x128xf32, #tpu.memory_space<vmem_shared>>)
        tpu.yield
      }) : () -> ()
      %mul3A_106 = arith.constant 1000 : i32
      %mul3A_107 = arith.muli %arg1, %mul3A_106 : i32
      %add3A_108 = arith.constant 256 : i32
      %add3A_109 = arith.addi %mul3A_107, %add3A_108 : i32
      %run_scoped3A_110 = arith.constant 0 : i32
      "tpu.region"() ({
        %run_scoped3A_136 = tpu.sem_alloc : memref<!tpu.dma_semaphore, #tpu.memory_space<semaphore_mem>>
        %dma_start3A_137 = arith.constant 0 : i32
        %dma_start3A_138 = arith.constant 0 : i32
        %dma_start3A_139 = tpu.memref_slice %arg8[%run_scoped3A_110, %dma_start3A_137, %dma_start3A_138] : memref<2x128x128xf32, #tpu.memory_space<vmem>> -> memref<1x128x128xf32, #tpu.memory_space<vmem>>
        %dma_start3A_140 = tpu.memref_squeeze %dma_start3A_139 : memref<1x128x128xf32, #tpu.memory_space<vmem>> -> memref<128x128xf32, #tpu.memory_space<vmem>>
        %dma_start3A_141 = arith.constant 0 : i32
        %dma_start3A_142 = tpu.memref_slice %arg11[%add3A_109, %dma_start3A_141] : memref<10256x128xf32, #tpu.memory_space<vmem_shared>> -> memref<128x128xf32, #tpu.memory_space<vmem_shared>>
        %dma_start3A_143 = arith.constant 0 : i32
        %dma_start3A_144 = tpu.memref_slice %arg11[%add3A_109, %dma_start3A_143] : memref<10256x128xf32, #tpu.memory_space<vmem_shared>> -> memref<128x128xf32, #tpu.memory_space<vmem_shared>>
        %dma_start3A_145 = arith.constant 0 : i32
        %dma_start3A_146 = arith.constant 0 : i32
        %dma_start3A_147 = tpu.memref_slice %arg8[%run_scoped3A_110, %dma_start3A_145, %dma_start3A_146] : memref<2x128x128xf32, #tpu.memory_space<vmem>> -> memref<1x128x128xf32, #tpu.memory_space<vmem>>
        %dma_start3A_148 = tpu.memref_squeeze %dma_start3A_147 : memref<1x128x128xf32, #tpu.memory_space<vmem>> -> memref<128x128xf32, #tpu.memory_space<vmem>>
        tpu.enqueue_dma source(%dma_start3A_148 : memref<128x128xf32, #tpu.memory_space<vmem>>) target(%dma_start3A_144 : memref<128x128xf32, #tpu.memory_space<vmem_shared>>) target_semaphore(%run_scoped3A_136 : memref<!tpu.dma_semaphore, #tpu.memory_space<semaphore_mem>>)
        %dma_wait3A_149 = arith.constant 0 : i32
        %dma_wait3A_150 = arith.constant 0 : i32
        %dma_wait3A_151 = tpu.memref_slice %arg8[%run_scoped3A_110, %dma_wait3A_149, %dma_wait3A_150] : memref<2x128x128xf32, #tpu.memory_space<vmem>> -> memref<1x128x128xf32, #tpu.memory_space<vmem>>
        %dma_wait3A_152 = tpu.memref_squeeze %dma_wait3A_151 : memref<1x128x128xf32, #tpu.memory_space<vmem>> -> memref<128x128xf32, #tpu.memory_space<vmem>>
        %dma_wait3A_153 = arith.constant 0 : i32
        %dma_wait3A_154 = tpu.memref_slice %arg11[%add3A_109, %dma_wait3A_153] : memref<10256x128xf32, #tpu.memory_space<vmem_shared>> -> memref<128x128xf32, #tpu.memory_space<vmem_shared>>
        %dma_wait3A_155 = arith.constant 0 : i32
        %dma_wait3A_156 = tpu.memref_slice %arg11[%add3A_109, %dma_wait3A_155] : memref<10256x128xf32, #tpu.memory_space<vmem_shared>> -> memref<128x128xf32, #tpu.memory_space<vmem_shared>>
        %dma_wait3A_157 = arith.constant 0 : i32
        %dma_wait3A_158 = arith.constant 0 : i32
        %dma_wait3A_159 = tpu.memref_slice %arg8[%run_scoped3A_110, %dma_wait3A_157, %dma_wait3A_158] : memref<2x128x128xf32, #tpu.memory_space<vmem>> -> memref<1x128x128xf32, #tpu.memory_space<vmem>>
        %dma_wait3A_160 = tpu.memref_squeeze %dma_wait3A_159 : memref<1x128x128xf32, #tpu.memory_space<vmem>> -> memref<128x128xf32, #tpu.memory_space<vmem>>
        tpu.wait_dma2 semaphore(%run_scoped3A_136 : memref<!tpu.dma_semaphore, #tpu.memory_space<semaphore_mem>>) src(%dma_wait3A_160 : memref<128x128xf32, #tpu.memory_space<vmem>>) dst(%dma_wait3A_156 : memref<128x128xf32, #tpu.memory_space<vmem_shared>>)
        tpu.yield
      }) : () -> ()
      %mul3A_111 = arith.constant 1000 : i32
      %mul3A_112 = arith.muli %arg1, %mul3A_111 : i32
      %add3A_113 = arith.constant 384 : i32
      %add3A_114 = arith.addi %mul3A_112, %add3A_113 : i32
      %run_scoped3A_115 = arith.constant 0 : i32
      "tpu.region"() ({
        %run_scoped3A_136 = tpu.sem_alloc : memref<!tpu.dma_semaphore, #tpu.memory_space<semaphore_mem>>
        %dma_start3A_137 = arith.constant 0 : i32
        %dma_start3A_138 = arith.constant 0 : i32
        %dma_start3A_139 = tpu.memref_slice %arg8[%run_scoped3A_115, %dma_start3A_137, %dma_start3A_138] : memref<2x128x128xf32, #tpu.memory_space<vmem>> -> memref<1x128x128xf32, #tpu.memory_space<vmem>>
        %dma_start3A_140 = tpu.memref_squeeze %dma_start3A_139 : memref<1x128x128xf32, #tpu.memory_space<vmem>> -> memref<128x128xf32, #tpu.memory_space<vmem>>
        %dma_start3A_141 = arith.constant 0 : i32
        %dma_start3A_142 = tpu.memref_slice %arg11[%add3A_114, %dma_start3A_141] : memref<10256x128xf32, #tpu.memory_space<vmem_shared>> -> memref<128x128xf32, #tpu.memory_space<vmem_shared>>
        %dma_start3A_143 = arith.constant 0 : i32
        %dma_start3A_144 = tpu.memref_slice %arg11[%add3A_114, %dma_start3A_143] : memref<10256x128xf32, #tpu.memory_space<vmem_shared>> -> memref<128x128xf32, #tpu.memory_space<vmem_shared>>
        %dma_start3A_145 = arith.constant 0 : i32
        %dma_start3A_146 = arith.constant 0 : i32
        %dma_start3A_147 = tpu.memref_slice %arg8[%run_scoped3A_115, %dma_start3A_145, %dma_start3A_146] : memref<2x128x128xf32, #tpu.memory_space<vmem>> -> memref<1x128x128xf32, #tpu.memory_space<vmem>>
        %dma_start3A_148 = tpu.memref_squeeze %dma_start3A_147 : memref<1x128x128xf32, #tpu.memory_space<vmem>> -> memref<128x128xf32, #tpu.memory_space<vmem>>
        tpu.enqueue_dma source(%dma_start3A_148 : memref<128x128xf32, #tpu.memory_space<vmem>>) target(%dma_start3A_144 : memref<128x128xf32, #tpu.memory_space<vmem_shared>>) target_semaphore(%run_scoped3A_136 : memref<!tpu.dma_semaphore, #tpu.memory_space<semaphore_mem>>)
        %dma_wait3A_149 = arith.constant 0 : i32
        %dma_wait3A_150 = arith.constant 0 : i32
        %dma_wait3A_151 = tpu.memref_slice %arg8[%run_scoped3A_115, %dma_wait3A_149, %dma_wait3A_150] : memref<2x128x128xf32, #tpu.memory_space<vmem>> -> memref<1x128x128xf32, #tpu.memory_space<vmem>>
        %dma_wait3A_152 = tpu.memref_squeeze %dma_wait3A_151 : memref<1x128x128xf32, #tpu.memory_space<vmem>> -> memref<128x128xf32, #tpu.memory_space<vmem>>
        %dma_wait3A_153 = arith.constant 0 : i32
        %dma_wait3A_154 = tpu.memref_slice %arg11[%add3A_114, %dma_wait3A_153] : memref<10256x128xf32, #tpu.memory_space<vmem_shared>> -> memref<128x128xf32, #tpu.memory_space<vmem_shared>>
        %dma_wait3A_155 = arith.constant 0 : i32
        %dma_wait3A_156 = tpu.memref_slice %arg11[%add3A_114, %dma_wait3A_155] : memref<10256x128xf32, #tpu.memory_space<vmem_shared>> -> memref<128x128xf32, #tpu.memory_space<vmem_shared>>
        %dma_wait3A_157 = arith.constant 0 : i32
        %dma_wait3A_158 = arith.constant 0 : i32
        %dma_wait3A_159 = tpu.memref_slice %arg8[%run_scoped3A_115, %dma_wait3A_157, %dma_wait3A_158] : memref<2x128x128xf32, #tpu.memory_space<vmem>> -> memref<1x128x128xf32, #tpu.memory_space<vmem>>
        %dma_wait3A_160 = tpu.memref_squeeze %dma_wait3A_159 : memref<1x128x128xf32, #tpu.memory_space<vmem>> -> memref<128x128xf32, #tpu.memory_space<vmem>>
        tpu.wait_dma2 semaphore(%run_scoped3A_136 : memref<!tpu.dma_semaphore, #tpu.memory_space<semaphore_mem>>) src(%dma_wait3A_160 : memref<128x128xf32, #tpu.memory_space<vmem>>) dst(%dma_wait3A_156 : memref<128x128xf32, #tpu.memory_space<vmem_shared>>)
        tpu.yield
      }) : () -> ()
      %mul3A_116 = arith.constant 1000 : i32
      %mul3A_117 = arith.muli %arg1, %mul3A_116 : i32
      %add3A_118 = arith.constant 512 : i32
      %add3A_119 = arith.addi %mul3A_117, %add3A_118 : i32
      %run_scoped3A_120 = arith.constant 0 : i32
      "tpu.region"() ({
        %run_scoped3A_136 = tpu.sem_alloc : memref<!tpu.dma_semaphore, #tpu.memory_space<semaphore_mem>>
        %dma_start3A_137 = arith.constant 0 : i32
        %dma_start3A_138 = arith.constant 0 : i32
        %dma_start3A_139 = tpu.memref_slice %arg8[%run_scoped3A_120, %dma_start3A_137, %dma_start3A_138] : memref<2x128x128xf32, #tpu.memory_space<vmem>> -> memref<1x128x128xf32, #tpu.memory_space<vmem>>
        %dma_start3A_140 = tpu.memref_squeeze %dma_start3A_139 : memref<1x128x128xf32, #tpu.memory_space<vmem>> -> memref<128x128xf32, #tpu.memory_space<vmem>>
        %dma_start3A_141 = arith.constant 0 : i32
        %dma_start3A_142 = tpu.memref_slice %arg11[%add3A_119, %dma_start3A_141] : memref<10256x128xf32, #tpu.memory_space<vmem_shared>> -> memref<128x128xf32, #tpu.memory_space<vmem_shared>>
        %dma_start3A_143 = arith.constant 0 : i32
        %dma_start3A_144 = tpu.memref_slice %arg11[%add3A_119, %dma_start3A_143] : memref<10256x128xf32, #tpu.memory_space<vmem_shared>> -> memref<128x128xf32, #tpu.memory_space<vmem_shared>>
        %dma_start3A_145 = arith.constant 0 : i32
        %dma_start3A_146 = arith.constant 0 : i32
        %dma_start3A_147 = tpu.memref_slice %arg8[%run_scoped3A_120, %dma_start3A_145, %dma_start3A_146] : memref<2x128x128xf32, #tpu.memory_space<vmem>> -> memref<1x128x128xf32, #tpu.memory_space<vmem>>
        %dma_start3A_148 = tpu.memref_squeeze %dma_start3A_147 : memref<1x128x128xf32, #tpu.memory_space<vmem>> -> memref<128x128xf32, #tpu.memory_space<vmem>>
        tpu.enqueue_dma source(%dma_start3A_148 : memref<128x128xf32, #tpu.memory_space<vmem>>) target(%dma_start3A_144 : memref<128x128xf32, #tpu.memory_space<vmem_shared>>) target_semaphore(%run_scoped3A_136 : memref<!tpu.dma_semaphore, #tpu.memory_space<semaphore_mem>>)
        %dma_wait3A_149 = arith.constant 0 : i32
        %dma_wait3A_150 = arith.constant 0 : i32
        %dma_wait3A_151 = tpu.memref_slice %arg8[%run_scoped3A_120, %dma_wait3A_149, %dma_wait3A_150] : memref<2x128x128xf32, #tpu.memory_space<vmem>> -> memref<1x128x128xf32, #tpu.memory_space<vmem>>
        %dma_wait3A_152 = tpu.memref_squeeze %dma_wait3A_151 : memref<1x128x128xf32, #tpu.memory_space<vmem>> -> memref<128x128xf32, #tpu.memory_space<vmem>>
        %dma_wait3A_153 = arith.constant 0 : i32
        %dma_wait3A_154 = tpu.memref_slice %arg11[%add3A_119, %dma_wait3A_153] : memref<10256x128xf32, #tpu.memory_space<vmem_shared>> -> memref<128x128xf32, #tpu.memory_space<vmem_shared>>
        %dma_wait3A_155 = arith.constant 0 : i32
        %dma_wait3A_156 = tpu.memref_slice %arg11[%add3A_119, %dma_wait3A_155] : memref<10256x128xf32, #tpu.memory_space<vmem_shared>> -> memref<128x128xf32, #tpu.memory_space<vmem_shared>>
        %dma_wait3A_157 = arith.constant 0 : i32
        %dma_wait3A_158 = arith.constant 0 : i32
        %dma_wait3A_159 = tpu.memref_slice %arg8[%run_scoped3A_120, %dma_wait3A_157, %dma_wait3A_158] : memref<2x128x128xf32, #tpu.memory_space<vmem>> -> memref<1x128x128xf32, #tpu.memory_space<vmem>>
        %dma_wait3A_160 = tpu.memref_squeeze %dma_wait3A_159 : memref<1x128x128xf32, #tpu.memory_space<vmem>> -> memref<128x128xf32, #tpu.memory_space<vmem>>
        tpu.wait_dma2 semaphore(%run_scoped3A_136 : memref<!tpu.dma_semaphore, #tpu.memory_space<semaphore_mem>>) src(%dma_wait3A_160 : memref<128x128xf32, #tpu.memory_space<vmem>>) dst(%dma_wait3A_156 : memref<128x128xf32, #tpu.memory_space<vmem_shared>>)
        tpu.yield
      }) : () -> ()
      %mul3A_121 = arith.constant 1000 : i32
      %mul3A_122 = arith.muli %arg1, %mul3A_121 : i32
      %add3A_123 = arith.constant 640 : i32
      %add3A_124 = arith.addi %mul3A_122, %add3A_123 : i32
      %run_scoped3A_125 = arith.constant 0 : i32
      "tpu.region"() ({
        %run_scoped3A_136 = tpu.sem_alloc : memref<!tpu.dma_semaphore, #tpu.memory_space<semaphore_mem>>
        %dma_start3A_137 = arith.constant 0 : i32
        %dma_start3A_138 = arith.constant 0 : i32
        %dma_start3A_139 = tpu.memref_slice %arg8[%run_scoped3A_125, %dma_start3A_137, %dma_start3A_138] : memref<2x128x128xf32, #tpu.memory_space<vmem>> -> memref<1x128x128xf32, #tpu.memory_space<vmem>>
        %dma_start3A_140 = tpu.memref_squeeze %dma_start3A_139 : memref<1x128x128xf32, #tpu.memory_space<vmem>> -> memref<128x128xf32, #tpu.memory_space<vmem>>
        %dma_start3A_141 = arith.constant 0 : i32
        %dma_start3A_142 = tpu.memref_slice %arg11[%add3A_124, %dma_start3A_141] : memref<10256x128xf32, #tpu.memory_space<vmem_shared>> -> memref<128x128xf32, #tpu.memory_space<vmem_shared>>
        %dma_start3A_143 = arith.constant 0 : i32
        %dma_start3A_144 = tpu.memref_slice %arg11[%add3A_124, %dma_start3A_143] : memref<10256x128xf32, #tpu.memory_space<vmem_shared>> -> memref<128x128xf32, #tpu.memory_space<vmem_shared>>
        %dma_start3A_145 = arith.constant 0 : i32
        %dma_start3A_146 = arith.constant 0 : i32
        %dma_start3A_147 = tpu.memref_slice %arg8[%run_scoped3A_125, %dma_start3A_145, %dma_start3A_146] : memref<2x128x128xf32, #tpu.memory_space<vmem>> -> memref<1x128x128xf32, #tpu.memory_space<vmem>>
        %dma_start3A_148 = tpu.memref_squeeze %dma_start3A_147 : memref<1x128x128xf32, #tpu.memory_space<vmem>> -> memref<128x128xf32, #tpu.memory_space<vmem>>
        tpu.enqueue_dma source(%dma_start3A_148 : memref<128x128xf32, #tpu.memory_space<vmem>>) target(%dma_start3A_144 : memref<128x128xf32, #tpu.memory_space<vmem_shared>>) target_semaphore(%run_scoped3A_136 : memref<!tpu.dma_semaphore, #tpu.memory_space<semaphore_mem>>)
        %dma_wait3A_149 = arith.constant 0 : i32
        %dma_wait3A_150 = arith.constant 0 : i32
        %dma_wait3A_151 = tpu.memref_slice %arg8[%run_scoped3A_125, %dma_wait3A_149, %dma_wait3A_150] : memref<2x128x128xf32, #tpu.memory_space<vmem>> -> memref<1x128x128xf32, #tpu.memory_space<vmem>>
        %dma_wait3A_152 = tpu.memref_squeeze %dma_wait3A_151 : memref<1x128x128xf32, #tpu.memory_space<vmem>> -> memref<128x128xf32, #tpu.memory_space<vmem>>
        %dma_wait3A_153 = arith.constant 0 : i32
        %dma_wait3A_154 = tpu.memref_slice %arg11[%add3A_124, %dma_wait3A_153] : memref<10256x128xf32, #tpu.memory_space<vmem_shared>> -> memref<128x128xf32, #tpu.memory_space<vmem_shared>>
        %dma_wait3A_155 = arith.constant 0 : i32
        %dma_wait3A_156 = tpu.memref_slice %arg11[%add3A_124, %dma_wait3A_155] : memref<10256x128xf32, #tpu.memory_space<vmem_shared>> -> memref<128x128xf32, #tpu.memory_space<vmem_shared>>
        %dma_wait3A_157 = arith.constant 0 : i32
        %dma_wait3A_158 = arith.constant 0 : i32
        %dma_wait3A_159 = tpu.memref_slice %arg8[%run_scoped3A_125, %dma_wait3A_157, %dma_wait3A_158] : memref<2x128x128xf32, #tpu.memory_space<vmem>> -> memref<1x128x128xf32, #tpu.memory_space<vmem>>
        %dma_wait3A_160 = tpu.memref_squeeze %dma_wait3A_159 : memref<1x128x128xf32, #tpu.memory_space<vmem>> -> memref<128x128xf32, #tpu.memory_space<vmem>>
        tpu.wait_dma2 semaphore(%run_scoped3A_136 : memref<!tpu.dma_semaphore, #tpu.memory_space<semaphore_mem>>) src(%dma_wait3A_160 : memref<128x128xf32, #tpu.memory_space<vmem>>) dst(%dma_wait3A_156 : memref<128x128xf32, #tpu.memory_space<vmem_shared>>)
        tpu.yield
      }) : () -> ()
      %mul3A_126 = arith.constant 1000 : i32
      %mul3A_127 = arith.muli %arg1, %mul3A_126 : i32
      %add3A_128 = arith.constant 768 : i32
      %add3A_129 = arith.addi %mul3A_127, %add3A_128 : i32
      %run_scoped3A_130 = arith.constant 0 : i32
      "tpu.region"() ({
        %run_scoped3A_136 = tpu.sem_alloc : memref<!tpu.dma_semaphore, #tpu.memory_space<semaphore_mem>>
        %dma_start3A_137 = arith.constant 0 : i32
        %dma_start3A_138 = arith.constant 0 : i32
        %dma_start3A_139 = tpu.memref_slice %arg8[%run_scoped3A_130, %dma_start3A_137, %dma_start3A_138] : memref<2x128x128xf32, #tpu.memory_space<vmem>> -> memref<1x128x128xf32, #tpu.memory_space<vmem>>
        %dma_start3A_140 = tpu.memref_squeeze %dma_start3A_139 : memref<1x128x128xf32, #tpu.memory_space<vmem>> -> memref<128x128xf32, #tpu.memory_space<vmem>>
        %dma_start3A_141 = arith.constant 0 : i32
        %dma_start3A_142 = tpu.memref_slice %arg11[%add3A_129, %dma_start3A_141] : memref<10256x128xf32, #tpu.memory_space<vmem_shared>> -> memref<128x128xf32, #tpu.memory_space<vmem_shared>>
        %dma_start3A_143 = arith.constant 0 : i32
        %dma_start3A_144 = tpu.memref_slice %arg11[%add3A_129, %dma_start3A_143] : memref<10256x128xf32, #tpu.memory_space<vmem_shared>> -> memref<128x128xf32, #tpu.memory_space<vmem_shared>>
        %dma_start3A_145 = arith.constant 0 : i32
        %dma_start3A_146 = arith.constant 0 : i32
        %dma_start3A_147 = tpu.memref_slice %arg8[%run_scoped3A_130, %dma_start3A_145, %dma_start3A_146] : memref<2x128x128xf32, #tpu.memory_space<vmem>> -> memref<1x128x128xf32, #tpu.memory_space<vmem>>
        %dma_start3A_148 = tpu.memref_squeeze %dma_start3A_147 : memref<1x128x128xf32, #tpu.memory_space<vmem>> -> memref<128x128xf32, #tpu.memory_space<vmem>>
        tpu.enqueue_dma source(%dma_start3A_148 : memref<128x128xf32, #tpu.memory_space<vmem>>) target(%dma_start3A_144 : memref<128x128xf32, #tpu.memory_space<vmem_shared>>) target_semaphore(%run_scoped3A_136 : memref<!tpu.dma_semaphore, #tpu.memory_space<semaphore_mem>>)
        %dma_wait3A_149 = arith.constant 0 : i32
        %dma_wait3A_150 = arith.constant 0 : i32
        %dma_wait3A_151 = tpu.memref_slice %arg8[%run_scoped3A_130, %dma_wait3A_149, %dma_wait3A_150] : memref<2x128x128xf32, #tpu.memory_space<vmem>> -> memref<1x128x128xf32, #tpu.memory_space<vmem>>
        %dma_wait3A_152 = tpu.memref_squeeze %dma_wait3A_151 : memref<1x128x128xf32, #tpu.memory_space<vmem>> -> memref<128x128xf32, #tpu.memory_space<vmem>>
        %dma_wait3A_153 = arith.constant 0 : i32
        %dma_wait3A_154 = tpu.memref_slice %arg11[%add3A_129, %dma_wait3A_153] : memref<10256x128xf32, #tpu.memory_space<vmem_shared>> -> memref<128x128xf32, #tpu.memory_space<vmem_shared>>
        %dma_wait3A_155 = arith.constant 0 : i32
        %dma_wait3A_156 = tpu.memref_slice %arg11[%add3A_129, %dma_wait3A_155] : memref<10256x128xf32, #tpu.memory_space<vmem_shared>> -> memref<128x128xf32, #tpu.memory_space<vmem_shared>>
        %dma_wait3A_157 = arith.constant 0 : i32
        %dma_wait3A_158 = arith.constant 0 : i32
        %dma_wait3A_159 = tpu.memref_slice %arg8[%run_scoped3A_130, %dma_wait3A_157, %dma_wait3A_158] : memref<2x128x128xf32, #tpu.memory_space<vmem>> -> memref<1x128x128xf32, #tpu.memory_space<vmem>>
        %dma_wait3A_160 = tpu.memref_squeeze %dma_wait3A_159 : memref<1x128x128xf32, #tpu.memory_space<vmem>> -> memref<128x128xf32, #tpu.memory_space<vmem>>
        tpu.wait_dma2 semaphore(%run_scoped3A_136 : memref<!tpu.dma_semaphore, #tpu.memory_space<semaphore_mem>>) src(%dma_wait3A_160 : memref<128x128xf32, #tpu.memory_space<vmem>>) dst(%dma_wait3A_156 : memref<128x128xf32, #tpu.memory_space<vmem_shared>>)
        tpu.yield
      }) : () -> ()
      %mul3A_131 = arith.constant 1000 : i32
      %mul3A_132 = arith.muli %arg1, %mul3A_131 : i32
      %add3A_133 = arith.constant 896 : i32
      %add3A_134 = arith.addi %mul3A_132, %add3A_133 : i32
      %run_scoped3A_135 = arith.constant 0 : i32
      "tpu.region"() ({
        %run_scoped3A_136 = tpu.sem_alloc : memref<!tpu.dma_semaphore, #tpu.memory_space<semaphore_mem>>
        %dma_start3A_137 = arith.constant 0 : i32
        %dma_start3A_138 = arith.constant 0 : i32
        %dma_start3A_139 = tpu.memref_slice %arg8[%run_scoped3A_135, %dma_start3A_137, %dma_start3A_138] : memref<2x128x128xf32, #tpu.memory_space<vmem>> -> memref<1x104x128xf32, #tpu.memory_space<vmem>>
        %dma_start3A_140 = tpu.memref_squeeze %dma_start3A_139 : memref<1x104x128xf32, #tpu.memory_space<vmem>> -> memref<104x128xf32, #tpu.memory_space<vmem>>
        %dma_start3A_141 = arith.constant 0 : i32
        %dma_start3A_142 = tpu.memref_slice %arg11[%add3A_134, %dma_start3A_141] : memref<10256x128xf32, #tpu.memory_space<vmem_shared>> -> memref<104x128xf32, #tpu.memory_space<vmem_shared>>
        %dma_start3A_143 = arith.constant 0 : i32
        %dma_start3A_144 = tpu.memref_slice %arg11[%add3A_134, %dma_start3A_143] : memref<10256x128xf32, #tpu.memory_space<vmem_shared>> -> memref<104x128xf32, #tpu.memory_space<vmem_shared>>
        %dma_start3A_145 = arith.constant 0 : i32
        %dma_start3A_146 = arith.constant 0 : i32
        %dma_start3A_147 = tpu.memref_slice %arg8[%run_scoped3A_135, %dma_start3A_145, %dma_start3A_146] : memref<2x128x128xf32, #tpu.memory_space<vmem>> -> memref<1x104x128xf32, #tpu.memory_space<vmem>>
        %dma_start3A_148 = tpu.memref_squeeze %dma_start3A_147 : memref<1x104x128xf32, #tpu.memory_space<vmem>> -> memref<104x128xf32, #tpu.memory_space<vmem>>
        tpu.enqueue_dma source(%dma_start3A_148 : memref<104x128xf32, #tpu.memory_space<vmem>>) target(%dma_start3A_144 : memref<104x128xf32, #tpu.memory_space<vmem_shared>>) target_semaphore(%run_scoped3A_136 : memref<!tpu.dma_semaphore, #tpu.memory_space<semaphore_mem>>)
        %dma_wait3A_149 = arith.constant 0 : i32
        %dma_wait3A_150 = arith.constant 0 : i32
        %dma_wait3A_151 = tpu.memref_slice %arg8[%run_scoped3A_135, %dma_wait3A_149, %dma_wait3A_150] : memref<2x128x128xf32, #tpu.memory_space<vmem>> -> memref<1x104x128xf32, #tpu.memory_space<vmem>>
        %dma_wait3A_152 = tpu.memref_squeeze %dma_wait3A_151 : memref<1x104x128xf32, #tpu.memory_space<vmem>> -> memref<104x128xf32, #tpu.memory_space<vmem>>
        %dma_wait3A_153 = arith.constant 0 : i32
        %dma_wait3A_154 = tpu.memref_slice %arg11[%add3A_134, %dma_wait3A_153] : memref<10256x128xf32, #tpu.memory_space<vmem_shared>> -> memref<104x128xf32, #tpu.memory_space<vmem_shared>>
        %dma_wait3A_155 = arith.constant 0 : i32
        %dma_wait3A_156 = tpu.memref_slice %arg11[%add3A_134, %dma_wait3A_155] : memref<10256x128xf32, #tpu.memory_space<vmem_shared>> -> memref<104x128xf32, #tpu.memory_space<vmem_shared>>
        %dma_wait3A_157 = arith.constant 0 : i32
        %dma_wait3A_158 = arith.constant 0 : i32
        %dma_wait3A_159 = tpu.memref_slice %arg8[%run_scoped3A_135, %dma_wait3A_157, %dma_wait3A_158] : memref<2x128x128xf32, #tpu.memory_space<vmem>> -> memref<1x104x128xf32, #tpu.memory_space<vmem>>
        %dma_wait3A_160 = tpu.memref_squeeze %dma_wait3A_159 : memref<1x104x128xf32, #tpu.memory_space<vmem>> -> memref<104x128xf32, #tpu.memory_space<vmem>>
        tpu.wait_dma2 semaphore(%run_scoped3A_136 : memref<!tpu.dma_semaphore, #tpu.memory_space<semaphore_mem>>) src(%dma_wait3A_160 : memref<104x128xf32, #tpu.memory_space<vmem>>) dst(%dma_wait3A_156 : memref<104x128xf32, #tpu.memory_space<vmem_shared>>)
        tpu.yield
      }) : () -> ()
    } else {
    }
    %scan3A_24 = arith.constant 0 : i32
    %scan3A_25 = arith.constant 0 : i32
    %scan3A_26 = arith.constant 8 : i32
    %scan3A_27 = arith.addi %scan3A_25, %scan3A_26 : i32
    %scan3A_28 = arith.constant 1 : i32
    %scan3A_29 = scf.for %scan3A_97 = %scan3A_25 to %scan3A_27 step %scan3A_28 iter_args(%scan3A_98 = %scan3A_24) -> (i32)  : i32 {
      %mul3A_99 = arith.constant 16 : i32
      %mul3A_100 = arith.muli %scan3A_97, %mul3A_99 : i32
      %get3A = arith.constant 0 : i32
      %get3A_101 = arith.index_cast %get3A : i32 to index
      %get3A_102 = arith.index_cast %mul3A_100 : i32 to index
      %get3A_103 = tpu.vector_load %arg5[%get3A_101, %get3A_102] {strides = array<i32>} : memref<80x128xi32, #tpu.memory_space<vmem>>, vector<1x16xi32>,
      %get3A_104 = vector.shape_cast %get3A_103 : vector<1x16xi32> to vector<16xi32>
      %and3A = arith.constant 16383 : i32
      %and3A_105 = vector.broadcast %and3A : i32 to vector<16xi32>
      %and3A_106 = arith.andi %get3A_104, %and3A_105 : vector<16xi32>
      %mul3A_107 = arith.constant 16 : i32
      %mul3A_108 = arith.muli %scan3A_97, %mul3A_107 : i32
      %swap3A = arith.constant 0 : i32
      %swap3A_109 = arith.index_cast %swap3A : i32 to index
      %swap3A_110 = arith.index_cast %mul3A_108 : i32 to index
      %swap3A_111 = tpu.vector_load %arg6[%swap3A_109, %swap3A_110] {strides = array<i32>} : memref<2x128xi32, #tpu.memory_space<vmem>>, vector<1x16xi32>,
      %swap3A_112 = vector.shape_cast %swap3A_111 : vector<1x16xi32> to vector<16xi32>
      %swap3A_113 = vector.shape_cast %and3A_106 : vector<16xi32> to vector<1x16xi32>
      tpu.vector_store %arg6[%swap3A_109, %swap3A_110], %swap3A_113 {strides = array<i32>} : memref<2x128xi32, #tpu.memory_space<vmem>>, vector<1x16xi32>,
      %shift_right_logical3A = arith.constant 14 : i32
      %shift_right_logical3A_114 = vector.broadcast %shift_right_logical3A : i32 to vector<16xi32>
      %shift_right_logical3A_115 = arith.shrui %get3A_104, %shift_right_logical3A_114 : vector<16xi32>
      %mul3A_116 = arith.constant 16 : i32
      %mul3A_117 = arith.muli %scan3A_97, %mul3A_116 : i32
      %swap3A_118 = arith.constant 0 : i32
      %swap3A_119 = arith.index_cast %swap3A_118 : i32 to index
      %swap3A_120 = arith.index_cast %mul3A_117 : i32 to index
      %swap3A_121 = tpu.vector_load %arg7[%swap3A_119, %swap3A_120] {strides = array<i32>} : memref<2x128xi32, #tpu.memory_space<vmem>>, vector<1x16xi32>,
      %swap3A_122 = vector.shape_cast %swap3A_121 : vector<1x16xi32> to vector<16xi32>
      %swap3A_123 = vector.shape_cast %shift_right_logical3A_115 : vector<16xi32> to vector<1x16xi32>
      tpu.vector_store %arg7[%swap3A_119, %swap3A_120], %swap3A_123 {strides = array<i32>} : memref<2x128xi32, #tpu.memory_space<vmem>>, vector<1x16xi32>,
      %scan3A_124 = arith.constant 0 : i32
      scf.yield %scan3A_124 : i32
    }
    %scan3A_30 = arith.constant 8 : i32
    %dma_start3A = arith.constant 0 : i32
    %dma_start3A_31 = arith.constant 0 : i32
    %dma_start3A_32 = arith.constant 0 : i32
    %dma_start3A_33 = arith.constant 0 : i32
    %dma_start3A_34 = tpu.memref_slice %arg8[%dma_start3A_31, %dma_start3A_32, %dma_start3A_33] : memref<2x128x128xf32, #tpu.memory_space<vmem>> -> memref<1x128x128xf32, #tpu.memory_space<vmem>>
    %dma_start3A_35 = tpu.memref_squeeze %dma_start3A_34 : memref<1x128x128xf32, #tpu.memory_space<vmem>> -> memref<128x128xf32, #tpu.memory_space<vmem>>
    %dma_start3A_36 = arith.constant 0 : i32
    %dma_start3A_37 = tpu.memref_slice %arg6[%dma_start3A, %dma_start3A_36] : memref<2x128xi32, #tpu.memory_space<vmem>> -> memref<1x128xi32, #tpu.memory_space<vmem>>
    %dma_start3A_38 = tpu.memref_squeeze %dma_start3A_37 : memref<1x128xi32, #tpu.memory_space<vmem>> -> memref<128xi32, #tpu.memory_space<vmem>>
    %dma_start3A_39 = arith.constant 0 : i32
    %dma_start3A_40 = arith.constant 0 : i32
    %dma_start3A_41 = tpu.memref_slice %arg2[%dma_start3A_39, %dma_start3A_40] : memref<10000x128xf32, #tpu.memory_space<hbm>> -> memref<10000x128xf32, #tpu.memory_space<hbm>>
    tpu.enqueue_indirect_dma source(%dma_start3A_41 : memref<10000x128xf32, #tpu.memory_space<hbm>>) target(%dma_start3A_35 : memref<128x128xf32, #tpu.memory_space<vmem>>) offsets(%dma_start3A_38 : memref<128xi32, #tpu.memory_space<vmem>>) semaphore(%arg13 : memref<!tpu.dma_semaphore, #tpu.memory_space<semaphore_mem>>)
    %scan3A_42 = arith.constant 0 : i32
    %scan3A_43 = arith.constant 0 : i32
    %scan3A_44 = arith.constant 8 : i32
    %scan3A_45 = arith.addi %scan3A_43, %scan3A_44 : i32
    %scan3A_46 = arith.constant 1 : i32
    %scan3A_47 = scf.for %scan3A_97 = %scan3A_43 to %scan3A_45 step %scan3A_46 iter_args(%scan3A_98 = %scan3A_42) -> (i32)  : i32 {
      %mul3A_99 = arith.constant 16 : i32
      %mul3A_100 = arith.muli %scan3A_97, %mul3A_99 : i32
      %get3A = arith.constant 1 : i32
      %get3A_101 = arith.index_cast %get3A : i32 to index
      %get3A_102 = arith.index_cast %mul3A_100 : i32 to index
      %get3A_103 = tpu.vector_load %arg5[%get3A_101, %get3A_102] {strides = array<i32>} : memref<80x128xi32, #tpu.memory_space<vmem>>, vector<1x16xi32>,
      %get3A_104 = vector.shape_cast %get3A_103 : vector<1x16xi32> to vector<16xi32>
      %and3A = arith.constant 16383 : i32
      %and3A_105 = vector.broadcast %and3A : i32 to vector<16xi32>
      %and3A_106 = arith.andi %get3A_104, %and3A_105 : vector<16xi32>
      %mul3A_107 = arith.constant 16 : i32
      %mul3A_108 = arith.muli %scan3A_97, %mul3A_107 : i32
      %swap3A = arith.constant 1 : i32
      %swap3A_109 = arith.index_cast %swap3A : i32 to index
      %swap3A_110 = arith.index_cast %mul3A_108 : i32 to index
      %swap3A_111 = tpu.vector_load %arg6[%swap3A_109, %swap3A_110] {strides = array<i32>} : memref<2x128xi32, #tpu.memory_space<vmem>>, vector<1x16xi32>,
      %swap3A_112 = vector.shape_cast %swap3A_111 : vector<1x16xi32> to vector<16xi32>
      %swap3A_113 = vector.shape_cast %and3A_106 : vector<16xi32> to vector<1x16xi32>
      tpu.vector_store %arg6[%swap3A_109, %swap3A_110], %swap3A_113 {strides = array<i32>} : memref<2x128xi32, #tpu.memory_space<vmem>>, vector<1x16xi32>,
      %shift_right_logical3A = arith.constant 14 : i32
      %shift_right_logical3A_114 = vector.broadcast %shift_right_logical3A : i32 to vector<16xi32>
      %shift_right_logical3A_115 = arith.shrui %get3A_104, %shift_right_logical3A_114 : vector<16xi32>
      %mul3A_116 = arith.constant 16 : i32
      %mul3A_117 = arith.muli %scan3A_97, %mul3A_116 : i32
      %swap3A_118 = arith.constant 1 : i32
      %swap3A_119 = arith.index_cast %swap3A_118 : i32 to index
      %swap3A_120 = arith.index_cast %mul3A_117 : i32 to index
      %swap3A_121 = tpu.vector_load %arg7[%swap3A_119, %swap3A_120] {strides = array<i32>} : memref<2x128xi32, #tpu.memory_space<vmem>>, vector<1x16xi32>,
      %swap3A_122 = vector.shape_cast %swap3A_121 : vector<1x16xi32> to vector<16xi32>
      %swap3A_123 = vector.shape_cast %shift_right_logical3A_115 : vector<16xi32> to vector<1x16xi32>
      tpu.vector_store %arg7[%swap3A_119, %swap3A_120], %swap3A_123 {strides = array<i32>} : memref<2x128xi32, #tpu.memory_space<vmem>>, vector<1x16xi32>,
      %scan3A_124 = arith.constant 0 : i32
      scf.yield %scan3A_124 : i32
    }
    %scan3A_48 = arith.constant 8 : i32
    %dma_start3A_49 = arith.constant 1 : i32
    %dma_start3A_50 = arith.constant 1 : i32
    %dma_start3A_51 = arith.constant 0 : i32
    %dma_start3A_52 = arith.constant 0 : i32
    %dma_start3A_53 = tpu.memref_slice %arg8[%dma_start3A_50, %dma_start3A_51, %dma_start3A_52] : memref<2x128x128xf32, #tpu.memory_space<vmem>> -> memref<1x128x128xf32, #tpu.memory_space<vmem>>
    %dma_start3A_54 = tpu.memref_squeeze %dma_start3A_53 : memref<1x128x128xf32, #tpu.memory_space<vmem>> -> memref<128x128xf32, #tpu.memory_space<vmem>>
    %dma_start3A_55 = arith.constant 0 : i32
    %dma_start3A_56 = tpu.memref_slice %arg6[%dma_start3A_49, %dma_start3A_55] : memref<2x128xi32, #tpu.memory_space<vmem>> -> memref<1x128xi32, #tpu.memory_space<vmem>>
    %dma_start3A_57 = tpu.memref_squeeze %dma_start3A_56 : memref<1x128xi32, #tpu.memory_space<vmem>> -> memref<128xi32, #tpu.memory_space<vmem>>
    %dma_start3A_58 = arith.constant 0 : i32
    %dma_start3A_59 = arith.constant 0 : i32
    %dma_start3A_60 = tpu.memref_slice %arg2[%dma_start3A_58, %dma_start3A_59] : memref<10000x128xf32, #tpu.memory_space<hbm>> -> memref<10000x128xf32, #tpu.memory_space<hbm>>
    tpu.enqueue_indirect_dma source(%dma_start3A_60 : memref<10000x128xf32, #tpu.memory_space<hbm>>) target(%dma_start3A_54 : memref<128x128xf32, #tpu.memory_space<vmem>>) offsets(%dma_start3A_57 : memref<128xi32, #tpu.memory_space<vmem>>) semaphore(%arg14 : memref<!tpu.dma_semaphore, #tpu.memory_space<semaphore_mem>>)
    %barrier3A = arith.constant 0 : index
    tpu.barrier barrier_id(%barrier3A)
    %scan3A_61 = arith.constant 0 : i32
    %scan3A_62 = arith.constant 0 : i32
    %scan3A_63 = arith.constant 40 : i32
    %scan3A_64 = arith.addi %scan3A_62, %scan3A_63 : i32
    %scan3A_65 = arith.constant 1 : i32
    %scan3A_66 = scf.for %scan3A_97 = %scan3A_62 to %scan3A_64 step %scan3A_65 iter_args(%scan3A_98 = %scan3A_61) -> (i32)  : i32 {
      %dma_wait3A_99 = arith.constant 0 : i32
      %dma_wait3A_100 = arith.constant 0 : i32
      %dma_wait3A_101 = arith.constant 0 : i32
      %dma_wait3A_102 = arith.constant 0 : i32
      %dma_wait3A_103 = tpu.memref_slice %arg8[%dma_wait3A_100, %dma_wait3A_101, %dma_wait3A_102] : memref<2x128x128xf32, #tpu.memory_space<vmem>> -> memref<1x128x128xf32, #tpu.memory_space<vmem>>
      %dma_wait3A_104 = tpu.memref_squeeze %dma_wait3A_103 : memref<1x128x128xf32, #tpu.memory_space<vmem>> -> memref<128x128xf32, #tpu.memory_space<vmem>>
      %dma_wait3A_105 = arith.constant 0 : i32
      %dma_wait3A_106 = tpu.memref_slice %arg6[%dma_wait3A_99, %dma_wait3A_105] : memref<2x128xi32, #tpu.memory_space<vmem>> -> memref<1x128xi32, #tpu.memory_space<vmem>>
      %dma_wait3A_107 = tpu.memref_squeeze %dma_wait3A_106 : memref<1x128xi32, #tpu.memory_space<vmem>> -> memref<128xi32, #tpu.memory_space<vmem>>
      %dma_wait3A_108 = arith.constant 0 : i32
      %dma_wait3A_109 = arith.constant 0 : i32
      %dma_wait3A_110 = tpu.memref_slice %arg2[%dma_wait3A_108, %dma_wait3A_109] : memref<10000x128xf32, #tpu.memory_space<hbm>> -> memref<10000x128xf32, #tpu.memory_space<hbm>>
      tpu.wait_indirect_dma semaphore(%arg13 : memref<!tpu.dma_semaphore, #tpu.memory_space<semaphore_mem>>) src(%dma_wait3A_110 : memref<10000x128xf32, #tpu.memory_space<hbm>>) dst(%dma_wait3A_104 : memref<128x128xf32, #tpu.memory_space<vmem>>)
      %dma_start3A_111 = arith.constant 0 : i32
      %dma_start3A_112 = arith.constant 0 : i32
      %dma_start3A_113 = arith.constant 0 : i32
      %dma_start3A_114 = arith.constant 0 : i32
      %dma_start3A_115 = tpu.memref_slice %arg8[%dma_start3A_111, %dma_start3A_113, %dma_start3A_114] : memref<2x128x128xf32, #tpu.memory_space<vmem>> -> memref<1x128x128xf32, #tpu.memory_space<vmem>>
      %dma_start3A_116 = tpu.memref_squeeze %dma_start3A_115 : memref<1x128x128xf32, #tpu.memory_space<vmem>> -> memref<128x128xf32, #tpu.memory_space<vmem>>
      %dma_start3A_117 = arith.constant 0 : i32
      %dma_start3A_118 = tpu.memref_slice %arg7[%dma_start3A_112, %dma_start3A_117] : memref<2x128xi32, #tpu.memory_space<vmem>> -> memref<1x128xi32, #tpu.memory_space<vmem>>
      %dma_start3A_119 = tpu.memref_squeeze %dma_start3A_118 : memref<1x128xi32, #tpu.memory_space<vmem>> -> memref<128xi32, #tpu.memory_space<vmem>>
      %dma_start3A_120 = arith.constant 0 : i32
      %dma_start3A_121 = arith.constant 0 : i32
      %dma_start3A_122 = tpu.memref_slice %arg11[%dma_start3A_120, %dma_start3A_121] : memref<10256x128xf32, #tpu.memory_space<vmem_shared>> -> memref<10256x128xf32, #tpu.memory_space<vmem_shared>>
      tpu.enqueue_indirect_dma source(%dma_start3A_116 : memref<128x128xf32, #tpu.memory_space<vmem>>) target(%dma_start3A_122 : memref<10256x128xf32, #tpu.memory_space<vmem_shared>>) offsets(%dma_start3A_119 : memref<128xi32, #tpu.memory_space<vmem>>) semaphore(%arg15 : memref<!tpu.dma_semaphore, #tpu.memory_space<semaphore_mem>>) {add = true}
      %lt3A_123 = arith.constant 39 : i32
      %lt3A_124 = arith.cmpi slt, %scan3A_97, %lt3A_123 : i32
      %convert_element_type3A_125 = arith.extui %lt3A_124 : i1 to i32
      %cond3A_126 = arith.constant 0 : i32
      %cond3A_127 = arith.cmpi ne, %convert_element_type3A_125, %cond3A_126 : i32
      scf.if %cond3A_127 {
        %dma_wait3A_158 = arith.constant 0 : i32
        %dma_wait3A_159 = arith.constant 0 : i32
        %dma_wait3A_160 = arith.constant 0 : i32
        %dma_wait3A_161 = arith.constant 0 : i32
        %dma_wait3A_162 = tpu.memref_slice %arg8[%dma_wait3A_158, %dma_wait3A_160, %dma_wait3A_161] : memref<2x128x128xf32, #tpu.memory_space<vmem>> -> memref<1x128x128xf32, #tpu.memory_space<vmem>>
        %dma_wait3A_163 = tpu.memref_squeeze %dma_wait3A_162 : memref<1x128x128xf32, #tpu.memory_space<vmem>> -> memref<128x128xf32, #tpu.memory_space<vmem>>
        %dma_wait3A_164 = arith.constant 0 : i32
        %dma_wait3A_165 = tpu.memref_slice %arg7[%dma_wait3A_159, %dma_wait3A_164] : memref<2x128xi32, #tpu.memory_space<vmem>> -> memref<1x128xi32, #tpu.memory_space<vmem>>
        %dma_wait3A_166 = tpu.memref_squeeze %dma_wait3A_165 : memref<1x128xi32, #tpu.memory_space<vmem>> -> memref<128xi32, #tpu.memory_space<vmem>>
        %dma_wait3A_167 = arith.constant 0 : i32
        %dma_wait3A_168 = arith.constant 0 : i32
        %dma_wait3A_169 = tpu.memref_slice %arg11[%dma_wait3A_167, %dma_wait3A_168] : memref<10256x128xf32, #tpu.memory_space<vmem_shared>> -> memref<10256x128xf32, #tpu.memory_space<vmem_shared>>
        tpu.wait_indirect_dma semaphore(%arg15 : memref<!tpu.dma_semaphore, #tpu.memory_space<semaphore_mem>>) src(%dma_wait3A_163 : memref<128x128xf32, #tpu.memory_space<vmem>>) dst(%dma_wait3A_169 : memref<10256x128xf32, #tpu.memory_space<vmem_shared>>)
        %mul3A_170 = arith.constant 2 : i32
        %mul3A_171 = arith.muli %scan3A_97, %mul3A_170 : i32
        %add3A_172 = arith.constant 0 : i32
        %add3A_173 = arith.addi %mul3A_171, %add3A_172 : i32
        %add3A_174 = arith.constant 2 : i32
        %add3A_175 = arith.addi %add3A_173, %add3A_174 : i32
        %scan3A_176 = arith.constant 0 : i32
        %scan3A_177 = arith.constant 0 : i32
        %scan3A_178 = arith.constant 8 : i32
        %scan3A_179 = arith.addi %scan3A_177, %scan3A_178 : i32
        %scan3A_180 = arith.constant 1 : i32
        %scan3A_181 = scf.for %scan3A_195 = %scan3A_177 to %scan3A_179 step %scan3A_180 iter_args(%scan3A_196 = %scan3A_176) -> (i32)  : i32 {
          %mul3A_197 = arith.constant 16 : i32
          %mul3A_198 = arith.muli %scan3A_195, %mul3A_197 : i32
          %get3A = arith.index_cast %add3A_175 : i32 to index
          %get3A_199 = arith.index_cast %mul3A_198 : i32 to index
          %get3A_200 = tpu.vector_load %arg5[%get3A, %get3A_199] {strides = array<i32>} : memref<80x128xi32, #tpu.memory_space<vmem>>, vector<1x16xi32>,
          %get3A_201 = vector.shape_cast %get3A_200 : vector<1x16xi32> to vector<16xi32>
          %and3A = arith.constant 16383 : i32
          %and3A_202 = vector.broadcast %and3A : i32 to vector<16xi32>
          %and3A_203 = arith.andi %get3A_201, %and3A_202 : vector<16xi32>
          %mul3A_204 = arith.constant 16 : i32
          %mul3A_205 = arith.muli %scan3A_195, %mul3A_204 : i32
          %swap3A = arith.constant 0 : i32
          %swap3A_206 = arith.index_cast %swap3A : i32 to index
          %swap3A_207 = arith.index_cast %mul3A_205 : i32 to index
          %swap3A_208 = tpu.vector_load %arg6[%swap3A_206, %swap3A_207] {strides = array<i32>} : memref<2x128xi32, #tpu.memory_space<vmem>>, vector<1x16xi32>,
          %swap3A_209 = vector.shape_cast %swap3A_208 : vector<1x16xi32> to vector<16xi32>
          %swap3A_210 = vector.shape_cast %and3A_203 : vector<16xi32> to vector<1x16xi32>
          tpu.vector_store %arg6[%swap3A_206, %swap3A_207], %swap3A_210 {strides = array<i32>} : memref<2x128xi32, #tpu.memory_space<vmem>>, vector<1x16xi32>,
          %shift_right_logical3A = arith.constant 14 : i32
          %shift_right_logical3A_211 = vector.broadcast %shift_right_logical3A : i32 to vector<16xi32>
          %shift_right_logical3A_212 = arith.shrui %get3A_201, %shift_right_logical3A_211 : vector<16xi32>
          %mul3A_213 = arith.constant 16 : i32
          %mul3A_214 = arith.muli %scan3A_195, %mul3A_213 : i32
          %swap3A_215 = arith.constant 0 : i32
          %swap3A_216 = arith.index_cast %swap3A_215 : i32 to index
          %swap3A_217 = arith.index_cast %mul3A_214 : i32 to index
          %swap3A_218 = tpu.vector_load %arg7[%swap3A_216, %swap3A_217] {strides = array<i32>} : memref<2x128xi32, #tpu.memory_space<vmem>>, vector<1x16xi32>,
          %swap3A_219 = vector.shape_cast %swap3A_218 : vector<1x16xi32> to vector<16xi32>
          %swap3A_220 = vector.shape_cast %shift_right_logical3A_212 : vector<16xi32> to vector<1x16xi32>
          tpu.vector_store %arg7[%swap3A_216, %swap3A_217], %swap3A_220 {strides = array<i32>} : memref<2x128xi32, #tpu.memory_space<vmem>>, vector<1x16xi32>,
          %scan3A_221 = arith.constant 0 : i32
          scf.yield %scan3A_221 : i32
        }
        %scan3A_182 = arith.constant 8 : i32
        %dma_start3A_183 = arith.constant 0 : i32
        %dma_start3A_184 = arith.constant 0 : i32
        %dma_start3A_185 = arith.constant 0 : i32
        %dma_start3A_186 = arith.constant 0 : i32
        %dma_start3A_187 = tpu.memref_slice %arg8[%dma_start3A_184, %dma_start3A_185, %dma_start3A_186] : memref<2x128x128xf32, #tpu.memory_space<vmem>> -> memref<1x128x128xf32, #tpu.memory_space<vmem>>
        %dma_start3A_188 = tpu.memref_squeeze %dma_start3A_187 : memref<1x128x128xf32, #tpu.memory_space<vmem>> -> memref<128x128xf32, #tpu.memory_space<vmem>>
        %dma_start3A_189 = arith.constant 0 : i32
        %dma_start3A_190 = tpu.memref_slice %arg6[%dma_start3A_183, %dma_start3A_189] : memref<2x128xi32, #tpu.memory_space<vmem>> -> memref<1x128xi32, #tpu.memory_space<vmem>>
        %dma_start3A_191 = tpu.memref_squeeze %dma_start3A_190 : memref<1x128xi32, #tpu.memory_space<vmem>> -> memref<128xi32, #tpu.memory_space<vmem>>
        %dma_start3A_192 = arith.constant 0 : i32
        %dma_start3A_193 = arith.constant 0 : i32
        %dma_start3A_194 = tpu.memref_slice %arg2[%dma_start3A_192, %dma_start3A_193] : memref<10000x128xf32, #tpu.memory_space<hbm>> -> memref<10000x128xf32, #tpu.memory_space<hbm>>
        tpu.enqueue_indirect_dma source(%dma_start3A_194 : memref<10000x128xf32, #tpu.memory_space<hbm>>) target(%dma_start3A_188 : memref<128x128xf32, #tpu.memory_space<vmem>>) offsets(%dma_start3A_191 : memref<128xi32, #tpu.memory_space<vmem>>) semaphore(%arg13 : memref<!tpu.dma_semaphore, #tpu.memory_space<semaphore_mem>>)
      } else {
      }
      %dma_wait3A_128 = arith.constant 1 : i32
      %dma_wait3A_129 = arith.constant 1 : i32
      %dma_wait3A_130 = arith.constant 0 : i32
      %dma_wait3A_131 = arith.constant 0 : i32
      %dma_wait3A_132 = tpu.memref_slice %arg8[%dma_wait3A_129, %dma_wait3A_130, %dma_wait3A_131] : memref<2x128x128xf32, #tpu.memory_space<vmem>> -> memref<1x128x128xf32, #tpu.memory_space<vmem>>
      %dma_wait3A_133 = tpu.memref_squeeze %dma_wait3A_132 : memref<1x128x128xf32, #tpu.memory_space<vmem>> -> memref<128x128xf32, #tpu.memory_space<vmem>>
      %dma_wait3A_134 = arith.constant 0 : i32
      %dma_wait3A_135 = tpu.memref_slice %arg6[%dma_wait3A_128, %dma_wait3A_134] : memref<2x128xi32, #tpu.memory_space<vmem>> -> memref<1x128xi32, #tpu.memory_space<vmem>>
      %dma_wait3A_136 = tpu.memref_squeeze %dma_wait3A_135 : memref<1x128xi32, #tpu.memory_space<vmem>> -> memref<128xi32, #tpu.memory_space<vmem>>
      %dma_wait3A_137 = arith.constant 0 : i32
      %dma_wait3A_138 = arith.constant 0 : i32
      %dma_wait3A_139 = tpu.memref_slice %arg2[%dma_wait3A_137, %dma_wait3A_138] : memref<10000x128xf32, #tpu.memory_space<hbm>> -> memref<10000x128xf32, #tpu.memory_space<hbm>>
      tpu.wait_indirect_dma semaphore(%arg14 : memref<!tpu.dma_semaphore, #tpu.memory_space<semaphore_mem>>) src(%dma_wait3A_139 : memref<10000x128xf32, #tpu.memory_space<hbm>>) dst(%dma_wait3A_133 : memref<128x128xf32, #tpu.memory_space<vmem>>)
      %dma_start3A_140 = arith.constant 1 : i32
      %dma_start3A_141 = arith.constant 1 : i32
      %dma_start3A_142 = arith.constant 0 : i32
      %dma_start3A_143 = arith.constant 0 : i32
      %dma_start3A_144 = tpu.memref_slice %arg8[%dma_start3A_140, %dma_start3A_142, %dma_start3A_143] : memref<2x128x128xf32, #tpu.memory_space<vmem>> -> memref<1x128x128xf32, #tpu.memory_space<vmem>>
      %dma_start3A_145 = tpu.memref_squeeze %dma_start3A_144 : memref<1x128x128xf32, #tpu.memory_space<vmem>> -> memref<128x128xf32, #tpu.memory_space<vmem>>
      %dma_start3A_146 = arith.constant 0 : i32
      %dma_start3A_147 = tpu.memref_slice %arg7[%dma_start3A_141, %dma_start3A_146] : memref<2x128xi32, #tpu.memory_space<vmem>> -> memref<1x128xi32, #tpu.memory_space<vmem>>
      %dma_start3A_148 = tpu.memref_squeeze %dma_start3A_147 : memref<1x128xi32, #tpu.memory_space<vmem>> -> memref<128xi32, #tpu.memory_space<vmem>>
      %dma_start3A_149 = arith.constant 0 : i32
      %dma_start3A_150 = arith.constant 0 : i32
      %dma_start3A_151 = tpu.memref_slice %arg11[%dma_start3A_149, %dma_start3A_150] : memref<10256x128xf32, #tpu.memory_space<vmem_shared>> -> memref<10256x128xf32, #tpu.memory_space<vmem_shared>>
      tpu.enqueue_indirect_dma source(%dma_start3A_145 : memref<128x128xf32, #tpu.memory_space<vmem>>) target(%dma_start3A_151 : memref<10256x128xf32, #tpu.memory_space<vmem_shared>>) offsets(%dma_start3A_148 : memref<128xi32, #tpu.memory_space<vmem>>) semaphore(%arg16 : memref<!tpu.dma_semaphore, #tpu.memory_space<semaphore_mem>>) {add = true}
      %lt3A_152 = arith.constant 39 : i32
      %lt3A_153 = arith.cmpi slt, %scan3A_97, %lt3A_152 : i32
      %convert_element_type3A_154 = arith.extui %lt3A_153 : i1 to i32
      %cond3A_155 = arith.constant 0 : i32
      %cond3A_156 = arith.cmpi ne, %convert_element_type3A_154, %cond3A_155 : i32
      scf.if %cond3A_156 {
        %dma_wait3A_158 = arith.constant 1 : i32
        %dma_wait3A_159 = arith.constant 1 : i32
        %dma_wait3A_160 = arith.constant 0 : i32
        %dma_wait3A_161 = arith.constant 0 : i32
        %dma_wait3A_162 = tpu.memref_slice %arg8[%dma_wait3A_158, %dma_wait3A_160, %dma_wait3A_161] : memref<2x128x128xf32, #tpu.memory_space<vmem>> -> memref<1x128x128xf32, #tpu.memory_space<vmem>>
        %dma_wait3A_163 = tpu.memref_squeeze %dma_wait3A_162 : memref<1x128x128xf32, #tpu.memory_space<vmem>> -> memref<128x128xf32, #tpu.memory_space<vmem>>
        %dma_wait3A_164 = arith.constant 0 : i32
        %dma_wait3A_165 = tpu.memref_slice %arg7[%dma_wait3A_159, %dma_wait3A_164] : memref<2x128xi32, #tpu.memory_space<vmem>> -> memref<1x128xi32, #tpu.memory_space<vmem>>
        %dma_wait3A_166 = tpu.memref_squeeze %dma_wait3A_165 : memref<1x128xi32, #tpu.memory_space<vmem>> -> memref<128xi32, #tpu.memory_space<vmem>>
        %dma_wait3A_167 = arith.constant 0 : i32
        %dma_wait3A_168 = arith.constant 0 : i32
        %dma_wait3A_169 = tpu.memref_slice %arg11[%dma_wait3A_167, %dma_wait3A_168] : memref<10256x128xf32, #tpu.memory_space<vmem_shared>> -> memref<10256x128xf32, #tpu.memory_space<vmem_shared>>
        tpu.wait_indirect_dma semaphore(%arg16 : memref<!tpu.dma_semaphore, #tpu.memory_space<semaphore_mem>>) src(%dma_wait3A_163 : memref<128x128xf32, #tpu.memory_space<vmem>>) dst(%dma_wait3A_169 : memref<10256x128xf32, #tpu.memory_space<vmem_shared>>)
        %mul3A_170 = arith.constant 2 : i32
        %mul3A_171 = arith.muli %scan3A_97, %mul3A_170 : i32
        %add3A_172 = arith.constant 1 : i32
        %add3A_173 = arith.addi %mul3A_171, %add3A_172 : i32
        %add3A_174 = arith.constant 2 : i32
        %add3A_175 = arith.addi %add3A_173, %add3A_174 : i32
        %scan3A_176 = arith.constant 0 : i32
        %scan3A_177 = arith.constant 0 : i32
        %scan3A_178 = arith.constant 8 : i32
        %scan3A_179 = arith.addi %scan3A_177, %scan3A_178 : i32
        %scan3A_180 = arith.constant 1 : i32
        %scan3A_181 = scf.for %scan3A_195 = %scan3A_177 to %scan3A_179 step %scan3A_180 iter_args(%scan3A_196 = %scan3A_176) -> (i32)  : i32 {
          %mul3A_197 = arith.constant 16 : i32
          %mul3A_198 = arith.muli %scan3A_195, %mul3A_197 : i32
          %get3A = arith.index_cast %add3A_175 : i32 to index
          %get3A_199 = arith.index_cast %mul3A_198 : i32 to index
          %get3A_200 = tpu.vector_load %arg5[%get3A, %get3A_199] {strides = array<i32>} : memref<80x128xi32, #tpu.memory_space<vmem>>, vector<1x16xi32>,
          %get3A_201 = vector.shape_cast %get3A_200 : vector<1x16xi32> to vector<16xi32>
          %and3A = arith.constant 16383 : i32
          %and3A_202 = vector.broadcast %and3A : i32 to vector<16xi32>
          %and3A_203 = arith.andi %get3A_201, %and3A_202 : vector<16xi32>
          %mul3A_204 = arith.constant 16 : i32
          %mul3A_205 = arith.muli %scan3A_195, %mul3A_204 : i32
          %swap3A = arith.constant 1 : i32
          %swap3A_206 = arith.index_cast %swap3A : i32 to index
          %swap3A_207 = arith.index_cast %mul3A_205 : i32 to index
          %swap3A_208 = tpu.vector_load %arg6[%swap3A_206, %swap3A_207] {strides = array<i32>} : memref<2x128xi32, #tpu.memory_space<vmem>>, vector<1x16xi32>,
          %swap3A_209 = vector.shape_cast %swap3A_208 : vector<1x16xi32> to vector<16xi32>
          %swap3A_210 = vector.shape_cast %and3A_203 : vector<16xi32> to vector<1x16xi32>
          tpu.vector_store %arg6[%swap3A_206, %swap3A_207], %swap3A_210 {strides = array<i32>} : memref<2x128xi32, #tpu.memory_space<vmem>>, vector<1x16xi32>,
          %shift_right_logical3A = arith.constant 14 : i32
          %shift_right_logical3A_211 = vector.broadcast %shift_right_logical3A : i32 to vector<16xi32>
          %shift_right_logical3A_212 = arith.shrui %get3A_201, %shift_right_logical3A_211 : vector<16xi32>
          %mul3A_213 = arith.constant 16 : i32
          %mul3A_214 = arith.muli %scan3A_195, %mul3A_213 : i32
          %swap3A_215 = arith.constant 1 : i32
          %swap3A_216 = arith.index_cast %swap3A_215 : i32 to index
          %swap3A_217 = arith.index_cast %mul3A_214 : i32 to index
          %swap3A_218 = tpu.vector_load %arg7[%swap3A_216, %swap3A_217] {strides = array<i32>} : memref<2x128xi32, #tpu.memory_space<vmem>>, vector<1x16xi32>,
          %swap3A_219 = vector.shape_cast %swap3A_218 : vector<1x16xi32> to vector<16xi32>
          %swap3A_220 = vector.shape_cast %shift_right_logical3A_212 : vector<16xi32> to vector<1x16xi32>
          tpu.vector_store %arg7[%swap3A_216, %swap3A_217], %swap3A_220 {strides = array<i32>} : memref<2x128xi32, #tpu.memory_space<vmem>>, vector<1x16xi32>,
          %scan3A_221 = arith.constant 0 : i32
          scf.yield %scan3A_221 : i32
        }
        %scan3A_182 = arith.constant 8 : i32
        %dma_start3A_183 = arith.constant 1 : i32
        %dma_start3A_184 = arith.constant 1 : i32
        %dma_start3A_185 = arith.constant 0 : i32
        %dma_start3A_186 = arith.constant 0 : i32
        %dma_start3A_187 = tpu.memref_slice %arg8[%dma_start3A_184, %dma_start3A_185, %dma_start3A_186] : memref<2x128x128xf32, #tpu.memory_space<vmem>> -> memref<1x128x128xf32, #tpu.memory_space<vmem>>
        %dma_start3A_188 = tpu.memref_squeeze %dma_start3A_187 : memref<1x128x128xf32, #tpu.memory_space<vmem>> -> memref<128x128xf32, #tpu.memory_space<vmem>>
        %dma_start3A_189 = arith.constant 0 : i32
        %dma_start3A_190 = tpu.memref_slice %arg6[%dma_start3A_183, %dma_start3A_189] : memref<2x128xi32, #tpu.memory_space<vmem>> -> memref<1x128xi32, #tpu.memory_space<vmem>>
        %dma_start3A_191 = tpu.memref_squeeze %dma_start3A_190 : memref<1x128xi32, #tpu.memory_space<vmem>> -> memref<128xi32, #tpu.memory_space<vmem>>
        %dma_start3A_192 = arith.constant 0 : i32
        %dma_start3A_193 = arith.constant 0 : i32
        %dma_start3A_194 = tpu.memref_slice %arg2[%dma_start3A_192, %dma_start3A_193] : memref<10000x128xf32, #tpu.memory_space<hbm>> -> memref<10000x128xf32, #tpu.memory_space<hbm>>
        tpu.enqueue_indirect_dma source(%dma_start3A_194 : memref<10000x128xf32, #tpu.memory_space<hbm>>) target(%dma_start3A_188 : memref<128x128xf32, #tpu.memory_space<vmem>>) offsets(%dma_start3A_191 : memref<128xi32, #tpu.memory_space<vmem>>) semaphore(%arg14 : memref<!tpu.dma_semaphore, #tpu.memory_space<semaphore_mem>>)
      } else {
      }
      %scan3A_157 = arith.constant 0 : i32
      scf.yield %scan3A_157 : i32
    }
    %scan3A_67 = arith.constant 40 : i32
    %dma_wait3A = arith.constant 0 : i32
    %dma_wait3A_68 = arith.constant 0 : i32
    %dma_wait3A_69 = arith.constant 0 : i32
    %dma_wait3A_70 = arith.constant 0 : i32
    %dma_wait3A_71 = tpu.memref_slice %arg8[%dma_wait3A, %dma_wait3A_69, %dma_wait3A_70] : memref<2x128x128xf32, #tpu.memory_space<vmem>> -> memref<1x128x128xf32, #tpu.memory_space<vmem>>
    %dma_wait3A_72 = tpu.memref_squeeze %dma_wait3A_71 : memref<1x128x128xf32, #tpu.memory_space<vmem>> -> memref<128x128xf32, #tpu.memory_space<vmem>>
    %dma_wait3A_73 = arith.constant 0 : i32
    %dma_wait3A_74 = tpu.memref_slice %arg7[%dma_wait3A_68, %dma_wait3A_73] : memref<2x128xi32, #tpu.memory_space<vmem>> -> memref<1x128xi32, #tpu.memory_space<vmem>>
    %dma_wait3A_75 = tpu.memref_squeeze %dma_wait3A_74 : memref<1x128xi32, #tpu.memory_space<vmem>> -> memref<128xi32, #tpu.memory_space<vmem>>
    %dma_wait3A_76 = arith.constant 0 : i32
    %dma_wait3A_77 = arith.constant 0 : i32
    %dma_wait3A_78 = tpu.memref_slice %arg11[%dma_wait3A_76, %dma_wait3A_77] : memref<10256x128xf32, #tpu.memory_space<vmem_shared>> -> memref<10256x128xf32, #tpu.memory_space<vmem_shared>>
    tpu.wait_indirect_dma semaphore(%arg15 : memref<!tpu.dma_semaphore, #tpu.memory_space<semaphore_mem>>) src(%dma_wait3A_72 : memref<128x128xf32, #tpu.memory_space<vmem>>) dst(%dma_wait3A_78 : memref<10256x128xf32, #tpu.memory_space<vmem_shared>>)
    %dma_wait3A_79 = arith.constant 1 : i32
    %dma_wait3A_80 = arith.constant 1 : i32
    %dma_wait3A_81 = arith.constant 0 : i32
    %dma_wait3A_82 = arith.constant 0 : i32
    %dma_wait3A_83 = tpu.memref_slice %arg8[%dma_wait3A_79, %dma_wait3A_81, %dma_wait3A_82] : memref<2x128x128xf32, #tpu.memory_space<vmem>> -> memref<1x128x128xf32, #tpu.memory_space<vmem>>
    %dma_wait3A_84 = tpu.memref_squeeze %dma_wait3A_83 : memref<1x128x128xf32, #tpu.memory_space<vmem>> -> memref<128x128xf32, #tpu.memory_space<vmem>>
    %dma_wait3A_85 = arith.constant 0 : i32
    %dma_wait3A_86 = tpu.memref_slice %arg7[%dma_wait3A_80, %dma_wait3A_85] : memref<2x128xi32, #tpu.memory_space<vmem>> -> memref<1x128xi32, #tpu.memory_space<vmem>>
    %dma_wait3A_87 = tpu.memref_squeeze %dma_wait3A_86 : memref<1x128xi32, #tpu.memory_space<vmem>> -> memref<128xi32, #tpu.memory_space<vmem>>
    %dma_wait3A_88 = arith.constant 0 : i32
    %dma_wait3A_89 = arith.constant 0 : i32
    %dma_wait3A_90 = tpu.memref_slice %arg11[%dma_wait3A_88, %dma_wait3A_89] : memref<10256x128xf32, #tpu.memory_space<vmem_shared>> -> memref<10256x128xf32, #tpu.memory_space<vmem_shared>>
    tpu.wait_indirect_dma semaphore(%arg16 : memref<!tpu.dma_semaphore, #tpu.memory_space<semaphore_mem>>) src(%dma_wait3A_84 : memref<128x128xf32, #tpu.memory_space<vmem>>) dst(%dma_wait3A_90 : memref<10256x128xf32, #tpu.memory_space<vmem_shared>>)
    %barrier3A_91 = arith.constant 0 : index
    tpu.barrier barrier_id(%barrier3A_91)
    %lt3A_92 = arith.constant 10 : i32
    %lt3A_93 = arith.cmpi slt, %arg1, %lt3A_92 : i32
    %convert_element_type3A_94 = arith.extui %lt3A_93 : i1 to i32
    %cond3A_95 = arith.constant 0 : i32
    %cond3A_96 = arith.cmpi ne, %convert_element_type3A_94, %cond3A_95 : i32
    scf.if %cond3A_96 {
      %mul3A_97 = arith.constant 1000 : i32
      %mul3A_98 = arith.muli %arg1, %mul3A_97 : i32
      %mul3A_99 = arith.constant 1000 : i32
      %mul3A_100 = arith.muli %arg1, %mul3A_99 : i32
      "tpu.region"() ({
        %run_scoped3A = tpu.sem_alloc : memref<!tpu.dma_semaphore, #tpu.memory_space<semaphore_mem>>
        %dma_start3A_101 = arith.constant 0 : i32
        %dma_start3A_102 = tpu.memref_slice %arg4[%arg0, %mul3A_100, %dma_start3A_101] : memref<2x10000x128xf32, #tpu.memory_space<hbm>> -> memref<1x1000x128xf32, #tpu.memory_space<hbm>>
        %dma_start3A_103 = tpu.memref_squeeze %dma_start3A_102 : memref<1x1000x128xf32, #tpu.memory_space<hbm>> -> memref<1000x128xf32, #tpu.memory_space<hbm>>
        %dma_start3A_104 = arith.constant 0 : i32
        %dma_start3A_105 = tpu.memref_slice %arg11[%mul3A_98, %dma_start3A_104] : memref<10256x128xf32, #tpu.memory_space<vmem_shared>> -> memref<1000x128xf32, #tpu.memory_space<vmem_shared>>
        tpu.enqueue_dma source(%dma_start3A_105 : memref<1000x128xf32, #tpu.memory_space<vmem_shared>>) target(%dma_start3A_103 : memref<1000x128xf32, #tpu.memory_space<hbm>>) target_semaphore(%run_scoped3A : memref<!tpu.dma_semaphore, #tpu.memory_space<semaphore_mem>>)
        %dma_wait3A_106 = arith.constant 0 : i32
        %dma_wait3A_107 = tpu.memref_slice %arg4[%arg0, %mul3A_100, %dma_wait3A_106] : memref<2x10000x128xf32, #tpu.memory_space<hbm>> -> memref<1x1000x128xf32, #tpu.memory_space<hbm>>
        %dma_wait3A_108 = tpu.memref_squeeze %dma_wait3A_107 : memref<1x1000x128xf32, #tpu.memory_space<hbm>> -> memref<1000x128xf32, #tpu.memory_space<hbm>>
        %dma_wait3A_109 = arith.constant 0 : i32
        %dma_wait3A_110 = tpu.memref_slice %arg11[%mul3A_98, %dma_wait3A_109] : memref<10256x128xf32, #tpu.memory_space<vmem_shared>> -> memref<1000x128xf32, #tpu.memory_space<vmem_shared>>
        tpu.wait_dma2 semaphore(%run_scoped3A : memref<!tpu.dma_semaphore, #tpu.memory_space<semaphore_mem>>) src(%dma_wait3A_110 : memref<1000x128xf32, #tpu.memory_space<vmem_shared>>) dst(%dma_wait3A_108 : memref<1000x128xf32, #tpu.memory_space<hbm>>)
        tpu.yield
      }) : () -> ()
    } else {
    }
    return
  }
}

module attributes {stable_mosaic.version = 14 : i64} {
  func.func @body(%arg0: memref<2x2500x128xi32, #tpu.memory_space<vmem>>, %arg1: memref<2560x128xi32, #tpu.memory_space<vmem>>) attributes {dimension_semantics = [], scalar_prefetch = 0 : i64, scratch_operands = 0 : i64, tpu.core_type = #tpu.core_type<tc>} {
    %get3A = arith.constant 0 : index
    %get3A_0 = arith.constant 0 : index
    %get3A_1 = arith.constant 0 : index
    %get3A_2 = vector.load %arg0[%get3A, %get3A_0, %get3A_1] : memref<2x2500x128xi32, #tpu.memory_space<vmem>>, vector<1x2500x128xi32>
    %get3A_3 = vector.shape_cast %get3A_2 : vector<1x2500x128xi32> to vector<2500x128xi32>
    %get3A_4 = arith.constant 1 : index
    %get3A_5 = arith.constant 0 : index
    %get3A_6 = arith.constant 0 : index
    %get3A_7 = vector.load %arg0[%get3A_4, %get3A_5, %get3A_6] : memref<2x2500x128xi32, #tpu.memory_space<vmem>>, vector<1x2500x128xi32>
    %get3A_8 = vector.shape_cast %get3A_7 : vector<1x2500x128xi32> to vector<2500x128xi32>
    %shift_left3A = arith.constant 14 : i32
    %shift_left3A_9 = vector.broadcast %shift_left3A : i32 to vector<2500x128xi32>
    %shift_left3A_10 = arith.shli %get3A_8, %shift_left3A_9 : vector<2500x128xi32>
    %or3A = arith.ori %get3A_3, %shift_left3A_10 : vector<2500x128xi32>
    %swap3A = arith.constant 0 : index
    %swap3A_11 = arith.constant 0 : index
    %swap3A_12 = vector.load %arg1[%swap3A, %swap3A_11] : memref<2560x128xi32, #tpu.memory_space<vmem>>, vector<2500x128xi32>
    tpu.vector_store %arg1[%swap3A, %swap3A_11], %or3A {strides = array<i32>} : memref<2560x128xi32, #tpu.memory_space<vmem>>, vector<2500x128xi32>,
    %iota3A = tpu.iota {dimensions = array<i32: 0>} : vector<60x128xi32>
    %iota3A_13 = tpu.iota {dimensions = array<i32: 1>} : vector<60x128xi32>
    %and3A = arith.constant 1 : i32
    %and3A_14 = vector.broadcast %and3A : i32 to vector<60x128xi32>
    %and3A_15 = arith.andi %iota3A, %and3A_14 : vector<60x128xi32>
    %mul3A = arith.constant 128 : i32
    %mul3A_16 = vector.broadcast %mul3A : i32 to vector<60x128xi32>
    %mul3A_17 = arith.muli %and3A_15, %mul3A_16 : vector<60x128xi32>
    %add3A = arith.addi %mul3A_17, %iota3A_13 : vector<60x128xi32>
    %add3A_18 = arith.constant 10000 : i32
    %add3A_19 = vector.broadcast %add3A_18 : i32 to vector<60x128xi32>
    %add3A_20 = arith.addi %add3A, %add3A_19 : vector<60x128xi32>
    %shift_left3A_21 = arith.constant 14 : i32
    %shift_left3A_22 = vector.broadcast %shift_left3A_21 : i32 to vector<60x128xi32>
    %shift_left3A_23 = arith.shli %add3A_20, %shift_left3A_22 : vector<60x128xi32>
    %or3A_24 = arith.ori %add3A, %shift_left3A_23 : vector<60x128xi32>
    %swap3A_25 = arith.constant 2500 : index
    %swap3A_26 = arith.constant 0 : index
    %swap3A_27 = vector.load %arg1[%swap3A_25, %swap3A_26] : memref<2560x128xi32, #tpu.memory_space<vmem>>, vector<60x128xi32>
    tpu.vector_store %arg1[%swap3A_25, %swap3A_26], %or3A_24 {strides = array<i32>} : memref<2560x128xi32, #tpu.memory_space<vmem>>, vector<60x128xi32>,
    return
  }
}

module attributes {stable_mosaic.version = 14 : i64} {
  func.func @body(%arg0: i32, %arg1: memref<1000x128xf32, #tpu.memory_space<vmem>>, %arg2: memref<128x128xf32, #tpu.memory_space<vmem>>, %arg3: memref<1x128xf32, #tpu.memory_space<vmem>>, %arg4: memref<1000x128xf32, #tpu.memory_space<vmem>>) attributes {dimension_semantics = [#tpu.dimension_semantics<arbitrary>], iteration_bounds = array<i64: 10>, scalar_prefetch = 0 : i64, scratch_operands = 0 : i64, tpu.core_type = #tpu.core_type<tc>, window_params = [{transform_indices = @transform_0, window_bounds = array<i64: 1000, 128>}, {pipeline_mode = #tpu.pipeline_mode<synchronous>, transform_indices = @transform_1, window_bounds = array<i64: 128, 128>}, {pipeline_mode = #tpu.pipeline_mode<synchronous>, transform_indices = @transform_2, window_bounds = array<i64: 1, 128>}, {transform_indices = @transform_3, window_bounds = array<i64: 1000, 128>}]} {
    %get3A = arith.constant 0 : index
    %get3A_0 = arith.constant 0 : index
    %get3A_1 = vector.load %arg1[%get3A, %get3A_0] : memref<1000x128xf32, #tpu.memory_space<vmem>>, vector<1000x128xf32>
    %get3A_2 = arith.constant 0 : index
    %get3A_3 = arith.constant 0 : index
    %get3A_4 = vector.load %arg2[%get3A_2, %get3A_3] : memref<128x128xf32, #tpu.memory_space<vmem>>, vector<128x128xf32>
    %dot_general3A = arith.constant dense<0.000000e+00> : vector<1000x128xf32>
    %dot_general3A_5 = tpu.matmul %get3A_1, %get3A_4, %dot_general3A {dimension_numbers = #tpu.dot_dimension_numbers<[1], [1], [0], [0], [0, 0, 1, 0], [], []>, transpose_lhs_hint = false} : vector<1000x128xf32>, vector<128x128xf32>, vector<1000x128xf32> -> vector<1000x128xf32>
    %get3A_6 = arith.constant 0 : index
    %get3A_7 = arith.constant 0 : index
    %get3A_8 = vector.load %arg3[%get3A_6, %get3A_7] : memref<1x128xf32, #tpu.memory_space<vmem>>, vector<1x128xf32>
    %add3A = vector.broadcast %get3A_8 : vector<1x128xf32> to vector<1000x128xf32>
    %add3A_9 = arith.addf %dot_general3A_5, %add3A : vector<1000x128xf32>
    %swap3A = arith.constant 0 : index
    %swap3A_10 = arith.constant 0 : index
    %swap3A_11 = vector.load %arg4[%swap3A, %swap3A_10] : memref<1000x128xf32, #tpu.memory_space<vmem>>, vector<1000x128xf32>
    tpu.vector_store %arg4[%swap3A, %swap3A_10], %add3A_9 {strides = array<i32>} : memref<1000x128xf32, #tpu.memory_space<vmem>>, vector<1000x128xf32>,
    return
  }
  func.func @transform_0(%arg0: i32) -> (i32, i32) {
    %c0_i32 = arith.constant 0 : i32
    %c0_i32_0 = arith.constant 0 : i32
    return %arg0, %c0_i32 : i32, i32
  }
  func.func @transform_1(%arg0: i32) -> (i32, i32) {
    %c0_i32 = arith.constant 0 : i32
    %c0_i32_0 = arith.constant 0 : i32
    %c0_i32_1 = arith.constant 0 : i32
    return %c0_i32, %c0_i32_0 : i32, i32
  }
  func.func @transform_2(%arg0: i32) -> (i32, i32) {
    %c0_i32 = arith.constant 0 : i32
    %c0_i32_0 = arith.constant 0 : i32
    %c0_i32_1 = arith.constant 0 : i32
    return %c0_i32, %c0_i32_0 : i32, i32
  }
  func.func @transform_3(%arg0: i32) -> (i32, i32) {
    %c0_i32 = arith.constant 0 : i32
    %c0_i32_0 = arith.constant 0 : i32
    return %arg0, %c0_i32 : i32, i32
  }
}

module attributes {stable_mosaic.version = 14 : i64} {
  func.func @body(%arg0: i32, %arg1: memref<1x2x1000xf32, #tpu.memory_space<vmem>>, %arg2: memref<1000x128xf32, #tpu.memory_space<vmem>>, %arg3: memref<2x1000x128xf32, #tpu.memory_space<vmem>>, %arg4: memref<128x128xf32, #tpu.memory_space<vmem>>, %arg5: memref<128x128xf32, #tpu.memory_space<vmem>>, %arg6: memref<1x128xf32, #tpu.memory_space<vmem>>, %arg7: memref<1000x128xf32, #tpu.memory_space<vmem>>, %arg8: memref<1000x128xf32, #tpu.memory_space<vmem>>) attributes {dimension_semantics = [#tpu.dimension_semantics<arbitrary>], iteration_bounds = array<i64: 10>, scalar_prefetch = 0 : i64, scratch_operands = 0 : i64, tpu.core_type = #tpu.core_type<tc>, window_params = [{transform_indices = @transform_0, window_bounds = array<i64: 1, 2, 1000>}, {transform_indices = @transform_1, window_bounds = array<i64: 1000, 128>}, {transform_indices = @transform_2, window_bounds = array<i64: 2, 1000, 128>}, {pipeline_mode = #tpu.pipeline_mode<synchronous>, transform_indices = @transform_3, window_bounds = array<i64: 128, 128>}, {pipeline_mode = #tpu.pipeline_mode<synchronous>, transform_indices = @transform_4, window_bounds = array<i64: 128, 128>}, {pipeline_mode = #tpu.pipeline_mode<synchronous>, transform_indices = @transform_5, window_bounds = array<i64: 1, 128>}, {transform_indices = @transform_6, window_bounds = array<i64: 1000, 128>}, {transform_indices = @transform_7, window_bounds = array<i64: 1000, 128>}]} {
    %get3A = arith.constant 0 : index
    %get3A_0 = arith.constant 0 : index
    %get3A_1 = vector.load %arg2[%get3A, %get3A_0] : memref<1000x128xf32, #tpu.memory_space<vmem>>, vector<1000x128xf32>
    %get3A_2 = arith.constant 0 : index
    %get3A_3 = arith.constant 0 : index
    %get3A_4 = arith.constant 0 : index
    %get3A_5 = vector.load %arg1[%get3A_2, %get3A_3, %get3A_4] : memref<1x2x1000xf32, #tpu.memory_space<vmem>>, vector<1x1x1000xf32>
    %get3A_6 = vector.shape_cast %get3A_5 : vector<1x1x1000xf32> to vector<1000xf32>
    %get3A_7 = arith.constant 0 : index
    %get3A_8 = arith.constant 1 : index
    %get3A_9 = arith.constant 0 : index
    %get3A_10 = vector.load %arg1[%get3A_7, %get3A_8, %get3A_9] : memref<1x2x1000xf32, #tpu.memory_space<vmem>>, vector<1x1x1000xf32>
    %get3A_11 = vector.shape_cast %get3A_10 : vector<1x1x1000xf32> to vector<1000xf32>
    %add3A = arith.addf %get3A_6, %get3A_11 : vector<1000xf32>
    %max3A = arith.constant 1.000000e+00 : f32
    %max3A_12 = vector.broadcast %max3A : f32 to vector<1000xf32>
    %max3A_13 = arith.maximumf %add3A, %max3A_12 : vector<1000xf32>
    %div3A = arith.constant 1.000000e+00 : f32
    %div3A_14 = vector.broadcast %div3A : f32 to vector<1000xf32>
    %div3A_15 = arith.divf %div3A_14, %max3A_13 : vector<1000xf32>
    %get3A_16 = arith.constant 0 : index
    %get3A_17 = arith.constant 0 : index
    %get3A_18 = arith.constant 0 : index
    %get3A_19 = vector.load %arg3[%get3A_16, %get3A_17, %get3A_18] : memref<2x1000x128xf32, #tpu.memory_space<vmem>>, vector<1x1000x128xf32>
    %get3A_20 = vector.shape_cast %get3A_19 : vector<1x1000x128xf32> to vector<1000x128xf32>
    %get3A_21 = arith.constant 1 : index
    %get3A_22 = arith.constant 0 : index
    %get3A_23 = arith.constant 0 : index
    %get3A_24 = vector.load %arg3[%get3A_21, %get3A_22, %get3A_23] : memref<2x1000x128xf32, #tpu.memory_space<vmem>>, vector<1x1000x128xf32>
    %get3A_25 = vector.shape_cast %get3A_24 : vector<1x1000x128xf32> to vector<1000x128xf32>
    %add3A_26 = arith.addf %get3A_20, %get3A_25 : vector<1000x128xf32>
    %broadcast_in_dim3A = vector.shape_cast %div3A_15 : vector<1000xf32> to vector<1000x1xf32>
    %mul3A = vector.broadcast %broadcast_in_dim3A : vector<1000x1xf32> to vector<1000x128xf32>
    %mul3A_27 = arith.mulf %add3A_26, %mul3A : vector<1000x128xf32>
    %get3A_28 = arith.constant 0 : index
    %get3A_29 = arith.constant 0 : index
    %get3A_30 = vector.load %arg4[%get3A_28, %get3A_29] : memref<128x128xf32, #tpu.memory_space<vmem>>, vector<128x128xf32>
    %dot_general3A = arith.constant dense<0.000000e+00> : vector<1000x128xf32>
    %dot_general3A_31 = tpu.matmul %mul3A_27, %get3A_30, %dot_general3A {dimension_numbers = #tpu.dot_dimension_numbers<[1], [1], [0], [0], [0, 0, 1, 0], [], []>, transpose_lhs_hint = false} : vector<1000x128xf32>, vector<128x128xf32>, vector<1000x128xf32> -> vector<1000x128xf32>
    %add3A_32 = arith.addf %get3A_1, %dot_general3A_31 : vector<1000x128xf32>
    %max3A_33 = arith.constant 0.000000e+00 : f32
    %max3A_34 = vector.broadcast %max3A_33 : f32 to vector<1000x128xf32>
    %max3A_35 = arith.maximumf %add3A_32, %max3A_34 : vector<1000x128xf32>
    %swap3A = arith.constant 0 : index
    %swap3A_36 = arith.constant 0 : index
    %swap3A_37 = vector.load %arg7[%swap3A, %swap3A_36] : memref<1000x128xf32, #tpu.memory_space<vmem>>, vector<1000x128xf32>
    tpu.vector_store %arg7[%swap3A, %swap3A_36], %max3A_35 {strides = array<i32>} : memref<1000x128xf32, #tpu.memory_space<vmem>>, vector<1000x128xf32>,
    %get3A_38 = arith.constant 0 : index
    %get3A_39 = arith.constant 0 : index
    %get3A_40 = vector.load %arg5[%get3A_38, %get3A_39] : memref<128x128xf32, #tpu.memory_space<vmem>>, vector<128x128xf32>
    %dot_general3A_41 = arith.constant dense<0.000000e+00> : vector<1000x128xf32>
    %dot_general3A_42 = tpu.matmul %max3A_35, %get3A_40, %dot_general3A_41 {dimension_numbers = #tpu.dot_dimension_numbers<[1], [1], [0], [0], [0, 0, 1, 0], [], []>, transpose_lhs_hint = false} : vector<1000x128xf32>, vector<128x128xf32>, vector<1000x128xf32> -> vector<1000x128xf32>
    %get3A_43 = arith.constant 0 : index
    %get3A_44 = arith.constant 0 : index
    %get3A_45 = vector.load %arg6[%get3A_43, %get3A_44] : memref<1x128xf32, #tpu.memory_space<vmem>>, vector<1x128xf32>
    %add3A_46 = vector.broadcast %get3A_45 : vector<1x128xf32> to vector<1000x128xf32>
    %add3A_47 = arith.addf %dot_general3A_42, %add3A_46 : vector<1000x128xf32>
    %swap3A_48 = arith.constant 0 : index
    %swap3A_49 = arith.constant 0 : index
    %swap3A_50 = vector.load %arg8[%swap3A_48, %swap3A_49] : memref<1000x128xf32, #tpu.memory_space<vmem>>, vector<1000x128xf32>
    tpu.vector_store %arg8[%swap3A_48, %swap3A_49], %add3A_47 {strides = array<i32>} : memref<1000x128xf32, #tpu.memory_space<vmem>>, vector<1000x128xf32>,
    return
  }
  func.func @transform_0(%arg0: i32) -> (i32, i32, i32) {
    %c0_i32 = arith.constant 0 : i32
    %c0_i32_0 = arith.constant 0 : i32
    %c0_i32_1 = arith.constant 0 : i32
    return %arg0, %c0_i32, %c0_i32_0 : i32, i32, i32
  }
  func.func @transform_1(%arg0: i32) -> (i32, i32) {
    %c0_i32 = arith.constant 0 : i32
    %c0_i32_0 = arith.constant 0 : i32
    return %arg0, %c0_i32 : i32, i32
  }
  func.func @transform_2(%arg0: i32) -> (i32, i32, i32) {
    %c0_i32 = arith.constant 0 : i32
    %c0_i32_0 = arith.constant 0 : i32
    %c0_i32_1 = arith.constant 0 : i32
    return %c0_i32, %arg0, %c0_i32_0 : i32, i32, i32
  }
  func.func @transform_3(%arg0: i32) -> (i32, i32) {
    %c0_i32 = arith.constant 0 : i32
    %c0_i32_0 = arith.constant 0 : i32
    %c0_i32_1 = arith.constant 0 : i32
    return %c0_i32, %c0_i32_0 : i32, i32
  }
  func.func @transform_4(%arg0: i32) -> (i32, i32) {
    %c0_i32 = arith.constant 0 : i32
    %c0_i32_0 = arith.constant 0 : i32
    %c0_i32_1 = arith.constant 0 : i32
    return %c0_i32, %c0_i32_0 : i32, i32
  }
  func.func @transform_5(%arg0: i32) -> (i32, i32) {
    %c0_i32 = arith.constant 0 : i32
    %c0_i32_0 = arith.constant 0 : i32
    %c0_i32_1 = arith.constant 0 : i32
    return %c0_i32, %c0_i32_0 : i32, i32
  }
  func.func @transform_6(%arg0: i32) -> (i32, i32) {
    %c0_i32 = arith.constant 0 : i32
    %c0_i32_0 = arith.constant 0 : i32
    return %arg0, %c0_i32 : i32, i32
  }
  func.func @transform_7(%arg0: i32) -> (i32, i32) {
    %c0_i32 = arith.constant 0 : i32
    %c0_i32_0 = arith.constant 0 : i32
    return %arg0, %c0_i32 : i32, i32
  }
}

module attributes {stable_mosaic.version = 14 : i64} {
  func.func @body(%arg0: i32, %arg1: memref<1x2x1000xf32, #tpu.memory_space<vmem>>, %arg2: memref<1000x128xf32, #tpu.memory_space<vmem>>, %arg3: memref<2x1000x128xf32, #tpu.memory_space<vmem>>, %arg4: memref<128x128xf32, #tpu.memory_space<vmem>>, %arg5: memref<64x128xf32, #tpu.memory_space<vmem>>, %arg6: memref<64x128xf32, #tpu.memory_space<vmem>>, %arg7: memref<1x64xf32, #tpu.memory_space<vmem>>, %arg8: memref<1000x64xf32, #tpu.memory_space<vmem>>, %arg9: memref<1000x64xf32, #tpu.memory_space<vmem>>) attributes {dimension_semantics = [#tpu.dimension_semantics<arbitrary>], iteration_bounds = array<i64: 10>, scalar_prefetch = 0 : i64, scratch_operands = 0 : i64, tpu.core_type = #tpu.core_type<tc>, window_params = [{transform_indices = @transform_0, window_bounds = array<i64: 1, 2, 1000>}, {transform_indices = @transform_1, window_bounds = array<i64: 1000, 128>}, {transform_indices = @transform_2, window_bounds = array<i64: 2, 1000, 128>}, {pipeline_mode = #tpu.pipeline_mode<synchronous>, transform_indices = @transform_3, window_bounds = array<i64: 128, 128>}, {pipeline_mode = #tpu.pipeline_mode<synchronous>, transform_indices = @transform_4, window_bounds = array<i64: 64, 128>}, {pipeline_mode = #tpu.pipeline_mode<synchronous>, transform_indices = @transform_5, window_bounds = array<i64: 64, 128>}, {pipeline_mode = #tpu.pipeline_mode<synchronous>, transform_indices = @transform_6, window_bounds = array<i64: 1, 64>}, {transform_indices = @transform_7, window_bounds = array<i64: 1000, 64>}, {transform_indices = @transform_8, window_bounds = array<i64: 1000, 64>}]} {
    %get3A = arith.constant 0 : index
    %get3A_0 = arith.constant 0 : index
    %get3A_1 = vector.load %arg2[%get3A, %get3A_0] : memref<1000x128xf32, #tpu.memory_space<vmem>>, vector<1000x128xf32>
    %get3A_2 = arith.constant 0 : index
    %get3A_3 = arith.constant 0 : index
    %get3A_4 = arith.constant 0 : index
    %get3A_5 = vector.load %arg1[%get3A_2, %get3A_3, %get3A_4] : memref<1x2x1000xf32, #tpu.memory_space<vmem>>, vector<1x1x1000xf32>
    %get3A_6 = vector.shape_cast %get3A_5 : vector<1x1x1000xf32> to vector<1000xf32>
    %get3A_7 = arith.constant 0 : index
    %get3A_8 = arith.constant 1 : index
    %get3A_9 = arith.constant 0 : index
    %get3A_10 = vector.load %arg1[%get3A_7, %get3A_8, %get3A_9] : memref<1x2x1000xf32, #tpu.memory_space<vmem>>, vector<1x1x1000xf32>
    %get3A_11 = vector.shape_cast %get3A_10 : vector<1x1x1000xf32> to vector<1000xf32>
    %add3A = arith.addf %get3A_6, %get3A_11 : vector<1000xf32>
    %max3A = arith.constant 1.000000e+00 : f32
    %max3A_12 = vector.broadcast %max3A : f32 to vector<1000xf32>
    %max3A_13 = arith.maximumf %add3A, %max3A_12 : vector<1000xf32>
    %div3A = arith.constant 1.000000e+00 : f32
    %div3A_14 = vector.broadcast %div3A : f32 to vector<1000xf32>
    %div3A_15 = arith.divf %div3A_14, %max3A_13 : vector<1000xf32>
    %get3A_16 = arith.constant 0 : index
    %get3A_17 = arith.constant 0 : index
    %get3A_18 = arith.constant 0 : index
    %get3A_19 = vector.load %arg3[%get3A_16, %get3A_17, %get3A_18] : memref<2x1000x128xf32, #tpu.memory_space<vmem>>, vector<1x1000x128xf32>
    %get3A_20 = vector.shape_cast %get3A_19 : vector<1x1000x128xf32> to vector<1000x128xf32>
    %get3A_21 = arith.constant 1 : index
    %get3A_22 = arith.constant 0 : index
    %get3A_23 = arith.constant 0 : index
    %get3A_24 = vector.load %arg3[%get3A_21, %get3A_22, %get3A_23] : memref<2x1000x128xf32, #tpu.memory_space<vmem>>, vector<1x1000x128xf32>
    %get3A_25 = vector.shape_cast %get3A_24 : vector<1x1000x128xf32> to vector<1000x128xf32>
    %add3A_26 = arith.addf %get3A_20, %get3A_25 : vector<1000x128xf32>
    %broadcast_in_dim3A = vector.shape_cast %div3A_15 : vector<1000xf32> to vector<1000x1xf32>
    %mul3A = vector.broadcast %broadcast_in_dim3A : vector<1000x1xf32> to vector<1000x128xf32>
    %mul3A_27 = arith.mulf %add3A_26, %mul3A : vector<1000x128xf32>
    %get3A_28 = arith.constant 0 : index
    %get3A_29 = arith.constant 0 : index
    %get3A_30 = vector.load %arg4[%get3A_28, %get3A_29] : memref<128x128xf32, #tpu.memory_space<vmem>>, vector<128x128xf32>
    %dot_general3A = arith.constant dense<0.000000e+00> : vector<1000x128xf32>
    %dot_general3A_31 = tpu.matmul %mul3A_27, %get3A_30, %dot_general3A {dimension_numbers = #tpu.dot_dimension_numbers<[1], [1], [0], [0], [0, 0, 1, 0], [], []>, transpose_lhs_hint = false} : vector<1000x128xf32>, vector<128x128xf32>, vector<1000x128xf32> -> vector<1000x128xf32>
    %add3A_32 = arith.addf %get3A_1, %dot_general3A_31 : vector<1000x128xf32>
    %max3A_33 = arith.constant 0.000000e+00 : f32
    %max3A_34 = vector.broadcast %max3A_33 : f32 to vector<1000x128xf32>
    %max3A_35 = arith.maximumf %add3A_32, %max3A_34 : vector<1000x128xf32>
    %get3A_36 = arith.constant 0 : index
    %get3A_37 = arith.constant 0 : index
    %get3A_38 = vector.load %arg5[%get3A_36, %get3A_37] : memref<64x128xf32, #tpu.memory_space<vmem>>, vector<64x128xf32>
    %dot_general3A_39 = arith.constant dense<0.000000e+00> : vector<1000x64xf32>
    %dot_general3A_40 = tpu.matmul %max3A_35, %get3A_38, %dot_general3A_39 {dimension_numbers = #tpu.dot_dimension_numbers<[1], [1], [0], [0], [0, 0, 1, 0], [], []>, transpose_lhs_hint = false} : vector<1000x128xf32>, vector<64x128xf32>, vector<1000x64xf32> -> vector<1000x64xf32>
    %swap3A = arith.constant 0 : index
    %swap3A_41 = arith.constant 0 : index
    %swap3A_42 = vector.load %arg8[%swap3A, %swap3A_41] : memref<1000x64xf32, #tpu.memory_space<vmem>>, vector<1000x64xf32>
    tpu.vector_store %arg8[%swap3A, %swap3A_41], %dot_general3A_40 {strides = array<i32>} : memref<1000x64xf32, #tpu.memory_space<vmem>>, vector<1000x64xf32>,
    %get3A_43 = arith.constant 0 : index
    %get3A_44 = arith.constant 0 : index
    %get3A_45 = vector.load %arg6[%get3A_43, %get3A_44] : memref<64x128xf32, #tpu.memory_space<vmem>>, vector<64x128xf32>
    %dot_general3A_46 = arith.constant dense<0.000000e+00> : vector<1000x64xf32>
    %dot_general3A_47 = tpu.matmul %max3A_35, %get3A_45, %dot_general3A_46 {dimension_numbers = #tpu.dot_dimension_numbers<[1], [1], [0], [0], [0, 0, 1, 0], [], []>, transpose_lhs_hint = false} : vector<1000x128xf32>, vector<64x128xf32>, vector<1000x64xf32> -> vector<1000x64xf32>
    %get3A_48 = arith.constant 0 : index
    %get3A_49 = arith.constant 0 : index
    %get3A_50 = vector.load %arg7[%get3A_48, %get3A_49] : memref<1x64xf32, #tpu.memory_space<vmem>>, vector<1x64xf32>
    %add3A_51 = vector.broadcast %get3A_50 : vector<1x64xf32> to vector<1000x64xf32>
    %add3A_52 = arith.addf %dot_general3A_47, %add3A_51 : vector<1000x64xf32>
    %swap3A_53 = arith.constant 0 : index
    %swap3A_54 = arith.constant 0 : index
    %swap3A_55 = vector.load %arg9[%swap3A_53, %swap3A_54] : memref<1000x64xf32, #tpu.memory_space<vmem>>, vector<1000x64xf32>
    tpu.vector_store %arg9[%swap3A_53, %swap3A_54], %add3A_52 {strides = array<i32>} : memref<1000x64xf32, #tpu.memory_space<vmem>>, vector<1000x64xf32>,
    return
  }
  func.func @transform_0(%arg0: i32) -> (i32, i32, i32) {
    %c0_i32 = arith.constant 0 : i32
    %c0_i32_0 = arith.constant 0 : i32
    %c0_i32_1 = arith.constant 0 : i32
    return %arg0, %c0_i32, %c0_i32_0 : i32, i32, i32
  }
  func.func @transform_1(%arg0: i32) -> (i32, i32) {
    %c0_i32 = arith.constant 0 : i32
    %c0_i32_0 = arith.constant 0 : i32
    return %arg0, %c0_i32 : i32, i32
  }
  func.func @transform_2(%arg0: i32) -> (i32, i32, i32) {
    %c0_i32 = arith.constant 0 : i32
    %c0_i32_0 = arith.constant 0 : i32
    %c0_i32_1 = arith.constant 0 : i32
    return %c0_i32, %arg0, %c0_i32_0 : i32, i32, i32
  }
  func.func @transform_3(%arg0: i32) -> (i32, i32) {
    %c0_i32 = arith.constant 0 : i32
    %c0_i32_0 = arith.constant 0 : i32
    %c0_i32_1 = arith.constant 0 : i32
    return %c0_i32, %c0_i32_0 : i32, i32
  }
  func.func @transform_4(%arg0: i32) -> (i32, i32) {
    %c0_i32 = arith.constant 0 : i32
    %c0_i32_0 = arith.constant 0 : i32
    %c0_i32_1 = arith.constant 0 : i32
    return %c0_i32, %c0_i32_0 : i32, i32
  }
  func.func @transform_5(%arg0: i32) -> (i32, i32) {
    %c0_i32 = arith.constant 0 : i32
    %c0_i32_0 = arith.constant 0 : i32
    %c0_i32_1 = arith.constant 0 : i32
    return %c0_i32, %c0_i32_0 : i32, i32
  }
  func.func @transform_6(%arg0: i32) -> (i32, i32) {
    %c0_i32 = arith.constant 0 : i32
    %c0_i32_0 = arith.constant 0 : i32
    %c0_i32_1 = arith.constant 0 : i32
    return %c0_i32, %c0_i32_0 : i32, i32
  }
  func.func @transform_7(%arg0: i32) -> (i32, i32) {
    %c0_i32 = arith.constant 0 : i32
    %c0_i32_0 = arith.constant 0 : i32
    return %arg0, %c0_i32 : i32, i32
  }
  func.func @transform_8(%arg0: i32) -> (i32, i32) {
    %c0_i32 = arith.constant 0 : i32
    %c0_i32_0 = arith.constant 0 : i32
    return %arg0, %c0_i32 : i32, i32
  }
}

module attributes {stable_mosaic.version = 14 : i64} {
  func.func @body(%arg0: i32, %arg1: memref<1x2x1000xf32, #tpu.memory_space<vmem>>, %arg2: memref<1000x64xf32, #tpu.memory_space<vmem>>, %arg3: memref<2x1000x64xf32, #tpu.memory_space<vmem>>, %arg4: memref<1000x64xf32, #tpu.memory_space<vmem>>) attributes {dimension_semantics = [#tpu.dimension_semantics<arbitrary>], iteration_bounds = array<i64: 10>, scalar_prefetch = 0 : i64, scratch_operands = 0 : i64, tpu.core_type = #tpu.core_type<tc>, window_params = [{transform_indices = @transform_0, window_bounds = array<i64: 1, 2, 1000>}, {transform_indices = @transform_1, window_bounds = array<i64: 1000, 64>}, {transform_indices = @transform_2, window_bounds = array<i64: 2, 1000, 64>}, {transform_indices = @transform_3, window_bounds = array<i64: 1000, 64>}]} {
    %get3A = arith.constant 0 : index
    %get3A_0 = arith.constant 0 : index
    %get3A_1 = vector.load %arg2[%get3A, %get3A_0] : memref<1000x64xf32, #tpu.memory_space<vmem>>, vector<1000x64xf32>
    %get3A_2 = arith.constant 0 : index
    %get3A_3 = arith.constant 0 : index
    %get3A_4 = arith.constant 0 : index
    %get3A_5 = vector.load %arg1[%get3A_2, %get3A_3, %get3A_4] : memref<1x2x1000xf32, #tpu.memory_space<vmem>>, vector<1x1x1000xf32>
    %get3A_6 = vector.shape_cast %get3A_5 : vector<1x1x1000xf32> to vector<1000xf32>
    %get3A_7 = arith.constant 0 : index
    %get3A_8 = arith.constant 1 : index
    %get3A_9 = arith.constant 0 : index
    %get3A_10 = vector.load %arg1[%get3A_7, %get3A_8, %get3A_9] : memref<1x2x1000xf32, #tpu.memory_space<vmem>>, vector<1x1x1000xf32>
    %get3A_11 = vector.shape_cast %get3A_10 : vector<1x1x1000xf32> to vector<1000xf32>
    %add3A = arith.addf %get3A_6, %get3A_11 : vector<1000xf32>
    %max3A = arith.constant 1.000000e+00 : f32
    %max3A_12 = vector.broadcast %max3A : f32 to vector<1000xf32>
    %max3A_13 = arith.maximumf %add3A, %max3A_12 : vector<1000xf32>
    %div3A = arith.constant 1.000000e+00 : f32
    %div3A_14 = vector.broadcast %div3A : f32 to vector<1000xf32>
    %div3A_15 = arith.divf %div3A_14, %max3A_13 : vector<1000xf32>
    %get3A_16 = arith.constant 0 : index
    %get3A_17 = arith.constant 0 : index
    %get3A_18 = arith.constant 0 : index
    %get3A_19 = vector.load %arg3[%get3A_16, %get3A_17, %get3A_18] : memref<2x1000x64xf32, #tpu.memory_space<vmem>>, vector<1x1000x64xf32>
    %get3A_20 = vector.shape_cast %get3A_19 : vector<1x1000x64xf32> to vector<1000x64xf32>
    %get3A_21 = arith.constant 1 : index
    %get3A_22 = arith.constant 0 : index
    %get3A_23 = arith.constant 0 : index
    %get3A_24 = vector.load %arg3[%get3A_21, %get3A_22, %get3A_23] : memref<2x1000x64xf32, #tpu.memory_space<vmem>>, vector<1x1000x64xf32>
    %get3A_25 = vector.shape_cast %get3A_24 : vector<1x1000x64xf32> to vector<1000x64xf32>
    %add3A_26 = arith.addf %get3A_20, %get3A_25 : vector<1000x64xf32>
    %broadcast_in_dim3A = vector.shape_cast %div3A_15 : vector<1000xf32> to vector<1000x1xf32>
    %mul3A = vector.broadcast %broadcast_in_dim3A : vector<1000x1xf32> to vector<1000x64xf32>
    %mul3A_27 = arith.mulf %add3A_26, %mul3A : vector<1000x64xf32>
    %add3A_28 = arith.addf %get3A_1, %mul3A_27 : vector<1000x64xf32>
    %swap3A = arith.constant 0 : index
    %swap3A_29 = arith.constant 0 : index
    %swap3A_30 = vector.load %arg4[%swap3A, %swap3A_29] : memref<1000x64xf32, #tpu.memory_space<vmem>>, vector<1000x64xf32>
    tpu.vector_store %arg4[%swap3A, %swap3A_29], %add3A_28 {strides = array<i32>} : memref<1000x64xf32, #tpu.memory_space<vmem>>, vector<1000x64xf32>,
    return
  }
  func.func @transform_0(%arg0: i32) -> (i32, i32, i32) {
    %c0_i32 = arith.constant 0 : i32
    %c0_i32_0 = arith.constant 0 : i32
    %c0_i32_1 = arith.constant 0 : i32
    return %arg0, %c0_i32, %c0_i32_0 : i32, i32, i32
  }
  func.func @transform_1(%arg0: i32) -> (i32, i32) {
    %c0_i32 = arith.constant 0 : i32
    %c0_i32_0 = arith.constant 0 : i32
    return %arg0, %c0_i32 : i32, i32
  }
  func.func @transform_2(%arg0: i32) -> (i32, i32, i32) {
    %c0_i32 = arith.constant 0 : i32
    %c0_i32_0 = arith.constant 0 : i32
    %c0_i32_1 = arith.constant 0 : i32
    return %c0_i32, %arg0, %c0_i32_0 : i32, i32, i32
  }
  func.func @transform_3(%arg0: i32) -> (i32, i32) {
    %c0_i32 = arith.constant 0 : i32
    %c0_i32_0 = arith.constant 0 : i32
    return %arg0, %c0_i32 : i32, i32
  }
}

</mosaic_0001>

<sc_bundles>
// kernel: sc_agg_w128.3.cloned.1.call-start
scs
__scs_entry_jumppad:
0x0: {  	(pc) =	sbr.rel $0x88, $3  }
0x1: {  	(tag) =	ssettag $0x0;
	lr =	simm.s32 $0x1  }
0x2: {  	[smem:$0x3F96] =	sst lr;
	_ =	strace $0xD0000000  }
0x3: {  	_ = 	snop  }
0x4: {  	_ = 	snop  }
0x5: {  	_ = 	snop  }
0x6: {  	_ = 	snop  }
0x7: {  	_ = 	snop  }
__scs_overlays_trampoline_lowered:
0x8: {  	[smem:$0x3FA5] =	sst s0  }
0x9: {  	[smem:$0x3FA6] =	sst s1  }
0xa: {  	[smem:$0x3FA7] =	sst s2  }
0xb: {  	[smem:$0x3FA8] =	sst s3  }
0xc: {  	[smem:$0x3FA9] =	sst s4  }
0xd: {  	[smem:$0x3FAA] =	sst s5  }
0xe: {  	[smem:$0x3FAB] =	sst s6  }
0xf: {  	[smem:$0x3FAC] =	sst s7  }
0x10: {  	[smem:$0x3FAD] =	sst s8  }
0x11: {  	[smem:$0x3FAE] =	sst s9;
	s0 =	simm.s32 @!p0 $0x0  }
0x12: {  	s1 =	sld [smem:$0x3F94];
	s0 =	simm.s32 @p0 $0x1  }
0x13: {  	[smem:$0x3FAF] =	sst s0;
	s0 =	simm.s32 @!p1 $0x0  }
0x14: {  	s2 =	sld [smem:$0x3F93];
	s0 =	simm.s32 @p1 $0x1  }
0x15: {  	[smem:$0x3FB0] =	sst s0;
	s0 =	simm.s32 @!p2 $0x0  }
0x16: {  	s3 =	sld [smem:$0x3FDB];
	s0 =	simm.s32 @p2 $0x1  }
0x17: {  	s4 =	simm.s32 $0x1BF5;
	[smem:$0x3FB2] =	sst s0  }
0x18: {  	s0 =	sld [smem:$0x3F95];
	_ =	swait.ge [sflag:s4], $0x0  }
0x19: {  	s7 =	sld [smem:$0x3F96]  }
0x1a: {  	s8 =	sadd.s32 $0xFFFFE003, lr  }
0x1b: {  	s9 =	sadd.s32 $0xFFFFFEF7, lr;
	s5 =	simm.s32 $0xFFFFFFFF;
	p2 =	slt.u32 s8, $0xFFFFF086  }
0x1c: {  	p1 =	slt.u32 s9, $0xF7A;
	s5 =	simm.s32 @!p2 $0x0  }
0x1d: {  	s5 =	simm.s32 @p1 $0x1;
	p0 =	seq.s32 s7, s2  }
0x1e: {  	s7 =	smul.u32 @!p0 $0xF7A, s2;
	p2 =	seq.s32 @!p0 s5, $0x0  }
0x1f: {  	s9 =	smul.u32 $0xF7A, s1;
	s8 =	simm.s32 @!p0 $0x1BF5;
	p2 =	por !p2, p0  }
0x20: {  	[sflag:s8] =	ssyncset.s32 @!p0 $0xFFFFF086;
	s6 =	sadd.s32 @!p0 s3, s7;
	s7 =	simm.s32 @!p0 $0x108  }
0x21: {  	s3 =	sadd.s32 s3, s9;
	s6 =	sadd.s32 @!p0 $0x88, s6;
	s7 =	simm.s32 @p2 $0x1082  }
0x22: {  	[simem:s7], [sflag:s8] =	dma.local @!p0 [hbm:s6], $0xF7A  }
0x23: {  	s9 =	sor.u32 $0xD0000000, s2;
	s6 =	simm.s32 $0x108;
	_ =	swait.ge @!p0 [sflag:s8], $0x0  }
0x24: {  	s3 =	sadd.s32 $0x88, s3;
	s6 =	simm.s32 @!p1 $0x1082;
	[sflag:s4] =	ssyncset.s32 $0xFFFFF086  }
0x25: {  	[simem:s6], [sflag:s4] =	dma.local [hbm:s3], $0xF7A  }
0x26: {  	[smem:$0x3F96] =	sst s1;
	(tag) =	ssettag s2;
	_ =	strace s9  }
0x27: {  	s1 =	sld [smem:$0x3FA6]  }
0x28: {  	s2 =	sld [smem:$0x3FA7]  }
0x29: {  	s4 =	sld [smem:$0x3FA9]  }
0x2a: {  	p0 =	seq.s32 s5, $0x0;
	s5 =	sld [smem:$0x3FAA]  }
0x2b: {  	s6 =	sld [smem:$0x3FAB]  }
0x2c: {  	s7 =	sld [smem:$0x3FAC]  }
0x2d: {  	s3 =	simm.s32 $0x108;
	s8 =	sld [smem:$0x3FAD]  }
0x2e: {  	s3 =	simm.s32 @!p0 $0x1082;
	s9 =	sld [smem:$0x3FAE]  }
0x2f: {  	lr =	sadd.s32 s0, s3;
	s0 =	sld [smem:$0x3FA5]  }
0x30: {  	s3 =	sld [smem:$0x3FA8]  }
0x31: {  	[smem:$0x3FB1] =	sst s10  }
0x32: {  	s10 =	sld [smem:$0x3FAF];
	_ =	sdelay $0x3  }
0x33: {  	p0 =	seq.s32 s10, $0x1;
	s10 =	sld [smem:$0x3FB1];
	_ =	sdelay $0x3  }
0x34: {  	[smem:$0x3FB1] =	sst s10  }
0x35: {  	s10 =	sld [smem:$0x3FB0];
	_ =	sdelay $0x3  }
0x36: {  	p1 =	seq.s32 s10, $0x1;
	s10 =	sld [smem:$0x3FB1];
	_ =	sdelay $0x3  }
0x37: {  	[smem:$0x3FB1] =	sst s10  }
0x38: {  	s10 =	sld [smem:$0x3FB2]  }
0x39: {  	_ = 	snop;
	(pc) =	sbr.ind lr, $3  }
0x3a: {  	_ = 	snop  }
0x3b: {  	_ = 	snop  }
0x3c: {  	p2 =	seq.s32 s10, $0x1;
	s10 =	sld [smem:$0x3FB1]  }
0x3d: {  	_ =	shalt  }
0x3e: {  	_ =	shalt  }
0x3f: {  	_ =	shalt  }
0x40: {  	_ =	shalt  }
0x41: {  	_ =	shalt  }
0x42: {  	_ =	shalt  }
0x43: {  	_ =	shalt  }
0x44: {  	_ =	shalt  }
0x45: {  	_ =	shalt  }
0x46: {  	_ =	shalt  }
0x47: {  	_ =	shalt  }
0x48: {  	_ =	shalt  }
0x49: {  	_ =	shalt  }
0x4a: {  	_ =	shalt  }
0x4b: {  	_ =	shalt  }
0x4c: {  	_ =	shalt  }
0x4d: {  	_ =	shalt  }
0x4e: {  	_ =	shalt  }
0x4f: {  	_ =	shalt  }
0x50: {  	_ =	shalt  }
0x51: {  	_ =	shalt  }
0x52: {  	_ =	shalt  }
0x53: {  	_ =	shalt  }
0x54: {  	_ =	shalt  }
0x55: {  	_ =	shalt  }
0x56: {  	_ =	shalt  }
0x57: {  	_ =	shalt  }
0x58: {  	_ =	shalt  }
0x59: {  	_ =	shalt  }
0x5a: {  	_ =	shalt  }
0x5b: {  	_ =	shalt  }
0x5c: {  	_ =	shalt  }
0x5d: {  	_ =	shalt  }
0x5e: {  	_ =	shalt  }
0x5f: {  	_ =	shalt  }
0x60: {  	_ =	shalt  }
0x61: {  	_ =	shalt  }
0x62: {  	_ =	shalt  }
0x63: {  	_ =	shalt  }
0x64: {  	_ =	shalt  }
0x65: {  	_ =	shalt  }
0x66: {  	_ =	shalt  }
0x67: {  	_ =	shalt  }
0x68: {  	_ =	shalt  }
0x69: {  	_ =	shalt  }
0x6a: {  	_ =	shalt  }
0x6b: {  	_ =	shalt  }
0x6c: {  	_ =	shalt  }
0x6d: {  	_ =	shalt  }
0x6e: {  	_ =	shalt  }
0x6f: {  	_ =	shalt  }
0x70: {  	_ =	shalt  }
0x71: {  	_ =	shalt  }
0x72: {  	_ =	shalt  }
0x73: {  	_ =	shalt  }
0x74: {  	_ =	shalt  }
0x75: {  	_ =	shalt  }
0x76: {  	_ =	shalt  }
0x77: {  	_ =	shalt  }
0x78: {  	_ =	shalt  }
0x79: {  	_ =	shalt  }
0x7a: {  	_ =	shalt  }
0x7b: {  	_ =	shalt  }
0x7c: {  	_ =	shalt  }
0x7d: {  	_ =	shalt  }
0x7e: {  	_ =	shalt  }
0x7f: {  	_ =	shalt  }
0x80: {  	_ =	shalt  }
0x81: {  	_ =	shalt  }
0x82: {  	_ =	shalt  }
0x83: {  	_ =	shalt  }
0x84: {  	_ =	shalt  }
0x85: {  	_ =	shalt  }
0x86: {  	_ =	shalt  }
0x87: {  	_ =	shalt  }
.Lfunc_end0:
.L_simem_size_0:
called_computation.1_lowered:
.L_overlay_start_0:
0x88: {  	s2 =	sld [smem:$0x3FD9]  }
0x89: {  	s3 =	sld [smem:$0x3FFE];
	_ =	sdelay $0x1  }
0x8a: {  	s1 =	srdreg.scid  }
0x8b: {  	s0 =	sand.u32 $0x1, s1  }
0x8c: {  	s16 =	sshll.u32 s0, $0xA;
	s2 =	sadd.s32 s3, s2  }
0x8d: {  	s2 =	sadd.s32 s2, s16  }
0x8e: {  	[smem:$0x3FBD] =	sst s2  }
0x8f: {  	_ = 	snop  }
0x90: {  	(tm) =	ssettm $0x1  }
0x91: {  	s17 =	sld [smem:$0x3FFB];
	_ =	sdelay $0x3  }
0x92: {  	_ =	strace s17  }
0x93: {  	s2 =	sld [smem:$0x3FFC];
	_ =	sdelay $0x3  }
0x94: {  	_ =	strace s2  }
0x95: {  	s2 =	sld [smem:$0x3FFD];
	_ =	sdelay $0x3  }
0x96: {  	_ =	strace s2  }
0x97: {  	_ =	strace $0x8FFFFFFF  }
0x98: {  	s18 =	sld [smem:$0x3FDB];
	_ =	sdelay $0x1  }
0x99: {  	s19 =	simm.s32 $_scs_section_size  }
0x9a: {  	s4 =	simm.s32 $_size__tile_overlayer_lowered;
	s5 =	simm.s32 $_tile_overlayer_lowered  }
0x9b: {  	s22 =	simm.s32 $0x1BFF;
	s21 =	sshll.u32 s5, $0x1;
	s2 =	sadd.s32 s19, s18  }
0x9c: {  	s6 =	simm.s32 $0x0;
	s20 =	sshll.u32 s4, $0x1;
	s4 =	sadd.s32 s21, s2  }
0x9d: {  	[timem:s6], [sflag:s22] =	dma.local [hbm:s4], s20  }
0x9e: {  	_ =	swait.ge [sflag:s22], s20  }
0x9f: {  	s3 =	ssub.s32 $0x0, s20;
	[sflag:s22] =	ssyncset.done $0x0  }
0xa0: {  	[sflag:s22] =	ssyncadd.s32 s3;
	_ =	sdelay $0x1  }
0xa1: {  	s23 =	simm.s32 $0x1B8B  }
0xa2: {  	_ =	swait.ge [sflag:s23], $0x1  }
0xa3: {  	[sflag:s23] =	ssyncset.done $0x0  }
0xa4: {  	s25 =	simm.s32 $0x1B8E;
	s24 =	sld [smem:$0x3FFE];
	[sflag:s23] =	ssyncadd.s32 $0xFFFFFFFF  }
0xa5: {  	s26 =	simm.s32 $execute0_lowered;
	[smem:$0x3FD2] =	sst s25  }
0xa6: {  	s4 =	sshll.u32 s26, $0x1;
	_ =	strace $0x80000049;
	[dreg:$0x1] =	wrdreg $0xFFFFFFFF  }
0xa7: {  	s28 =	simm.s32 $_size_execute0_lowered;
	s2 =	sadd.s32 s2, s4;
	[dreg:$0x0] =	wrdreg $0x0  }
0xa8: {  	s4 =	sshll.u32 s28, $0x1;
	[dreg:$0x2] =	wrdreg s2  }
0xa9: {  	[dreg:$0x3] =	wrdreg s4  }
0xaa: {  	[dreg:$0x4] =	wrdreg $0xC0  }
0xab: {  	_ =	task [dreg:s6], $0x5FFFF  }
0xac: {  	[dreg:$0x1] =	wrdreg $0xFFFFFFFF  }
0xad: {  	[dreg:$0x0] =	wrdreg $0x60  }
0xae: {  	[dreg:$0x2] =	wrdreg s24  }
0xaf: {  	[dreg:$0x3] =	wrdreg $0xAD100  }
0xb0: {  	[dreg:$0x4] =	wrdreg $0x9  }
0xb1: {  	_ =	task.clear_ibuf [dreg:s6], $0x5FFFF;
	_ =	strace $0x90000049  }
0xb2: {  	s29 =	simm.s32 $0x9;
	_ =	strace $0x8000004B  }
0xb3: {  	_ =	swait.ge [sflag:s29], $0x1  }
0xb4: {  	[sflag:s29] =	ssyncadd.s32 $0xFFFFFFFF  }
0xb5: {  	_ =	strace $0x9000004B  }
0xb6: {  	_ =	sfence  }
0xb7: {  	s30 =	sld [smem:$0x0];
	_ =	sdelay $0x2  }
0xb8: {  	s31 =	sshll.u32 s1, $0xD;
	s1 =	sshrl.u32 s1, $0x2  }
0xb9: {  	s3 =	sand.u32 $0x4000, s31;
	s1 =	sadd.s32 s1, s30  }
0xba: {  	s0 =	sor.u32 s3, s0;
	s1 =	sshll.u32 s1, $0x11  }
0xbb: {  	s0 =	sor.u32 s1, s0  }
0xbc: {  	s0 =	sadd.s32 $0x8F2B, s0  }
0xbd: {  	[sflag:s0] =	ssyncadd.remote.s32 $0x1  }
0xbe: {  	_ =	sfence.sel $0xFFFF  }
0xbf: {  	[dreg:$0x0] =	wrdreg $0xFFFFFFFF;
	(pc) =	sbr.abs _section_cstart, $3  }
0xc0: {  	[dreg:$0x1] =	wrdreg $0xFFFFFFFF  }
0xc1: {  	_ =	task.clear_ibuf [dreg:s6], $0x2FFFF;
	_ =	strace $0x9FFFFFFF  }
0xc2: {  	(tm) =	ssettm $0x7FFFFFFF  }
0xc3: {  	_ =	shalt  }
tec
execute0_lowered:
.L_overlay_start_1:
0x0: {  	(tag) =	ssettag $0x1  }
0x1: {  	s0 =	srdreg.scid  }
0x2: {  	s17 =	stileid.u32;
	s5 =	rddreg [dreg:$0x0]  }
0x3: {  	s2 =	rddreg [dreg:$0x1];
	s3 =	simm.s32 $0x0;
	s16 =	simm.s32 $0x5  }
0x4: {  	s18 =	simm.s32 $0x2800;
	s19 =	simm.s32 $0x2A00;
	s20 =	simm.s32 $0x2880  }
0x5: {  	s21 =	simm.s32 $0x6A00;
	s22 =	simm.s32 $0x1;
	s23 =	simm.s32 $0x2900  }
0x6: {  	s24 =	simm.s32 $0x3;
	s26 =	simm.s32 $0x2;
	s28 =	simm.s32 $0x2980  }
0x7: {  	s29 =	simm.s32 $0x4;
	s30 =	simm.s32 $0x0;
	s15 =	smul.u32 $0x1F400, s17  }
0x8: {  	s0 =	sand.u32 $0x1, s0;
	[smem:$0x7FF] =	sst s3;
	s7 =	smul.u32 $0x7D000, s17  }
0x9: {  	s4 =	sadd.s32 $0xD200, s5;
	p0 =	sgt.u32 s17, $0x9;
	s1 =	sshll.u32 s0, $0x4  }
0xa: {  	s6 =	smul.u32 $0x138800, s0;
	_ =	strace $0x8000004A;
	s1 =	sor.u32 s17, s1  }
0xb: {  	s0 =	ssub.s32 $0x2, s0;
	s7 =	sshrl.u32 s7, $0x2;
	s1 =	smul.u32 $0x500, s1  }
0xc: {  	s31 =	sshrl.u32 s0, $0x1;
	s17 =	simm.s32 $0x80;
	s6 =	sadd.s32 s15, s6  }
0xd: {  	s0 =	ssub.s32 s0, s31;
	s6 =	sshrl.u32 s6, $0x3;
	s1 =	sadd.s32 s1, s5  }
0xe: {  	s14 =	sadd.s32 s6, s5;
	s5 =	sadd.s32 s7, s2;
	s1 =	sadd.s32 $0x3200, s1  }
0xf: {  	s7 =	sadd.s32 $0x4000, s5;
	s8 =	sadd.s32 $0x8000, s5;
	s9 =	sadd.s32 $0xC000, s5  }
0x10: {  	s10 =	sadd.s32 $0x10000, s5;
	s11 =	sadd.s32 $0x14000, s5;
	s12 =	sadd.s32 $0x18000, s5  }
0x11: {  	s13 =	sadd.s32 $0x1C000, s5;
	[dreg:$0x3] =	wrdreg s1;
	s1 =	sadd.s32 s15, s2  }
0x12: {  	v0 =	vimm.f32 $0.0e+00;
	v1 =	vimm.f32 $1.000000000e+00;
	s14 =	sadd.s32 $0x34400, s14;
	s15 =	smax.u32 s0, $0x1;
	s25 =	sshrl.u32 @!p0 s1, $0x3  }
.LBB2_1:
0x13: {  	s0 =	rddreg [dreg:$0x3]  }
0x14: {  	[tilespmem:s3], [sflag:$0x5] =	stream.linear.gather [hbm4b:s0+s3], $0x2800, $0x38;
	[tilespmem:$0x1ED90] =	vst v63  }
0x15: {  	s6 =	sand.u32 $0xFE00, s3;
	s31 =	sand.u32 $0x70, s3;
	_ =	swait.ge [sflag:s16], $0x2800  }
0x16: {  	s1 =	simm.s32 $0x40;
	s0 =	sshrl.u32 s6, $0x2;
	[sflag:s16] =	ssyncset.done $0x0  }
0x17: {  	s0 =	sor.u32 s31, s0;
	s31 =	simm.s32 $0x0;
	[sflag:s16] =	ssyncadd.s32 $0xFFFFD800  }
.LBB2_2:
0x18: {  	p1 =	sne.s32 s1, $0xFFC0  }
0x19: {  	[tilespmem:s0+$0x2A00] =	vst v0;
	s31 =	sadd.s32 $0x10, s31;
	s0 =	smov.u32 s1;
	s1 =	sadd.s32 $0x40, s1  }
.Ltmp0:
0x1a: {  	(pc) =	sbr.rel @p1 .LBB2_2-.Ltmp0, $4  }
0x1b: {  	_ = 	snop  }
0x1c: {  	s0 =	sand.u32 $0xFE00, s0  }
0x1d: {  	s6 =	sand.u32 $0x70, s31;
	s0 =	sshrl.u32 s0, $0x2  }
0x1e: {  	s0 =	sor.u32 s6, s0  }
0x1f: {  	[tilespmem:s0+$0x2A00] =	vst v0  }
0x20: {  	[tilespmem:$0xAA80] =	vst v0  }
0x21: {  	[tilespmem:$0xAA90] =	vst v0  }
0x22: {  	[tilespmem:$0xAAA0] =	vst v0  }
0x23: {  	[tilespmem:$0xAAB0] =	vst v0  }
0x24: {  	[tilespmem:$0xAAC0] =	vst v0  }
0x25: {  	[tilespmem:$0xAAD0] =	vst v0  }
0x26: {  	[tilespmem:$0xAAE0] =	vst v0  }
0x27: {  	[tilespmem:$0xAAF0] =	vst v0  }
0x28: {  	[tilespmem:$0xAB00] =	vst v0  }
0x29: {  	[tilespmem:$0xAB10] =	vst v0  }
0x2a: {  	[tilespmem:$0xAB20] =	vst v0  }
0x2b: {  	[tilespmem:$0xAB30] =	vst v0  }
0x2c: {  	[tilespmem:$0xAB40] =	vst v0  }
0x2d: {  	[tilespmem:$0xAB50] =	vst v0  }
0x2e: {  	[tilespmem:$0xAB60] =	vst v0  }
0x2f: {  	[tilespmem:$0xAB70] =	vst v0  }
0x30: {  	[tilespmem:$0xAB80] =	vst v0  }
0x31: {  	[tilespmem:$0xAB90] =	vst v0  }
0x32: {  	[tilespmem:$0xABA0] =	vst v0  }
0x33: {  	[tilespmem:$0xABB0] =	vst v0  }
0x34: {  	[tilespmem:$0xABC0] =	vst v0  }
0x35: {  	[tilespmem:$0xABD0] =	vst v0  }
0x36: {  	[tilespmem:$0xABE0] =	vst v0  }
0x37: {  	[tilespmem:$0xABF0] =	vst v0  }
0x38: {  	[tilespmem:$0xAC00] =	vst v0  }
0x39: {  	[tilespmem:$0xAC10] =	vst v0  }
0x3a: {  	[tilespmem:$0xAC20] =	vst v0  }
0x3b: {  	[tilespmem:$0xAC30] =	vst v0  }
0x3c: {  	[tilespmem:$0xAC40] =	vst v0  }
0x3d: {  	[tilespmem:$0xAC50] =	vst v0  }
0x3e: {  	[tilespmem:$0xAC60] =	vst v0  }
0x3f: {  	[tilespmem:$0xAC70] =	vst v0  }
0x40: {  	[tilespmem:$0xAC80] =	vst v0  }
0x41: {  	[tilespmem:$0xAC90] =	vst v0  }
0x42: {  	[tilespmem:$0xACA0] =	vst v0  }
0x43: {  	[tilespmem:$0xACB0] =	vst v0  }
0x44: {  	[tilespmem:$0xACC0] =	vst v0  }
0x45: {  	[tilespmem:$0xACD0] =	vst v0  }
0x46: {  	[tilespmem:$0xACE0] =	vst v0  }
0x47: {  	[tilespmem:$0xACF0] =	vst v0  }
0x48: {  	[tilespmem:$0xAD00] =	vst v0  }
0x49: {  	[tilespmem:$0xAA00] =	vst v1  }
0x4a: {  	[tilespmem:$0xAA10] =	vst v1  }
0x4b: {  	[tilespmem:$0xAA20] =	vst v1  }
0x4c: {  	[tilespmem:$0xAA30] =	vst v1  }
0x4d: {  	[tilespmem:$0xAA40] =	vst v1  }
0x4e: {  	[tilespmem:$0xAA50] =	vst v1  }
0x4f: {  	[tilespmem:$0xAA60] =	vst v1  }
0x50: {  	s0 =	simm.s32 @!p0 $0x2A00;
	s1 =	simm.s32 @!p0 $0x5;
	[tilespmem:$0xAA70] =	vst v1  }
0x51: {  	[spmem:s5] =	stream.linear.scatter @!p0 [tilespmem:s0], [sflag:$0x5], $0x4000, $0x38;
	[tilespmem:$0x1ED90] =	vst v63  }
0x52: {  	_ =	swait.ge @!p0 [sflag:s1], $0x4000  }
0x53: {  	[sflag:s1] =	ssyncset.done @!p0 $0x0  }
0x54: {  	[sflag:s1] =	ssyncadd.s32 @!p0 $0xFFFFC000  }
0x55: {  	[spmem:s7] =	stream.linear.scatter @!p0 [tilespmem:s0], [sflag:$0x5], $0x4000, $0x38;
	[tilespmem:$0x1ED90] =	vst v63  }
0x56: {  	_ =	swait.ge @!p0 [sflag:s1], $0x4000  }
0x57: {  	[sflag:s1] =	ssyncset.done @!p0 $0x0  }
0x58: {  	[sflag:s1] =	ssyncadd.s32 @!p0 $0xFFFFC000  }
0x59: {  	[spmem:s8] =	stream.linear.scatter @!p0 [tilespmem:s0], [sflag:$0x5], $0x4000, $0x38;
	[tilespmem:$0x1ED90] =	vst v63  }
0x5a: {  	_ =	swait.ge @!p0 [sflag:s1], $0x4000  }
0x5b: {  	[sflag:s1] =	ssyncset.done @!p0 $0x0  }
0x5c: {  	[sflag:s1] =	ssyncadd.s32 @!p0 $0xFFFFC000  }
0x5d: {  	[spmem:s9] =	stream.linear.scatter @!p0 [tilespmem:s0], [sflag:$0x5], $0x4000, $0x38;
	[tilespmem:$0x1ED90] =	vst v63  }
0x5e: {  	_ =	swait.ge @!p0 [sflag:s1], $0x4000  }
0x5f: {  	[sflag:s1] =	ssyncset.done @!p0 $0x0  }
0x60: {  	[sflag:s1] =	ssyncadd.s32 @!p0 $0xFFFFC000  }
0x61: {  	[spmem:s10] =	stream.linear.scatter @!p0 [tilespmem:s0], [sflag:$0x5], $0x4000, $0x38;
	[tilespmem:$0x1ED90] =	vst v63  }
0x62: {  	_ =	swait.ge @!p0 [sflag:s1], $0x4000  }
0x63: {  	[sflag:s1] =	ssyncset.done @!p0 $0x0  }
0x64: {  	[sflag:s1] =	ssyncadd.s32 @!p0 $0xFFFFC000  }
0x65: {  	[spmem:s11] =	stream.linear.scatter @!p0 [tilespmem:s0], [sflag:$0x5], $0x4000, $0x38;
	[tilespmem:$0x1ED90] =	vst v63  }
0x66: {  	_ =	swait.ge @!p0 [sflag:s1], $0x4000  }
0x67: {  	[sflag:s1] =	ssyncset.done @!p0 $0x0  }
0x68: {  	[sflag:s1] =	ssyncadd.s32 @!p0 $0xFFFFC000  }
0x69: {  	[spmem:s12] =	stream.linear.scatter @!p0 [tilespmem:s0], [sflag:$0x5], $0x4000, $0x38;
	[tilespmem:$0x1ED90] =	vst v63  }
0x6a: {  	_ =	swait.ge @!p0 [sflag:s1], $0x4000  }
0x6b: {  	[sflag:s1] =	ssyncset.done @!p0 $0x0  }
0x6c: {  	[sflag:s1] =	ssyncadd.s32 @!p0 $0xFFFFC000  }
0x6d: {  	[spmem:s13] =	stream.linear.scatter @!p0 [tilespmem:s0], [sflag:$0x5], $0x3400, $0x38;
	[tilespmem:$0x1ED90] =	vst v63  }
0x6e: {  	_ =	swait.ge @!p0 [sflag:s1], $0x3400  }
0x6f: {  	[sflag:s1] =	ssyncset.done @!p0 $0x0  }
0x70: {  	[sflag:s1] =	ssyncadd.s32 @!p0 $0xFFFFCC00  }
0x71: {  	v2 =	vld [tilespmem:$0x0];
	_ =	sdelay $0x1  }
0x72: {  	v3 =	vld [tilespmem:$0x10];
	_ =	sdelay $0x1  }
0x73: {  	v4 =	vld [tilespmem:$0x20]  }
0x74: {  	v5 =	vand.u32 $0x3FFF, v2  }
0x75: {  	v56 =	vld [tilespmem:$0x30];
	v2 =	vshrl.u32 v2, $0xE;
	[tilespmem:$0x2800] =	vst v5  }
0x76: {  	[tilespmem:$0x2900] =	vst v2;
	v2 =	vand.u32 $0x3FFF, v3  }
0x77: {  	[tilespmem:$0x2810] =	vst v2;
	v2 =	vshrl.u32 v3, $0xE;
	v3 =	vld [tilespmem:$0x40]  }
0x78: {  	[tilespmem:$0x2910] =	vst v2;
	v2 =	vand.u32 $0x3FFF, v4  }
0x79: {  	v57 =	vld [tilespmem:$0x50];
	[tilespmem:$0x2820] =	vst v2;
	v2 =	vshrl.u32 v4, $0xE  }
0x7a: {  	[tilespmem:$0x2920] =	vst v2;
	v2 =	vand.u32 $0x3FFF, v56  }
0x7b: {  	v58 =	vld [tilespmem:$0x60];
	[tilespmem:$0x2830] =	vst v2;
	v2 =	vshrl.u32 v56, $0xE  }
0x7c: {  	[tilespmem:$0x2930] =	vst v2;
	v2 =	vand.u32 $0x3FFF, v3  }
0x7d: {  	[tilespmem:$0x2840] =	vst v2;
	v2 =	vshrl.u32 v3, $0xE;
	v3 =	vld [tilespmem:$0x70]  }
0x7e: {  	[tilespmem:$0x2940] =	vst v2;
	v2 =	vand.u32 $0x3FFF, v57  }
0x7f: {  	[tilespmem:$0x2850] =	vst v2;
	v2 =	vshrl.u32 v57, $0xE  }
0x80: {  	[tilespmem:$0x2950] =	vst v2;
	v2 =	vand.u32 $0x3FFF, v58  }
0x81: {  	[tilespmem:$0x2860] =	vst v2;
	v2 =	vshrl.u32 v58, $0xE  }
0x82: {  	[tilespmem:$0x2960] =	vst v2;
	v2 =	vand.u32 $0x3FFF, v3  }
0x83: {  	[tilespmem:$0x2870] =	vst v2;
	v2 =	vshrl.u32 v3, $0xE  }
0x84: {  	[tilespmem:$0x2970] =	vst v2  }
0x85: {  	[tilespmem:s19], [sflag:$0x1] =	stream.indirect.gather [hbm4b:s4+s17], $0x80, s18, s17, $0xb8;
	[tilespmem:$0x1ED90] =	vst v63  }
0x86: {  	v2 =	vld [tilespmem:$0x80];
	_ =	sdelay $0x1  }
0x87: {  	v3 =	vld [tilespmem:$0x90];
	_ =	sdelay $0x1  }
0x88: {  	v59 =	vld [tilespmem:$0xA0]  }
0x89: {  	v60 =	vand.u32 $0x3FFF, v2  }
0x8a: {  	v61 =	vld [tilespmem:$0xB0];
	v2 =	vshrl.u32 v2, $0xE;
	[tilespmem:$0x2880] =	vst v60  }
0x8b: {  	[tilespmem:$0x2980] =	vst v2;
	v2 =	vand.u32 $0x3FFF, v3  }
0x8c: {  	[tilespmem:$0x2890] =	vst v2;
	v2 =	vshrl.u32 v3, $0xE;
	v3 =	vld [tilespmem:$0xC0]  }
0x8d: {  	[tilespmem:$0x2990] =	vst v2;
	v2 =	vand.u32 $0x3FFF, v59  }
0x8e: {  	v62 =	vld [tilespmem:$0xD0];
	[tilespmem:$0x28A0] =	vst v2;
	v2 =	vshrl.u32 v59, $0xE  }
0x8f: {  	[tilespmem:$0x29A0] =	vst v2;
	v2 =	vand.u32 $0x3FFF, v61  }
0x90: {  	v63 =	vld [tilespmem:$0xE0];
	[tilespmem:$0x28B0] =	vst v2;
	v2 =	vshrl.u32 v61, $0xE  }
0x91: {  	[tilespmem:$0x29B0] =	vst v2;
	v2 =	vand.u32 $0x3FFF, v3  }
0x92: {  	[tilespmem:$0x28C0] =	vst v2;
	v2 =	vshrl.u32 v3, $0xE;
	v3 =	vld [tilespmem:$0xF0]  }
0x93: {  	[tilespmem:$0x29C0] =	vst v2;
	v2 =	vand.u32 $0x3FFF, v62  }
0x94: {  	[tilespmem:$0x28D0] =	vst v2;
	v2 =	vshrl.u32 v62, $0xE  }
0x95: {  	[tilespmem:$0x29D0] =	vst v2;
	v2 =	vand.u32 $0x3FFF, v63  }
0x96: {  	[tilespmem:$0x28E0] =	vst v2;
	v2 =	vshrl.u32 v63, $0xE  }
0x97: {  	[tilespmem:$0x29E0] =	vst v2;
	v2 =	vand.u32 $0x3FFF, v3  }
0x98: {  	[tilespmem:$0x28F0] =	vst v2;
	v2 =	vshrl.u32 v3, $0xE  }
0x99: {  	[tilespmem:$0x29F0] =	vst v2  }
0x9a: {  	[tilespmem:s21], [sflag:$0x2] =	stream.indirect.gather [hbm4b:s4+s17], $0x80, s20, s17, $0xb8;
	[tilespmem:$0x1ED90] =	vst v63  }
0x9b: {  	[bflag:$0x0] =	sbarrier.arrive $0xFFFF  }
0x9c: {  	_ =	swait.ge [sflag:s22], $0x4000  }
0x9d: {  	[sflag:s22] =	ssyncset.done $0x0  }
0x9e: {  	[sflag:s22] =	ssyncadd.s32 $0xFFFFC000  }
0x9f: {  	[spmem:s2] =	stream.indirect.scatter.add.f32 [tilespmem:s19], [sflag:$0x3], $0x80, s23, s17, $0xb8;
	[tilespmem:$0x1ED90] =	vst v63  }
0xa0: {  	_ =	swait.ge [sflag:s24], $0x4000  }
0xa1: {  	[sflag:s24] =	ssyncset.done $0x0  }
0xa2: {  	s31 =	simm.s32 $0x0;
	[sflag:s24] =	ssyncadd.s32 $0xFFFFC000  }
0xa3: {  	v2 =	vld [tilespmem:s31+$0x100];
	_ =	sdelay $0x4  }
0xa4: {  	v3 =	vand.u32 $0x3FFF, v2  }
0xa5: {  	v2 =	vshrl.u32 v2, $0xE;
	[tilespmem:$0x2800] =	vst v3  }
0xa6: {  	[tilespmem:$0x2900] =	vst v2  }
0xa7: {  	v2 =	vld [tilespmem:s31+$0x110];
	_ =	sdelay $0x4  }
0xa8: {  	v3 =	vand.u32 $0x3FFF, v2  }
0xa9: {  	v2 =	vshrl.u32 v2, $0xE;
	[tilespmem:$0x2810] =	vst v3  }
0xaa: {  	[tilespmem:$0x2910] =	vst v2  }
0xab: {  	v2 =	vld [tilespmem:s31+$0x120];
	_ =	sdelay $0x4  }
0xac: {  	v3 =	vand.u32 $0x3FFF, v2  }
0xad: {  	v2 =	vshrl.u32 v2, $0xE;
	[tilespmem:$0x2820] =	vst v3  }
0xae: {  	[tilespmem:$0x2920] =	vst v2  }
0xaf: {  	v2 =	vld [tilespmem:s31+$0x130];
	_ =	sdelay $0x4  }
0xb0: {  	v3 =	vand.u32 $0x3FFF, v2  }
0xb1: {  	v2 =	vshrl.u32 v2, $0xE;
	[tilespmem:$0x2830] =	vst v3  }
0xb2: {  	[tilespmem:$0x2930] =	vst v2  }
0xb3: {  	v2 =	vld [tilespmem:s31+$0x140];
	_ =	sdelay $0x4  }
0xb4: {  	v3 =	vand.u32 $0x3FFF, v2  }
0xb5: {  	v2 =	vshrl.u32 v2, $0xE;
	[tilespmem:$0x2840] =	vst v3  }
0xb6: {  	[tilespmem:$0x2940] =	vst v2  }
0xb7: {  	v2 =	vld [tilespmem:s31+$0x150];
	_ =	sdelay $0x4  }
0xb8: {  	v3 =	vand.u32 $0x3FFF, v2  }
0xb9: {  	v2 =	vshrl.u32 v2, $0xE;
	[tilespmem:$0x2850] =	vst v3  }
0xba: {  	[tilespmem:$0x2950] =	vst v2  }
0xbb: {  	v2 =	vld [tilespmem:s31+$0x160];
	_ =	sdelay $0x4  }
0xbc: {  	v3 =	vand.u32 $0x3FFF, v2  }
0xbd: {  	v2 =	vshrl.u32 v2, $0xE;
	[tilespmem:$0x2860] =	vst v3  }
0xbe: {  	[tilespmem:$0x2960] =	vst v2  }
0xbf: {  	v2 =	vld [tilespmem:s31+$0x170];
	_ =	sdelay $0x4  }
0xc0: {  	v3 =	vand.u32 $0x3FFF, v2  }
0xc1: {  	v2 =	vshrl.u32 v2, $0xE;
	[tilespmem:$0x2870] =	vst v3  }
0xc2: {  	[tilespmem:$0x2970] =	vst v2  }
0xc3: {  	[tilespmem:s19], [sflag:$0x1] =	stream.indirect.gather [hbm4b:s4+s17], $0x80, s18, s17, $0xb8;
	[tilespmem:$0x1ED90] =	vst v63  }
0xc4: {  	_ =	swait.ge [sflag:s26], $0x4000  }
0xc5: {  	[sflag:s26] =	ssyncset.done $0x0  }
0xc6: {  	[sflag:s26] =	ssyncadd.s32 $0xFFFFC000  }
0xc7: {  	[spmem:s2] =	stream.indirect.scatter.add.f32 [tilespmem:s21], [sflag:$0x4], $0x80, s28, s17, $0xb8;
	[tilespmem:$0x1ED90] =	vst v63  }
0xc8: {  	_ =	swait.ge [sflag:s29], $0x4000  }
0xc9: {  	[sflag:s29] =	ssyncset.done $0x0  }
0xca: {  	[sflag:s29] =	ssyncadd.s32 $0xFFFFC000  }
0xcb: {  	v2 =	vld [tilespmem:s31+$0x180];
	_ =	sdelay $0x4  }
0xcc: {  	v3 =	vand.u32 $0x3FFF, v2  }
0xcd: {  	v2 =	vshrl.u32 v2, $0xE;
	[tilespmem:$0x2880] =	vst v3  }
0xce: {  	[tilespmem:$0x2980] =	vst v2  }
0xcf: {  	v2 =	vld [tilespmem:s31+$0x190];
	_ =	sdelay $0x4  }
0xd0: {  	v3 =	vand.u32 $0x3FFF, v2  }
0xd1: {  	v2 =	vshrl.u32 v2, $0xE;
	[tilespmem:$0x2890] =	vst v3  }
0xd2: {  	[tilespmem:$0x2990] =	vst v2  }
0xd3: {  	v2 =	vld [tilespmem:s31+$0x1A0];
	_ =	sdelay $0x4  }
0xd4: {  	v3 =	vand.u32 $0x3FFF, v2  }
0xd5: {  	v2 =	vshrl.u32 v2, $0xE;
	[tilespmem:$0x28A0] =	vst v3  }
0xd6: {  	[tilespmem:$0x29A0] =	vst v2  }
0xd7: {  	v2 =	vld [tilespmem:s31+$0x1B0];
	_ =	sdelay $0x4  }
0xd8: {  	v3 =	vand.u32 $0x3FFF, v2  }
0xd9: {  	v2 =	vshrl.u32 v2, $0xE;
	[tilespmem:$0x28B0] =	vst v3  }
0xda: {  	[tilespmem:$0x29B0] =	vst v2  }
0xdb: {  	v2 =	vld [tilespmem:s31+$0x1C0];
	_ =	sdelay $0x4  }
0xdc: {  	v3 =	vand.u32 $0x3FFF, v2  }
0xdd: {  	v2 =	vshrl.u32 v2, $0xE;
	[tilespmem:$0x28C0] =	vst v3  }
0xde: {  	[tilespmem:$0x29C0] =	vst v2  }
0xdf: {  	v2 =	vld [tilespmem:s31+$0x1D0];
	_ =	sdelay $0x4  }
0xe0: {  	v3 =	vand.u32 $0x3FFF, v2  }
0xe1: {  	v2 =	vshrl.u32 v2, $0xE;
	[tilespmem:$0x28D0] =	vst v3  }
0xe2: {  	[tilespmem:$0x29D0] =	vst v2  }
0xe3: {  	s1 =	simm.s32 $0x400;
	v2 =	vld [tilespmem:s31+$0x1E0]  }
.LBB2_4:
0xe4: {  	_ =	sdelay $0x2  }
0xe5: {  	p1 =	sne.s32 s1, $0x9800;
	s0 =	smov.u32 s1;
	s1 =	sadd.s32 $0x400, s1  }
0xe6: {  	v3 =	vand.u32 $0x3FFF, v2;
	v2 =	vshrl.u32 v2, $0xE  }
0xe7: {  	[tilespmem:$0x28E0] =	vst v3  }
0xe8: {  	[tilespmem:$0x29E0] =	vst v2  }
0xe9: {  	v2 =	vld [tilespmem:s31+$0x1F0];
	_ =	sdelay $0x4  }
0xea: {  	v3 =	vand.u32 $0x3FFF, v2;
	v2 =	vshrl.u32 v2, $0xE  }
0xeb: {  	[tilespmem:$0x28F0] =	vst v3  }
0xec: {  	[tilespmem:$0x29F0] =	vst v2  }
0xed: {  	[tilespmem:s21], [sflag:$0x2] =	stream.indirect.gather [hbm4b:s4+s17], $0x80, s20, s17, $0xb8;
	[tilespmem:$0x1ED90] =	vst v63  }
0xee: {  	_ =	swait.ge [sflag:s22], $0x4000  }
0xef: {  	[sflag:s22] =	ssyncset.done $0x0  }
0xf0: {  	[sflag:s22] =	ssyncadd.s32 $0xFFFFC000  }
0xf1: {  	[spmem:s2] =	stream.indirect.scatter.add.f32 [tilespmem:s19], [sflag:$0x3], $0x80, s23, s17, $0xb8;
	[tilespmem:$0x1ED90] =	vst v63  }
0xf2: {  	_ =	swait.ge [sflag:s24], $0x4000  }
0xf3: {  	[sflag:s24] =	ssyncset.done $0x0  }
0xf4: {  	s31 =	sshra.s32 s0, $0x2;
	[sflag:s24] =	ssyncadd.s32 $0xFFFFC000  }
0xf5: {  	v2 =	vld [tilespmem:s31+$0x100];
	_ =	sdelay $0x4  }
0xf6: {  	v3 =	vand.u32 $0x3FFF, v2;
	v2 =	vshrl.u32 v2, $0xE  }
0xf7: {  	[tilespmem:$0x2800] =	vst v3  }
0xf8: {  	[tilespmem:$0x2900] =	vst v2  }
0xf9: {  	v2 =	vld [tilespmem:s31+$0x110];
	_ =	sdelay $0x4  }
0xfa: {  	v3 =	vand.u32 $0x3FFF, v2;
	v2 =	vshrl.u32 v2, $0xE  }
0xfb: {  	[tilespmem:$0x2810] =	vst v3  }
0xfc: {  	[tilespmem:$0x2910] =	vst v2  }
0xfd: {  	v2 =	vld [tilespmem:s31+$0x120];
	_ =	sdelay $0x4  }
0xfe: {  	v3 =	vand.u32 $0x3FFF, v2;
	v2 =	vshrl.u32 v2, $0xE  }
0xff: {  	[tilespmem:$0x2820] =	vst v3  }
0x100: {  	[tilespmem:$0x2920] =	vst v2  }
0x101: {  	v2 =	vld [tilespmem:s31+$0x130];
	_ =	sdelay $0x4  }
0x102: {  	v3 =	vand.u32 $0x3FFF, v2;
	v2 =	vshrl.u32 v2, $0xE  }
0x103: {  	[tilespmem:$0x2830] =	vst v3  }
0x104: {  	[tilespmem:$0x2930] =	vst v2  }
0x105: {  	v2 =	vld [tilespmem:s31+$0x140];
	_ =	sdelay $0x4  }
0x106: {  	v3 =	vand.u32 $0x3FFF, v2;
	v2 =	vshrl.u32 v2, $0xE  }
0x107: {  	[tilespmem:$0x2840] =	vst v3  }
0x108: {  	[tilespmem:$0x2940] =	vst v2  }
0x109: {  	v2 =	vld [tilespmem:s31+$0x150];
	_ =	sdelay $0x4  }
0x10a: {  	v3 =	vand.u32 $0x3FFF, v2;
	v2 =	vshrl.u32 v2, $0xE  }
0x10b: {  	[tilespmem:$0x2850] =	vst v3  }
0x10c: {  	[tilespmem:$0x2950] =	vst v2  }
0x10d: {  	v2 =	vld [tilespmem:s31+$0x160];
	_ =	sdelay $0x4  }
0x10e: {  	v3 =	vand.u32 $0x3FFF, v2;
	v2 =	vshrl.u32 v2, $0xE  }
0x10f: {  	[tilespmem:$0x2860] =	vst v3  }
0x110: {  	[tilespmem:$0x2960] =	vst v2  }
0x111: {  	v2 =	vld [tilespmem:s31+$0x170];
	_ =	sdelay $0x4  }
0x112: {  	v3 =	vand.u32 $0x3FFF, v2;
	v2 =	vshrl.u32 v2, $0xE  }
0x113: {  	[tilespmem:$0x2870] =	vst v3  }
0x114: {  	[tilespmem:$0x2970] =	vst v2  }
0x115: {  	[tilespmem:s19], [sflag:$0x1] =	stream.indirect.gather [hbm4b:s4+s17], $0x80, s18, s17, $0xb8;
	[tilespmem:$0x1ED90] =	vst v63  }
0x116: {  	_ =	swait.ge [sflag:s26], $0x4000  }
0x117: {  	[sflag:s26] =	ssyncset.done $0x0  }
0x118: {  	[sflag:s26] =	ssyncadd.s32 $0xFFFFC000  }
0x119: {  	[spmem:s2] =	stream.indirect.scatter.add.f32 [tilespmem:s21], [sflag:$0x4], $0x80, s28, s17, $0xb8;
	[tilespmem:$0x1ED90] =	vst v63  }
0x11a: {  	_ =	swait.ge [sflag:s29], $0x4000  }
0x11b: {  	[sflag:s29] =	ssyncset.done $0x0  }
0x11c: {  	[sflag:s29] =	ssyncadd.s32 $0xFFFFC000  }
0x11d: {  	v2 =	vld [tilespmem:s31+$0x180];
	_ =	sdelay $0x4  }
0x11e: {  	v3 =	vand.u32 $0x3FFF, v2;
	v2 =	vshrl.u32 v2, $0xE  }
0x11f: {  	[tilespmem:$0x2880] =	vst v3  }
0x120: {  	[tilespmem:$0x2980] =	vst v2  }
0x121: {  	v2 =	vld [tilespmem:s31+$0x190];
	_ =	sdelay $0x4  }
0x122: {  	v3 =	vand.u32 $0x3FFF, v2;
	v2 =	vshrl.u32 v2, $0xE  }
0x123: {  	[tilespmem:$0x2890] =	vst v3  }
0x124: {  	[tilespmem:$0x2990] =	vst v2  }
0x125: {  	v2 =	vld [tilespmem:s31+$0x1A0];
	_ =	sdelay $0x4  }
0x126: {  	v3 =	vand.u32 $0x3FFF, v2;
	v2 =	vshrl.u32 v2, $0xE  }
0x127: {  	[tilespmem:$0x28A0] =	vst v3  }
0x128: {  	[tilespmem:$0x29A0] =	vst v2  }
0x129: {  	v2 =	vld [tilespmem:s31+$0x1B0];
	_ =	sdelay $0x4  }
0x12a: {  	v3 =	vand.u32 $0x3FFF, v2;
	v2 =	vshrl.u32 v2, $0xE  }
0x12b: {  	[tilespmem:$0x28B0] =	vst v3  }
0x12c: {  	[tilespmem:$0x29B0] =	vst v2  }
0x12d: {  	v2 =	vld [tilespmem:s31+$0x1C0];
	_ =	sdelay $0x4  }
0x12e: {  	v3 =	vand.u32 $0x3FFF, v2;
	v2 =	vshrl.u32 v2, $0xE  }
0x12f: {  	[tilespmem:$0x28C0] =	vst v3  }
0x130: {  	[tilespmem:$0x29C0] =	vst v2  }
0x131: {  	v2 =	vld [tilespmem:s31+$0x1D0];
	_ =	sdelay $0x3  }
.Ltmp1:
0x132: {  	(pc) =	sbr.rel @p1 .LBB2_4-.Ltmp1, $4  }
0x133: {  	v3 =	vand.u32 $0x3FFF, v2;
	v2 =	vshrl.u32 v2, $0xE  }
0x134: {  	[tilespmem:$0x28D0] =	vst v3  }
0x135: {  	[tilespmem:$0x29D0] =	vst v2  }
0x136: {  	v2 =	vld [tilespmem:s31+$0x1E0]  }
0x137: {  	_ =	sdelay $0x3  }
0x138: {  	v3 =	vand.u32 $0x3FFF, v2  }
0x139: {  	v2 =	vshrl.u32 v2, $0xE;
	[tilespmem:$0x28E0] =	vst v3  }
0x13a: {  	[tilespmem:$0x29E0] =	vst v2  }
0x13b: {  	v2 =	vld [tilespmem:s31+$0x1F0];
	_ =	sdelay $0x4  }
0x13c: {  	v3 =	vand.u32 $0x3FFF, v2  }
0x13d: {  	v2 =	vshrl.u32 v2, $0xE;
	[tilespmem:$0x28F0] =	vst v3  }
0x13e: {  	[tilespmem:$0x29F0] =	vst v2  }
0x13f: {  	[tilespmem:s21], [sflag:$0x2] =	stream.indirect.gather [hbm4b:s4+s17], $0x80, s20, s17, $0xb8;
	[tilespmem:$0x1ED90] =	vst v63  }
0x140: {  	_ =	swait.ge [sflag:s22], $0x4000  }
0x141: {  	[sflag:s22] =	ssyncset.done $0x0  }
0x142: {  	[sflag:s22] =	ssyncadd.s32 $0xFFFFC000  }
0x143: {  	[spmem:s2] =	stream.indirect.scatter.add.f32 [tilespmem:s19], [sflag:$0x3], $0x80, s23, s17, $0xb8;
	[tilespmem:$0x1ED90] =	vst v63  }
0x144: {  	_ =	swait.ge [sflag:s26], $0x4000  }
0x145: {  	[sflag:s26] =	ssyncset.done $0x0  }
0x146: {  	[sflag:s26] =	ssyncadd.s32 $0xFFFFC000  }
0x147: {  	[spmem:s2] =	stream.indirect.scatter.add.f32 [tilespmem:s21], [sflag:$0x4], $0x80, s28, s17, $0xb8;
	[tilespmem:$0x1ED90] =	vst v63  }
0x148: {  	_ =	swait.ge [sflag:s24], $0x4000  }
0x149: {  	[sflag:s24] =	ssyncset.done $0x0  }
0x14a: {  	[sflag:s24] =	ssyncadd.s32 $0xFFFFC000  }
0x14b: {  	_ =	swait.ge [sflag:s29], $0x4000  }
0x14c: {  	s0 =	stileid.u32;
	[sflag:s29] =	ssyncset.done $0x0  }
0x14d: {  	s30 =	sadd.s32 $0x1, s30;
	s0 =	sshll.u32 @!p0 s0, $0x6;
	[sflag:s29] =	ssyncadd.s32 $0xFFFFC000  }
0x14e: {  	p1 =	sne.s32 s30, s15;
	s0 =	sor.u32 @!p0 $0x1C05, s0;
	[bflag:$0x0] =	sbarrier.arrive $0xFFFF  }
0x14f: {  	[hbm:s14], [sflag:s0] =	dma.local @!p0 [spmem:s25], $0x3E80  }
.Ltmp2:
0x150: {  	_ = 	snop;
	(pc) =	sbr.rel @p1 .LBB2_1-.Ltmp2, $4  }
0x151: {  	s0 =	simm.s32 @!p0 $0x5  }
0x152: {  	_ =	swait.ge @!p0 [sflag:s0], $0x3E80  }
0x153: {  	[sflag:s0] =	ssyncset.done @!p0 $0x0  }
0x154: {  	[sflag:s0] =	ssyncadd.s32 @!p0 $0xFFFFC180  }
0x155: {  	_ =	sfence.sel $0x180000  }
0x156: {  	[bflag:$0x0] =	sbarrier.arrive $0xFFFF  }
0x157: {  	_ =	strace $0x9000004A  }
0x158: {  	s0 =	stileid.u32;
	[bflag:$0x2] =	sbarrier.arrive $0xFFFF  }
0x159: {  	p0 =	sne.s32 s0, $0x0;
	s0 =	rddreg [dreg:$0x2]  }
0x15a: {  	s0 =	sadd.s32 @!p0 $0x100000, s0  }
0x15b: {  	[sflag:s0] =	ssyncadd.tile.s32 @!p0 $0x1;
	_ =	shalt  }
.Lfunc_end2:
_tile_overlayer_lowered:
.L_overlay_start_2:
0x15c: {  	(tag) =	ssettag $0x2  }
0x15d: {  	s0 =	rddreg [dreg:$0x0];
	s2 =	stileid.u32  }
0x15e: {  	s1 =	rddreg [dreg:$0x1];
	p0 =	sne.s32 s2, $0x0  }
0x15f: {  	s3 =	rddreg [dreg:$0x2];
	[bflag:$0x3] =	sbarrier.arrive $0xFFFF;
	s2 =	simm.s32 @!p0 $0x1C05  }
0x160: {  	[timem:s3], [sflag:s2] =	dma.local @!p0 [hbm:s0], s1  }
0x161: {  	s0 =	simm.s32 @!p0 $0x5  }
0x162: {  	_ =	swait.ge @!p0 [sflag:s0], s1  }
0x163: {  	s1 =	ssub.s32 @!p0 $0x0, s1;
	[sflag:s0] =	ssyncset.done @!p0 $0x0  }
0x164: {  	[sflag:s0] =	ssyncadd.s32 @!p0 s1  }
0x165: {  	[bflag:$0x3] =	sbarrier.arrive $0xFFFF  }
0x166: {  	_ =	shalt  }

// kernel: sc_agg_w128_deg.3.cloned.1.call-start
scs
__scs_entry_jumppad:
0x0: {  	(pc) =	sbr.rel $0x88, $3  }
0x1: {  	(tag) =	ssettag $0x0;
	lr =	simm.s32 $0x1  }
0x2: {  	[smem:$0x3F96] =	sst lr;
	_ =	strace $0xD0000000  }
0x3: {  	_ = 	snop  }
0x4: {  	_ = 	snop  }
0x5: {  	_ = 	snop  }
0x6: {  	_ = 	snop  }
0x7: {  	_ = 	snop  }
__scs_overlays_trampoline_lowered:
0x8: {  	[smem:$0x3FA5] =	sst s0  }
0x9: {  	[smem:$0x3FA6] =	sst s1  }
0xa: {  	[smem:$0x3FA7] =	sst s2  }
0xb: {  	[smem:$0x3FA8] =	sst s3  }
0xc: {  	[smem:$0x3FA9] =	sst s4  }
0xd: {  	[smem:$0x3FAA] =	sst s5  }
0xe: {  	[smem:$0x3FAB] =	sst s6  }
0xf: {  	[smem:$0x3FAC] =	sst s7  }
0x10: {  	[smem:$0x3FAD] =	sst s8  }
0x11: {  	[smem:$0x3FAE] =	sst s9;
	s0 =	simm.s32 @!p0 $0x0  }
0x12: {  	s1 =	sld [smem:$0x3F94];
	s0 =	simm.s32 @p0 $0x1  }
0x13: {  	[smem:$0x3FAF] =	sst s0;
	s0 =	simm.s32 @!p1 $0x0  }
0x14: {  	s2 =	sld [smem:$0x3F93];
	s0 =	simm.s32 @p1 $0x1  }
0x15: {  	[smem:$0x3FB0] =	sst s0;
	s0 =	simm.s32 @!p2 $0x0  }
0x16: {  	s3 =	sld [smem:$0x3FDB];
	s0 =	simm.s32 @p2 $0x1  }
0x17: {  	s4 =	simm.s32 $0x1BF5;
	[smem:$0x3FB2] =	sst s0  }
0x18: {  	s0 =	sld [smem:$0x3F95];
	_ =	swait.ge [sflag:s4], $0x0  }
0x19: {  	s7 =	sld [smem:$0x3F96]  }
0x1a: {  	s8 =	sadd.s32 $0xFFFFE003, lr  }
0x1b: {  	s9 =	sadd.s32 $0xFFFFFEF7, lr;
	s5 =	simm.s32 $0xFFFFFFFF;
	p2 =	slt.u32 s8, $0xFFFFF086  }
0x1c: {  	p1 =	slt.u32 s9, $0xF7A;
	s5 =	simm.s32 @!p2 $0x0  }
0x1d: {  	s5 =	simm.s32 @p1 $0x1;
	p0 =	seq.s32 s7, s2  }
0x1e: {  	s7 =	smul.u32 @!p0 $0xF7A, s2;
	p2 =	seq.s32 @!p0 s5, $0x0  }
0x1f: {  	s9 =	smul.u32 $0xF7A, s1;
	s8 =	simm.s32 @!p0 $0x1BF5;
	p2 =	por !p2, p0  }
0x20: {  	[sflag:s8] =	ssyncset.s32 @!p0 $0xFFFFF086;
	s6 =	sadd.s32 @!p0 s3, s7;
	s7 =	simm.s32 @!p0 $0x108  }
0x21: {  	s3 =	sadd.s32 s3, s9;
	s6 =	sadd.s32 @!p0 $0x88, s6;
	s7 =	simm.s32 @p2 $0x1082  }
0x22: {  	[simem:s7], [sflag:s8] =	dma.local @!p0 [hbm:s6], $0xF7A  }
0x23: {  	s9 =	sor.u32 $0xD0000000, s2;
	s6 =	simm.s32 $0x108;
	_ =	swait.ge @!p0 [sflag:s8], $0x0  }
0x24: {  	s3 =	sadd.s32 $0x88, s3;
	s6 =	simm.s32 @!p1 $0x1082;
	[sflag:s4] =	ssyncset.s32 $0xFFFFF086  }
0x25: {  	[simem:s6], [sflag:s4] =	dma.local [hbm:s3], $0xF7A  }
0x26: {  	[smem:$0x3F96] =	sst s1;
	(tag) =	ssettag s2;
	_ =	strace s9  }
0x27: {  	s1 =	sld [smem:$0x3FA6]  }
0x28: {  	s2 =	sld [smem:$0x3FA7]  }
0x29: {  	s4 =	sld [smem:$0x3FA9]  }
0x2a: {  	p0 =	seq.s32 s5, $0x0;
	s5 =	sld [smem:$0x3FAA]  }
0x2b: {  	s6 =	sld [smem:$0x3FAB]  }
0x2c: {  	s7 =	sld [smem:$0x3FAC]  }
0x2d: {  	s3 =	simm.s32 $0x108;
	s8 =	sld [smem:$0x3FAD]  }
0x2e: {  	s3 =	simm.s32 @!p0 $0x1082;
	s9 =	sld [smem:$0x3FAE]  }
0x2f: {  	lr =	sadd.s32 s0, s3;
	s0 =	sld [smem:$0x3FA5]  }
0x30: {  	s3 =	sld [smem:$0x3FA8]  }
0x31: {  	[smem:$0x3FB1] =	sst s10  }
0x32: {  	s10 =	sld [smem:$0x3FAF];
	_ =	sdelay $0x3  }
0x33: {  	p0 =	seq.s32 s10, $0x1;
	s10 =	sld [smem:$0x3FB1];
	_ =	sdelay $0x3  }
0x34: {  	[smem:$0x3FB1] =	sst s10  }
0x35: {  	s10 =	sld [smem:$0x3FB0];
	_ =	sdelay $0x3  }
0x36: {  	p1 =	seq.s32 s10, $0x1;
	s10 =	sld [smem:$0x3FB1];
	_ =	sdelay $0x3  }
0x37: {  	[smem:$0x3FB1] =	sst s10  }
0x38: {  	s10 =	sld [smem:$0x3FB2]  }
0x39: {  	_ = 	snop;
	(pc) =	sbr.ind lr, $3  }
0x3a: {  	_ = 	snop  }
0x3b: {  	_ = 	snop  }
0x3c: {  	p2 =	seq.s32 s10, $0x1;
	s10 =	sld [smem:$0x3FB1]  }
0x3d: {  	_ =	shalt  }
0x3e: {  	_ =	shalt  }
0x3f: {  	_ =	shalt  }
0x40: {  	_ =	shalt  }
0x41: {  	_ =	shalt  }
0x42: {  	_ =	shalt  }
0x43: {  	_ =	shalt  }
0x44: {  	_ =	shalt  }
0x45: {  	_ =	shalt  }
0x46: {  	_ =	shalt  }
0x47: {  	_ =	shalt  }
0x48: {  	_ =	shalt  }
0x49: {  	_ =	shalt  }
0x4a: {  	_ =	shalt  }
0x4b: {  	_ =	shalt  }
0x4c: {  	_ =	shalt  }
0x4d: {  	_ =	shalt  }
0x4e: {  	_ =	shalt  }
0x4f: {  	_ =	shalt  }
0x50: {  	_ =	shalt  }
0x51: {  	_ =	shalt  }
0x52: {  	_ =	shalt  }
0x53: {  	_ =	shalt  }
0x54: {  	_ =	shalt  }
0x55: {  	_ =	shalt  }
0x56: {  	_ =	shalt  }
0x57: {  	_ =	shalt  }
0x58: {  	_ =	shalt  }
0x59: {  	_ =	shalt  }
0x5a: {  	_ =	shalt  }
0x5b: {  	_ =	shalt  }
0x5c: {  	_ =	shalt  }
0x5d: {  	_ =	shalt  }
0x5e: {  	_ =	shalt  }
0x5f: {  	_ =	shalt  }
0x60: {  	_ =	shalt  }
0x61: {  	_ =	shalt  }
0x62: {  	_ =	shalt  }
0x63: {  	_ =	shalt  }
0x64: {  	_ =	shalt  }
0x65: {  	_ =	shalt  }
0x66: {  	_ =	shalt  }
0x67: {  	_ =	shalt  }
0x68: {  	_ =	shalt  }
0x69: {  	_ =	shalt  }
0x6a: {  	_ =	shalt  }
0x6b: {  	_ =	shalt  }
0x6c: {  	_ =	shalt  }
0x6d: {  	_ =	shalt  }
0x6e: {  	_ =	shalt  }
0x6f: {  	_ =	shalt  }
0x70: {  	_ =	shalt  }
0x71: {  	_ =	shalt  }
0x72: {  	_ =	shalt  }
0x73: {  	_ =	shalt  }
0x74: {  	_ =	shalt  }
0x75: {  	_ =	shalt  }
0x76: {  	_ =	shalt  }
0x77: {  	_ =	shalt  }
0x78: {  	_ =	shalt  }
0x79: {  	_ =	shalt  }
0x7a: {  	_ =	shalt  }
0x7b: {  	_ =	shalt  }
0x7c: {  	_ =	shalt  }
0x7d: {  	_ =	shalt  }
0x7e: {  	_ =	shalt  }
0x7f: {  	_ =	shalt  }
0x80: {  	_ =	shalt  }
0x81: {  	_ =	shalt  }
0x82: {  	_ =	shalt  }
0x83: {  	_ =	shalt  }
0x84: {  	_ =	shalt  }
0x85: {  	_ =	shalt  }
0x86: {  	_ =	shalt  }
0x87: {  	_ =	shalt  }
.Lfunc_end0:
.L_simem_size_0:
called_computation_lowered:
.L_overlay_start_0:
0x88: {  	s2 =	sld [smem:$0x3FD9]  }
0x89: {  	s3 =	sld [smem:$0x3FFE];
	_ =	sdelay $0x1  }
0x8a: {  	s1 =	srdreg.scid  }
0x8b: {  	s0 =	sand.u32 $0x1, s1  }
0x8c: {  	s17 =	sshll.u32 s0, $0xA;
	s2 =	sadd.s32 s3, s2  }
0x8d: {  	s2 =	sadd.s32 s2, s17  }
0x8e: {  	[smem:$0x3FBD] =	sst s2  }
0x8f: {  	_ = 	snop  }
0x90: {  	s2 =	sld [smem:$0x3FC9]  }
0x91: {  	s18 =	sld [smem:$0x3FD0];
	(tm) =	ssettm $0x1  }
0x92: {  	s4 =	sld [smem:$0x3FFB];
	_ =	sdelay $0x3  }
0x93: {  	_ =	strace s4  }
0x94: {  	s4 =	sld [smem:$0x3FFC];
	_ =	sdelay $0x3  }
0x95: {  	_ =	strace s4  }
0x96: {  	s4 =	sld [smem:$0x3FFD];
	_ =	sdelay $0x3  }
0x97: {  	_ =	strace s4  }
0x98: {  	_ =	strace $0x8FFFFFFF  }
0x99: {  	s19 =	sld [smem:$0x3FDB];
	_ =	sdelay $0x1  }
0x9a: {  	s5 =	simm.s32 $_scs_section_size  }
0x9b: {  	s6 =	simm.s32 $_size__tile_overlayer_lowered;
	s7 =	simm.s32 $_tile_overlayer_lowered  }
0x9c: {  	s22 =	simm.s32 $0x1BFF;
	s21 =	sshll.u32 s7, $0x1;
	s4 =	sadd.s32 s5, s19  }
0x9d: {  	s8 =	simm.s32 $0x0;
	s20 =	sshll.u32 s6, $0x1;
	s6 =	sadd.s32 s21, s4  }
0x9e: {  	[timem:s8], [sflag:s22] =	dma.local [hbm:s6], s20  }
0x9f: {  	_ =	swait.ge [sflag:s22], s20  }
0xa0: {  	s5 =	ssub.s32 $0x0, s20;
	[sflag:s22] =	ssyncset.done $0x0  }
0xa1: {  	[sflag:s22] =	ssyncadd.s32 s5;
	_ =	sdelay $0x1  }
0xa2: {  	s23 =	simm.s32 $0x1B8B  }
0xa3: {  	_ =	swait.ge [sflag:s23], $0x1  }
0xa4: {  	[sflag:s23] =	ssyncset.done $0x0  }
0xa5: {  	s25 =	simm.s32 $0x1B8E;
	s24 =	sld [smem:$0x3FFE];
	[sflag:s23] =	ssyncadd.s32 $0xFFFFFFFF  }
0xa6: {  	s26 =	simm.s32 $execute0_lowered;
	[smem:$0x3FD2] =	sst s25  }
0xa7: {  	s6 =	sshll.u32 s26, $0x1;
	_ =	strace $0x80000046;
	[dreg:$0x1] =	wrdreg $0xFFFFFFFF  }
0xa8: {  	s28 =	simm.s32 $_size_execute0_lowered;
	s4 =	sadd.s32 s4, s6;
	[dreg:$0x0] =	wrdreg $0x0  }
0xa9: {  	s6 =	sshll.u32 s28, $0x1;
	[dreg:$0x2] =	wrdreg s4  }
0xaa: {  	[dreg:$0x3] =	wrdreg s6  }
0xab: {  	[dreg:$0x4] =	wrdreg $0xC0  }
0xac: {  	_ =	task [dreg:s8], $0x5FFFF  }
0xad: {  	[dreg:$0x1] =	wrdreg $0xFFFFFFFF  }
0xae: {  	[dreg:$0x0] =	wrdreg $0x60  }
0xaf: {  	[dreg:$0x2] =	wrdreg s2  }
0xb0: {  	[dreg:$0x3] =	wrdreg s24  }
0xb1: {  	[dreg:$0x4] =	wrdreg s18  }
0xb2: {  	[dreg:$0x5] =	wrdreg $0xAD100  }
0xb3: {  	[dreg:$0x6] =	wrdreg $0x1ED900  }
0xb4: {  	[dreg:$0x7] =	wrdreg $0x9  }
0xb5: {  	_ =	task.clear_ibuf [dreg:s8], $0x8FFFF;
	_ =	strace $0x90000046  }
0xb6: {  	s29 =	simm.s32 $0x9;
	_ =	strace $0x80000048  }
0xb7: {  	_ =	swait.ge [sflag:s29], $0x1  }
0xb8: {  	[sflag:s29] =	ssyncadd.s32 $0xFFFFFFFF  }
0xb9: {  	_ =	strace $0x90000048  }
0xba: {  	_ =	sfence  }
0xbb: {  	s30 =	sld [smem:$0x0];
	_ =	sdelay $0x2  }
0xbc: {  	s31 =	sshll.u32 s1, $0xD;
	s1 =	sshrl.u32 s1, $0x2  }
0xbd: {  	s3 =	sand.u32 $0x4000, s31;
	s1 =	sadd.s32 s1, s30  }
0xbe: {  	s0 =	sor.u32 s3, s0;
	s1 =	sshll.u32 s1, $0x11  }
0xbf: {  	s0 =	sor.u32 s1, s0  }
0xc0: {  	s0 =	sadd.s32 $0x8F2B, s0  }
0xc1: {  	[sflag:s0] =	ssyncadd.remote.s32 $0x1  }
0xc2: {  	_ =	sfence.sel $0xFFFF  }
0xc3: {  	[dreg:$0x0] =	wrdreg $0xFFFFFFFF;
	(pc) =	sbr.abs _section_cstart, $3  }
0xc4: {  	[dreg:$0x1] =	wrdreg $0xFFFFFFFF  }
0xc5: {  	_ =	task.clear_ibuf [dreg:s8], $0x2FFFF;
	_ =	strace $0x9FFFFFFF  }
0xc6: {  	(tm) =	ssettm $0x7FFFFFFF  }
0xc7: {  	_ =	shalt  }
tec
execute0_lowered:
.L_overlay_start_1:
0x0: {  	(tag) =	ssettag $0x1  }
0x1: {  	s0 =	rddreg [dreg:$0x0]  }
0x2: {  	s1 =	srdreg.scid;
	s2 =	rddreg [dreg:$0x1]  }
0x3: {  	s7 =	rddreg [dreg:$0x2];
	s13 =	stileid.u32  }
0x4: {  	s3 =	rddreg [dreg:$0x3];
	s9 =	smul.u32 $0x1F400, s13  }
0x5: {  	s28 =	simm.s32 $0x1;
	s29 =	simm.s32 $0x2900;
	s10 =	smul.u32 $0x7D000, s13  }
0x6: {  	s30 =	simm.s32 $0xAA00;
	s1 =	sand.u32 $0x1, s1;
	s20 =	smul.u32 $0x290, s13  }
0x7: {  	s31 =	simm.s32 $0x3;
	p0 =	sgt.u32 s13, $0x9;
	s8 =	smul.u32 $0x138800, s1  }
0x8: {  	s4 =	sshll.u32 s1, $0x4;
	s17 =	ssub.s32 $0x2, s1;
	s1 =	smul.u32 $0x2900, s1  }
0x9: {  	s5 =	sor.u32 s13, s4;
	s4 =	rddreg [dreg:$0x4];
	s12 =	sshrl.u32 s17, $0x1  }
0xa: {  	s10 =	sshrl.u32 s10, $0x2;
	s6 =	smul.u32 $0x500, s5;
	s5 =	simm.s32 $0x0  }
0xb: {  	s16 =	sadd.s32 s9, s8;
	s8 =	ssub.s32 s17, s12;
	s15 =	sadd.s32 s20, s4  }
0xc: {  	s1 =	sadd.s32 s20, s1;
	s20 =	simm.s32 $0xAA80;
	[smem:$0x7FF] =	sst s5  }
0xd: {  	s1 =	sshrl.u32 s1, $0x3;
	_ =	strace $0x80000047;
	s11 =	sadd.s32 s6, s2  }
0xe: {  	s6 =	sshrl.u32 s16, $0x3;
	s17 =	sadd.s32 s7, s1;
	s1 =	simm.s32 $0x2  }
0xf: {  	s2 =	sadd.s32 s6, s2;
	s6 =	sadd.s32 s10, s3;
	s18 =	sadd.s32 $0x3200, s11  }
0x10: {  	s7 =	simm.s32 $0x2980;
	[dreg:$0x6] =	wrdreg s18;
	s19 =	sadd.s32 $0x4000, s6  }
0x11: {  	s10 =	simm.s32 $0x0;
	s21 =	sadd.s32 $0x8000, s6;
	[dreg:$0x7] =	wrdreg s19  }
0x12: {  	s22 =	sadd.s32 $0xC000, s6;
	s23 =	sadd.s32 $0x10000, s6;
	[dreg:$0x8] =	wrdreg s21  }
0x13: {  	s24 =	sadd.s32 $0x14000, s6;
	s25 =	sadd.s32 $0x18000, s6;
	[dreg:$0x9] =	wrdreg s22  }
0x14: {  	s26 =	sadd.s32 $0x1C000, s6;
	s16 =	sadd.s32 $0xD200, s2;
	[dreg:$0xa] =	wrdreg s23  }
0x15: {  	s2 =	sadd.s32 s9, s3;
	s18 =	smax.u32 s8, $0x1;
	[dreg:$0xb] =	wrdreg s24  }
0x16: {  	s8 =	simm.s32 $0x4;
	s9 =	simm.s32 $0x6;
	[dreg:$0xc] =	wrdreg s25  }
0x17: {  	[dreg:$0xd] =	wrdreg s26;
	s19 =	simm.s32 $0x7;
	s21 =	simm.s32 $0x80  }
0x18: {  	s22 =	simm.s32 $0x2800;
	s23 =	simm.s32 $0x2A00;
	s24 =	simm.s32 $0x2880  }
0x19: {  	v0 =	vimm.f32 $0.0e+00;
	v1 =	vimm.f32 $1.000000000e+00;
	s25 =	sshrl.u32 @!p0 s2, $0x3;
	s26 =	simm.s32 $0x6A00;
	s2 =	simm.s32 $0x5  }
.LBB2_1:
0x1a: {  	s11 =	rddreg [dreg:$0x6]  }
0x1b: {  	[tilespmem:s5], [sflag:$0x7] =	stream.linear.gather [hbm4b:s11+s5], $0x2800, $0x38;
	[tilespmem:$0x1F020] =	vst v63  }
0x1c: {  	s14 =	sand.u32 $0xFE00, s5;
	s12 =	sand.u32 $0x70, s5;
	_ =	swait.ge [sflag:s19], $0x2800  }
0x1d: {  	s13 =	sshrl.u32 s14, $0x2;
	s11 =	simm.s32 $0x40;
	[sflag:s19] =	ssyncset.done $0x0  }
0x1e: {  	s13 =	sor.u32 s12, s13;
	s12 =	simm.s32 $0x0;
	[sflag:s19] =	ssyncadd.s32 $0xFFFFD800  }
.LBB2_2:
0x1f: {  	p1 =	sne.s32 s11, $0xFFC0  }
0x20: {  	[tilespmem:s13+$0x2A00] =	vst v0;
	s12 =	sadd.s32 $0x10, s12;
	s13 =	smov.u32 s11;
	s11 =	sadd.s32 $0x40, s11  }
.Ltmp0:
0x21: {  	(pc) =	sbr.rel @p1 .LBB2_2-.Ltmp0, $4  }
0x22: {  	_ = 	snop  }
0x23: {  	s13 =	sand.u32 $0xFE00, s13  }
0x24: {  	s14 =	sand.u32 $0x70, s12;
	s13 =	sshrl.u32 s13, $0x2  }
0x25: {  	s13 =	sor.u32 s14, s13  }
0x26: {  	[tilespmem:s13+$0x2A00] =	vst v0  }
0x27: {  	[tilespmem:$0xAA80] =	vst v0  }
0x28: {  	[tilespmem:$0xAA90] =	vst v0  }
0x29: {  	[tilespmem:$0xAAA0] =	vst v0  }
0x2a: {  	[tilespmem:$0xAAB0] =	vst v0  }
0x2b: {  	[tilespmem:$0xAAC0] =	vst v0  }
0x2c: {  	[tilespmem:$0xAAD0] =	vst v0  }
0x2d: {  	[tilespmem:$0xAAE0] =	vst v0  }
0x2e: {  	[tilespmem:$0xAAF0] =	vst v0  }
0x2f: {  	[tilespmem:$0xAB00] =	vst v0  }
0x30: {  	[tilespmem:$0xAB10] =	vst v0  }
0x31: {  	[tilespmem:$0xAB20] =	vst v0  }
0x32: {  	[tilespmem:$0xAB30] =	vst v0  }
0x33: {  	[tilespmem:$0xAB40] =	vst v0  }
0x34: {  	[tilespmem:$0xAB50] =	vst v0  }
0x35: {  	[tilespmem:$0xAB60] =	vst v0  }
0x36: {  	[tilespmem:$0xAB70] =	vst v0  }
0x37: {  	[tilespmem:$0xAB80] =	vst v0  }
0x38: {  	[tilespmem:$0xAB90] =	vst v0  }
0x39: {  	[tilespmem:$0xABA0] =	vst v0  }
0x3a: {  	[tilespmem:$0xABB0] =	vst v0  }
0x3b: {  	[tilespmem:$0xABC0] =	vst v0  }
0x3c: {  	[tilespmem:$0xABD0] =	vst v0  }
0x3d: {  	[tilespmem:$0xABE0] =	vst v0  }
0x3e: {  	[tilespmem:$0xABF0] =	vst v0  }
0x3f: {  	[tilespmem:$0xAC00] =	vst v0  }
0x40: {  	[tilespmem:$0xAC10] =	vst v0  }
0x41: {  	[tilespmem:$0xAC20] =	vst v0  }
0x42: {  	[tilespmem:$0xAC30] =	vst v0  }
0x43: {  	[tilespmem:$0xAC40] =	vst v0  }
0x44: {  	[tilespmem:$0xAC50] =	vst v0  }
0x45: {  	[tilespmem:$0xAC60] =	vst v0  }
0x46: {  	[tilespmem:$0xAC70] =	vst v0  }
0x47: {  	[tilespmem:$0xAC80] =	vst v0  }
0x48: {  	[tilespmem:$0xAC90] =	vst v0  }
0x49: {  	[tilespmem:$0xACA0] =	vst v0  }
0x4a: {  	[tilespmem:$0xACB0] =	vst v0  }
0x4b: {  	[tilespmem:$0xACC0] =	vst v0  }
0x4c: {  	[tilespmem:$0xACD0] =	vst v0  }
0x4d: {  	[tilespmem:$0xACE0] =	vst v0  }
0x4e: {  	[tilespmem:$0xACF0] =	vst v0  }
0x4f: {  	[tilespmem:$0xAD00] =	vst v0  }
0x50: {  	[tilespmem:$0xAA00] =	vst v1  }
0x51: {  	[tilespmem:$0xAA10] =	vst v1  }
0x52: {  	[tilespmem:$0xAA20] =	vst v1  }
0x53: {  	[tilespmem:$0xAA30] =	vst v1  }
0x54: {  	[tilespmem:$0xAA40] =	vst v1  }
0x55: {  	[tilespmem:$0xAA50] =	vst v1  }
0x56: {  	[tilespmem:$0xAA60] =	vst v1  }
0x57: {  	s11 =	simm.s32 @!p0 $0x2A00;
	s12 =	simm.s32 @!p0 $0x7;
	[tilespmem:$0xAA70] =	vst v1  }
0x58: {  	[spmem:s6] =	stream.linear.scatter @!p0 [tilespmem:s11], [sflag:$0x7], $0x4000, $0x38;
	[tilespmem:$0x1F020] =	vst v63  }
0x59: {  	_ =	swait.ge @!p0 [sflag:s12], $0x4000  }
0x5a: {  	[sflag:s12] =	ssyncset.done @!p0 $0x0  }
0x5b: {  	s13 =	rddreg [dreg:$0x7];
	[sflag:s12] =	ssyncadd.s32 @!p0 $0xFFFFC000  }
0x5c: {  	[spmem:s13] =	stream.linear.scatter @!p0 [tilespmem:s11], [sflag:$0x7], $0x4000, $0x38;
	[tilespmem:$0x1F020] =	vst v63  }
0x5d: {  	_ =	swait.ge @!p0 [sflag:s12], $0x4000  }
0x5e: {  	[sflag:s12] =	ssyncset.done @!p0 $0x0  }
0x5f: {  	s13 =	rddreg [dreg:$0x8];
	[sflag:s12] =	ssyncadd.s32 @!p0 $0xFFFFC000  }
0x60: {  	[spmem:s13] =	stream.linear.scatter @!p0 [tilespmem:s11], [sflag:$0x7], $0x4000, $0x38;
	[tilespmem:$0x1F020] =	vst v63  }
0x61: {  	_ =	swait.ge @!p0 [sflag:s12], $0x4000  }
0x62: {  	[sflag:s12] =	ssyncset.done @!p0 $0x0  }
0x63: {  	s13 =	rddreg [dreg:$0x9];
	[sflag:s12] =	ssyncadd.s32 @!p0 $0xFFFFC000  }
0x64: {  	[spmem:s13] =	stream.linear.scatter @!p0 [tilespmem:s11], [sflag:$0x7], $0x4000, $0x38;
	[tilespmem:$0x1F020] =	vst v63  }
0x65: {  	_ =	swait.ge @!p0 [sflag:s12], $0x4000  }
0x66: {  	[sflag:s12] =	ssyncset.done @!p0 $0x0  }
0x67: {  	s13 =	rddreg [dreg:$0xa];
	[sflag:s12] =	ssyncadd.s32 @!p0 $0xFFFFC000  }
0x68: {  	[spmem:s13] =	stream.linear.scatter @!p0 [tilespmem:s11], [sflag:$0x7], $0x4000, $0x38;
	[tilespmem:$0x1F020] =	vst v63  }
0x69: {  	_ =	swait.ge @!p0 [sflag:s12], $0x4000  }
0x6a: {  	[sflag:s12] =	ssyncset.done @!p0 $0x0  }
0x6b: {  	s13 =	rddreg [dreg:$0xb];
	[sflag:s12] =	ssyncadd.s32 @!p0 $0xFFFFC000  }
0x6c: {  	[spmem:s13] =	stream.linear.scatter @!p0 [tilespmem:s11], [sflag:$0x7], $0x4000, $0x38;
	[tilespmem:$0x1F020] =	vst v63  }
0x6d: {  	_ =	swait.ge @!p0 [sflag:s12], $0x4000  }
0x6e: {  	[sflag:s12] =	ssyncset.done @!p0 $0x0  }
0x6f: {  	s13 =	rddreg [dreg:$0xc];
	[sflag:s12] =	ssyncadd.s32 @!p0 $0xFFFFC000  }
0x70: {  	[spmem:s13] =	stream.linear.scatter @!p0 [tilespmem:s11], [sflag:$0x7], $0x4000, $0x38;
	[tilespmem:$0x1F020] =	vst v63  }
0x71: {  	_ =	swait.ge @!p0 [sflag:s12], $0x4000  }
0x72: {  	[sflag:s12] =	ssyncset.done @!p0 $0x0  }
0x73: {  	s13 =	rddreg [dreg:$0xd];
	[sflag:s12] =	ssyncadd.s32 @!p0 $0xFFFFC000  }
0x74: {  	[spmem:s13] =	stream.linear.scatter @!p0 [tilespmem:s11], [sflag:$0x7], $0x3400, $0x38;
	[tilespmem:$0x1F020] =	vst v63  }
0x75: {  	_ =	swait.ge @!p0 [sflag:s12], $0x3400  }
0x76: {  	[sflag:s12] =	ssyncset.done @!p0 $0x0  }
0x77: {  	[sflag:s12] =	ssyncadd.s32 @!p0 $0xFFFFCC00  }
0x78: {  	[spmem:s15] =	stream.linear.scatter [tilespmem:s20], [sflag:$0x7], $0x290, $0x38;
	[tilespmem:$0x1F020] =	vst v63  }
0x79: {  	_ =	swait.ge [sflag:s19], $0x290  }
0x7a: {  	[sflag:s19] =	ssyncset.done $0x0  }
0x7b: {  	[sflag:s19] =	ssyncadd.s32 $0xFFFFFD70  }
0x7c: {  	v2 =	vld [tilespmem:$0x0];
	_ =	sdelay $0x1  }
0x7d: {  	v3 =	vld [tilespmem:$0x10];
	_ =	sdelay $0x1  }
0x7e: {  	v4 =	vld [tilespmem:$0x20]  }
0x7f: {  	v5 =	vand.u32 $0x3FFF, v2  }
0x80: {  	v2 =	vshrl.u32 v2, $0xE;
	[tilespmem:$0x2800] =	vst v5;
	v5 =	vld [tilespmem:$0x30]  }
0x81: {  	[tilespmem:$0x2900] =	vst v2;
	v2 =	vand.u32 $0x3FFF, v3  }
0x82: {  	[tilespmem:$0x2810] =	vst v2;
	v2 =	vshrl.u32 v3, $0xE;
	v3 =	vld [tilespmem:$0x40]  }
0x83: {  	[tilespmem:$0x2910] =	vst v2;
	v2 =	vand.u32 $0x3FFF, v4  }
0x84: {  	[tilespmem:$0x2820] =	vst v2;
	v2 =	vshrl.u32 v4, $0xE;
	v4 =	vld [tilespmem:$0x50]  }
0x85: {  	[tilespmem:$0x2920] =	vst v2;
	v2 =	vand.u32 $0x3FFF, v5  }
0x86: {  	[tilespmem:$0x2830] =	vst v2;
	v2 =	vshrl.u32 v5, $0xE;
	v5 =	vld [tilespmem:$0x60]  }
0x87: {  	[tilespmem:$0x2930] =	vst v2;
	v2 =	vand.u32 $0x3FFF, v3  }
0x88: {  	[tilespmem:$0x2840] =	vst v2;
	v2 =	vshrl.u32 v3, $0xE;
	v3 =	vld [tilespmem:$0x70]  }
0x89: {  	[tilespmem:$0x2940] =	vst v2;
	v2 =	vand.u32 $0x3FFF, v4  }
0x8a: {  	[tilespmem:$0x2850] =	vst v2;
	v2 =	vshrl.u32 v4, $0xE  }
0x8b: {  	[tilespmem:$0x2950] =	vst v2;
	v2 =	vand.u32 $0x3FFF, v5  }
0x8c: {  	[tilespmem:$0x2860] =	vst v2;
	v2 =	vshrl.u32 v5, $0xE  }
0x8d: {  	[tilespmem:$0x2960] =	vst v2;
	v2 =	vand.u32 $0x3FFF, v3  }
0x8e: {  	[tilespmem:$0x2870] =	vst v2;
	v2 =	vshrl.u32 v3, $0xE  }
0x8f: {  	[tilespmem:$0x2970] =	vst v2  }
0x90: {  	[tilespmem:s23], [sflag:$0x1] =	stream.indirect.gather [hbm4b:s0+s21], $0x80, s22, s21, $0xb8;
	[tilespmem:$0x1F020] =	vst v63  }
0x91: {  	v2 =	vld [tilespmem:$0x80];
	_ =	sdelay $0x1  }
0x92: {  	v3 =	vld [tilespmem:$0x90];
	_ =	sdelay $0x1  }
0x93: {  	v4 =	vld [tilespmem:$0xA0]  }
0x94: {  	v5 =	vand.u32 $0x3FFF, v2  }
0x95: {  	v2 =	vshrl.u32 v2, $0xE;
	[tilespmem:$0x2880] =	vst v5;
	v5 =	vld [tilespmem:$0xB0]  }
0x96: {  	[tilespmem:$0x2980] =	vst v2;
	v2 =	vand.u32 $0x3FFF, v3  }
0x97: {  	[tilespmem:$0x2890] =	vst v2;
	v2 =	vshrl.u32 v3, $0xE;
	v3 =	vld [tilespmem:$0xC0]  }
0x98: {  	[tilespmem:$0x2990] =	vst v2;
	v2 =	vand.u32 $0x3FFF, v4  }
0x99: {  	[tilespmem:$0x28A0] =	vst v2;
	v2 =	vshrl.u32 v4, $0xE;
	v4 =	vld [tilespmem:$0xD0]  }
0x9a: {  	[tilespmem:$0x29A0] =	vst v2;
	v2 =	vand.u32 $0x3FFF, v5  }
0x9b: {  	[tilespmem:$0x28B0] =	vst v2;
	v2 =	vshrl.u32 v5, $0xE;
	v5 =	vld [tilespmem:$0xE0]  }
0x9c: {  	[tilespmem:$0x29B0] =	vst v2;
	v2 =	vand.u32 $0x3FFF, v3  }
0x9d: {  	[tilespmem:$0x28C0] =	vst v2;
	v2 =	vshrl.u32 v3, $0xE;
	v3 =	vld [tilespmem:$0xF0]  }
0x9e: {  	[tilespmem:$0x29C0] =	vst v2;
	v2 =	vand.u32 $0x3FFF, v4  }
0x9f: {  	[tilespmem:$0x28D0] =	vst v2;
	v2 =	vshrl.u32 v4, $0xE  }
0xa0: {  	[tilespmem:$0x29D0] =	vst v2;
	v2 =	vand.u32 $0x3FFF, v5  }
0xa1: {  	[tilespmem:$0x28E0] =	vst v2;
	v2 =	vshrl.u32 v5, $0xE  }
0xa2: {  	[tilespmem:$0x29E0] =	vst v2;
	v2 =	vand.u32 $0x3FFF, v3  }
0xa3: {  	[tilespmem:$0x28F0] =	vst v2;
	v2 =	vshrl.u32 v3, $0xE  }
0xa4: {  	[tilespmem:$0x29F0] =	vst v2  }
0xa5: {  	[tilespmem:s26], [sflag:$0x2] =	stream.indirect.gather [hbm4b:s0+s21], $0x80, s24, s21, $0xb8;
	[tilespmem:$0x1F020] =	vst v63  }
0xa6: {  	[bflag:$0x0] =	sbarrier.arrive $0xFFFF  }
0xa7: {  	_ =	swait.ge [sflag:s28], $0x4000  }
0xa8: {  	[sflag:s28] =	ssyncset.done $0x0  }
0xa9: {  	[sflag:s28] =	ssyncadd.s32 $0xFFFFC000  }
0xaa: {  	[spmem:s3] =	stream.indirect.scatter.add.f32 [tilespmem:s23], [sflag:$0x3], $0x80, s29, s21, $0xb8;
	[tilespmem:$0x1F020] =	vst v63  }
0xab: {  	_ = 	snop  }
0xac: {  	[spmem:s4] =	stream.indirect.scatter.add.f32 [tilespmem:s30], [sflag:$0x5], $0x1, s29, s21, $0xb8;
	[tilespmem:$0x1F020] =	vst v63  }
0xad: {  	_ =	swait.ge [sflag:s31], $0x4000  }
0xae: {  	[sflag:s31] =	ssyncset.done $0x0  }
0xaf: {  	[sflag:s31] =	ssyncadd.s32 $0xFFFFC000  }
0xb0: {  	_ =	swait.ge [sflag:s2], $0x80  }
0xb1: {  	[sflag:s2] =	ssyncset.done $0x0  }
0xb2: {  	s11 =	simm.s32 $0x0;
	[sflag:s2] =	ssyncadd.s32 $0xFFFFFF80  }
0xb3: {  	v2 =	vld [tilespmem:s11+$0x100];
	_ =	sdelay $0x4  }
0xb4: {  	v3 =	vand.u32 $0x3FFF, v2  }
0xb5: {  	v2 =	vshrl.u32 v2, $0xE;
	[tilespmem:$0x2800] =	vst v3  }
0xb6: {  	[tilespmem:$0x2900] =	vst v2  }
0xb7: {  	v2 =	vld [tilespmem:s11+$0x110];
	_ =	sdelay $0x4  }
0xb8: {  	v3 =	vand.u32 $0x3FFF, v2  }
0xb9: {  	v2 =	vshrl.u32 v2, $0xE;
	[tilespmem:$0x2810] =	vst v3  }
0xba: {  	[tilespmem:$0x2910] =	vst v2  }
0xbb: {  	v2 =	vld [tilespmem:s11+$0x120];
	_ =	sdelay $0x4  }
0xbc: {  	v3 =	vand.u32 $0x3FFF, v2  }
0xbd: {  	v2 =	vshrl.u32 v2, $0xE;
	[tilespmem:$0x2820] =	vst v3  }
0xbe: {  	[tilespmem:$0x2920] =	vst v2  }
0xbf: {  	v2 =	vld [tilespmem:s11+$0x130];
	_ =	sdelay $0x4  }
0xc0: {  	v3 =	vand.u32 $0x3FFF, v2  }
0xc1: {  	v2 =	vshrl.u32 v2, $0xE;
	[tilespmem:$0x2830] =	vst v3  }
0xc2: {  	[tilespmem:$0x2930] =	vst v2  }
0xc3: {  	v2 =	vld [tilespmem:s11+$0x140];
	_ =	sdelay $0x4  }
0xc4: {  	v3 =	vand.u32 $0x3FFF, v2  }
0xc5: {  	v2 =	vshrl.u32 v2, $0xE;
	[tilespmem:$0x2840] =	vst v3  }
0xc6: {  	[tilespmem:$0x2940] =	vst v2  }
0xc7: {  	v2 =	vld [tilespmem:s11+$0x150];
	_ =	sdelay $0x4  }
0xc8: {  	v3 =	vand.u32 $0x3FFF, v2  }
0xc9: {  	v2 =	vshrl.u32 v2, $0xE;
	[tilespmem:$0x2850] =	vst v3  }
0xca: {  	[tilespmem:$0x2950] =	vst v2  }
0xcb: {  	v2 =	vld [tilespmem:s11+$0x160];
	_ =	sdelay $0x4  }
0xcc: {  	v3 =	vand.u32 $0x3FFF, v2  }
0xcd: {  	v2 =	vshrl.u32 v2, $0xE;
	[tilespmem:$0x2860] =	vst v3  }
0xce: {  	[tilespmem:$0x2960] =	vst v2  }
0xcf: {  	v2 =	vld [tilespmem:s11+$0x170];
	_ =	sdelay $0x4  }
0xd0: {  	v3 =	vand.u32 $0x3FFF, v2  }
0xd1: {  	v2 =	vshrl.u32 v2, $0xE;
	[tilespmem:$0x2870] =	vst v3  }
0xd2: {  	[tilespmem:$0x2970] =	vst v2  }
0xd3: {  	[tilespmem:s23], [sflag:$0x1] =	stream.indirect.gather [hbm4b:s0+s21], $0x80, s22, s21, $0xb8;
	[tilespmem:$0x1F020] =	vst v63  }
0xd4: {  	_ =	swait.ge [sflag:s1], $0x4000  }
0xd5: {  	[sflag:s1] =	ssyncset.done $0x0  }
0xd6: {  	[sflag:s1] =	ssyncadd.s32 $0xFFFFC000  }
0xd7: {  	[spmem:s3] =	stream.indirect.scatter.add.f32 [tilespmem:s26], [sflag:$0x4], $0x80, s7, s21, $0xb8;
	[tilespmem:$0x1F020] =	vst v63  }
0xd8: {  	_ = 	snop  }
0xd9: {  	[spmem:s4] =	stream.indirect.scatter.add.f32 [tilespmem:s30], [sflag:$0x6], $0x1, s7, s21, $0xb8;
	[tilespmem:$0x1F020] =	vst v63  }
0xda: {  	_ =	swait.ge [sflag:s8], $0x4000  }
0xdb: {  	[sflag:s8] =	ssyncset.done $0x0  }
0xdc: {  	[sflag:s8] =	ssyncadd.s32 $0xFFFFC000  }
0xdd: {  	_ =	swait.ge [sflag:s9], $0x80  }
0xde: {  	[sflag:s9] =	ssyncset.done $0x0  }
0xdf: {  	[sflag:s9] =	ssyncadd.s32 $0xFFFFFF80  }
0xe0: {  	v2 =	vld [tilespmem:s11+$0x180];
	_ =	sdelay $0x4  }
0xe1: {  	v3 =	vand.u32 $0x3FFF, v2  }
0xe2: {  	v2 =	vshrl.u32 v2, $0xE;
	[tilespmem:$0x2880] =	vst v3  }
0xe3: {  	[tilespmem:$0x2980] =	vst v2  }
0xe4: {  	v2 =	vld [tilespmem:s11+$0x190];
	_ =	sdelay $0x4  }
0xe5: {  	v3 =	vand.u32 $0x3FFF, v2  }
0xe6: {  	v2 =	vshrl.u32 v2, $0xE;
	[tilespmem:$0x2890] =	vst v3  }
0xe7: {  	[tilespmem:$0x2990] =	vst v2  }
0xe8: {  	v2 =	vld [tilespmem:s11+$0x1A0];
	_ =	sdelay $0x4  }
0xe9: {  	v3 =	vand.u32 $0x3FFF, v2  }
0xea: {  	v2 =	vshrl.u32 v2, $0xE;
	[tilespmem:$0x28A0] =	vst v3  }
0xeb: {  	[tilespmem:$0x29A0] =	vst v2  }
0xec: {  	v2 =	vld [tilespmem:s11+$0x1B0];
	_ =	sdelay $0x4  }
0xed: {  	v3 =	vand.u32 $0x3FFF, v2  }
0xee: {  	v2 =	vshrl.u32 v2, $0xE;
	[tilespmem:$0x28B0] =	vst v3  }
0xef: {  	[tilespmem:$0x29B0] =	vst v2  }
0xf0: {  	v2 =	vld [tilespmem:s11+$0x1C0];
	_ =	sdelay $0x4  }
0xf1: {  	v3 =	vand.u32 $0x3FFF, v2  }
0xf2: {  	v2 =	vshrl.u32 v2, $0xE;
	[tilespmem:$0x28C0] =	vst v3  }
0xf3: {  	[tilespmem:$0x29C0] =	vst v2  }
0xf4: {  	v2 =	vld [tilespmem:s11+$0x1D0];
	_ =	sdelay $0x4  }
0xf5: {  	v3 =	vand.u32 $0x3FFF, v2  }
0xf6: {  	v2 =	vshrl.u32 v2, $0xE;
	[tilespmem:$0x28D0] =	vst v3  }
0xf7: {  	[tilespmem:$0x29D0] =	vst v2  }
0xf8: {  	v2 =	vld [tilespmem:s11+$0x1E0];
	_ =	sdelay $0x4  }
0xf9: {  	s12 =	simm.s32 $0x400;
	v3 =	vand.u32 $0x3FFF, v2;
	v2 =	vshrl.u32 v2, $0xE  }
.LBB2_4:
0xfa: {  	p1 =	sne.s32 s12, $0x9800;
	[tilespmem:$0x28E0] =	vst v3;
	s13 =	smov.u32 s12;
	s12 =	sadd.s32 $0x400, s12  }
0xfb: {  	[tilespmem:$0x29E0] =	vst v2  }
0xfc: {  	v2 =	vld [tilespmem:s11+$0x1F0];
	_ =	sdelay $0x4  }
0xfd: {  	v3 =	vand.u32 $0x3FFF, v2;
	v2 =	vshrl.u32 v2, $0xE  }
0xfe: {  	[tilespmem:$0x28F0] =	vst v3  }
0xff: {  	[tilespmem:$0x29F0] =	vst v2  }
0x100: {  	[tilespmem:s26], [sflag:$0x2] =	stream.indirect.gather [hbm4b:s0+s21], $0x80, s24, s21, $0xb8;
	[tilespmem:$0x1F020] =	vst v63  }
0x101: {  	_ =	swait.ge [sflag:s28], $0x4000  }
0x102: {  	[sflag:s28] =	ssyncset.done $0x0  }
0x103: {  	[sflag:s28] =	ssyncadd.s32 $0xFFFFC000  }
0x104: {  	[spmem:s3] =	stream.indirect.scatter.add.f32 [tilespmem:s23], [sflag:$0x3], $0x80, s29, s21, $0xb8;
	[tilespmem:$0x1F020] =	vst v63  }
0x105: {  	_ = 	snop  }
0x106: {  	[spmem:s4] =	stream.indirect.scatter.add.f32 [tilespmem:s30], [sflag:$0x5], $0x1, s29, s21, $0xb8;
	[tilespmem:$0x1F020] =	vst v63  }
0x107: {  	_ =	swait.ge [sflag:s31], $0x4000  }
0x108: {  	[sflag:s31] =	ssyncset.done $0x0  }
0x109: {  	[sflag:s31] =	ssyncadd.s32 $0xFFFFC000  }
0x10a: {  	_ =	swait.ge [sflag:s2], $0x80  }
0x10b: {  	[sflag:s2] =	ssyncset.done $0x0  }
0x10c: {  	s11 =	sshra.s32 s13, $0x2;
	[sflag:s2] =	ssyncadd.s32 $0xFFFFFF80  }
0x10d: {  	v2 =	vld [tilespmem:s11+$0x100];
	_ =	sdelay $0x4  }
0x10e: {  	v3 =	vand.u32 $0x3FFF, v2;
	v2 =	vshrl.u32 v2, $0xE  }
0x10f: {  	[tilespmem:$0x2800] =	vst v3  }
0x110: {  	[tilespmem:$0x2900] =	vst v2  }
0x111: {  	v2 =	vld [tilespmem:s11+$0x110];
	_ =	sdelay $0x4  }
0x112: {  	v3 =	vand.u32 $0x3FFF, v2;
	v2 =	vshrl.u32 v2, $0xE  }
0x113: {  	[tilespmem:$0x2810] =	vst v3  }
0x114: {  	[tilespmem:$0x2910] =	vst v2  }
0x115: {  	v2 =	vld [tilespmem:s11+$0x120];
	_ =	sdelay $0x4  }
0x116: {  	v3 =	vand.u32 $0x3FFF, v2;
	v2 =	vshrl.u32 v2, $0xE  }
0x117: {  	[tilespmem:$0x2820] =	vst v3  }
0x118: {  	[tilespmem:$0x2920] =	vst v2  }
0x119: {  	v2 =	vld [tilespmem:s11+$0x130];
	_ =	sdelay $0x4  }
0x11a: {  	v3 =	vand.u32 $0x3FFF, v2;
	v2 =	vshrl.u32 v2, $0xE  }
0x11b: {  	[tilespmem:$0x2830] =	vst v3  }
0x11c: {  	[tilespmem:$0x2930] =	vst v2  }
0x11d: {  	v2 =	vld [tilespmem:s11+$0x140];
	_ =	sdelay $0x4  }
0x11e: {  	v3 =	vand.u32 $0x3FFF, v2;
	v2 =	vshrl.u32 v2, $0xE  }
0x11f: {  	[tilespmem:$0x2840] =	vst v3  }
0x120: {  	[tilespmem:$0x2940] =	vst v2  }
0x121: {  	v2 =	vld [tilespmem:s11+$0x150];
	_ =	sdelay $0x4  }
0x122: {  	v3 =	vand.u32 $0x3FFF, v2;
	v2 =	vshrl.u32 v2, $0xE  }
0x123: {  	[tilespmem:$0x2850] =	vst v3  }
0x124: {  	[tilespmem:$0x2950] =	vst v2  }
0x125: {  	v2 =	vld [tilespmem:s11+$0x160];
	_ =	sdelay $0x4  }
0x126: {  	v3 =	vand.u32 $0x3FFF, v2;
	v2 =	vshrl.u32 v2, $0xE  }
0x127: {  	[tilespmem:$0x2860] =	vst v3  }
0x128: {  	[tilespmem:$0x2960] =	vst v2  }
0x129: {  	v2 =	vld [tilespmem:s11+$0x170];
	_ =	sdelay $0x4  }
0x12a: {  	v3 =	vand.u32 $0x3FFF, v2;
	v2 =	vshrl.u32 v2, $0xE  }
0x12b: {  	[tilespmem:$0x2870] =	vst v3  }
0x12c: {  	[tilespmem:$0x2970] =	vst v2  }
0x12d: {  	[tilespmem:s23], [sflag:$0x1] =	stream.indirect.gather [hbm4b:s0+s21], $0x80, s22, s21, $0xb8;
	[tilespmem:$0x1F020] =	vst v63  }
0x12e: {  	_ =	swait.ge [sflag:s1], $0x4000  }
0x12f: {  	[sflag:s1] =	ssyncset.done $0x0  }
0x130: {  	[sflag:s1] =	ssyncadd.s32 $0xFFFFC000  }
0x131: {  	[spmem:s3] =	stream.indirect.scatter.add.f32 [tilespmem:s26], [sflag:$0x4], $0x80, s7, s21, $0xb8;
	[tilespmem:$0x1F020] =	vst v63  }
0x132: {  	_ = 	snop  }
0x133: {  	[spmem:s4] =	stream.indirect.scatter.add.f32 [tilespmem:s30], [sflag:$0x6], $0x1, s7, s21, $0xb8;
	[tilespmem:$0x1F020] =	vst v63  }
0x134: {  	_ =	swait.ge [sflag:s8], $0x4000  }
0x135: {  	[sflag:s8] =	ssyncset.done $0x0  }
0x136: {  	[sflag:s8] =	ssyncadd.s32 $0xFFFFC000  }
0x137: {  	_ =	swait.ge [sflag:s9], $0x80  }
0x138: {  	[sflag:s9] =	ssyncset.done $0x0  }
0x139: {  	[sflag:s9] =	ssyncadd.s32 $0xFFFFFF80  }
0x13a: {  	v2 =	vld [tilespmem:s11+$0x180];
	_ =	sdelay $0x4  }
0x13b: {  	v3 =	vand.u32 $0x3FFF, v2;
	v2 =	vshrl.u32 v2, $0xE  }
0x13c: {  	[tilespmem:$0x2880] =	vst v3  }
0x13d: {  	[tilespmem:$0x2980] =	vst v2  }
0x13e: {  	v2 =	vld [tilespmem:s11+$0x190];
	_ =	sdelay $0x4  }
0x13f: {  	v3 =	vand.u32 $0x3FFF, v2;
	v2 =	vshrl.u32 v2, $0xE  }
0x140: {  	[tilespmem:$0x2890] =	vst v3  }
0x141: {  	[tilespmem:$0x2990] =	vst v2  }
0x142: {  	v2 =	vld [tilespmem:s11+$0x1A0];
	_ =	sdelay $0x4  }
0x143: {  	v3 =	vand.u32 $0x3FFF, v2;
	v2 =	vshrl.u32 v2, $0xE  }
0x144: {  	[tilespmem:$0x28A0] =	vst v3  }
0x145: {  	[tilespmem:$0x29A0] =	vst v2  }
0x146: {  	v2 =	vld [tilespmem:s11+$0x1B0];
	_ =	sdelay $0x4  }
0x147: {  	v3 =	vand.u32 $0x3FFF, v2;
	v2 =	vshrl.u32 v2, $0xE  }
0x148: {  	[tilespmem:$0x28B0] =	vst v3  }
0x149: {  	[tilespmem:$0x29B0] =	vst v2  }
0x14a: {  	v2 =	vld [tilespmem:s11+$0x1C0];
	_ =	sdelay $0x4  }
0x14b: {  	v3 =	vand.u32 $0x3FFF, v2;
	v2 =	vshrl.u32 v2, $0xE  }
0x14c: {  	[tilespmem:$0x28C0] =	vst v3  }
0x14d: {  	[tilespmem:$0x29C0] =	vst v2  }
0x14e: {  	v2 =	vld [tilespmem:s11+$0x1D0];
	_ =	sdelay $0x4  }
0x14f: {  	v3 =	vand.u32 $0x3FFF, v2;
	v2 =	vshrl.u32 v2, $0xE  }
0x150: {  	[tilespmem:$0x28D0] =	vst v3  }
0x151: {  	[tilespmem:$0x29D0] =	vst v2  }
0x152: {  	v2 =	vld [tilespmem:s11+$0x1E0]  }
.Ltmp1:
0x153: {  	(pc) =	sbr.rel @p1 .LBB2_4-.Ltmp1, $2  }
0x154: {  	_ =	sdelay $0x2  }
0x155: {  	v3 =	vand.u32 $0x3FFF, v2;
	v2 =	vshrl.u32 v2, $0xE  }
0x156: {  	[tilespmem:$0x28E0] =	vst v3  }
0x157: {  	[tilespmem:$0x29E0] =	vst v2  }
0x158: {  	v2 =	vld [tilespmem:s11+$0x1F0];
	_ =	sdelay $0x4  }
0x159: {  	v3 =	vand.u32 $0x3FFF, v2  }
0x15a: {  	v2 =	vshrl.u32 v2, $0xE;
	[tilespmem:$0x28F0] =	vst v3  }
0x15b: {  	[tilespmem:$0x29F0] =	vst v2  }
0x15c: {  	[tilespmem:s26], [sflag:$0x2] =	stream.indirect.gather [hbm4b:s0+s21], $0x80, s24, s21, $0xb8;
	[tilespmem:$0x1F020] =	vst v63  }
0x15d: {  	_ =	swait.ge [sflag:s28], $0x4000  }
0x15e: {  	[sflag:s28] =	ssyncset.done $0x0  }
0x15f: {  	[sflag:s28] =	ssyncadd.s32 $0xFFFFC000  }
0x160: {  	[spmem:s3] =	stream.indirect.scatter.add.f32 [tilespmem:s23], [sflag:$0x3], $0x80, s29, s21, $0xb8;
	[tilespmem:$0x1F020] =	vst v63  }
0x161: {  	_ = 	snop  }
0x162: {  	[spmem:s4] =	stream.indirect.scatter.add.f32 [tilespmem:s30], [sflag:$0x5], $0x1, s29, s21, $0xb8;
	[tilespmem:$0x1F020] =	vst v63  }
0x163: {  	_ =	swait.ge [sflag:s1], $0x4000  }
0x164: {  	[sflag:s1] =	ssyncset.done $0x0  }
0x165: {  	[sflag:s1] =	ssyncadd.s32 $0xFFFFC000  }
0x166: {  	[spmem:s3] =	stream.indirect.scatter.add.f32 [tilespmem:s26], [sflag:$0x4], $0x80, s7, s21, $0xb8;
	[tilespmem:$0x1F020] =	vst v63  }
0x167: {  	_ = 	snop  }
0x168: {  	[spmem:s4] =	stream.indirect.scatter.add.f32 [tilespmem:s30], [sflag:$0x6], $0x1, s7, s21, $0xb8;
	[tilespmem:$0x1F020] =	vst v63  }
0x169: {  	_ =	swait.ge [sflag:s31], $0x4000  }
0x16a: {  	[sflag:s31] =	ssyncset.done $0x0  }
0x16b: {  	[sflag:s31] =	ssyncadd.s32 $0xFFFFC000  }
0x16c: {  	_ =	swait.ge [sflag:s2], $0x80  }
0x16d: {  	[sflag:s2] =	ssyncset.done $0x0  }
0x16e: {  	[sflag:s2] =	ssyncadd.s32 $0xFFFFFF80  }
0x16f: {  	_ =	swait.ge [sflag:s8], $0x4000  }
0x170: {  	[sflag:s8] =	ssyncset.done $0x0  }
0x171: {  	[sflag:s8] =	ssyncadd.s32 $0xFFFFC000  }
0x172: {  	_ =	swait.ge [sflag:s9], $0x80  }
0x173: {  	s11 =	stileid.u32;
	[sflag:s9] =	ssyncset.done $0x0  }
0x174: {  	s11 =	sshll.u32 @!p0 s11, $0x6;
	[sflag:s9] =	ssyncadd.s32 $0xFFFFFF80  }
0x175: {  	s11 =	sor.u32 @!p0 $0x1C07, s11;
	[bflag:$0x0] =	sbarrier.arrive $0xFFFF  }
0x176: {  	[hbm:s16], [sflag:s11] =	dma.local @!p0 [spmem:s25], $0x3E80  }
0x177: {  	s11 =	simm.s32 @!p0 $0x7  }
0x178: {  	_ =	swait.ge @!p0 [sflag:s11], $0x3E80  }
0x179: {  	[sflag:s11] =	ssyncset.done @!p0 $0x0  }
0x17a: {  	[sflag:s11] =	ssyncadd.s32 @!p0 $0xFFFFC180  }
0x17b: {  	[tilespmem:s20], [sflag:$0x7] =	stream.linear.gather [spmem:s15], $0x290, $0x38;
	[tilespmem:$0x1F020] =	vst v63  }
0x17c: {  	s10 =	sadd.s32 $0x1, s10;
	_ =	swait.ge [sflag:s19], $0x290  }
0x17d: {  	p1 =	sne.s32 s10, s18;
	[sflag:s19] =	ssyncset.done $0x0  }
.Ltmp2:
0x17e: {  	[sflag:s19] =	ssyncadd.s32 $0xFFFFFD70;
	(pc) =	sbr.rel @p1 .LBB2_1-.Ltmp2, $4  }
0x17f: {  	[hbm4b:s17+s5] =	stream.linear.scatter [tilespmem:s20], [sflag:$0x7], $0x290, $0x38;
	[tilespmem:$0x1F020] =	vst v63  }
0x180: {  	_ =	swait.ge [sflag:s19], $0x290  }
0x181: {  	[sflag:s19] =	ssyncset.done $0x0  }
0x182: {  	[sflag:s19] =	ssyncadd.s32 $0xFFFFFD70  }
0x183: {  	_ =	sfence.sel $0x180000  }
0x184: {  	[bflag:$0x0] =	sbarrier.arrive $0xFFFF  }
0x185: {  	_ =	strace $0x90000047  }
0x186: {  	s0 =	stileid.u32;
	[bflag:$0x2] =	sbarrier.arrive $0xFFFF  }
0x187: {  	p0 =	sne.s32 s0, $0x0;
	s0 =	rddreg [dreg:$0x5]  }
0x188: {  	s0 =	sadd.s32 @!p0 $0x100000, s0  }
0x189: {  	[sflag:s0] =	ssyncadd.tile.s32 @!p0 $0x1;
	_ =	shalt  }
.Lfunc_end2:
_tile_overlayer_lowered:
.L_overlay_start_2:
0x18a: {  	(tag) =	ssettag $0x2  }
0x18b: {  	s0 =	rddreg [dreg:$0x0];
	s2 =	stileid.u32  }
0x18c: {  	s1 =	rddreg [dreg:$0x1];
	p0 =	sne.s32 s2, $0x0  }
0x18d: {  	s3 =	rddreg [dreg:$0x2];
	[bflag:$0x3] =	sbarrier.arrive $0xFFFF;
	s2 =	simm.s32 @!p0 $0x1C07  }
0x18e: {  	[timem:s3], [sflag:s2] =	dma.local @!p0 [hbm:s0], s1  }
0x18f: {  	s0 =	simm.s32 @!p0 $0x7  }
0x190: {  	_ =	swait.ge @!p0 [sflag:s0], s1  }
0x191: {  	s1 =	ssub.s32 @!p0 $0x0, s1;
	[sflag:s0] =	ssyncset.done @!p0 $0x0  }
0x192: {  	[sflag:s0] =	ssyncadd.s32 @!p0 s1  }
0x193: {  	[bflag:$0x3] =	sbarrier.arrive $0xFFFF  }
0x194: {  	_ =	shalt  }

// kernel: sc_agg_w64.3.cloned.1.call-start
scs
__scs_entry_jumppad:
0x0: {  	(pc) =	sbr.rel $0x88, $3  }
0x1: {  	(tag) =	ssettag $0x0;
	lr =	simm.s32 $0x1  }
0x2: {  	[smem:$0x3F96] =	sst lr;
	_ =	strace $0xD0000000  }
0x3: {  	_ = 	snop  }
0x4: {  	_ = 	snop  }
0x5: {  	_ = 	snop  }
0x6: {  	_ = 	snop  }
0x7: {  	_ = 	snop  }
__scs_overlays_trampoline_lowered:
0x8: {  	[smem:$0x3FA5] =	sst s0  }
0x9: {  	[smem:$0x3FA6] =	sst s1  }
0xa: {  	[smem:$0x3FA7] =	sst s2  }
0xb: {  	[smem:$0x3FA8] =	sst s3  }
0xc: {  	[smem:$0x3FA9] =	sst s4  }
0xd: {  	[smem:$0x3FAA] =	sst s5  }
0xe: {  	[smem:$0x3FAB] =	sst s6  }
0xf: {  	[smem:$0x3FAC] =	sst s7  }
0x10: {  	[smem:$0x3FAD] =	sst s8  }
0x11: {  	[smem:$0x3FAE] =	sst s9;
	s0 =	simm.s32 @!p0 $0x0  }
0x12: {  	s1 =	sld [smem:$0x3F94];
	s0 =	simm.s32 @p0 $0x1  }
0x13: {  	[smem:$0x3FAF] =	sst s0;
	s0 =	simm.s32 @!p1 $0x0  }
0x14: {  	s2 =	sld [smem:$0x3F93];
	s0 =	simm.s32 @p1 $0x1  }
0x15: {  	[smem:$0x3FB0] =	sst s0;
	s0 =	simm.s32 @!p2 $0x0  }
0x16: {  	s3 =	sld [smem:$0x3FDB];
	s0 =	simm.s32 @p2 $0x1  }
0x17: {  	s4 =	simm.s32 $0x1BF5;
	[smem:$0x3FB2] =	sst s0  }
0x18: {  	s0 =	sld [smem:$0x3F95];
	_ =	swait.ge [sflag:s4], $0x0  }
0x19: {  	s7 =	sld [smem:$0x3F96]  }
0x1a: {  	s8 =	sadd.s32 $0xFFFFE003, lr  }
0x1b: {  	s9 =	sadd.s32 $0xFFFFFEF7, lr;
	s5 =	simm.s32 $0xFFFFFFFF;
	p2 =	slt.u32 s8, $0xFFFFF086  }
0x1c: {  	p1 =	slt.u32 s9, $0xF7A;
	s5 =	simm.s32 @!p2 $0x0  }
0x1d: {  	s5 =	simm.s32 @p1 $0x1;
	p0 =	seq.s32 s7, s2  }
0x1e: {  	s7 =	smul.u32 @!p0 $0xF7A, s2;
	p2 =	seq.s32 @!p0 s5, $0x0  }
0x1f: {  	s9 =	smul.u32 $0xF7A, s1;
	s8 =	simm.s32 @!p0 $0x1BF5;
	p2 =	por !p2, p0  }
0x20: {  	[sflag:s8] =	ssyncset.s32 @!p0 $0xFFFFF086;
	s6 =	sadd.s32 @!p0 s3, s7;
	s7 =	simm.s32 @!p0 $0x108  }
0x21: {  	s3 =	sadd.s32 s3, s9;
	s6 =	sadd.s32 @!p0 $0x88, s6;
	s7 =	simm.s32 @p2 $0x1082  }
0x22: {  	[simem:s7], [sflag:s8] =	dma.local @!p0 [hbm:s6], $0xF7A  }
0x23: {  	s9 =	sor.u32 $0xD0000000, s2;
	s6 =	simm.s32 $0x108;
	_ =	swait.ge @!p0 [sflag:s8], $0x0  }
0x24: {  	s3 =	sadd.s32 $0x88, s3;
	s6 =	simm.s32 @!p1 $0x1082;
	[sflag:s4] =	ssyncset.s32 $0xFFFFF086  }
0x25: {  	[simem:s6], [sflag:s4] =	dma.local [hbm:s3], $0xF7A  }
0x26: {  	[smem:$0x3F96] =	sst s1;
	(tag) =	ssettag s2;
	_ =	strace s9  }
0x27: {  	s1 =	sld [smem:$0x3FA6]  }
0x28: {  	s2 =	sld [smem:$0x3FA7]  }
0x29: {  	s4 =	sld [smem:$0x3FA9]  }
0x2a: {  	p0 =	seq.s32 s5, $0x0;
	s5 =	sld [smem:$0x3FAA]  }
0x2b: {  	s6 =	sld [smem:$0x3FAB]  }
0x2c: {  	s7 =	sld [smem:$0x3FAC]  }
0x2d: {  	s3 =	simm.s32 $0x108;
	s8 =	sld [smem:$0x3FAD]  }
0x2e: {  	s3 =	simm.s32 @!p0 $0x1082;
	s9 =	sld [smem:$0x3FAE]  }
0x2f: {  	lr =	sadd.s32 s0, s3;
	s0 =	sld [smem:$0x3FA5]  }
0x30: {  	s3 =	sld [smem:$0x3FA8]  }
0x31: {  	[smem:$0x3FB1] =	sst s10  }
0x32: {  	s10 =	sld [smem:$0x3FAF];
	_ =	sdelay $0x3  }
0x33: {  	p0 =	seq.s32 s10, $0x1;
	s10 =	sld [smem:$0x3FB1];
	_ =	sdelay $0x3  }
0x34: {  	[smem:$0x3FB1] =	sst s10  }
0x35: {  	s10 =	sld [smem:$0x3FB0];
	_ =	sdelay $0x3  }
0x36: {  	p1 =	seq.s32 s10, $0x1;
	s10 =	sld [smem:$0x3FB1];
	_ =	sdelay $0x3  }
0x37: {  	[smem:$0x3FB1] =	sst s10  }
0x38: {  	s10 =	sld [smem:$0x3FB2]  }
0x39: {  	_ = 	snop;
	(pc) =	sbr.ind lr, $3  }
0x3a: {  	_ = 	snop  }
0x3b: {  	_ = 	snop  }
0x3c: {  	p2 =	seq.s32 s10, $0x1;
	s10 =	sld [smem:$0x3FB1]  }
0x3d: {  	_ =	shalt  }
0x3e: {  	_ =	shalt  }
0x3f: {  	_ =	shalt  }
0x40: {  	_ =	shalt  }
0x41: {  	_ =	shalt  }
0x42: {  	_ =	shalt  }
0x43: {  	_ =	shalt  }
0x44: {  	_ =	shalt  }
0x45: {  	_ =	shalt  }
0x46: {  	_ =	shalt  }
0x47: {  	_ =	shalt  }
0x48: {  	_ =	shalt  }
0x49: {  	_ =	shalt  }
0x4a: {  	_ =	shalt  }
0x4b: {  	_ =	shalt  }
0x4c: {  	_ =	shalt  }
0x4d: {  	_ =	shalt  }
0x4e: {  	_ =	shalt  }
0x4f: {  	_ =	shalt  }
0x50: {  	_ =	shalt  }
0x51: {  	_ =	shalt  }
0x52: {  	_ =	shalt  }
0x53: {  	_ =	shalt  }
0x54: {  	_ =	shalt  }
0x55: {  	_ =	shalt  }
0x56: {  	_ =	shalt  }
0x57: {  	_ =	shalt  }
0x58: {  	_ =	shalt  }
0x59: {  	_ =	shalt  }
0x5a: {  	_ =	shalt  }
0x5b: {  	_ =	shalt  }
0x5c: {  	_ =	shalt  }
0x5d: {  	_ =	shalt  }
0x5e: {  	_ =	shalt  }
0x5f: {  	_ =	shalt  }
0x60: {  	_ =	shalt  }
0x61: {  	_ =	shalt  }
0x62: {  	_ =	shalt  }
0x63: {  	_ =	shalt  }
0x64: {  	_ =	shalt  }
0x65: {  	_ =	shalt  }
0x66: {  	_ =	shalt  }
0x67: {  	_ =	shalt  }
0x68: {  	_ =	shalt  }
0x69: {  	_ =	shalt  }
0x6a: {  	_ =	shalt  }
0x6b: {  	_ =	shalt  }
0x6c: {  	_ =	shalt  }
0x6d: {  	_ =	shalt  }
0x6e: {  	_ =	shalt  }
0x6f: {  	_ =	shalt  }
0x70: {  	_ =	shalt  }
0x71: {  	_ =	shalt  }
0x72: {  	_ =	shalt  }
0x73: {  	_ =	shalt  }
0x74: {  	_ =	shalt  }
0x75: {  	_ =	shalt  }
0x76: {  	_ =	shalt  }
0x77: {  	_ =	shalt  }
0x78: {  	_ =	shalt  }
0x79: {  	_ =	shalt  }
0x7a: {  	_ =	shalt  }
0x7b: {  	_ =	shalt  }
0x7c: {  	_ =	shalt  }
0x7d: {  	_ =	shalt  }
0x7e: {  	_ =	shalt  }
0x7f: {  	_ =	shalt  }
0x80: {  	_ =	shalt  }
0x81: {  	_ =	shalt  }
0x82: {  	_ =	shalt  }
0x83: {  	_ =	shalt  }
0x84: {  	_ =	shalt  }
0x85: {  	_ =	shalt  }
0x86: {  	_ =	shalt  }
0x87: {  	_ =	shalt  }
.Lfunc_end0:
.L_simem_size_0:
called_computation.2_lowered:
.L_overlay_start_0:
0x88: {  	s2 =	sld [smem:$0x3FD9]  }
0x89: {  	s3 =	sld [smem:$0x3FFE];
	_ =	sdelay $0x1  }
0x8a: {  	s1 =	srdreg.scid  }
0x8b: {  	s0 =	sand.u32 $0x1, s1  }
0x8c: {  	s17 =	sshll.u32 s0, $0xA;
	s2 =	sadd.s32 s3, s2  }
0x8d: {  	s2 =	sadd.s32 s2, s17  }
0x8e: {  	[smem:$0x3FBD] =	sst s2  }
0x8f: {  	_ = 	snop  }
0x90: {  	s2 =	sld [smem:$0x3FD0];
	(tm) =	ssettm $0x1  }
0x91: {  	s18 =	sld [smem:$0x3FFB];
	_ =	sdelay $0x3  }
0x92: {  	_ =	strace s18  }
0x93: {  	s3 =	sld [smem:$0x3FFC];
	_ =	sdelay $0x3  }
0x94: {  	_ =	strace s3  }
0x95: {  	s3 =	sld [smem:$0x3FFD];
	_ =	sdelay $0x3  }
0x96: {  	_ =	strace s3  }
0x97: {  	_ =	strace $0x8FFFFFFF  }
0x98: {  	s19 =	sld [smem:$0x3FDB];
	_ =	sdelay $0x1  }
0x99: {  	s4 =	simm.s32 $_scs_section_size  }
0x9a: {  	s5 =	simm.s32 $_size__tile_overlayer_lowered;
	s6 =	simm.s32 $_tile_overlayer_lowered  }
0x9b: {  	s22 =	simm.s32 $0x1BFF;
	s21 =	sshll.u32 s6, $0x1;
	s3 =	sadd.s32 s4, s19  }
0x9c: {  	s7 =	simm.s32 $0x0;
	s20 =	sshll.u32 s5, $0x1;
	s5 =	sadd.s32 s21, s3  }
0x9d: {  	[timem:s7], [sflag:s22] =	dma.local [hbm:s5], s20  }
0x9e: {  	_ =	swait.ge [sflag:s22], s20  }
0x9f: {  	s4 =	ssub.s32 $0x0, s20;
	[sflag:s22] =	ssyncset.done $0x0  }
0xa0: {  	[sflag:s22] =	ssyncadd.s32 s4;
	_ =	sdelay $0x1  }
0xa1: {  	s23 =	simm.s32 $0x1B8B  }
0xa2: {  	_ =	swait.ge [sflag:s23], $0x1  }
0xa3: {  	[sflag:s23] =	ssyncset.done $0x0  }
0xa4: {  	s25 =	simm.s32 $0x1B8E;
	s24 =	sld [smem:$0x3FFE];
	[sflag:s23] =	ssyncadd.s32 $0xFFFFFFFF  }
0xa5: {  	s26 =	simm.s32 $execute0_lowered;
	[smem:$0x3FD2] =	sst s25  }
0xa6: {  	s5 =	sshll.u32 s26, $0x1;
	_ =	strace $0x8000004C;
	[dreg:$0x1] =	wrdreg $0xFFFFFFFF  }
0xa7: {  	s28 =	simm.s32 $_size_execute0_lowered;
	s3 =	sadd.s32 s3, s5;
	[dreg:$0x0] =	wrdreg $0x0  }
0xa8: {  	s5 =	sshll.u32 s28, $0x1;
	[dreg:$0x2] =	wrdreg s3  }
0xa9: {  	[dreg:$0x3] =	wrdreg s5  }
0xaa: {  	[dreg:$0x4] =	wrdreg $0xC0  }
0xab: {  	_ =	task [dreg:s7], $0x5FFFF  }
0xac: {  	[dreg:$0x1] =	wrdreg $0xFFFFFFFF  }
0xad: {  	[dreg:$0x0] =	wrdreg $0x60  }
0xae: {  	[dreg:$0x2] =	wrdreg s2  }
0xaf: {  	[dreg:$0x3] =	wrdreg s24  }
0xb0: {  	[dreg:$0x4] =	wrdreg $0xAF100  }
0xb1: {  	[dreg:$0x5] =	wrdreg $0x9  }
0xb2: {  	_ =	task.clear_ibuf [dreg:s7], $0x6FFFF;
	_ =	strace $0x9000004C  }
0xb3: {  	s29 =	simm.s32 $0x9;
	_ =	strace $0x8000004E  }
0xb4: {  	_ =	swait.ge [sflag:s29], $0x1  }
0xb5: {  	[sflag:s29] =	ssyncadd.s32 $0xFFFFFFFF  }
0xb6: {  	_ =	strace $0x9000004E  }
0xb7: {  	_ =	sfence  }
0xb8: {  	s30 =	sld [smem:$0x0];
	_ =	sdelay $0x2  }
0xb9: {  	s31 =	sshll.u32 s1, $0xD;
	s1 =	sshrl.u32 s1, $0x2  }
0xba: {  	s3 =	sand.u32 $0x4000, s31;
	s1 =	sadd.s32 s1, s30  }
0xbb: {  	s0 =	sor.u32 s3, s0;
	s1 =	sshll.u32 s1, $0x11  }
0xbc: {  	s0 =	sor.u32 s1, s0  }
0xbd: {  	s0 =	sadd.s32 $0x8F2B, s0  }
0xbe: {  	[sflag:s0] =	ssyncadd.remote.s32 $0x1  }
0xbf: {  	_ =	sfence.sel $0xFFFF  }
0xc0: {  	[dreg:$0x0] =	wrdreg $0xFFFFFFFF;
	(pc) =	sbr.abs _section_cstart, $3  }
0xc1: {  	[dreg:$0x1] =	wrdreg $0xFFFFFFFF  }
0xc2: {  	_ =	task.clear_ibuf [dreg:s7], $0x2FFFF;
	_ =	strace $0x9FFFFFFF  }
0xc3: {  	(tm) =	ssettm $0x7FFFFFFF  }
tec
execute0_lowered:
.L_overlay_start_1:
0x0: {  	(tag) =	ssettag $0x1  }
0x1: {  	s1 =	rddreg [dreg:$0x0]  }
0x2: {  	s0 =	srdreg.scid;
	s5 =	rddreg [dreg:$0x1]  }
0x3: {  	s10 =	stileid.u32;
	s3 =	rddreg [dreg:$0x2];
	s4 =	simm.s32 $0x0  }
0x4: {  	s16 =	simm.s32 $0x9;
	s17 =	simm.s32 $0x80;
	s18 =	simm.s32 $0x2800  }
0x5: {  	s28 =	simm.s32 $0x1;
	s29 =	simm.s32 $0x2A00;
	s7 =	smul.u32 $0xFA00, s10  }
0x6: {  	s30 =	simm.s32 $0x2;
	s0 =	sand.u32 $0x1, s0;
	s8 =	smul.u32 $0x3E800, s10  }
0x7: {  	[smem:$0x7FF] =	sst s4;
	s2 =	sshll.u32 s0, $0x4;
	s6 =	smul.u32 $0x9C400, s0  }
0x8: {  	_ =	strace $0x8000004D;
	s0 =	ssub.s32 $0x2, s0;
	s2 =	sor.u32 s10, s2  }
0x9: {  	s9 =	sshrl.u32 s0, $0x1;
	s2 =	smul.u32 $0x500, s2;
	s6 =	sadd.s32 s7, s6  }
0xa: {  	s8 =	sshrl.u32 s8, $0x2;
	s0 =	ssub.s32 s0, s9;
	s6 =	sshrl.u32 s6, $0x3  }
0xb: {  	s0 =	smax.u32 s0, $0x1;
	s2 =	sadd.s32 s2, s5;
	s6 =	sadd.s32 s6, s5  }
0xc: {  	s5 =	sadd.s32 s8, s3;
	[dreg:$0xd] =	wrdreg s0;
	s2 =	sadd.s32 $0x3200, s2  }
0xd: {  	s31 =	simm.s32 $0x2A80;
	s19 =	sadd.s32 $0x2000, s5;
	[dreg:$0x4] =	wrdreg s2  }
0xe: {  	s11 =	simm.s32 $0x8;
	s20 =	sadd.s32 $0x4000, s5;
	[dreg:$0x5] =	wrdreg s19  }
0xf: {  	s12 =	simm.s32 $0x0;
	s21 =	sadd.s32 $0x6000, s5;
	[dreg:$0x6] =	wrdreg s20  }
0x10: {  	p0 =	sgt.u32 s10, $0x9;
	s22 =	sadd.s32 $0x8000, s5;
	[dreg:$0x7] =	wrdreg s21  }
0x11: {  	s10 =	simm.s32 $0x7;
	s23 =	sadd.s32 $0xA000, s5;
	[dreg:$0x8] =	wrdreg s22  }
0x12: {  	s9 =	simm.s32 $0x6;
	s24 =	sadd.s32 $0xC000, s5;
	[dreg:$0x9] =	wrdreg s23  }
0x13: {  	s8 =	simm.s32 $0x5;
	s25 =	sadd.s32 $0xE000, s5;
	[dreg:$0xa] =	wrdreg s24  }
0x14: {  	s26 =	sadd.s32 $0xD200, s6;
	s6 =	simm.s32 $0x4;
	[dreg:$0xb] =	wrdreg s25  }
.Ltmp0:
0x15: {  	[dreg:$0xc] =	wrdreg s26;
	s2 =	sadd.s32 s7, s3;
	(pc) =	sbr.rel .LBB2_1-.Ltmp0, $4  }
0x16: {  	s19 =	simm.s32 $0x2C00;
	s20 =	simm.s32 $0x2880;
	s21 =	simm.s32 $0x4C00  }
0x17: {  	s22 =	simm.s32 $0x2900;
	s23 =	simm.s32 $0x6C00;
	s24 =	simm.s32 $0x2980  }
0x18: {  	s26 =	simm.s32 $0x8C00;
	s7 =	simm.s32 $0x2B80;
	s0 =	sshrl.u32 @!p0 s2, $0x3  }
0x19: {  	v0 =	vimm.f32 $0.0e+00;
	v1 =	vimm.f32 $1.000000000e+00;
	s2 =	simm.s32 $0x3;
	[dreg:$0xe] =	wrdreg s0;
	s0 =	simm.s32 $0x2B00  }
.LBB2_9:
0x1a: {  	_ =	swait.ge [sflag:s6], $0x2000  }
0x1b: {  	[sflag:s6] =	ssyncset.done $0x0  }
0x1c: {  	[sflag:s6] =	ssyncadd.s32 $0xFFFFE000  }
0x1d: {  	[spmem:s3] =	stream.indirect.scatter.add.f32 [tilespmem:s26], [sflag:$0x8], $0x40, s7, s17, $0xb8;
	[tilespmem:$0x14F50] =	vst v63  }
0x1e: {  	_ =	swait.ge [sflag:s8], $0x2000  }
0x1f: {  	[sflag:s8] =	ssyncset.done $0x0  }
0x20: {  	[sflag:s8] =	ssyncadd.s32 $0xFFFFE000  }
0x21: {  	_ =	swait.ge [sflag:s9], $0x2000  }
0x22: {  	[sflag:s9] =	ssyncset.done $0x0  }
0x23: {  	[sflag:s9] =	ssyncadd.s32 $0xFFFFE000  }
0x24: {  	_ =	swait.ge [sflag:s10], $0x2000  }
0x25: {  	[sflag:s10] =	ssyncset.done $0x0  }
0x26: {  	[sflag:s10] =	ssyncadd.s32 $0xFFFFE000  }
0x27: {  	_ =	swait.ge [sflag:s11], $0x2000  }
0x28: {  	[sflag:s11] =	ssyncset.done $0x0  }
0x29: {  	[sflag:s11] =	ssyncadd.s32 $0xFFFFE000  }
0x2a: {  	s13 =	stileid.u32;
	[bflag:$0x0] =	sbarrier.arrive $0xFFFF  }
0x2b: {  	s13 =	sshll.u32 @!p0 s13, $0x6;
	s14 =	rddreg [dreg:$0xc]  }
0x2c: {  	s13 =	sor.u32 @!p0 $0x1C09, s13;
	s15 =	rddreg [dreg:$0xe]  }
0x2d: {  	[hbm:s14], [sflag:s13] =	dma.local @!p0 [spmem:s15], $0x1F40  }
0x2e: {  	s13 =	simm.s32 @!p0 $0x9  }
0x2f: {  	_ =	swait.ge @!p0 [sflag:s13], $0x1F40  }
0x30: {  	s12 =	sadd.s32 $0x1, s12;
	s25 =	rddreg [dreg:$0xd]  }
0x31: {  	p1 =	sne.s32 s12, s25  }
.Ltmp1:
0x32: {  	_ = 	snop;
	(pc) =	sbr.rel @!p1 .LBB2_10-.Ltmp1, $3  }
0x33: {  	_ =	sdelay $0x1  }
0x34: {  	[sflag:s13] =	ssyncset.done @!p0 $0x0  }
0x35: {  	[sflag:s13] =	ssyncadd.s32 @!p0 $0xFFFFE0C0  }
.LBB2_1:
0x36: {  	s13 =	rddreg [dreg:$0x4]  }
0x37: {  	[tilespmem:s4], [sflag:$0x9] =	stream.linear.gather [hbm4b:s13+s4], $0x2800, $0x38;
	[tilespmem:$0x14F50] =	vst v63  }
0x38: {  	s25 =	sand.u32 $0x7F00, s4;
	s14 =	sand.u32 $0x30, s4;
	_ =	swait.ge [sflag:s16], $0x2800  }
0x39: {  	s15 =	sshrl.u32 s25, $0x2;
	s13 =	simm.s32 $0x40;
	[sflag:s16] =	ssyncset.done $0x0  }
0x3a: {  	s15 =	sor.u32 s14, s15;
	s14 =	simm.s32 $0x0;
	[sflag:s16] =	ssyncadd.s32 $0xFFFFD800  }
.LBB2_2:
0x3b: {  	p1 =	sne.s32 s13, $0x7FC0  }
0x3c: {  	[tilespmem:s15+$0x2C00] =	vst v0;
	s14 =	sadd.s32 $0x10, s14;
	s15 =	smov.u32 s13;
	s13 =	sadd.s32 $0x40, s13  }
.Ltmp2:
0x3d: {  	(pc) =	sbr.rel @p1 .LBB2_2-.Ltmp2, $4  }
0x3e: {  	_ = 	snop  }
0x3f: {  	s15 =	sand.u32 $0x7F00, s15  }
0x40: {  	s25 =	sand.u32 $0x30, s14;
	s15 =	sshrl.u32 s15, $0x2  }
0x41: {  	s15 =	sor.u32 s25, s15  }
0x42: {  	[tilespmem:s15+$0x2C00] =	vst v0  }
0x43: {  	[tilespmem:$0xAC80] =	vst v0  }
0x44: {  	[tilespmem:$0xAC90] =	vst v0  }
0x45: {  	[tilespmem:$0xACA0] =	vst v0  }
0x46: {  	[tilespmem:$0xACB0] =	vst v0  }
0x47: {  	[tilespmem:$0xACC0] =	vst v0  }
0x48: {  	[tilespmem:$0xACD0] =	vst v0  }
0x49: {  	[tilespmem:$0xACE0] =	vst v0  }
0x4a: {  	[tilespmem:$0xACF0] =	vst v0  }
0x4b: {  	[tilespmem:$0xAD00] =	vst v0  }
0x4c: {  	[tilespmem:$0xAD10] =	vst v0  }
0x4d: {  	[tilespmem:$0xAD20] =	vst v0  }
0x4e: {  	[tilespmem:$0xAD30] =	vst v0  }
0x4f: {  	[tilespmem:$0xAD40] =	vst v0  }
0x50: {  	[tilespmem:$0xAD50] =	vst v0  }
0x51: {  	[tilespmem:$0xAD60] =	vst v0  }
0x52: {  	[tilespmem:$0xAD70] =	vst v0  }
0x53: {  	[tilespmem:$0xAD80] =	vst v0  }
0x54: {  	[tilespmem:$0xAD90] =	vst v0  }
0x55: {  	[tilespmem:$0xADA0] =	vst v0  }
0x56: {  	[tilespmem:$0xADB0] =	vst v0  }
0x57: {  	[tilespmem:$0xADC0] =	vst v0  }
0x58: {  	[tilespmem:$0xADD0] =	vst v0  }
0x59: {  	[tilespmem:$0xADE0] =	vst v0  }
0x5a: {  	[tilespmem:$0xADF0] =	vst v0  }
0x5b: {  	[tilespmem:$0xAE00] =	vst v0  }
0x5c: {  	[tilespmem:$0xAE10] =	vst v0  }
0x5d: {  	[tilespmem:$0xAE20] =	vst v0  }
0x5e: {  	[tilespmem:$0xAE30] =	vst v0  }
0x5f: {  	[tilespmem:$0xAE40] =	vst v0  }
0x60: {  	[tilespmem:$0xAE50] =	vst v0  }
0x61: {  	[tilespmem:$0xAE60] =	vst v0  }
0x62: {  	[tilespmem:$0xAE70] =	vst v0  }
0x63: {  	[tilespmem:$0xAE80] =	vst v0  }
0x64: {  	[tilespmem:$0xAE90] =	vst v0  }
0x65: {  	[tilespmem:$0xAEA0] =	vst v0  }
0x66: {  	[tilespmem:$0xAEB0] =	vst v0  }
0x67: {  	[tilespmem:$0xAEC0] =	vst v0  }
0x68: {  	[tilespmem:$0xAED0] =	vst v0  }
0x69: {  	[tilespmem:$0xAEE0] =	vst v0  }
0x6a: {  	[tilespmem:$0xAEF0] =	vst v0  }
0x6b: {  	[tilespmem:$0xAF00] =	vst v0  }
0x6c: {  	[tilespmem:$0xAC00] =	vst v1  }
0x6d: {  	[tilespmem:$0xAC10] =	vst v1  }
0x6e: {  	[tilespmem:$0xAC20] =	vst v1  }
0x6f: {  	[tilespmem:$0xAC30] =	vst v1  }
0x70: {  	[tilespmem:$0xAC40] =	vst v1  }
0x71: {  	[tilespmem:$0xAC50] =	vst v1  }
0x72: {  	[tilespmem:$0xAC60] =	vst v1  }
0x73: {  	s13 =	simm.s32 @!p0 $0x2C00;
	s14 =	simm.s32 @!p0 $0x9;
	[tilespmem:$0xAC70] =	vst v1  }
0x74: {  	[spmem:s5] =	stream.linear.scatter @!p0 [tilespmem:s13], [sflag:$0x9], $0x2000, $0x38;
	[tilespmem:$0x14F50] =	vst v63  }
0x75: {  	_ =	swait.ge @!p0 [sflag:s14], $0x2000  }
0x76: {  	[sflag:s14] =	ssyncset.done @!p0 $0x0  }
0x77: {  	s15 =	rddreg [dreg:$0x5];
	[sflag:s14] =	ssyncadd.s32 @!p0 $0xFFFFE000  }
0x78: {  	[spmem:s15] =	stream.linear.scatter @!p0 [tilespmem:s13], [sflag:$0x9], $0x2000, $0x38;
	[tilespmem:$0x14F50] =	vst v63  }
0x79: {  	_ =	swait.ge @!p0 [sflag:s14], $0x2000  }
0x7a: {  	[sflag:s14] =	ssyncset.done @!p0 $0x0  }
0x7b: {  	s15 =	rddreg [dreg:$0x6];
	[sflag:s14] =	ssyncadd.s32 @!p0 $0xFFFFE000  }
0x7c: {  	[spmem:s15] =	stream.linear.scatter @!p0 [tilespmem:s13], [sflag:$0x9], $0x2000, $0x38;
	[tilespmem:$0x14F50] =	vst v63  }
0x7d: {  	_ =	swait.ge @!p0 [sflag:s14], $0x2000  }
0x7e: {  	[sflag:s14] =	ssyncset.done @!p0 $0x0  }
0x7f: {  	s15 =	rddreg [dreg:$0x7];
	[sflag:s14] =	ssyncadd.s32 @!p0 $0xFFFFE000  }
0x80: {  	[spmem:s15] =	stream.linear.scatter @!p0 [tilespmem:s13], [sflag:$0x9], $0x2000, $0x38;
	[tilespmem:$0x14F50] =	vst v63  }
0x81: {  	_ =	swait.ge @!p0 [sflag:s14], $0x2000  }
0x82: {  	[sflag:s14] =	ssyncset.done @!p0 $0x0  }
0x83: {  	s15 =	rddreg [dreg:$0x8];
	[sflag:s14] =	ssyncadd.s32 @!p0 $0xFFFFE000  }
0x84: {  	[spmem:s15] =	stream.linear.scatter @!p0 [tilespmem:s13], [sflag:$0x9], $0x2000, $0x38;
	[tilespmem:$0x14F50] =	vst v63  }
0x85: {  	_ =	swait.ge @!p0 [sflag:s14], $0x2000  }
0x86: {  	[sflag:s14] =	ssyncset.done @!p0 $0x0  }
0x87: {  	s15 =	rddreg [dreg:$0x9];
	[sflag:s14] =	ssyncadd.s32 @!p0 $0xFFFFE000  }
0x88: {  	[spmem:s15] =	stream.linear.scatter @!p0 [tilespmem:s13], [sflag:$0x9], $0x2000, $0x38;
	[tilespmem:$0x14F50] =	vst v63  }
0x89: {  	_ =	swait.ge @!p0 [sflag:s14], $0x2000  }
0x8a: {  	[sflag:s14] =	ssyncset.done @!p0 $0x0  }
0x8b: {  	s15 =	rddreg [dreg:$0xa];
	[sflag:s14] =	ssyncadd.s32 @!p0 $0xFFFFE000  }
0x8c: {  	[spmem:s15] =	stream.linear.scatter @!p0 [tilespmem:s13], [sflag:$0x9], $0x2000, $0x38;
	[tilespmem:$0x14F50] =	vst v63  }
0x8d: {  	_ =	swait.ge @!p0 [sflag:s14], $0x2000  }
0x8e: {  	[sflag:s14] =	ssyncset.done @!p0 $0x0  }
0x8f: {  	s15 =	rddreg [dreg:$0xb];
	[sflag:s14] =	ssyncadd.s32 @!p0 $0xFFFFE000  }
0x90: {  	[spmem:s15] =	stream.linear.scatter @!p0 [tilespmem:s13], [sflag:$0x9], $0x1A00, $0x38;
	[tilespmem:$0x14F50] =	vst v63  }
0x91: {  	_ =	swait.ge @!p0 [sflag:s14], $0x1A00  }
0x92: {  	[sflag:s14] =	ssyncset.done @!p0 $0x0  }
0x93: {  	[sflag:s14] =	ssyncadd.s32 @!p0 $0xFFFFE600  }
0x94: {  	v2 =	vld [tilespmem:$0x0];
	_ =	sdelay $0x1  }
0x95: {  	v3 =	vld [tilespmem:$0x10];
	_ =	sdelay $0x1  }
0x96: {  	v4 =	vld [tilespmem:$0x20]  }
0x97: {  	v5 =	vand.u32 $0x3FFF, v2  }
0x98: {  	v46 =	vld [tilespmem:$0x30];
	v2 =	vshrl.u32 v2, $0xE;
	[tilespmem:$0x2800] =	vst v5  }
0x99: {  	[tilespmem:$0x2A00] =	vst v2;
	v2 =	vand.u32 $0x3FFF, v3  }
0x9a: {  	[tilespmem:$0x2810] =	vst v2;
	v2 =	vshrl.u32 v3, $0xE;
	v3 =	vld [tilespmem:$0x40]  }
0x9b: {  	[tilespmem:$0x2A10] =	vst v2;
	v2 =	vand.u32 $0x3FFF, v4  }
0x9c: {  	v47 =	vld [tilespmem:$0x50];
	[tilespmem:$0x2820] =	vst v2;
	v2 =	vshrl.u32 v4, $0xE  }
0x9d: {  	[tilespmem:$0x2A20] =	vst v2;
	v2 =	vand.u32 $0x3FFF, v46  }
0x9e: {  	v48 =	vld [tilespmem:$0x60];
	[tilespmem:$0x2830] =	vst v2;
	v2 =	vshrl.u32 v46, $0xE  }
0x9f: {  	[tilespmem:$0x2A30] =	vst v2;
	v2 =	vand.u32 $0x3FFF, v3  }
0xa0: {  	[tilespmem:$0x2840] =	vst v2;
	v2 =	vshrl.u32 v3, $0xE;
	v3 =	vld [tilespmem:$0x70]  }
0xa1: {  	[tilespmem:$0x2A40] =	vst v2;
	v2 =	vand.u32 $0x3FFF, v47  }
0xa2: {  	[tilespmem:$0x2850] =	vst v2;
	v2 =	vshrl.u32 v47, $0xE  }
0xa3: {  	[tilespmem:$0x2A50] =	vst v2;
	v2 =	vand.u32 $0x3FFF, v48  }
0xa4: {  	[tilespmem:$0x2860] =	vst v2;
	v2 =	vshrl.u32 v48, $0xE  }
0xa5: {  	[tilespmem:$0x2A60] =	vst v2;
	v2 =	vand.u32 $0x3FFF, v3  }
0xa6: {  	[tilespmem:$0x2870] =	vst v2;
	v2 =	vshrl.u32 v3, $0xE  }
0xa7: {  	[tilespmem:$0x2A70] =	vst v2  }
0xa8: {  	[tilespmem:s19], [sflag:$0x1] =	stream.indirect.gather [hbm4b:s1+s17], $0x40, s18, s17, $0xb8;
	[tilespmem:$0x14F50] =	vst v63  }
0xa9: {  	v2 =	vld [tilespmem:$0x80];
	_ =	sdelay $0x1  }
0xaa: {  	v3 =	vld [tilespmem:$0x90];
	_ =	sdelay $0x1  }
0xab: {  	v49 =	vld [tilespmem:$0xA0]  }
0xac: {  	v50 =	vand.u32 $0x3FFF, v2  }
0xad: {  	v51 =	vld [tilespmem:$0xB0];
	v2 =	vshrl.u32 v2, $0xE;
	[tilespmem:$0x2880] =	vst v50  }
0xae: {  	[tilespmem:$0x2A80] =	vst v2;
	v2 =	vand.u32 $0x3FFF, v3  }
0xaf: {  	[tilespmem:$0x2890] =	vst v2;
	v2 =	vshrl.u32 v3, $0xE;
	v3 =	vld [tilespmem:$0xC0]  }
0xb0: {  	[tilespmem:$0x2A90] =	vst v2;
	v2 =	vand.u32 $0x3FFF, v49  }
0xb1: {  	v52 =	vld [tilespmem:$0xD0];
	[tilespmem:$0x28A0] =	vst v2;
	v2 =	vshrl.u32 v49, $0xE  }
0xb2: {  	[tilespmem:$0x2AA0] =	vst v2;
	v2 =	vand.u32 $0x3FFF, v51  }
0xb3: {  	v53 =	vld [tilespmem:$0xE0];
	[tilespmem:$0x28B0] =	vst v2;
	v2 =	vshrl.u32 v51, $0xE  }
0xb4: {  	[tilespmem:$0x2AB0] =	vst v2;
	v2 =	vand.u32 $0x3FFF, v3  }
0xb5: {  	[tilespmem:$0x28C0] =	vst v2;
	v2 =	vshrl.u32 v3, $0xE;
	v3 =	vld [tilespmem:$0xF0]  }
0xb6: {  	[tilespmem:$0x2AC0] =	vst v2;
	v2 =	vand.u32 $0x3FFF, v52  }
0xb7: {  	[tilespmem:$0x28D0] =	vst v2;
	v2 =	vshrl.u32 v52, $0xE  }
0xb8: {  	[tilespmem:$0x2AD0] =	vst v2;
	v2 =	vand.u32 $0x3FFF, v53  }
0xb9: {  	[tilespmem:$0x28E0] =	vst v2;
	v2 =	vshrl.u32 v53, $0xE  }
0xba: {  	[tilespmem:$0x2AE0] =	vst v2;
	v2 =	vand.u32 $0x3FFF, v3  }
0xbb: {  	[tilespmem:$0x28F0] =	vst v2;
	v2 =	vshrl.u32 v3, $0xE  }
0xbc: {  	[tilespmem:$0x2AF0] =	vst v2  }
0xbd: {  	[tilespmem:s21], [sflag:$0x2] =	stream.indirect.gather [hbm4b:s1+s17], $0x40, s20, s17, $0xb8;
	[tilespmem:$0x14F50] =	vst v63  }
0xbe: {  	v2 =	vld [tilespmem:$0x100];
	_ =	sdelay $0x1  }
0xbf: {  	v3 =	vld [tilespmem:$0x110];
	_ =	sdelay $0x1  }
0xc0: {  	v54 =	vld [tilespmem:$0x120]  }
0xc1: {  	v55 =	vand.u32 $0x3FFF, v2  }
0xc2: {  	v56 =	vld [tilespmem:$0x130];
	v2 =	vshrl.u32 v2, $0xE;
	[tilespmem:$0x2900] =	vst v55  }
0xc3: {  	[tilespmem:$0x2B00] =	vst v2;
	v2 =	vand.u32 $0x3FFF, v3  }
0xc4: {  	[tilespmem:$0x2910] =	vst v2;
	v2 =	vshrl.u32 v3, $0xE;
	v3 =	vld [tilespmem:$0x140]  }
0xc5: {  	[tilespmem:$0x2B10] =	vst v2;
	v2 =	vand.u32 $0x3FFF, v54  }
0xc6: {  	v57 =	vld [tilespmem:$0x150];
	[tilespmem:$0x2920] =	vst v2;
	v2 =	vshrl.u32 v54, $0xE  }
0xc7: {  	[tilespmem:$0x2B20] =	vst v2;
	v2 =	vand.u32 $0x3FFF, v56  }
0xc8: {  	v58 =	vld [tilespmem:$0x160];
	[tilespmem:$0x2930] =	vst v2;
	v2 =	vshrl.u32 v56, $0xE  }
0xc9: {  	[tilespmem:$0x2B30] =	vst v2;
	v2 =	vand.u32 $0x3FFF, v3  }
0xca: {  	[tilespmem:$0x2940] =	vst v2;
	v2 =	vshrl.u32 v3, $0xE;
	v3 =	vld [tilespmem:$0x170]  }
0xcb: {  	[tilespmem:$0x2B40] =	vst v2;
	v2 =	vand.u32 $0x3FFF, v57  }
0xcc: {  	[tilespmem:$0x2950] =	vst v2;
	v2 =	vshrl.u32 v57, $0xE  }
0xcd: {  	[tilespmem:$0x2B50] =	vst v2;
	v2 =	vand.u32 $0x3FFF, v58  }
0xce: {  	[tilespmem:$0x2960] =	vst v2;
	v2 =	vshrl.u32 v58, $0xE  }
0xcf: {  	[tilespmem:$0x2B60] =	vst v2;
	v2 =	vand.u32 $0x3FFF, v3  }
0xd0: {  	[tilespmem:$0x2970] =	vst v2;
	v2 =	vshrl.u32 v3, $0xE  }
0xd1: {  	[tilespmem:$0x2B70] =	vst v2  }
0xd2: {  	[tilespmem:s23], [sflag:$0x3] =	stream.indirect.gather [hbm4b:s1+s17], $0x40, s22, s17, $0xb8;
	[tilespmem:$0x14F50] =	vst v63  }
0xd3: {  	v2 =	vld [tilespmem:$0x180];
	_ =	sdelay $0x1  }
0xd4: {  	v3 =	vld [tilespmem:$0x190];
	_ =	sdelay $0x1  }
0xd5: {  	v59 =	vld [tilespmem:$0x1A0]  }
0xd6: {  	v60 =	vand.u32 $0x3FFF, v2  }
0xd7: {  	v61 =	vld [tilespmem:$0x1B0];
	v2 =	vshrl.u32 v2, $0xE;
	[tilespmem:$0x2980] =	vst v60  }
0xd8: {  	[tilespmem:$0x2B80] =	vst v2;
	v2 =	vand.u32 $0x3FFF, v3  }
0xd9: {  	[tilespmem:$0x2990] =	vst v2;
	v2 =	vshrl.u32 v3, $0xE;
	v3 =	vld [tilespmem:$0x1C0]  }
0xda: {  	[tilespmem:$0x2B90] =	vst v2;
	v2 =	vand.u32 $0x3FFF, v59  }
0xdb: {  	v62 =	vld [tilespmem:$0x1D0];
	[tilespmem:$0x29A0] =	vst v2;
	v2 =	vshrl.u32 v59, $0xE  }
0xdc: {  	[tilespmem:$0x2BA0] =	vst v2;
	v2 =	vand.u32 $0x3FFF, v61  }
0xdd: {  	v63 =	vld [tilespmem:$0x1E0];
	[tilespmem:$0x29B0] =	vst v2;
	v2 =	vshrl.u32 v61, $0xE  }
0xde: {  	[tilespmem:$0x2BB0] =	vst v2;
	v2 =	vand.u32 $0x3FFF, v3  }
0xdf: {  	[tilespmem:$0x29C0] =	vst v2;
	v2 =	vshrl.u32 v3, $0xE;
	v3 =	vld [tilespmem:$0x1F0]  }
0xe0: {  	[tilespmem:$0x2BC0] =	vst v2;
	v2 =	vand.u32 $0x3FFF, v62  }
0xe1: {  	[tilespmem:$0x29D0] =	vst v2;
	v2 =	vshrl.u32 v62, $0xE  }
0xe2: {  	[tilespmem:$0x2BD0] =	vst v2;
	v2 =	vand.u32 $0x3FFF, v63  }
0xe3: {  	[tilespmem:$0x29E0] =	vst v2;
	v2 =	vshrl.u32 v63, $0xE  }
0xe4: {  	[tilespmem:$0x2BE0] =	vst v2;
	v2 =	vand.u32 $0x3FFF, v3  }
0xe5: {  	[tilespmem:$0x29F0] =	vst v2;
	v2 =	vshrl.u32 v3, $0xE  }
0xe6: {  	[tilespmem:$0x2BF0] =	vst v2  }
0xe7: {  	[tilespmem:s26], [sflag:$0x4] =	stream.indirect.gather [hbm4b:s1+s17], $0x40, s24, s17, $0xb8;
	[tilespmem:$0x14F50] =	vst v63  }
0xe8: {  	s13 =	simm.s32 $0x0;
	[bflag:$0x0] =	sbarrier.arrive $0xFFFF  }
.LBB2_4:
0xe9: {  	p1 =	seq.s32 s13, $0x9800  }
.Ltmp3:
0xea: {  	_ = 	snop;
	(pc) =	sbr.rel @!p1 .LBB2_5-.Ltmp3, $4  }
0xeb: {  	_ =	swait.ge [sflag:s28], $0x2000  }
0xec: {  	[sflag:s28] =	ssyncset.done $0x0  }
0xed: {  	[sflag:s28] =	ssyncadd.s32 $0xFFFFE000  }
0xee: {  	[spmem:s3] =	stream.indirect.scatter.add.f32 [tilespmem:s19], [sflag:$0x5], $0x40, s29, s17, $0xb8;
	[tilespmem:$0x14F50] =	vst v63  }
.Ltmp4:
0xef: {  	(pc) =	sbr.rel .LBB2_7-.Ltmp4, $4  }
0xf0: {  	_ =	swait.ge [sflag:s30], $0x2000  }
0xf1: {  	[sflag:s30] =	ssyncset.done $0x0  }
0xf2: {  	[sflag:s30] =	ssyncadd.s32 $0xFFFFE000  }
0xf3: {  	[spmem:s3] =	stream.indirect.scatter.add.f32 [tilespmem:s21], [sflag:$0x6], $0x40, s31, s17, $0xb8;
	[tilespmem:$0x14F50] =	vst v63  }
.LBB2_5:
0xf4: {  	_ =	swait.ge [sflag:s8], $0x2000  }
0xf5: {  	[sflag:s8] =	ssyncset.done $0x0  }
0xf6: {  	s14 =	sshra.s32 s13, $0x2;
	[sflag:s8] =	ssyncadd.s32 $0xFFFFE000  }
0xf7: {  	v2 =	vld [tilespmem:s14+$0x200];
	_ =	sdelay $0x4  }
0xf8: {  	v3 =	vand.u32 $0x3FFF, v2  }
0xf9: {  	v2 =	vshrl.u32 v2, $0xE;
	[tilespmem:$0x2800] =	vst v3  }
0xfa: {  	[tilespmem:$0x2A00] =	vst v2  }
0xfb: {  	v2 =	vld [tilespmem:s14+$0x210];
	_ =	sdelay $0x4  }
0xfc: {  	v3 =	vand.u32 $0x3FFF, v2  }
0xfd: {  	v2 =	vshrl.u32 v2, $0xE;
	[tilespmem:$0x2810] =	vst v3  }
0xfe: {  	[tilespmem:$0x2A10] =	vst v2  }
0xff: {  	v2 =	vld [tilespmem:s14+$0x220];
	_ =	sdelay $0x4  }
0x100: {  	v3 =	vand.u32 $0x3FFF, v2  }
0x101: {  	v2 =	vshrl.u32 v2, $0xE;
	[tilespmem:$0x2820] =	vst v3  }
0x102: {  	[tilespmem:$0x2A20] =	vst v2  }
0x103: {  	v2 =	vld [tilespmem:s14+$0x230];
	_ =	sdelay $0x4  }
0x104: {  	v3 =	vand.u32 $0x3FFF, v2  }
0x105: {  	v2 =	vshrl.u32 v2, $0xE;
	[tilespmem:$0x2830] =	vst v3  }
0x106: {  	[tilespmem:$0x2A30] =	vst v2  }
0x107: {  	v2 =	vld [tilespmem:s14+$0x240];
	_ =	sdelay $0x4  }
0x108: {  	v3 =	vand.u32 $0x3FFF, v2  }
0x109: {  	v2 =	vshrl.u32 v2, $0xE;
	[tilespmem:$0x2840] =	vst v3  }
0x10a: {  	[tilespmem:$0x2A40] =	vst v2  }
0x10b: {  	v2 =	vld [tilespmem:s14+$0x250];
	_ =	sdelay $0x4  }
0x10c: {  	v3 =	vand.u32 $0x3FFF, v2  }
0x10d: {  	v2 =	vshrl.u32 v2, $0xE;
	[tilespmem:$0x2850] =	vst v3  }
0x10e: {  	[tilespmem:$0x2A50] =	vst v2  }
0x10f: {  	v2 =	vld [tilespmem:s14+$0x260];
	_ =	sdelay $0x4  }
0x110: {  	v3 =	vand.u32 $0x3FFF, v2  }
0x111: {  	v2 =	vshrl.u32 v2, $0xE;
	[tilespmem:$0x2860] =	vst v3  }
0x112: {  	[tilespmem:$0x2A60] =	vst v2  }
0x113: {  	v2 =	vld [tilespmem:s14+$0x270];
	_ =	sdelay $0x4  }
0x114: {  	v3 =	vand.u32 $0x3FFF, v2  }
0x115: {  	v2 =	vshrl.u32 v2, $0xE;
	[tilespmem:$0x2870] =	vst v3  }
0x116: {  	[tilespmem:$0x2A70] =	vst v2  }
0x117: {  	[tilespmem:s19], [sflag:$0x1] =	stream.indirect.gather [hbm4b:s1+s17], $0x40, s18, s17, $0xb8;
	[tilespmem:$0x14F50] =	vst v63  }
0x118: {  	_ =	swait.ge [sflag:s30], $0x2000  }
0x119: {  	[sflag:s30] =	ssyncset.done $0x0  }
0x11a: {  	[sflag:s30] =	ssyncadd.s32 $0xFFFFE000  }
0x11b: {  	[spmem:s3] =	stream.indirect.scatter.add.f32 [tilespmem:s21], [sflag:$0x6], $0x40, s31, s17, $0xb8;
	[tilespmem:$0x14F50] =	vst v63  }
0x11c: {  	_ =	swait.ge [sflag:s9], $0x2000  }
0x11d: {  	[sflag:s9] =	ssyncset.done $0x0  }
0x11e: {  	[sflag:s9] =	ssyncadd.s32 $0xFFFFE000  }
0x11f: {  	v2 =	vld [tilespmem:s14+$0x280];
	_ =	sdelay $0x4  }
0x120: {  	v3 =	vand.u32 $0x3FFF, v2  }
0x121: {  	v2 =	vshrl.u32 v2, $0xE;
	[tilespmem:$0x2880] =	vst v3  }
0x122: {  	[tilespmem:$0x2A80] =	vst v2  }
0x123: {  	v2 =	vld [tilespmem:s14+$0x290];
	_ =	sdelay $0x4  }
0x124: {  	v3 =	vand.u32 $0x3FFF, v2  }
0x125: {  	v2 =	vshrl.u32 v2, $0xE;
	[tilespmem:$0x2890] =	vst v3  }
0x126: {  	[tilespmem:$0x2A90] =	vst v2  }
0x127: {  	v2 =	vld [tilespmem:s14+$0x2A0];
	_ =	sdelay $0x4  }
0x128: {  	v3 =	vand.u32 $0x3FFF, v2  }
0x129: {  	v2 =	vshrl.u32 v2, $0xE;
	[tilespmem:$0x28A0] =	vst v3  }
0x12a: {  	[tilespmem:$0x2AA0] =	vst v2  }
0x12b: {  	v2 =	vld [tilespmem:s14+$0x2B0];
	_ =	sdelay $0x4  }
0x12c: {  	v3 =	vand.u32 $0x3FFF, v2  }
0x12d: {  	v2 =	vshrl.u32 v2, $0xE;
	[tilespmem:$0x28B0] =	vst v3  }
0x12e: {  	[tilespmem:$0x2AB0] =	vst v2  }
0x12f: {  	v2 =	vld [tilespmem:s14+$0x2C0];
	_ =	sdelay $0x4  }
0x130: {  	v3 =	vand.u32 $0x3FFF, v2  }
0x131: {  	v2 =	vshrl.u32 v2, $0xE;
	[tilespmem:$0x28C0] =	vst v3  }
0x132: {  	[tilespmem:$0x2AC0] =	vst v2  }
0x133: {  	v2 =	vld [tilespmem:s14+$0x2D0];
	_ =	sdelay $0x4  }
0x134: {  	v3 =	vand.u32 $0x3FFF, v2  }
0x135: {  	v2 =	vshrl.u32 v2, $0xE;
	[tilespmem:$0x28D0] =	vst v3  }
0x136: {  	[tilespmem:$0x2AD0] =	vst v2  }
0x137: {  	v2 =	vld [tilespmem:s14+$0x2E0];
	_ =	sdelay $0x4  }
0x138: {  	v3 =	vand.u32 $0x3FFF, v2  }
0x139: {  	v2 =	vshrl.u32 v2, $0xE;
	[tilespmem:$0x28E0] =	vst v3  }
0x13a: {  	[tilespmem:$0x2AE0] =	vst v2  }
0x13b: {  	v2 =	vld [tilespmem:s14+$0x2F0];
	_ =	sdelay $0x4  }
0x13c: {  	v3 =	vand.u32 $0x3FFF, v2  }
0x13d: {  	v2 =	vshrl.u32 v2, $0xE;
	[tilespmem:$0x28F0] =	vst v3  }
0x13e: {  	[tilespmem:$0x2AF0] =	vst v2  }
0x13f: {  	[tilespmem:s21], [sflag:$0x2] =	stream.indirect.gather [hbm4b:s1+s17], $0x40, s20, s17, $0xb8;
	[tilespmem:$0x14F50] =	vst v63  }
.LBB2_7:
.Ltmp5:
0x140: {  	(pc) =	sbr.rel @p1 .LBB2_9-.Ltmp5, $4  }
0x141: {  	_ =	swait.ge [sflag:s2], $0x2000  }
0x142: {  	[sflag:s2] =	ssyncset.done $0x0  }
0x143: {  	[sflag:s2] =	ssyncadd.s32 $0xFFFFE000  }
0x144: {  	[spmem:s3] =	stream.indirect.scatter.add.f32 [tilespmem:s23], [sflag:$0x7], $0x40, s0, s17, $0xb8;
	[tilespmem:$0x14F50] =	vst v63  }
0x145: {  	_ =	swait.ge [sflag:s10], $0x2000  }
0x146: {  	[sflag:s10] =	ssyncset.done $0x0  }
0x147: {  	s14 =	sshra.s32 s13, $0x2;
	[sflag:s10] =	ssyncadd.s32 $0xFFFFE000  }
0x148: {  	v2 =	vld [tilespmem:s14+$0x300];
	_ =	sdelay $0x4  }
0x149: {  	v3 =	vand.u32 $0x3FFF, v2  }
0x14a: {  	v2 =	vshrl.u32 v2, $0xE;
	[tilespmem:$0x2900] =	vst v3  }
0x14b: {  	[tilespmem:$0x2B00] =	vst v2  }
0x14c: {  	v2 =	vld [tilespmem:s14+$0x310];
	_ =	sdelay $0x4  }
0x14d: {  	v3 =	vand.u32 $0x3FFF, v2  }
0x14e: {  	v2 =	vshrl.u32 v2, $0xE;
	[tilespmem:$0x2910] =	vst v3  }
0x14f: {  	[tilespmem:$0x2B10] =	vst v2  }
0x150: {  	v2 =	vld [tilespmem:s14+$0x320];
	_ =	sdelay $0x4  }
0x151: {  	v3 =	vand.u32 $0x3FFF, v2  }
0x152: {  	v2 =	vshrl.u32 v2, $0xE;
	[tilespmem:$0x2920] =	vst v3  }
0x153: {  	[tilespmem:$0x2B20] =	vst v2  }
0x154: {  	v2 =	vld [tilespmem:s14+$0x330];
	_ =	sdelay $0x4  }
0x155: {  	v3 =	vand.u32 $0x3FFF, v2  }
0x156: {  	v2 =	vshrl.u32 v2, $0xE;
	[tilespmem:$0x2930] =	vst v3  }
0x157: {  	[tilespmem:$0x2B30] =	vst v2  }
0x158: {  	v2 =	vld [tilespmem:s14+$0x340];
	_ =	sdelay $0x4  }
0x159: {  	v3 =	vand.u32 $0x3FFF, v2  }
0x15a: {  	v2 =	vshrl.u32 v2, $0xE;
	[tilespmem:$0x2940] =	vst v3  }
0x15b: {  	[tilespmem:$0x2B40] =	vst v2  }
0x15c: {  	v2 =	vld [tilespmem:s14+$0x350];
	_ =	sdelay $0x4  }
0x15d: {  	v3 =	vand.u32 $0x3FFF, v2  }
0x15e: {  	v2 =	vshrl.u32 v2, $0xE;
	[tilespmem:$0x2950] =	vst v3  }
0x15f: {  	[tilespmem:$0x2B50] =	vst v2  }
0x160: {  	v2 =	vld [tilespmem:s14+$0x360];
	_ =	sdelay $0x4  }
0x161: {  	v3 =	vand.u32 $0x3FFF, v2  }
0x162: {  	v2 =	vshrl.u32 v2, $0xE;
	[tilespmem:$0x2960] =	vst v3  }
0x163: {  	[tilespmem:$0x2B60] =	vst v2  }
0x164: {  	v2 =	vld [tilespmem:s14+$0x370];
	_ =	sdelay $0x4  }
0x165: {  	v3 =	vand.u32 $0x3FFF, v2  }
0x166: {  	v2 =	vshrl.u32 v2, $0xE;
	[tilespmem:$0x2970] =	vst v3  }
0x167: {  	[tilespmem:$0x2B70] =	vst v2  }
0x168: {  	[tilespmem:s23], [sflag:$0x3] =	stream.indirect.gather [hbm4b:s1+s17], $0x40, s22, s17, $0xb8;
	[tilespmem:$0x14F50] =	vst v63  }
0x169: {  	_ =	swait.ge [sflag:s6], $0x2000  }
0x16a: {  	[sflag:s6] =	ssyncset.done $0x0  }
0x16b: {  	[sflag:s6] =	ssyncadd.s32 $0xFFFFE000  }
0x16c: {  	[spmem:s3] =	stream.indirect.scatter.add.f32 [tilespmem:s26], [sflag:$0x8], $0x40, s7, s17, $0xb8;
	[tilespmem:$0x14F50] =	vst v63  }
0x16d: {  	_ =	swait.ge [sflag:s11], $0x2000  }
0x16e: {  	[sflag:s11] =	ssyncset.done $0x0  }
0x16f: {  	[sflag:s11] =	ssyncadd.s32 $0xFFFFE000  }
0x170: {  	v2 =	vld [tilespmem:s14+$0x380];
	_ =	sdelay $0x4  }
0x171: {  	v3 =	vand.u32 $0x3FFF, v2  }
0x172: {  	v2 =	vshrl.u32 v2, $0xE;
	[tilespmem:$0x2980] =	vst v3  }
0x173: {  	[tilespmem:$0x2B80] =	vst v2  }
0x174: {  	v2 =	vld [tilespmem:s14+$0x390];
	_ =	sdelay $0x4  }
0x175: {  	v3 =	vand.u32 $0x3FFF, v2  }
0x176: {  	v2 =	vshrl.u32 v2, $0xE;
	[tilespmem:$0x2990] =	vst v3  }
0x177: {  	[tilespmem:$0x2B90] =	vst v2  }
0x178: {  	v2 =	vld [tilespmem:s14+$0x3A0];
	_ =	sdelay $0x4  }
0x179: {  	v3 =	vand.u32 $0x3FFF, v2  }
0x17a: {  	v2 =	vshrl.u32 v2, $0xE;
	[tilespmem:$0x29A0] =	vst v3  }
0x17b: {  	[tilespmem:$0x2BA0] =	vst v2  }
0x17c: {  	v2 =	vld [tilespmem:s14+$0x3B0];
	_ =	sdelay $0x4  }
0x17d: {  	v3 =	vand.u32 $0x3FFF, v2  }
0x17e: {  	v2 =	vshrl.u32 v2, $0xE;
	[tilespmem:$0x29B0] =	vst v3  }
0x17f: {  	[tilespmem:$0x2BB0] =	vst v2  }
0x180: {  	v2 =	vld [tilespmem:s14+$0x3C0];
	_ =	sdelay $0x4  }
0x181: {  	v3 =	vand.u32 $0x3FFF, v2  }
0x182: {  	v2 =	vshrl.u32 v2, $0xE;
	[tilespmem:$0x29C0] =	vst v3  }
0x183: {  	[tilespmem:$0x2BC0] =	vst v2  }
0x184: {  	v2 =	vld [tilespmem:s14+$0x3D0];
	_ =	sdelay $0x4  }
0x185: {  	v3 =	vand.u32 $0x3FFF, v2  }
0x186: {  	v2 =	vshrl.u32 v2, $0xE;
	[tilespmem:$0x29D0] =	vst v3  }
0x187: {  	[tilespmem:$0x2BD0] =	vst v2  }
0x188: {  	v2 =	vld [tilespmem:s14+$0x3E0];
	_ =	sdelay $0x4  }
0x189: {  	v3 =	vand.u32 $0x3FFF, v2  }
0x18a: {  	v2 =	vshrl.u32 v2, $0xE;
	[tilespmem:$0x29E0] =	vst v3  }
0x18b: {  	[tilespmem:$0x2BE0] =	vst v2  }
0x18c: {  	v2 =	vld [tilespmem:s14+$0x3F0];
	_ =	sdelay $0x3  }
.Ltmp6:
0x18d: {  	_ = 	snop;
	(pc) =	sbr.rel .LBB2_4-.Ltmp6, $4  }
0x18e: {  	v3 =	vand.u32 $0x3FFF, v2  }
0x18f: {  	v2 =	vshrl.u32 v2, $0xE;
	[tilespmem:$0x29F0] =	vst v3  }
0x190: {  	s13 =	sadd.s32 $0x800, s13;
	[tilespmem:$0x2BF0] =	vst v2  }
0x191: {  	[tilespmem:s26], [sflag:$0x4] =	stream.indirect.gather [hbm4b:s1+s17], $0x40, s24, s17, $0xb8;
	[tilespmem:$0x14F50] =	vst v63  }
.LBB2_10:
0x192: {  	_ =	sfence.sel $0x180000  }
0x193: {  	[bflag:$0x0] =	sbarrier.arrive $0xFFFF  }
0x194: {  	_ =	strace $0x9000004D  }
0x195: {  	s0 =	stileid.u32;
	[bflag:$0x2] =	sbarrier.arrive $0xFFFF  }
0x196: {  	p0 =	sne.s32 s0, $0x0;
	s0 =	rddreg [dreg:$0x3]  }
0x197: {  	s0 =	sadd.s32 @!p0 $0x100000, s0  }
0x198: {  	[sflag:s0] =	ssyncadd.tile.s32 @!p0 $0x1;
	_ =	shalt  }
.Lfunc_end2:
_tile_overlayer_lowered:
.L_overlay_start_2:
0x199: {  	(tag) =	ssettag $0x2  }
0x19a: {  	s0 =	rddreg [dreg:$0x0];
	s2 =	stileid.u32  }
0x19b: {  	s1 =	rddreg [dreg:$0x1];
	p0 =	sne.s32 s2, $0x0  }
0x19c: {  	s3 =	rddreg [dreg:$0x2];
	[bflag:$0x3] =	sbarrier.arrive $0xFFFF;
	s2 =	simm.s32 @!p0 $0x1C09  }
0x19d: {  	[timem:s3], [sflag:s2] =	dma.local @!p0 [hbm:s0], s1  }
0x19e: {  	s0 =	simm.s32 @!p0 $0x9  }
0x19f: {  	_ =	swait.ge @!p0 [sflag:s0], s1  }
0x1a0: {  	s1 =	ssub.s32 @!p0 $0x0, s1;
	[sflag:s0] =	ssyncset.done @!p0 $0x0  }
0x1a1: {  	[sflag:s0] =	ssyncadd.s32 @!p0 s1  }
0x1a2: {  	[bflag:$0x3] =	sbarrier.arrive $0xFFFF  }
0x1a3: {  	_ =	shalt  }

</sc_bundles>
